<compile_context>
chip_gen: v7x
topology: tpu7x:2x2x1
jax: 0.10.2.dev20260603
libtpu: 0.0.44.dev20260713+nightly
codegen_flags: <defaults>
</compile_context>

<pallas_src>
import functools

import jax
import jax.numpy as jnp
from jax import lax
from jax.experimental import pallas as pl
from jax.experimental.pallas import tpu as pltpu
from jax.experimental.pallas import tpu_sc as plsc

_SL, _LN = 64, 128
_G = 256
_K = 32
_JB = 8
_GB = 32
_PAD = 16


def _tree128(v, op):
    w = v.reshape(8, 8, _LN)
    parts = [w[t] for t in range(8)]
    while len(parts) > 1:
        parts = [op(parts[i], parts[i + 1]) for i in range(0, len(parts), 2)]
    r = parts[0]
    for sh in (4, 2, 1):
        r = op(r, pltpu.roll(r, sh, axis=0))
    return r[0:1]


def _fps_body(lf_ref, px_ref, py_ref, pz_ref, cx_ref, cy_ref, cz_ref, mind_ref):
    B = px_ref.shape[0]
    half = _G // 2
    sub = lax.broadcasted_iota(jnp.int32, (_SL, _LN), 0).astype(jnp.float32)
    lane = lax.broadcasted_iota(jnp.int32, (_SL, _LN), 1).astype(jnp.float32)
    flat = sub * float(_LN) + lane
    gl = lax.broadcasted_iota(jnp.int32, (1, half), 1).astype(jnp.float32)
    zrow = jnp.zeros((1, half), jnp.float32)

    init = []
    for b in range(B):
        x, y, z = px_ref[b], py_ref[b], pz_ref[b]
        lf = lf_ref[b, 0]
        x0, y0, z0 = x[0:1, 0:1], y[0:1, 0:1], z[0:1, 0:1]
        d0 = (x - x0) ** 2 + (y - y0) ** 2 + (z - z0) ** 2
        mind_ref[b] = jnp.where(flat < lf, d0, -jnp.inf)
        init.append((jnp.where(gl == 0.0, jnp.broadcast_to(x0, (1, half)), 0.0),
                     zrow,
                     jnp.where(gl == 0.0, jnp.broadcast_to(y0, (1, half)), 0.0),
                     zrow,
                     jnp.where(gl == 0.0, jnp.broadcast_to(z0, (1, half)), 0.0),
                     zrow))

    def packed(rows):
        return jnp.concatenate(rows, axis=0)

    def body(i, carry):
        fi = i.astype(jnp.float32)
        fih = fi - float(half)
        minds = [mind_ref[b] for b in range(B)]
        mrow = packed([_tree128(minds[b], jnp.maximum) for b in range(B)])
        mall = jnp.max(mrow, axis=1, keepdims=True)
        sels = [jnp.where(minds[b] == jnp.broadcast_to(mall[b:b + 1], (_SL, _LN)),
                          flat, jnp.float32(1e9)) for b in range(B)]
        irow = packed([_tree128(sels[b], jnp.minimum) for b in range(B)])
        iall = jnp.min(irow, axis=1, keepdims=True)
        out = []
        for b in range(B):
            cxl, cxh, cyl, cyh, czl, czh = carry[b]
            x, y, z = px_ref[b], py_ref[b], pz_ref[b]
            mind = minds[b]
            oh = flat == jnp.broadcast_to(iall[b:b + 1], (_SL, _LN))
            xr0 = _tree128(jnp.where(oh, x, 0.0), jnp.add)
            yr0 = _tree128(jnp.where(oh, y, 0.0), jnp.add)
            zr0 = _tree128(jnp.where(oh, z, 0.0), jnp.add)
            cs = jnp.sum(packed([xr0, yr0, zr0]), axis=1, keepdims=True)
            cxb = jnp.broadcast_to(cs[0:1], (_SL, _LN))
            cyb = jnp.broadcast_to(cs[1:2], (_SL, _LN))
            czb = jnp.broadcast_to(cs[2:3], (_SL, _LN))
            dn = (x - cxb) ** 2 + (y - cyb) ** 2 + (z - czb) ** 2
            mind_ref[b] = jnp.minimum(mind, dn)
            xr = jnp.broadcast_to(cs[0:1], (1, half))
            yr = jnp.broadcast_to(cs[1:2], (1, half))
            zr = jnp.broadcast_to(cs[2:3], (1, half))
            cxl = jnp.where(gl == fi, xr, cxl)
            cxh = jnp.where(gl == fih, xr, cxh)
            cyl = jnp.where(gl == fi, yr, cyl)
            cyh = jnp.where(gl == fih, yr, cyh)
            czl = jnp.where(gl == fi, zr, czl)
            czh = jnp.where(gl == fih, zr, czh)
            out.append((cxl, cxh, cyl, cyh, czl, czh))
        return tuple(out)

    carry = lax.fori_loop(1, _G, body, tuple(init))
    for b in range(B):
        cxl, cxh, cyl, cyh, czl, czh = carry[b]
        cx_ref[b, :, 0:half] = cxl
        cx_ref[b, :, half:_G] = cxh
        cy_ref[b, :, 0:half] = cyl
        cy_ref[b, :, half:_G] = cyh
        cz_ref[b, :, 0:half] = czl
        cz_ref[b, :, half:_G] = czh


def _fps_call(lf, px, py, pz):
    B = px.shape[0]
    out = jax.ShapeDtypeStruct((B, 1, _G), jnp.float32)
    return pl.pallas_call(
        _fps_body,
        in_specs=[
            pl.BlockSpec(memory_space=pltpu.SMEM),
            pl.BlockSpec(memory_space=pltpu.VMEM),
            pl.BlockSpec(memory_space=pltpu.VMEM),
            pl.BlockSpec(memory_space=pltpu.VMEM),
        ],
        out_specs=[pl.BlockSpec(memory_space=pltpu.VMEM)] * 3,
        out_shape=(out, out, out),
        scratch_shapes=[pltpu.VMEM((B, _SL, _LN), jnp.float32)],
    )(lf, px, py, pz)


def _dist_body(cxs_ref, cys_ref, czs_ref, lf_ref, px_ref, py_ref, pz_ref,
               d_ref, cm_ref):
    b = pl.program_id(0)
    gb = pl.program_id(1)
    x, y, z = px_ref[0], py_ref[0], pz_ref[0]
    sub = lax.broadcasted_iota(jnp.int32, (_SL, _LN), 0).astype(jnp.float32)
    lane = lax.broadcasted_iota(jnp.int32, (_SL, _LN), 1).astype(jnp.float32)
    flat = sub * float(_LN) + lane
    lf = lf_ref[b, 0]
    invalid = flat >= lf
    for j in range(_JB):
        cx = cxs_ref[b, gb * _JB + j]
        cy = cys_ref[b, gb * _JB + j]
        cz = czs_ref[b, gb * _JB + j]
        dj = (cx - x) ** 2 + (cy - y) ** 2 + (cz - z) ** 2
        dj = jnp.where(invalid, jnp.inf, dj)
        d_ref[j] = dj
        w = dj.reshape(8, 8, _LN)
        parts = [w[t] for t in range(8)]
        while len(parts) > 1:
            parts = [jnp.minimum(parts[i], parts[i + 1])
                     for i in range(0, len(parts), 2)]
        r = parts[0]
        for sh in (4, 2, 1):
            r = jnp.minimum(r, pltpu.roll(r, sh, axis=0))
        cm_ref[j:j + 1, :] = r[0:1]


def _dist_call(cxs, cys, czs, lf, px, py, pz):
    B = px.shape[0]
    return pl.pallas_call(
        _dist_body,
        grid=(B, _G // _JB),
        in_specs=[
            pl.BlockSpec(memory_space=pltpu.SMEM),
            pl.BlockSpec(memory_space=pltpu.SMEM),
            pl.BlockSpec(memory_space=pltpu.SMEM),
            pl.BlockSpec(memory_space=pltpu.SMEM),
            pl.BlockSpec((1, _SL, _LN), lambda b, g: (b, 0, 0)),
            pl.BlockSpec((1, _SL, _LN), lambda b, g: (b, 0, 0)),
            pl.BlockSpec((1, _SL, _LN), lambda b, g: (b, 0, 0)),
        ],
        out_specs=[
            pl.BlockSpec((_JB, _SL, _LN),
                         lambda b, g: (b * (_G // _JB) + g, 0, 0)),
            pl.BlockSpec((_JB, _LN), lambda b, g: (b * (_G // _JB) + g, 0)),
        ],
        out_shape=[
            jax.ShapeDtypeStruct((B * _G, _SL, _LN), jnp.float32),
            jax.ShapeDtypeStruct((B * _G, _LN), jnp.float32),
        ],
    )(cxs, cys, czs, lf, px, py, pz)


def _jminmax(a, ai, b, bi):
    c = (b < a) | ((b == a) & (bi < ai))
    lo = jnp.where(c, b, a)
    loi = jnp.where(c, bi, ai)
    hi = jnp.where(c, a, b)
    hii = jnp.where(c, ai, bi)
    return lo, loi, hi, hii


def _sc_topk(d, cm):
    R, N = d.shape
    nw = 32
    rpw = R // nw
    nblk = N // (16 * 8)
    mesh = plsc.VectorSubcoreMesh(core_axis_name="c", subcore_axis_name="s")

    @functools.partial(
        pl.kernel, mesh=mesh,
        compiler_params=pltpu.CompilerParams(use_tc_tiling_on_sc=False,
                                             needs_layout_passes=False),
        out_type=jax.ShapeDtypeStruct((R, _K), jnp.int32),
        scratch_types=[
            pltpu.VMEM((N,), jnp.float32),
            pltpu.VMEM((N,), jnp.float32),
            pltpu.VMEM((_LN,), jnp.float32),
            pltpu.VMEM((_LN,), jnp.float32),
            pltpu.VMEM((_K,), jnp.int32),
            pltpu.SemaphoreType.DMA,
            pltpu.SemaphoreType.DMA,
            pltpu.SemaphoreType.DMA,
            pltpu.SemaphoreType.DMA,
        ],
    )
    def k(d_hbm, cm_hbm, out_hbm, dva, dvb, cma, cmb, ov,
          sema, semb, semca, semcb):
        wid = lax.axis_index("s") * 2 + lax.axis_index("c")
        iota16 = lax.iota(jnp.int32, 16)
        inf = jnp.float32(jnp.inf)
        last = jnp.int32(R - 1)

        def merge(carry, v, cbase, tcap):
            a0, i0, a1, i1, _ = carry
            sv, si = plsc.sort_key_val(v, iota16 + cbase * 16)
            rv = lax.rev(sv, (0,))
            riv = lax.rev(si, (0,))
            x1, xi1, _, _ = _jminmax(a1, i1, rv, riv)
            m0, mi0, m1, mi1 = _jminmax(a0, i0, x1, xi1)
            na0, ni0 = plsc.sort_key_val(m0, mi0)
            na1, ni1 = plsc.sort_key_val(m1, mi1)
            w = jnp.minimum(lax.reduce_max(na1, (0,)), tcap)
            return na0, ni0, na1, ni1, w

        def row_threshold(cm):
            fa0 = jnp.full((16,), inf, jnp.float32)
            fa1 = jnp.full((16,), inf, jnp.float32)
            for t in range(8):
                v = jnp.sort(cm[pl.ds(t * 16, 16)])
                x1 = jnp.minimum(fa1, lax.rev(v, (0,)))
                m0 = jnp.minimum(fa0, x1)
                m1 = jnp.maximum(fa0, x1)
                fa0 = jnp.sort(m0)
                fa1 = jnp.sort(m1)
            return lax.reduce_max(fa1, (0,))

        def process(dv, cm, row):
            tcap = row_threshold(cm)
            zi = jnp.zeros((16,), jnp.int32)
            finf = jnp.full((16,), inf, jnp.float32)
            carry0 = (finf, zi, finf, zi, tcap)

            def block_body(cb, carry):
                base = cb * 8
                vs = [dv[pl.ds((base + t) * 16, 16)] for t in range(8)]
                f = vs[0]
                for t in range(1, 8):
                    f = jnp.minimum(f, vs[t])
                mn = lax.reduce_min(f, (0,))

                def taken(carry):
                    for t in range(8):
                        def m(c, v=vs[t], cb2=base + t):
                            return merge(c, v, cb2, tcap)

                        mnt = lax.reduce_min(vs[t], (0,))
                        carry = lax.cond(mnt <= carry[4], m, lambda c: c, carry)
                    return carry

                return lax.cond(mn <= carry[4], taken, lambda c: c, carry)

            _, i0, _, i1, _ = lax.fori_loop(0, nblk, block_body, carry0)
            ov[pl.ds(0, 16)] = i0
            ov[pl.ds(16, 16)] = i1
            pltpu.sync_copy(ov, out_hbm.at[row])

        base_row = wid * rpw
        pltpu.async_copy(d_hbm.at[base_row], dva, sema)
        pltpu.async_copy(cm_hbm.at[base_row], cma, semca)

        def pair_body(h, _):
            row = base_row + h * 2
            pltpu.async_copy(d_hbm.at[row + 1], dvb, semb)
            pltpu.async_copy(cm_hbm.at[row + 1], cmb, semcb)
            pltpu.make_async_copy(d_hbm.at[row], dva, sema).wait()
            pltpu.make_async_copy(cm_hbm.at[row], cma, semca).wait()
            process(dva, cma, row)
            pltpu.async_copy(d_hbm.at[jnp.minimum(row + 2, last)], dva, sema)
            pltpu.async_copy(cm_hbm.at[jnp.minimum(row + 2, last)], cma, semca)
            pltpu.make_async_copy(d_hbm.at[row + 1], dvb, semb).wait()
            pltpu.make_async_copy(cm_hbm.at[row + 1], cmb, semcb).wait()
            process(dvb, cmb, row + 1)
            return 0

        lax.fori_loop(0, rpw // 2, pair_body, 0)
        pltpu.make_async_copy(d_hbm.at[base_row], dva, sema).wait()
        pltpu.make_async_copy(cm_hbm.at[base_row], cma, semca).wait()

    return k(d, cm)


def _sc_gather(table, idx):
    M = idx.shape[0]
    R = table.shape[0]
    nw = 32
    per = M // nw
    rows_per_batch = R // 4
    chunks_per_batch = (M // 4) // per
    mesh = plsc.VectorSubcoreMesh(core_axis_name="c", subcore_axis_name="s")

    @functools.partial(
        pl.kernel, mesh=mesh,
        compiler_params=pltpu.CompilerParams(use_tc_tiling_on_sc=False),
        out_type=jax.ShapeDtypeStruct((M, _PAD), jnp.float32),
        scratch_types=[
            pltpu.VMEM((per,), jnp.int32),
            pltpu.VMEM((per, _PAD), jnp.float32),
            pltpu.SemaphoreType.DMA,
        ],
    )
    def k(table_hbm, idx_hbm, out_hbm, idx_v, rows_v, sem):
        wid = lax.axis_index("s") * 2 + lax.axis_index("c")
        base = wid * per
        boff = (wid // chunks_per_batch) * rows_per_batch
        pltpu.sync_copy(idx_hbm.at[pl.ds(base, per)], idx_v)

        def add_body(i, _):
            sl = pl.ds(i * 16, 16)
            idx_v[sl] = idx_v[sl] + boff
            return 0

        lax.fori_loop(0, per // 16, add_body, 0)
        pltpu.async_copy(table_hbm.at[idx_v], rows_v, sem).wait()
        pltpu.sync_copy(rows_v, out_hbm.at[pl.ds(base, per)])

    return k(table, idx)


def _mlp_body(g_ref, c_ref, w1_ref, b1_ref, w2_ref, b2_ref, w3_ref, b3_ref,
              w4_ref, b4_ref, out_ref):
    gb = c_ref.shape[0]
    kk = g_ref.shape[0] // gb
    g = g_ref[...]
    c = c_ref[...]
    x = (g.reshape(gb, kk, _PAD) - c[:, None, :]).reshape(gb * kk, _PAD)
    h = jnp.dot(x, w1_ref[...], preferred_element_type=jnp.float32) + b1_ref[...]
    h = jnp.maximum(h, 0.0)
    h = jnp.dot(h, w2_ref[...], preferred_element_type=jnp.float32) + b2_ref[...]
    hg = h.reshape(gb, kk, h.shape[-1])
    gmax = jnp.max(hg, axis=1, keepdims=True)
    hcat = jnp.concatenate([jnp.broadcast_to(gmax, hg.shape), hg],
                           axis=-1).reshape(gb * kk, 2 * h.shape[-1])
    h3 = jnp.dot(hcat, w3_ref[...], preferred_element_type=jnp.float32) + b3_ref[...]
    h3 = jnp.maximum(h3, 0.0)
    h4 = jnp.dot(h3, w4_ref[...], preferred_element_type=jnp.float32) + b4_ref[...]
    out_ref[...] = jnp.max(h4.reshape(gb, kk, h4.shape[-1]), axis=1)


def _mlp_call(gathered, cpad, w1p, b1p, w2, b2, w3p, b3p, w4, b4):
    M = gathered.shape[0]
    ngrp = M // _K
    tokd = w4.shape[1]
    nprog = ngrp // _GB

    def wspec(w):
        return pl.BlockSpec(w.shape, lambda i: tuple(0 for _ in w.shape))

    return pl.pallas_call(
        _mlp_body,
        grid=(nprog,),
        in_specs=[
            pl.BlockSpec((_GB * _K, _PAD), lambda i: (i, 0)),
            pl.BlockSpec((_GB, _PAD), lambda i: (i, 0)),
            wspec(w1p), wspec(b1p), wspec(w2), wspec(b2),
            wspec(w3p), wspec(b3p), wspec(w4), wspec(b4),
        ],
        out_specs=pl.BlockSpec((_GB, tokd), lambda i: (i, 0)),
        out_shape=jax.ShapeDtypeStruct((ngrp, tokd), jnp.float32),
    )(gathered, cpad, w1p, b1p, w2, b2, w3p, b3p, w4, b4)


def kernel(points, lengths, W1, b1, g1, be1, W2, b2, W3, b3, g2, be2, W4, b4):
    B, N, C = points.shape
    lf = lengths.astype(jnp.float32).reshape(B, 1)
    px = points[:, :, 0].reshape(B, _SL, _LN)
    py = points[:, :, 1].reshape(B, _SL, _LN)
    pz = points[:, :, 2].reshape(B, _SL, _LN)

    cx3, cy3, cz3 = _fps_call(lf, px, py, pz)
    cxs = cx3.reshape(B, _G)
    cys = cy3.reshape(B, _G)
    czs = cz3.reshape(B, _G)

    d, cm = _dist_call(cxs, cys, czs, lf, px, py, pz)
    knn = _sc_topk(d.reshape(B * _G, N), cm).reshape(B, _G, _K)

    table = jnp.concatenate(
        [points.reshape(B * N, C),
         jnp.zeros((B * N, _PAD - C), jnp.float32)], axis=1)
    gathered = _sc_gather(table, knn.reshape(B * _G * _K))

    centers = jnp.stack([cxs, cys, czs], axis=-1)
    cpad = jnp.concatenate(
        [centers.reshape(B * _G, C),
         jnp.zeros((B * _G, _PAD - C), jnp.float32)], axis=1)

    w1p = jnp.zeros((_PAD, W1.shape[1]), jnp.float32).at[:C].set(W1 * g1[None, :])
    b1p = (b1 * g1 + be1).reshape(1, -1)
    w3p = W3 * g2[None, :]
    b3p = (b3 * g2 + be2).reshape(1, -1)

    tok = _mlp_call(gathered, cpad, w1p, b1p, W2, b2.reshape(1, -1),
                    w3p, b3p, W4, b4.reshape(1, -1))

    emb_mask = jnp.arange(_G)[None, :] < jnp.minimum(lengths, _G)[:, None]
    tokens = jnp.where(emb_mask[..., None], tok.reshape(B, _G, -1), 0.0)
    return (tokens, centers, emb_mask, knn)

# --- scband reference (transcript-rebuilt; emitter-appended) ---
"""Pipeline reference for scband-pointcloud-tokenizer-78993038508354 (READ-ONLY COPY).

The authoritative reference and input builder live on the scoring server;
editing this copy changes nothing except your own understanding.
"""

import jax, jax.numpy as jnp
import numpy as np

B, N, C = 4, 8192, 3
G = 256
K = 32
TOKEN_DIM = 256


def fps(points, valid, n_groups):
    # farthest point sampling; first center is point 0 (always valid here)
    d0 = jnp.sum((points - points[:, :1, :]) ** 2, axis=-1)
    min_d = jnp.where(valid, d0, -jnp.inf)
    idxs = jnp.zeros((points.shape[0], n_groups), dtype=jnp.int32)

    def body(i, carry):
        min_d, idxs = carry
        nxt = jnp.argmax(min_d, axis=1).astype(jnp.int32)
        idxs = idxs.at[:, i].set(nxt)
        sel = jnp.take_along_axis(points, nxt[:, None, None], axis=1)
        dn = jnp.sum((points - sel) ** 2, axis=-1)
        min_d = jnp.minimum(min_d, dn)
        return (min_d, idxs)

    _, idxs = jax.lax.fori_loop(1, n_groups, body, (min_d, idxs))
    return idxs


def _gather(p, i):
    return p[i]


def mini_pointnet(x, mask, W1, b1, g1, be1, W2, b2, W3, b3, g2, be2, W4, b4):
    # first conv stack (1x1 convs == pointwise linears), BN in eval mode (running mean 0, var 1)
    h = jnp.dot(x, W1) + b1
    h = h * g1 + be1
    h = jax.nn.relu(h)
    h = jnp.dot(h, W2) + b2  # [..., K, 256]
    m = mask[..., None]
    gmax = jnp.max(jnp.where(m, h, -jnp.inf), axis=-2)  # masked max pool [..., 256]
    gexp = jnp.broadcast_to(gmax[..., None, :], h.shape)
    h2 = jnp.concatenate([gexp, h], axis=-1)  # [..., K, 512]
    h2 = jnp.dot(h2, W3) + b3
    h2 = h2 * g2 + be2
    h2 = jax.nn.relu(h2)
    h2 = jnp.dot(h2, W4) + b4  # [..., K, TOKEN_DIM]
    tok = jnp.max(jnp.where(m, h2, -jnp.inf), axis=-2)
    return tok


def setup_inputs(seed: int = 0):
    key = jax.random.key(seed)
    ks = jax.random.split(key, 8)
    points = jax.random.normal(ks[0], (B, N, C), dtype=jnp.float32)
    lengths = jax.random.randint(ks[1], (B,), 4096, N + 1).astype(jnp.int64)

    def w(k, shape, fan_in):
        return (jax.random.normal(k, shape, dtype=jnp.float32) / np.sqrt(fan_in)).astype(jnp.float32)

    return {
        "points": points,
        "lengths": lengths,
        "W1": w(ks[2], (C, 128), C), "b1": jnp.zeros((128,), jnp.float32),
        "g1": jnp.ones((128,), jnp.float32), "be1": jnp.zeros((128,), jnp.float32),
        "W2": w(ks[3], (128, 256), 128), "b2": jnp.zeros((256,), jnp.float32),
        "W3": w(ks[4], (512, 512), 512), "b3": jnp.zeros((512,), jnp.float32),
        "g2": jnp.ones((512,), jnp.float32), "be2": jnp.zeros((512,), jnp.float32),
        "W4": w(ks[5], (512, TOKEN_DIM), 512), "b4": jnp.zeros((TOKEN_DIM,), jnp.float32),
    }


def reference(points, lengths, W1, b1, g1, be1, W2, b2, W3, b3, g2, be2, W4, b4):
    valid = jnp.arange(N)[None, :] < lengths[:, None]  # [B, N]
    # --- grouping: FPS centers + KNN neighbor retrieval ---
    ctr_idx = fps(points, valid, G)  # [B, G]
    centers = jax.vmap(_gather)(points, ctr_idx)  # [B, G, C]
    d = jnp.sum((centers[:, :, None, :] - points[:, None, :, :]) ** 2, axis=-1)  # [B, G, N]
    d = jnp.where(valid[:, None, :], d, jnp.inf)
    _, knn_idx = jax.lax.top_k(-d, K)  # [B, G, K] nearest neighbors
    groups = jax.vmap(_gather)(points, knn_idx)  # [B, G, K, C]
    point_mask = jax.vmap(_gather)(valid, knn_idx)  # [B, G, K]
    groups = groups - centers[:, :, None, :]  # recenter (group_radius=None -> no scaling)
    embedding_mask = jnp.arange(G)[None, :] < jnp.minimum(lengths, G)[:, None]  # [B, G]
    # --- MaskedMiniPointNet embedding ---
    tok = mini_pointnet(groups, point_mask, W1, b1, g1, be1, W2, b2, W3, b3, g2, be2, W4, b4)
    tokens = jnp.where(embedding_mask[..., None], tok, 0.0)  # [B, G, TOKEN_DIM]
    # semantic_id_groups / endpoints_groups are None (inputs not provided)
    return (tokens, centers, embedding_mask, knn_idx)

if __name__ == "__main__":
    import jax
    _d = setup_inputs()
    print(jax.jit(kernel)(*tuple(_d.values())))

</pallas_src>

<mosaic_0001>
#map = affine_map<(d0, d1) -> (0, 0)>
module attributes {stable_mosaic.version = 14 : i64} {
  func.func @k(%arg0: i32, %arg1: i32, %arg2: memref<1024x8192xf32, #tpu.memory_space<hbm>>, %arg3: memref<1024x128xf32, #tpu.memory_space<hbm>>, %arg4: memref<1024x32xi32, #tpu.memory_space<hbm>>, %arg5: memref<8192xf32, #tpu.memory_space<vmem>>, %arg6: memref<8192xf32, #tpu.memory_space<vmem>>, %arg7: memref<128xf32, #tpu.memory_space<vmem>>, %arg8: memref<128xf32, #tpu.memory_space<vmem>>, %arg9: memref<32xi32, #tpu.memory_space<vmem>>, %arg10: memref<!tpu.dma_semaphore, #tpu.memory_space<semaphore_mem>>, %arg11: memref<!tpu.dma_semaphore, #tpu.memory_space<semaphore_mem>>, %arg12: memref<!tpu.dma_semaphore, #tpu.memory_space<semaphore_mem>>, %arg13: memref<!tpu.dma_semaphore, #tpu.memory_space<semaphore_mem>>) attributes {dimension_semantics = [#tpu.dimension_semantics<core_parallel>, #tpu.dimension_semantics<subcore_parallel>], iteration_bounds = array<i64: 2, 16>, scalar_prefetch = 0 : i64, scratch_operands = 9 : i64, tpu.core_type = #tpu.core_type<sc_vector_subcore>, window_params = [{transform_indices = #map}, {transform_indices = #map}, {transform_indices = #map}]} {
    %mul3A = arith.constant 2 : i32
    %mul3A_0 = arith.muli %arg1, %mul3A : i32
    %add3A = arith.addi %mul3A_0, %arg0 : i32
    %iota3A = tpu.iota {dimensions = array<i32: 0>} : vector<16xi32>
    %mul3A_1 = arith.constant 32 : i32
    %mul3A_2 = arith.muli %add3A, %mul3A_1 : i32
    %dma_start3A = arith.constant 0 : i32
    %dma_start3A_3 = tpu.memref_slice %arg2[%mul3A_2, %dma_start3A] : memref<1024x8192xf32, #tpu.memory_space<hbm>> -> memref<1x8192xf32, #tpu.memory_space<hbm>>
    %dma_start3A_4 = tpu.memref_squeeze %dma_start3A_3 : memref<1x8192xf32, #tpu.memory_space<hbm>> -> memref<8192xf32, #tpu.memory_space<hbm>>
    %dma_start3A_5 = arith.constant 0 : i32
    %dma_start3A_6 = tpu.memref_slice %arg2[%mul3A_2, %dma_start3A_5] : memref<1024x8192xf32, #tpu.memory_space<hbm>> -> memref<1x8192xf32, #tpu.memory_space<hbm>>
    %dma_start3A_7 = tpu.memref_squeeze %dma_start3A_6 : memref<1x8192xf32, #tpu.memory_space<hbm>> -> memref<8192xf32, #tpu.memory_space<hbm>>
    tpu.enqueue_dma source(%dma_start3A_7 : memref<8192xf32, #tpu.memory_space<hbm>>) target(%arg5 : memref<8192xf32, #tpu.memory_space<vmem>>) target_semaphore(%arg10 : memref<!tpu.dma_semaphore, #tpu.memory_space<semaphore_mem>>)
    %dma_start3A_8 = arith.constant 0 : i32
    %dma_start3A_9 = tpu.memref_slice %arg3[%mul3A_2, %dma_start3A_8] : memref<1024x128xf32, #tpu.memory_space<hbm>> -> memref<1x128xf32, #tpu.memory_space<hbm>>
    %dma_start3A_10 = tpu.memref_squeeze %dma_start3A_9 : memref<1x128xf32, #tpu.memory_space<hbm>> -> memref<128xf32, #tpu.memory_space<hbm>>
    %dma_start3A_11 = arith.constant 0 : i32
    %dma_start3A_12 = tpu.memref_slice %arg3[%mul3A_2, %dma_start3A_11] : memref<1024x128xf32, #tpu.memory_space<hbm>> -> memref<1x128xf32, #tpu.memory_space<hbm>>
    %dma_start3A_13 = tpu.memref_squeeze %dma_start3A_12 : memref<1x128xf32, #tpu.memory_space<hbm>> -> memref<128xf32, #tpu.memory_space<hbm>>
    tpu.enqueue_dma source(%dma_start3A_13 : memref<128xf32, #tpu.memory_space<hbm>>) target(%arg7 : memref<128xf32, #tpu.memory_space<vmem>>) target_semaphore(%arg12 : memref<!tpu.dma_semaphore, #tpu.memory_space<semaphore_mem>>)
    %scan3A = arith.constant 0x7F800000 : f32
    %scan3A_14 = arith.constant 1023 : i32
    %scan3A_15 = arith.constant 0 : i32
    %scan3A_16 = arith.constant 0 : i32
    %scan3A_17 = arith.constant 16 : i32
    %scan3A_18 = arith.addi %scan3A_16, %scan3A_17 : i32
    %scan3A_19 = arith.constant 1 : i32
    %scan3A_20 = scf.for %scan3A_33 = %scan3A_16 to %scan3A_18 step %scan3A_19 iter_args(%scan3A_34 = %scan3A_15) -> (i32)  : i32 {
      %mul3A_35 = arith.constant 2 : i32
      %mul3A_36 = arith.muli %scan3A_33, %mul3A_35 : i32
      %add3A_37 = arith.addi %mul3A_2, %mul3A_36 : i32
      %add3A_38 = arith.constant 1 : i32
      %add3A_39 = arith.addi %add3A_37, %add3A_38 : i32
      %dma_start3A_40 = arith.constant 0 : i32
      %dma_start3A_41 = tpu.memref_slice %arg2[%add3A_39, %dma_start3A_40] : memref<1024x8192xf32, #tpu.memory_space<hbm>> -> memref<1x8192xf32, #tpu.memory_space<hbm>>
      %dma_start3A_42 = tpu.memref_squeeze %dma_start3A_41 : memref<1x8192xf32, #tpu.memory_space<hbm>> -> memref<8192xf32, #tpu.memory_space<hbm>>
      %dma_start3A_43 = arith.constant 0 : i32
      %dma_start3A_44 = tpu.memref_slice %arg2[%add3A_39, %dma_start3A_43] : memref<1024x8192xf32, #tpu.memory_space<hbm>> -> memref<1x8192xf32, #tpu.memory_space<hbm>>
      %dma_start3A_45 = tpu.memref_squeeze %dma_start3A_44 : memref<1x8192xf32, #tpu.memory_space<hbm>> -> memref<8192xf32, #tpu.memory_space<hbm>>
      tpu.enqueue_dma source(%dma_start3A_45 : memref<8192xf32, #tpu.memory_space<hbm>>) target(%arg6 : memref<8192xf32, #tpu.memory_space<vmem>>) target_semaphore(%arg11 : memref<!tpu.dma_semaphore, #tpu.memory_space<semaphore_mem>>)
      %add3A_46 = arith.constant 1 : i32
      %add3A_47 = arith.addi %add3A_37, %add3A_46 : i32
      %dma_start3A_48 = arith.constant 0 : i32
      %dma_start3A_49 = tpu.memref_slice %arg3[%add3A_47, %dma_start3A_48] : memref<1024x128xf32, #tpu.memory_space<hbm>> -> memref<1x128xf32, #tpu.memory_space<hbm>>
      %dma_start3A_50 = tpu.memref_squeeze %dma_start3A_49 : memref<1x128xf32, #tpu.memory_space<hbm>> -> memref<128xf32, #tpu.memory_space<hbm>>
      %dma_start3A_51 = arith.constant 0 : i32
      %dma_start3A_52 = tpu.memref_slice %arg3[%add3A_47, %dma_start3A_51] : memref<1024x128xf32, #tpu.memory_space<hbm>> -> memref<1x128xf32, #tpu.memory_space<hbm>>
      %dma_start3A_53 = tpu.memref_squeeze %dma_start3A_52 : memref<1x128xf32, #tpu.memory_space<hbm>> -> memref<128xf32, #tpu.memory_space<hbm>>
      tpu.enqueue_dma source(%dma_start3A_53 : memref<128xf32, #tpu.memory_space<hbm>>) target(%arg8 : memref<128xf32, #tpu.memory_space<vmem>>) target_semaphore(%arg13 : memref<!tpu.dma_semaphore, #tpu.memory_space<semaphore_mem>>)
      %dma_wait3A_54 = arith.constant 0 : i32
      %dma_wait3A_55 = tpu.memref_slice %arg2[%add3A_37, %dma_wait3A_54] : memref<1024x8192xf32, #tpu.memory_space<hbm>> -> memref<1x8192xf32, #tpu.memory_space<hbm>>
      %dma_wait3A_56 = tpu.memref_squeeze %dma_wait3A_55 : memref<1x8192xf32, #tpu.memory_space<hbm>> -> memref<8192xf32, #tpu.memory_space<hbm>>
      %dma_wait3A_57 = arith.constant 0 : i32
      %dma_wait3A_58 = tpu.memref_slice %arg2[%add3A_37, %dma_wait3A_57] : memref<1024x8192xf32, #tpu.memory_space<hbm>> -> memref<1x8192xf32, #tpu.memory_space<hbm>>
      %dma_wait3A_59 = tpu.memref_squeeze %dma_wait3A_58 : memref<1x8192xf32, #tpu.memory_space<hbm>> -> memref<8192xf32, #tpu.memory_space<hbm>>
      tpu.wait_dma2 semaphore(%arg10 : memref<!tpu.dma_semaphore, #tpu.memory_space<semaphore_mem>>) src(%dma_wait3A_59 : memref<8192xf32, #tpu.memory_space<hbm>>) dst(%arg5 : memref<8192xf32, #tpu.memory_space<vmem>>)
      %dma_wait3A_60 = arith.constant 0 : i32
      %dma_wait3A_61 = tpu.memref_slice %arg3[%add3A_37, %dma_wait3A_60] : memref<1024x128xf32, #tpu.memory_space<hbm>> -> memref<1x128xf32, #tpu.memory_space<hbm>>
      %dma_wait3A_62 = tpu.memref_squeeze %dma_wait3A_61 : memref<1x128xf32, #tpu.memory_space<hbm>> -> memref<128xf32, #tpu.memory_space<hbm>>
      %dma_wait3A_63 = arith.constant 0 : i32
      %dma_wait3A_64 = tpu.memref_slice %arg3[%add3A_37, %dma_wait3A_63] : memref<1024x128xf32, #tpu.memory_space<hbm>> -> memref<1x128xf32, #tpu.memory_space<hbm>>
      %dma_wait3A_65 = tpu.memref_squeeze %dma_wait3A_64 : memref<1x128xf32, #tpu.memory_space<hbm>> -> memref<128xf32, #tpu.memory_space<hbm>>
      tpu.wait_dma2 semaphore(%arg12 : memref<!tpu.dma_semaphore, #tpu.memory_space<semaphore_mem>>) src(%dma_wait3A_65 : memref<128xf32, #tpu.memory_space<hbm>>) dst(%arg7 : memref<128xf32, #tpu.memory_space<vmem>>)
      %broadcast_in_dim3A = vector.broadcast %scan3A : f32 to vector<16xf32>
      %broadcast_in_dim3A_66 = vector.broadcast %scan3A : f32 to vector<16xf32>
      %get3A = arith.constant 0 : index
      %get3A_67 = tpu.vector_load %arg7[%get3A] {strides = array<i32>} : memref<128xf32, #tpu.memory_space<vmem>>, vector<16xf32>,
      %sort3A = arith.constant dense<true> : vector<16xi1>
      %sort3A_68, %sort3A_69, %sort3A_70 = tpu.sort %get3A_67, %get3A_67 masked %sort3A : (vector<16xf32>, vector<16xf32>, vector<16xi1>) -> (vector<16xi1>, vector<16xf32>, vector<16xf32>)
      %rev3A = arith.constant 15 : i32
      %rev3A_71 = vector.broadcast %rev3A : i32 to vector<16xi32>
      %rev3A_72 = tpu.iota {dimensions = array<i32: 0>} : vector<16xi32>
      %rev3A_73 = arith.subi %rev3A_71, %rev3A_72 : vector<16xi32>
      %rev3A_74 = tpu.dynamic_gather %sort3A_69[%rev3A_73] in [0] : vector<16xf32>, vector<16xi32> -> vector<16xf32>
      %min3A = arith.minimumf %broadcast_in_dim3A_66, %rev3A_74 : vector<16xf32>
      %min3A_75 = arith.minimumf %broadcast_in_dim3A, %min3A : vector<16xf32>
      %max3A = arith.maximumf %broadcast_in_dim3A, %min3A : vector<16xf32>
      %sort3A_76 = arith.constant dense<true> : vector<16xi1>
      %sort3A_77, %sort3A_78, %sort3A_79 = tpu.sort %min3A_75, %min3A_75 masked %sort3A_76 : (vector<16xf32>, vector<16xf32>, vector<16xi1>) -> (vector<16xi1>, vector<16xf32>, vector<16xf32>)
      %sort3A_80 = arith.constant dense<true> : vector<16xi1>
      %sort3A_81, %sort3A_82, %sort3A_83 = tpu.sort %max3A, %max3A masked %sort3A_80 : (vector<16xf32>, vector<16xf32>, vector<16xi1>) -> (vector<16xi1>, vector<16xf32>, vector<16xf32>)
      %get3A_84 = arith.constant 16 : index
      %get3A_85 = tpu.vector_load %arg7[%get3A_84] {strides = array<i32>} : memref<128xf32, #tpu.memory_space<vmem>>, vector<16xf32>,
      %sort3A_86 = arith.constant dense<true> : vector<16xi1>
      %sort3A_87, %sort3A_88, %sort3A_89 = tpu.sort %get3A_85, %get3A_85 masked %sort3A_86 : (vector<16xf32>, vector<16xf32>, vector<16xi1>) -> (vector<16xi1>, vector<16xf32>, vector<16xf32>)
      %rev3A_90 = arith.constant 15 : i32
      %rev3A_91 = vector.broadcast %rev3A_90 : i32 to vector<16xi32>
      %rev3A_92 = tpu.iota {dimensions = array<i32: 0>} : vector<16xi32>
      %rev3A_93 = arith.subi %rev3A_91, %rev3A_92 : vector<16xi32>
      %rev3A_94 = tpu.dynamic_gather %sort3A_88[%rev3A_93] in [0] : vector<16xf32>, vector<16xi32> -> vector<16xf32>
      %min3A_95 = arith.minimumf %sort3A_82, %rev3A_94 : vector<16xf32>
      %min3A_96 = arith.minimumf %sort3A_78, %min3A_95 : vector<16xf32>
      %max3A_97 = arith.maximumf %sort3A_78, %min3A_95 : vector<16xf32>
      %sort3A_98 = arith.constant dense<true> : vector<16xi1>
      %sort3A_99, %sort3A_100, %sort3A_101 = tpu.sort %min3A_96, %min3A_96 masked %sort3A_98 : (vector<16xf32>, vector<16xf32>, vector<16xi1>) -> (vector<16xi1>, vector<16xf32>, vector<16xf32>)
      %sort3A_102 = arith.constant dense<true> : vector<16xi1>
      %sort3A_103, %sort3A_104, %sort3A_105 = tpu.sort %max3A_97, %max3A_97 masked %sort3A_102 : (vector<16xf32>, vector<16xf32>, vector<16xi1>) -> (vector<16xi1>, vector<16xf32>, vector<16xf32>)
      %get3A_106 = arith.constant 32 : index
      %get3A_107 = tpu.vector_load %arg7[%get3A_106] {strides = array<i32>} : memref<128xf32, #tpu.memory_space<vmem>>, vector<16xf32>,
      %sort3A_108 = arith.constant dense<true> : vector<16xi1>
      %sort3A_109, %sort3A_110, %sort3A_111 = tpu.sort %get3A_107, %get3A_107 masked %sort3A_108 : (vector<16xf32>, vector<16xf32>, vector<16xi1>) -> (vector<16xi1>, vector<16xf32>, vector<16xf32>)
      %rev3A_112 = arith.constant 15 : i32
      %rev3A_113 = vector.broadcast %rev3A_112 : i32 to vector<16xi32>
      %rev3A_114 = tpu.iota {dimensions = array<i32: 0>} : vector<16xi32>
      %rev3A_115 = arith.subi %rev3A_113, %rev3A_114 : vector<16xi32>
      %rev3A_116 = tpu.dynamic_gather %sort3A_110[%rev3A_115] in [0] : vector<16xf32>, vector<16xi32> -> vector<16xf32>
      %min3A_117 = arith.minimumf %sort3A_104, %rev3A_116 : vector<16xf32>
      %min3A_118 = arith.minimumf %sort3A_100, %min3A_117 : vector<16xf32>
      %max3A_119 = arith.maximumf %sort3A_100, %min3A_117 : vector<16xf32>
      %sort3A_120 = arith.constant dense<true> : vector<16xi1>
      %sort3A_121, %sort3A_122, %sort3A_123 = tpu.sort %min3A_118, %min3A_118 masked %sort3A_120 : (vector<16xf32>, vector<16xf32>, vector<16xi1>) -> (vector<16xi1>, vector<16xf32>, vector<16xf32>)
      %sort3A_124 = arith.constant dense<true> : vector<16xi1>
      %sort3A_125, %sort3A_126, %sort3A_127 = tpu.sort %max3A_119, %max3A_119 masked %sort3A_124 : (vector<16xf32>, vector<16xf32>, vector<16xi1>) -> (vector<16xi1>, vector<16xf32>, vector<16xf32>)
      %get3A_128 = arith.constant 48 : index
      %get3A_129 = tpu.vector_load %arg7[%get3A_128] {strides = array<i32>} : memref<128xf32, #tpu.memory_space<vmem>>, vector<16xf32>,
      %sort3A_130 = arith.constant dense<true> : vector<16xi1>
      %sort3A_131, %sort3A_132, %sort3A_133 = tpu.sort %get3A_129, %get3A_129 masked %sort3A_130 : (vector<16xf32>, vector<16xf32>, vector<16xi1>) -> (vector<16xi1>, vector<16xf32>, vector<16xf32>)
      %rev3A_134 = arith.constant 15 : i32
      %rev3A_135 = vector.broadcast %rev3A_134 : i32 to vector<16xi32>
      %rev3A_136 = tpu.iota {dimensions = array<i32: 0>} : vector<16xi32>
      %rev3A_137 = arith.subi %rev3A_135, %rev3A_136 : vector<16xi32>
      %rev3A_138 = tpu.dynamic_gather %sort3A_132[%rev3A_137] in [0] : vector<16xf32>, vector<16xi32> -> vector<16xf32>
      %min3A_139 = arith.minimumf %sort3A_126, %rev3A_138 : vector<16xf32>
      %min3A_140 = arith.minimumf %sort3A_122, %min3A_139 : vector<16xf32>
      %max3A_141 = arith.maximumf %sort3A_122, %min3A_139 : vector<16xf32>
      %sort3A_142 = arith.constant dense<true> : vector<16xi1>
      %sort3A_143, %sort3A_144, %sort3A_145 = tpu.sort %min3A_140, %min3A_140 masked %sort3A_142 : (vector<16xf32>, vector<16xf32>, vector<16xi1>) -> (vector<16xi1>, vector<16xf32>, vector<16xf32>)
      %sort3A_146 = arith.constant dense<true> : vector<16xi1>
      %sort3A_147, %sort3A_148, %sort3A_149 = tpu.sort %max3A_141, %max3A_141 masked %sort3A_146 : (vector<16xf32>, vector<16xf32>, vector<16xi1>) -> (vector<16xi1>, vector<16xf32>, vector<16xf32>)
      %get3A_150 = arith.constant 64 : index
      %get3A_151 = tpu.vector_load %arg7[%get3A_150] {strides = array<i32>} : memref<128xf32, #tpu.memory_space<vmem>>, vector<16xf32>,
      %sort3A_152 = arith.constant dense<true> : vector<16xi1>
      %sort3A_153, %sort3A_154, %sort3A_155 = tpu.sort %get3A_151, %get3A_151 masked %sort3A_152 : (vector<16xf32>, vector<16xf32>, vector<16xi1>) -> (vector<16xi1>, vector<16xf32>, vector<16xf32>)
      %rev3A_156 = arith.constant 15 : i32
      %rev3A_157 = vector.broadcast %rev3A_156 : i32 to vector<16xi32>
      %rev3A_158 = tpu.iota {dimensions = array<i32: 0>} : vector<16xi32>
      %rev3A_159 = arith.subi %rev3A_157, %rev3A_158 : vector<16xi32>
      %rev3A_160 = tpu.dynamic_gather %sort3A_154[%rev3A_159] in [0] : vector<16xf32>, vector<16xi32> -> vector<16xf32>
      %min3A_161 = arith.minimumf %sort3A_148, %rev3A_160 : vector<16xf32>
      %min3A_162 = arith.minimumf %sort3A_144, %min3A_161 : vector<16xf32>
      %max3A_163 = arith.maximumf %sort3A_144, %min3A_161 : vector<16xf32>
      %sort3A_164 = arith.constant dense<true> : vector<16xi1>
      %sort3A_165, %sort3A_166, %sort3A_167 = tpu.sort %min3A_162, %min3A_162 masked %sort3A_164 : (vector<16xf32>, vector<16xf32>, vector<16xi1>) -> (vector<16xi1>, vector<16xf32>, vector<16xf32>)
      %sort3A_168 = arith.constant dense<true> : vector<16xi1>
      %sort3A_169, %sort3A_170, %sort3A_171 = tpu.sort %max3A_163, %max3A_163 masked %sort3A_168 : (vector<16xf32>, vector<16xf32>, vector<16xi1>) -> (vector<16xi1>, vector<16xf32>, vector<16xf32>)
      %get3A_172 = arith.constant 80 : index
      %get3A_173 = tpu.vector_load %arg7[%get3A_172] {strides = array<i32>} : memref<128xf32, #tpu.memory_space<vmem>>, vector<16xf32>,
      %sort3A_174 = arith.constant dense<true> : vector<16xi1>
      %sort3A_175, %sort3A_176, %sort3A_177 = tpu.sort %get3A_173, %get3A_173 masked %sort3A_174 : (vector<16xf32>, vector<16xf32>, vector<16xi1>) -> (vector<16xi1>, vector<16xf32>, vector<16xf32>)
      %rev3A_178 = arith.constant 15 : i32
      %rev3A_179 = vector.broadcast %rev3A_178 : i32 to vector<16xi32>
      %rev3A_180 = tpu.iota {dimensions = array<i32: 0>} : vector<16xi32>
      %rev3A_181 = arith.subi %rev3A_179, %rev3A_180 : vector<16xi32>
      %rev3A_182 = tpu.dynamic_gather %sort3A_176[%rev3A_181] in [0] : vector<16xf32>, vector<16xi32> -> vector<16xf32>
      %min3A_183 = arith.minimumf %sort3A_170, %rev3A_182 : vector<16xf32>
      %min3A_184 = arith.minimumf %sort3A_166, %min3A_183 : vector<16xf32>
      %max3A_185 = arith.maximumf %sort3A_166, %min3A_183 : vector<16xf32>
      %sort3A_186 = arith.constant dense<true> : vector<16xi1>
      %sort3A_187, %sort3A_188, %sort3A_189 = tpu.sort %min3A_184, %min3A_184 masked %sort3A_186 : (vector<16xf32>, vector<16xf32>, vector<16xi1>) -> (vector<16xi1>, vector<16xf32>, vector<16xf32>)
      %sort3A_190 = arith.constant dense<true> : vector<16xi1>
      %sort3A_191, %sort3A_192, %sort3A_193 = tpu.sort %max3A_185, %max3A_185 masked %sort3A_190 : (vector<16xf32>, vector<16xf32>, vector<16xi1>) -> (vector<16xi1>, vector<16xf32>, vector<16xf32>)
      %get3A_194 = arith.constant 96 : index
      %get3A_195 = tpu.vector_load %arg7[%get3A_194] {strides = array<i32>} : memref<128xf32, #tpu.memory_space<vmem>>, vector<16xf32>,
      %sort3A_196 = arith.constant dense<true> : vector<16xi1>
      %sort3A_197, %sort3A_198, %sort3A_199 = tpu.sort %get3A_195, %get3A_195 masked %sort3A_196 : (vector<16xf32>, vector<16xf32>, vector<16xi1>) -> (vector<16xi1>, vector<16xf32>, vector<16xf32>)
      %rev3A_200 = arith.constant 15 : i32
      %rev3A_201 = vector.broadcast %rev3A_200 : i32 to vector<16xi32>
      %rev3A_202 = tpu.iota {dimensions = array<i32: 0>} : vector<16xi32>
      %rev3A_203 = arith.subi %rev3A_201, %rev3A_202 : vector<16xi32>
      %rev3A_204 = tpu.dynamic_gather %sort3A_198[%rev3A_203] in [0] : vector<16xf32>, vector<16xi32> -> vector<16xf32>
      %min3A_205 = arith.minimumf %sort3A_192, %rev3A_204 : vector<16xf32>
      %min3A_206 = arith.minimumf %sort3A_188, %min3A_205 : vector<16xf32>
      %max3A_207 = arith.maximumf %sort3A_188, %min3A_205 : vector<16xf32>
      %sort3A_208 = arith.constant dense<true> : vector<16xi1>
      %sort3A_209, %sort3A_210, %sort3A_211 = tpu.sort %min3A_206, %min3A_206 masked %sort3A_208 : (vector<16xf32>, vector<16xf32>, vector<16xi1>) -> (vector<16xi1>, vector<16xf32>, vector<16xf32>)
      %sort3A_212 = arith.constant dense<true> : vector<16xi1>
      %sort3A_213, %sort3A_214, %sort3A_215 = tpu.sort %max3A_207, %max3A_207 masked %sort3A_212 : (vector<16xf32>, vector<16xf32>, vector<16xi1>) -> (vector<16xi1>, vector<16xf32>, vector<16xf32>)
      %get3A_216 = arith.constant 112 : index
      %get3A_217 = tpu.vector_load %arg7[%get3A_216] {strides = array<i32>} : memref<128xf32, #tpu.memory_space<vmem>>, vector<16xf32>,
      %sort3A_218 = arith.constant dense<true> : vector<16xi1>
      %sort3A_219, %sort3A_220, %sort3A_221 = tpu.sort %get3A_217, %get3A_217 masked %sort3A_218 : (vector<16xf32>, vector<16xf32>, vector<16xi1>) -> (vector<16xi1>, vector<16xf32>, vector<16xf32>)
      %rev3A_222 = arith.constant 15 : i32
      %rev3A_223 = vector.broadcast %rev3A_222 : i32 to vector<16xi32>
      %rev3A_224 = tpu.iota {dimensions = array<i32: 0>} : vector<16xi32>
      %rev3A_225 = arith.subi %rev3A_223, %rev3A_224 : vector<16xi32>
      %rev3A_226 = tpu.dynamic_gather %sort3A_220[%rev3A_225] in [0] : vector<16xf32>, vector<16xi32> -> vector<16xf32>
      %min3A_227 = arith.minimumf %sort3A_214, %rev3A_226 : vector<16xf32>
      %min3A_228 = arith.minimumf %sort3A_210, %min3A_227 : vector<16xf32>
      %max3A_229 = arith.maximumf %sort3A_210, %min3A_227 : vector<16xf32>
      %sort3A_230 = arith.constant dense<true> : vector<16xi1>
      %sort3A_231, %sort3A_232, %sort3A_233 = tpu.sort %min3A_228, %min3A_228 masked %sort3A_230 : (vector<16xf32>, vector<16xf32>, vector<16xi1>) -> (vector<16xi1>, vector<16xf32>, vector<16xf32>)
      %sort3A_234 = arith.constant dense<true> : vector<16xi1>
      %sort3A_235, %sort3A_236, %sort3A_237 = tpu.sort %max3A_229, %max3A_229 masked %sort3A_234 : (vector<16xf32>, vector<16xf32>, vector<16xi1>) -> (vector<16xi1>, vector<16xf32>, vector<16xf32>)
      %reduce_max3A = arith.constant true
      %reduce_max3A_238 = vector.broadcast %reduce_max3A : i1 to vector<16xi1>
      %reduce_max3A_239 = tpu.scan <max>, %sort3A_236 masked %reduce_max3A_238 : vector<16xf32>, vector<16xi1> -> vector<16xf32>
      %reduce_max3A_240 = vector.extract %reduce_max3A_239[15] : f32 from vector<16xf32>
      %broadcast_in_dim3A_241 = arith.constant 0 : i32
      %broadcast_in_dim3A_242 = vector.broadcast %broadcast_in_dim3A_241 : i32 to vector<16xi32>
      %broadcast_in_dim3A_243 = vector.broadcast %scan3A : f32 to vector<16xf32>
      %scan3A_244 = arith.constant 0 : i32
      %scan3A_245 = arith.constant 64 : i32
      %scan3A_246 = arith.addi %scan3A_244, %scan3A_245 : i32
      %scan3A_247 = arith.constant 1 : i32
      %scan3A_248:5 = scf.for %scan3A_485 = %scan3A_244 to %scan3A_246 step %scan3A_247 iter_args(%scan3A_486 = %broadcast_in_dim3A_243, %scan3A_487 = %broadcast_in_dim3A_242, %scan3A_488 = %broadcast_in_dim3A_243, %scan3A_489 = %broadcast_in_dim3A_242, %scan3A_490 = %reduce_max3A_240) -> (vector<16xf32>, vector<16xi32>, vector<16xf32>, vector<16xi32>, f32)  : i32 {
        %mul3A_491 = arith.constant 8 : i32
        %mul3A_492 = arith.muli %scan3A_485, %mul3A_491 : i32
        %add3A_493 = arith.constant 0 : i32
        %add3A_494 = arith.addi %mul3A_492, %add3A_493 : i32
        %mul3A_495 = arith.constant 16 : i32
        %mul3A_496 = arith.muli %add3A_494, %mul3A_495 : i32
        %get3A_497 = arith.index_cast %mul3A_496 : i32 to index
        %get3A_498 = tpu.vector_load %arg5[%get3A_497] {strides = array<i32>} : memref<8192xf32, #tpu.memory_space<vmem>>, vector<16xf32>,
        %add3A_499 = arith.constant 1 : i32
        %add3A_500 = arith.addi %mul3A_492, %add3A_499 : i32
        %mul3A_501 = arith.constant 16 : i32
        %mul3A_502 = arith.muli %add3A_500, %mul3A_501 : i32
        %get3A_503 = arith.index_cast %mul3A_502 : i32 to index
        %get3A_504 = tpu.vector_load %arg5[%get3A_503] {strides = array<i32>} : memref<8192xf32, #tpu.memory_space<vmem>>, vector<16xf32>,
        %add3A_505 = arith.constant 2 : i32
        %add3A_506 = arith.addi %mul3A_492, %add3A_505 : i32
        %mul3A_507 = arith.constant 16 : i32
        %mul3A_508 = arith.muli %add3A_506, %mul3A_507 : i32
        %get3A_509 = arith.index_cast %mul3A_508 : i32 to index
        %get3A_510 = tpu.vector_load %arg5[%get3A_509] {strides = array<i32>} : memref<8192xf32, #tpu.memory_space<vmem>>, vector<16xf32>,
        %add3A_511 = arith.constant 3 : i32
        %add3A_512 = arith.addi %mul3A_492, %add3A_511 : i32
        %mul3A_513 = arith.constant 16 : i32
        %mul3A_514 = arith.muli %add3A_512, %mul3A_513 : i32
        %get3A_515 = arith.index_cast %mul3A_514 : i32 to index
        %get3A_516 = tpu.vector_load %arg5[%get3A_515] {strides = array<i32>} : memref<8192xf32, #tpu.memory_space<vmem>>, vector<16xf32>,
        %add3A_517 = arith.constant 4 : i32
        %add3A_518 = arith.addi %mul3A_492, %add3A_517 : i32
        %mul3A_519 = arith.constant 16 : i32
        %mul3A_520 = arith.muli %add3A_518, %mul3A_519 : i32
        %get3A_521 = arith.index_cast %mul3A_520 : i32 to index
        %get3A_522 = tpu.vector_load %arg5[%get3A_521] {strides = array<i32>} : memref<8192xf32, #tpu.memory_space<vmem>>, vector<16xf32>,
        %add3A_523 = arith.constant 5 : i32
        %add3A_524 = arith.addi %mul3A_492, %add3A_523 : i32
        %mul3A_525 = arith.constant 16 : i32
        %mul3A_526 = arith.muli %add3A_524, %mul3A_525 : i32
        %get3A_527 = arith.index_cast %mul3A_526 : i32 to index
        %get3A_528 = tpu.vector_load %arg5[%get3A_527] {strides = array<i32>} : memref<8192xf32, #tpu.memory_space<vmem>>, vector<16xf32>,
        %add3A_529 = arith.constant 6 : i32
        %add3A_530 = arith.addi %mul3A_492, %add3A_529 : i32
        %mul3A_531 = arith.constant 16 : i32
        %mul3A_532 = arith.muli %add3A_530, %mul3A_531 : i32
        %get3A_533 = arith.index_cast %mul3A_532 : i32 to index
        %get3A_534 = tpu.vector_load %arg5[%get3A_533] {strides = array<i32>} : memref<8192xf32, #tpu.memory_space<vmem>>, vector<16xf32>,
        %add3A_535 = arith.constant 7 : i32
        %add3A_536 = arith.addi %mul3A_492, %add3A_535 : i32
        %mul3A_537 = arith.constant 16 : i32
        %mul3A_538 = arith.muli %add3A_536, %mul3A_537 : i32
        %get3A_539 = arith.index_cast %mul3A_538 : i32 to index
        %get3A_540 = tpu.vector_load %arg5[%get3A_539] {strides = array<i32>} : memref<8192xf32, #tpu.memory_space<vmem>>, vector<16xf32>,
        %min3A_541 = arith.minimumf %get3A_498, %get3A_504 : vector<16xf32>
        %min3A_542 = arith.minimumf %min3A_541, %get3A_510 : vector<16xf32>
        %min3A_543 = arith.minimumf %min3A_542, %get3A_516 : vector<16xf32>
        %min3A_544 = arith.minimumf %min3A_543, %get3A_522 : vector<16xf32>
        %min3A_545 = arith.minimumf %min3A_544, %get3A_528 : vector<16xf32>
        %min3A_546 = arith.minimumf %min3A_545, %get3A_534 : vector<16xf32>
        %min3A_547 = arith.minimumf %min3A_546, %get3A_540 : vector<16xf32>
        %reduce_min3A = arith.constant true
        %reduce_min3A_548 = vector.broadcast %reduce_min3A : i1 to vector<16xi1>
        %reduce_min3A_549 = tpu.scan <min>, %min3A_547 masked %reduce_min3A_548 : vector<16xf32>, vector<16xi1> -> vector<16xf32>
        %reduce_min3A_550 = vector.extract %reduce_min3A_549[15] : f32 from vector<16xf32>
        %le3A = arith.cmpf ole, %reduce_min3A_550, %scan3A_490 : f32
        %convert_element_type3A = arith.extui %le3A : i1 to i32
        %cond3A = arith.constant 0 : i32
        %cond3A_551 = arith.cmpi ne, %convert_element_type3A, %cond3A : i32
        %cond3A_552:5 = scf.if %cond3A_551 -> (vector<16xf32>, vector<16xi32>, vector<16xf32>, vector<16xi32>, f32) {
          %add3A_553 = arith.constant 0 : i32
          %add3A_554 = arith.addi %mul3A_492, %add3A_553 : i32
          %reduce_min3A_555 = arith.constant true
          %reduce_min3A_556 = vector.broadcast %reduce_min3A_555 : i1 to vector<16xi1>
          %reduce_min3A_557 = tpu.scan <min>, %get3A_498 masked %reduce_min3A_556 : vector<16xf32>, vector<16xi1> -> vector<16xf32>
          %reduce_min3A_558 = vector.extract %reduce_min3A_557[15] : f32 from vector<16xf32>
          %le3A_559 = arith.cmpf ole, %reduce_min3A_558, %scan3A_490 : f32
          %convert_element_type3A_560 = arith.extui %le3A_559 : i1 to i32
          %cond3A_561 = arith.constant 0 : i32
          %cond3A_562 = arith.cmpi ne, %convert_element_type3A_560, %cond3A_561 : i32
          %cond3A_563:5 = scf.if %cond3A_562 -> (vector<16xf32>, vector<16xi32>, vector<16xf32>, vector<16xi32>, f32) {
            %mul3A_641 = arith.constant 16 : i32
            %mul3A_642 = arith.muli %add3A_554, %mul3A_641 : i32
            %add3A_643 = vector.broadcast %mul3A_642 : i32 to vector<16xi32>
            %add3A_644 = arith.addi %iota3A, %add3A_643 : vector<16xi32>
            %masked_sort3A = arith.constant dense<true> : vector<16xi1>
            %masked_sort3A_645, %masked_sort3A_646, %masked_sort3A_647 = tpu.sort %get3A_498, %add3A_644 masked %masked_sort3A : (vector<16xf32>, vector<16xi32>, vector<16xi1>) -> (vector<16xi1>, vector<16xf32>, vector<16xi32>)
            %rev3A_648 = arith.constant 15 : i32
            %rev3A_649 = vector.broadcast %rev3A_648 : i32 to vector<16xi32>
            %rev3A_650 = tpu.iota {dimensions = array<i32: 0>} : vector<16xi32>
            %rev3A_651 = arith.subi %rev3A_649, %rev3A_650 : vector<16xi32>
            %rev3A_652 = tpu.dynamic_gather %masked_sort3A_646[%rev3A_651] in [0] : vector<16xf32>, vector<16xi32> -> vector<16xf32>
            %rev3A_653 = arith.constant 15 : i32
            %rev3A_654 = vector.broadcast %rev3A_653 : i32 to vector<16xi32>
            %rev3A_655 = tpu.iota {dimensions = array<i32: 0>} : vector<16xi32>
            %rev3A_656 = arith.subi %rev3A_654, %rev3A_655 : vector<16xi32>
            %rev3A_657 = tpu.dynamic_gather %masked_sort3A_647[%rev3A_656] in [0] : vector<16xi32>, vector<16xi32> -> vector<16xi32>
            %lt3A = arith.cmpf olt, %rev3A_652, %scan3A_488 : vector<16xf32>
            %eq3A = arith.cmpf oeq, %rev3A_652, %scan3A_488 : vector<16xf32>
            %lt3A_658 = arith.cmpi slt, %rev3A_657, %scan3A_489 : vector<16xi32>
            %and3A = arith.andi %eq3A, %lt3A_658 : vector<16xi1>
            %or3A = arith.ori %lt3A, %and3A : vector<16xi1>
            %select_n3A = arith.select %or3A, %rev3A_652, %scan3A_488 : vector<16xi1>, vector<16xf32>
            %select_n3A_659 = arith.select %or3A, %rev3A_657, %scan3A_489 : vector<16xi1>, vector<16xi32>
            %select_n3A_660 = arith.select %or3A, %scan3A_488, %rev3A_652 : vector<16xi1>, vector<16xf32>
            %select_n3A_661 = arith.select %or3A, %scan3A_489, %rev3A_657 : vector<16xi1>, vector<16xi32>
            %lt3A_662 = arith.cmpf olt, %select_n3A, %scan3A_486 : vector<16xf32>
            %eq3A_663 = arith.cmpf oeq, %select_n3A, %scan3A_486 : vector<16xf32>
            %lt3A_664 = arith.cmpi slt, %select_n3A_659, %scan3A_487 : vector<16xi32>
            %and3A_665 = arith.andi %eq3A_663, %lt3A_664 : vector<16xi1>
            %or3A_666 = arith.ori %lt3A_662, %and3A_665 : vector<16xi1>
            %select_n3A_667 = arith.select %or3A_666, %select_n3A, %scan3A_486 : vector<16xi1>, vector<16xf32>
            %select_n3A_668 = arith.select %or3A_666, %select_n3A_659, %scan3A_487 : vector<16xi1>, vector<16xi32>
            %select_n3A_669 = arith.select %or3A_666, %scan3A_486, %select_n3A : vector<16xi1>, vector<16xf32>
            %select_n3A_670 = arith.select %or3A_666, %scan3A_487, %select_n3A_659 : vector<16xi1>, vector<16xi32>
            %masked_sort3A_671 = arith.constant dense<true> : vector<16xi1>
            %masked_sort3A_672, %masked_sort3A_673, %masked_sort3A_674 = tpu.sort %select_n3A_667, %select_n3A_668 masked %masked_sort3A_671 : (vector<16xf32>, vector<16xi32>, vector<16xi1>) -> (vector<16xi1>, vector<16xf32>, vector<16xi32>)
            %masked_sort3A_675 = arith.constant dense<true> : vector<16xi1>
            %masked_sort3A_676, %masked_sort3A_677, %masked_sort3A_678 = tpu.sort %select_n3A_669, %select_n3A_670 masked %masked_sort3A_675 : (vector<16xf32>, vector<16xi32>, vector<16xi1>) -> (vector<16xi1>, vector<16xf32>, vector<16xi32>)
            %reduce_max3A_679 = arith.constant true
            %reduce_max3A_680 = vector.broadcast %reduce_max3A_679 : i1 to vector<16xi1>
            %reduce_max3A_681 = tpu.scan <max>, %masked_sort3A_677 masked %reduce_max3A_680 : vector<16xf32>, vector<16xi1> -> vector<16xf32>
            %reduce_max3A_682 = vector.extract %reduce_max3A_681[15] : f32 from vector<16xf32>
            %min3A_683 = arith.minimumf %reduce_max3A_682, %reduce_max3A_240 : f32
            scf.yield %masked_sort3A_673, %masked_sort3A_674, %masked_sort3A_677, %masked_sort3A_678, %min3A_683 : vector<16xf32>, vector<16xi32>, vector<16xf32>, vector<16xi32>, f32
          } else {
            scf.yield %scan3A_486, %scan3A_487, %scan3A_488, %scan3A_489, %scan3A_490 : vector<16xf32>, vector<16xi32>, vector<16xf32>, vector<16xi32>, f32
          }
          %add3A_564 = arith.constant 1 : i32
          %add3A_565 = arith.addi %mul3A_492, %add3A_564 : i32
          %reduce_min3A_566 = arith.constant true
          %reduce_min3A_567 = vector.broadcast %reduce_min3A_566 : i1 to vector<16xi1>
          %reduce_min3A_568 = tpu.scan <min>, %get3A_504 masked %reduce_min3A_567 : vector<16xf32>, vector<16xi1> -> vector<16xf32>
          %reduce_min3A_569 = vector.extract %reduce_min3A_568[15] : f32 from vector<16xf32>
          %le3A_570 = arith.cmpf ole, %reduce_min3A_569, %cond3A_563#4 : f32
          %convert_element_type3A_571 = arith.extui %le3A_570 : i1 to i32
          %cond3A_572 = arith.constant 0 : i32
          %cond3A_573 = arith.cmpi ne, %convert_element_type3A_571, %cond3A_572 : i32
          %cond3A_574:5 = scf.if %cond3A_573 -> (vector<16xf32>, vector<16xi32>, vector<16xf32>, vector<16xi32>, f32) {
            %mul3A_641 = arith.constant 16 : i32
            %mul3A_642 = arith.muli %add3A_565, %mul3A_641 : i32
            %add3A_643 = vector.broadcast %mul3A_642 : i32 to vector<16xi32>
            %add3A_644 = arith.addi %iota3A, %add3A_643 : vector<16xi32>
            %masked_sort3A = arith.constant dense<true> : vector<16xi1>
            %masked_sort3A_645, %masked_sort3A_646, %masked_sort3A_647 = tpu.sort %get3A_504, %add3A_644 masked %masked_sort3A : (vector<16xf32>, vector<16xi32>, vector<16xi1>) -> (vector<16xi1>, vector<16xf32>, vector<16xi32>)
            %rev3A_648 = arith.constant 15 : i32
            %rev3A_649 = vector.broadcast %rev3A_648 : i32 to vector<16xi32>
            %rev3A_650 = tpu.iota {dimensions = array<i32: 0>} : vector<16xi32>
            %rev3A_651 = arith.subi %rev3A_649, %rev3A_650 : vector<16xi32>
            %rev3A_652 = tpu.dynamic_gather %masked_sort3A_646[%rev3A_651] in [0] : vector<16xf32>, vector<16xi32> -> vector<16xf32>
            %rev3A_653 = arith.constant 15 : i32
            %rev3A_654 = vector.broadcast %rev3A_653 : i32 to vector<16xi32>
            %rev3A_655 = tpu.iota {dimensions = array<i32: 0>} : vector<16xi32>
            %rev3A_656 = arith.subi %rev3A_654, %rev3A_655 : vector<16xi32>
            %rev3A_657 = tpu.dynamic_gather %masked_sort3A_647[%rev3A_656] in [0] : vector<16xi32>, vector<16xi32> -> vector<16xi32>
            %lt3A = arith.cmpf olt, %rev3A_652, %cond3A_563#2 : vector<16xf32>
            %eq3A = arith.cmpf oeq, %rev3A_652, %cond3A_563#2 : vector<16xf32>
            %lt3A_658 = arith.cmpi slt, %rev3A_657, %cond3A_563#3 : vector<16xi32>
            %and3A = arith.andi %eq3A, %lt3A_658 : vector<16xi1>
            %or3A = arith.ori %lt3A, %and3A : vector<16xi1>
            %select_n3A = arith.select %or3A, %rev3A_652, %cond3A_563#2 : vector<16xi1>, vector<16xf32>
            %select_n3A_659 = arith.select %or3A, %rev3A_657, %cond3A_563#3 : vector<16xi1>, vector<16xi32>
            %select_n3A_660 = arith.select %or3A, %cond3A_563#2, %rev3A_652 : vector<16xi1>, vector<16xf32>
            %select_n3A_661 = arith.select %or3A, %cond3A_563#3, %rev3A_657 : vector<16xi1>, vector<16xi32>
            %lt3A_662 = arith.cmpf olt, %select_n3A, %cond3A_563#0 : vector<16xf32>
            %eq3A_663 = arith.cmpf oeq, %select_n3A, %cond3A_563#0 : vector<16xf32>
            %lt3A_664 = arith.cmpi slt, %select_n3A_659, %cond3A_563#1 : vector<16xi32>
            %and3A_665 = arith.andi %eq3A_663, %lt3A_664 : vector<16xi1>
            %or3A_666 = arith.ori %lt3A_662, %and3A_665 : vector<16xi1>
            %select_n3A_667 = arith.select %or3A_666, %select_n3A, %cond3A_563#0 : vector<16xi1>, vector<16xf32>
            %select_n3A_668 = arith.select %or3A_666, %select_n3A_659, %cond3A_563#1 : vector<16xi1>, vector<16xi32>
            %select_n3A_669 = arith.select %or3A_666, %cond3A_563#0, %select_n3A : vector<16xi1>, vector<16xf32>
            %select_n3A_670 = arith.select %or3A_666, %cond3A_563#1, %select_n3A_659 : vector<16xi1>, vector<16xi32>
            %masked_sort3A_671 = arith.constant dense<true> : vector<16xi1>
            %masked_sort3A_672, %masked_sort3A_673, %masked_sort3A_674 = tpu.sort %select_n3A_667, %select_n3A_668 masked %masked_sort3A_671 : (vector<16xf32>, vector<16xi32>, vector<16xi1>) -> (vector<16xi1>, vector<16xf32>, vector<16xi32>)
            %masked_sort3A_675 = arith.constant dense<true> : vector<16xi1>
            %masked_sort3A_676, %masked_sort3A_677, %masked_sort3A_678 = tpu.sort %select_n3A_669, %select_n3A_670 masked %masked_sort3A_675 : (vector<16xf32>, vector<16xi32>, vector<16xi1>) -> (vector<16xi1>, vector<16xf32>, vector<16xi32>)
            %reduce_max3A_679 = arith.constant true
            %reduce_max3A_680 = vector.broadcast %reduce_max3A_679 : i1 to vector<16xi1>
            %reduce_max3A_681 = tpu.scan <max>, %masked_sort3A_677 masked %reduce_max3A_680 : vector<16xf32>, vector<16xi1> -> vector<16xf32>
            %reduce_max3A_682 = vector.extract %reduce_max3A_681[15] : f32 from vector<16xf32>
            %min3A_683 = arith.minimumf %reduce_max3A_682, %reduce_max3A_240 : f32
            scf.yield %masked_sort3A_673, %masked_sort3A_674, %masked_sort3A_677, %masked_sort3A_678, %min3A_683 : vector<16xf32>, vector<16xi32>, vector<16xf32>, vector<16xi32>, f32
          } else {
            scf.yield %cond3A_563#0, %cond3A_563#1, %cond3A_563#2, %cond3A_563#3, %cond3A_563#4 : vector<16xf32>, vector<16xi32>, vector<16xf32>, vector<16xi32>, f32
          }
          %add3A_575 = arith.constant 2 : i32
          %add3A_576 = arith.addi %mul3A_492, %add3A_575 : i32
          %reduce_min3A_577 = arith.constant true
          %reduce_min3A_578 = vector.broadcast %reduce_min3A_577 : i1 to vector<16xi1>
          %reduce_min3A_579 = tpu.scan <min>, %get3A_510 masked %reduce_min3A_578 : vector<16xf32>, vector<16xi1> -> vector<16xf32>
          %reduce_min3A_580 = vector.extract %reduce_min3A_579[15] : f32 from vector<16xf32>
          %le3A_581 = arith.cmpf ole, %reduce_min3A_580, %cond3A_574#4 : f32
          %convert_element_type3A_582 = arith.extui %le3A_581 : i1 to i32
          %cond3A_583 = arith.constant 0 : i32
          %cond3A_584 = arith.cmpi ne, %convert_element_type3A_582, %cond3A_583 : i32
          %cond3A_585:5 = scf.if %cond3A_584 -> (vector<16xf32>, vector<16xi32>, vector<16xf32>, vector<16xi32>, f32) {
            %mul3A_641 = arith.constant 16 : i32
            %mul3A_642 = arith.muli %add3A_576, %mul3A_641 : i32
            %add3A_643 = vector.broadcast %mul3A_642 : i32 to vector<16xi32>
            %add3A_644 = arith.addi %iota3A, %add3A_643 : vector<16xi32>
            %masked_sort3A = arith.constant dense<true> : vector<16xi1>
            %masked_sort3A_645, %masked_sort3A_646, %masked_sort3A_647 = tpu.sort %get3A_510, %add3A_644 masked %masked_sort3A : (vector<16xf32>, vector<16xi32>, vector<16xi1>) -> (vector<16xi1>, vector<16xf32>, vector<16xi32>)
            %rev3A_648 = arith.constant 15 : i32
            %rev3A_649 = vector.broadcast %rev3A_648 : i32 to vector<16xi32>
            %rev3A_650 = tpu.iota {dimensions = array<i32: 0>} : vector<16xi32>
            %rev3A_651 = arith.subi %rev3A_649, %rev3A_650 : vector<16xi32>
            %rev3A_652 = tpu.dynamic_gather %masked_sort3A_646[%rev3A_651] in [0] : vector<16xf32>, vector<16xi32> -> vector<16xf32>
            %rev3A_653 = arith.constant 15 : i32
            %rev3A_654 = vector.broadcast %rev3A_653 : i32 to vector<16xi32>
            %rev3A_655 = tpu.iota {dimensions = array<i32: 0>} : vector<16xi32>
            %rev3A_656 = arith.subi %rev3A_654, %rev3A_655 : vector<16xi32>
            %rev3A_657 = tpu.dynamic_gather %masked_sort3A_647[%rev3A_656] in [0] : vector<16xi32>, vector<16xi32> -> vector<16xi32>
            %lt3A = arith.cmpf olt, %rev3A_652, %cond3A_574#2 : vector<16xf32>
            %eq3A = arith.cmpf oeq, %rev3A_652, %cond3A_574#2 : vector<16xf32>
            %lt3A_658 = arith.cmpi slt, %rev3A_657, %cond3A_574#3 : vector<16xi32>
            %and3A = arith.andi %eq3A, %lt3A_658 : vector<16xi1>
            %or3A = arith.ori %lt3A, %and3A : vector<16xi1>
            %select_n3A = arith.select %or3A, %rev3A_652, %cond3A_574#2 : vector<16xi1>, vector<16xf32>
            %select_n3A_659 = arith.select %or3A, %rev3A_657, %cond3A_574#3 : vector<16xi1>, vector<16xi32>
            %select_n3A_660 = arith.select %or3A, %cond3A_574#2, %rev3A_652 : vector<16xi1>, vector<16xf32>
            %select_n3A_661 = arith.select %or3A, %cond3A_574#3, %rev3A_657 : vector<16xi1>, vector<16xi32>
            %lt3A_662 = arith.cmpf olt, %select_n3A, %cond3A_574#0 : vector<16xf32>
            %eq3A_663 = arith.cmpf oeq, %select_n3A, %cond3A_574#0 : vector<16xf32>
            %lt3A_664 = arith.cmpi slt, %select_n3A_659, %cond3A_574#1 : vector<16xi32>
            %and3A_665 = arith.andi %eq3A_663, %lt3A_664 : vector<16xi1>
            %or3A_666 = arith.ori %lt3A_662, %and3A_665 : vector<16xi1>
            %select_n3A_667 = arith.select %or3A_666, %select_n3A, %cond3A_574#0 : vector<16xi1>, vector<16xf32>
            %select_n3A_668 = arith.select %or3A_666, %select_n3A_659, %cond3A_574#1 : vector<16xi1>, vector<16xi32>
            %select_n3A_669 = arith.select %or3A_666, %cond3A_574#0, %select_n3A : vector<16xi1>, vector<16xf32>
            %select_n3A_670 = arith.select %or3A_666, %cond3A_574#1, %select_n3A_659 : vector<16xi1>, vector<16xi32>
            %masked_sort3A_671 = arith.constant dense<true> : vector<16xi1>
            %masked_sort3A_672, %masked_sort3A_673, %masked_sort3A_674 = tpu.sort %select_n3A_667, %select_n3A_668 masked %masked_sort3A_671 : (vector<16xf32>, vector<16xi32>, vector<16xi1>) -> (vector<16xi1>, vector<16xf32>, vector<16xi32>)
            %masked_sort3A_675 = arith.constant dense<true> : vector<16xi1>
            %masked_sort3A_676, %masked_sort3A_677, %masked_sort3A_678 = tpu.sort %select_n3A_669, %select_n3A_670 masked %masked_sort3A_675 : (vector<16xf32>, vector<16xi32>, vector<16xi1>) -> (vector<16xi1>, vector<16xf32>, vector<16xi32>)
            %reduce_max3A_679 = arith.constant true
            %reduce_max3A_680 = vector.broadcast %reduce_max3A_679 : i1 to vector<16xi1>
            %reduce_max3A_681 = tpu.scan <max>, %masked_sort3A_677 masked %reduce_max3A_680 : vector<16xf32>, vector<16xi1> -> vector<16xf32>
            %reduce_max3A_682 = vector.extract %reduce_max3A_681[15] : f32 from vector<16xf32>
            %min3A_683 = arith.minimumf %reduce_max3A_682, %reduce_max3A_240 : f32
            scf.yield %masked_sort3A_673, %masked_sort3A_674, %masked_sort3A_677, %masked_sort3A_678, %min3A_683 : vector<16xf32>, vector<16xi32>, vector<16xf32>, vector<16xi32>, f32
          } else {
            scf.yield %cond3A_574#0, %cond3A_574#1, %cond3A_574#2, %cond3A_574#3, %cond3A_574#4 : vector<16xf32>, vector<16xi32>, vector<16xf32>, vector<16xi32>, f32
          }
          %add3A_586 = arith.constant 3 : i32
          %add3A_587 = arith.addi %mul3A_492, %add3A_586 : i32
          %reduce_min3A_588 = arith.constant true
          %reduce_min3A_589 = vector.broadcast %reduce_min3A_588 : i1 to vector<16xi1>
          %reduce_min3A_590 = tpu.scan <min>, %get3A_516 masked %reduce_min3A_589 : vector<16xf32>, vector<16xi1> -> vector<16xf32>
          %reduce_min3A_591 = vector.extract %reduce_min3A_590[15] : f32 from vector<16xf32>
          %le3A_592 = arith.cmpf ole, %reduce_min3A_591, %cond3A_585#4 : f32
          %convert_element_type3A_593 = arith.extui %le3A_592 : i1 to i32
          %cond3A_594 = arith.constant 0 : i32
          %cond3A_595 = arith.cmpi ne, %convert_element_type3A_593, %cond3A_594 : i32
          %cond3A_596:5 = scf.if %cond3A_595 -> (vector<16xf32>, vector<16xi32>, vector<16xf32>, vector<16xi32>, f32) {
            %mul3A_641 = arith.constant 16 : i32
            %mul3A_642 = arith.muli %add3A_587, %mul3A_641 : i32
            %add3A_643 = vector.broadcast %mul3A_642 : i32 to vector<16xi32>
            %add3A_644 = arith.addi %iota3A, %add3A_643 : vector<16xi32>
            %masked_sort3A = arith.constant dense<true> : vector<16xi1>
            %masked_sort3A_645, %masked_sort3A_646, %masked_sort3A_647 = tpu.sort %get3A_516, %add3A_644 masked %masked_sort3A : (vector<16xf32>, vector<16xi32>, vector<16xi1>) -> (vector<16xi1>, vector<16xf32>, vector<16xi32>)
            %rev3A_648 = arith.constant 15 : i32
            %rev3A_649 = vector.broadcast %rev3A_648 : i32 to vector<16xi32>
            %rev3A_650 = tpu.iota {dimensions = array<i32: 0>} : vector<16xi32>
            %rev3A_651 = arith.subi %rev3A_649, %rev3A_650 : vector<16xi32>
            %rev3A_652 = tpu.dynamic_gather %masked_sort3A_646[%rev3A_651] in [0] : vector<16xf32>, vector<16xi32> -> vector<16xf32>
            %rev3A_653 = arith.constant 15 : i32
            %rev3A_654 = vector.broadcast %rev3A_653 : i32 to vector<16xi32>
            %rev3A_655 = tpu.iota {dimensions = array<i32: 0>} : vector<16xi32>
            %rev3A_656 = arith.subi %rev3A_654, %rev3A_655 : vector<16xi32>
            %rev3A_657 = tpu.dynamic_gather %masked_sort3A_647[%rev3A_656] in [0] : vector<16xi32>, vector<16xi32> -> vector<16xi32>
            %lt3A = arith.cmpf olt, %rev3A_652, %cond3A_585#2 : vector<16xf32>
            %eq3A = arith.cmpf oeq, %rev3A_652, %cond3A_585#2 : vector<16xf32>
            %lt3A_658 = arith.cmpi slt, %rev3A_657, %cond3A_585#3 : vector<16xi32>
            %and3A = arith.andi %eq3A, %lt3A_658 : vector<16xi1>
            %or3A = arith.ori %lt3A, %and3A : vector<16xi1>
            %select_n3A = arith.select %or3A, %rev3A_652, %cond3A_585#2 : vector<16xi1>, vector<16xf32>
            %select_n3A_659 = arith.select %or3A, %rev3A_657, %cond3A_585#3 : vector<16xi1>, vector<16xi32>
            %select_n3A_660 = arith.select %or3A, %cond3A_585#2, %rev3A_652 : vector<16xi1>, vector<16xf32>
            %select_n3A_661 = arith.select %or3A, %cond3A_585#3, %rev3A_657 : vector<16xi1>, vector<16xi32>
            %lt3A_662 = arith.cmpf olt, %select_n3A, %cond3A_585#0 : vector<16xf32>
            %eq3A_663 = arith.cmpf oeq, %select_n3A, %cond3A_585#0 : vector<16xf32>
            %lt3A_664 = arith.cmpi slt, %select_n3A_659, %cond3A_585#1 : vector<16xi32>
            %and3A_665 = arith.andi %eq3A_663, %lt3A_664 : vector<16xi1>
            %or3A_666 = arith.ori %lt3A_662, %and3A_665 : vector<16xi1>
            %select_n3A_667 = arith.select %or3A_666, %select_n3A, %cond3A_585#0 : vector<16xi1>, vector<16xf32>
            %select_n3A_668 = arith.select %or3A_666, %select_n3A_659, %cond3A_585#1 : vector<16xi1>, vector<16xi32>
            %select_n3A_669 = arith.select %or3A_666, %cond3A_585#0, %select_n3A : vector<16xi1>, vector<16xf32>
            %select_n3A_670 = arith.select %or3A_666, %cond3A_585#1, %select_n3A_659 : vector<16xi1>, vector<16xi32>
            %masked_sort3A_671 = arith.constant dense<true> : vector<16xi1>
            %masked_sort3A_672, %masked_sort3A_673, %masked_sort3A_674 = tpu.sort %select_n3A_667, %select_n3A_668 masked %masked_sort3A_671 : (vector<16xf32>, vector<16xi32>, vector<16xi1>) -> (vector<16xi1>, vector<16xf32>, vector<16xi32>)
            %masked_sort3A_675 = arith.constant dense<true> : vector<16xi1>
            %masked_sort3A_676, %masked_sort3A_677, %masked_sort3A_678 = tpu.sort %select_n3A_669, %select_n3A_670 masked %masked_sort3A_675 : (vector<16xf32>, vector<16xi32>, vector<16xi1>) -> (vector<16xi1>, vector<16xf32>, vector<16xi32>)
            %reduce_max3A_679 = arith.constant true
            %reduce_max3A_680 = vector.broadcast %reduce_max3A_679 : i1 to vector<16xi1>
            %reduce_max3A_681 = tpu.scan <max>, %masked_sort3A_677 masked %reduce_max3A_680 : vector<16xf32>, vector<16xi1> -> vector<16xf32>
            %reduce_max3A_682 = vector.extract %reduce_max3A_681[15] : f32 from vector<16xf32>
            %min3A_683 = arith.minimumf %reduce_max3A_682, %reduce_max3A_240 : f32
            scf.yield %masked_sort3A_673, %masked_sort3A_674, %masked_sort3A_677, %masked_sort3A_678, %min3A_683 : vector<16xf32>, vector<16xi32>, vector<16xf32>, vector<16xi32>, f32
          } else {
            scf.yield %cond3A_585#0, %cond3A_585#1, %cond3A_585#2, %cond3A_585#3, %cond3A_585#4 : vector<16xf32>, vector<16xi32>, vector<16xf32>, vector<16xi32>, f32
          }
          %add3A_597 = arith.constant 4 : i32
          %add3A_598 = arith.addi %mul3A_492, %add3A_597 : i32
          %reduce_min3A_599 = arith.constant true
          %reduce_min3A_600 = vector.broadcast %reduce_min3A_599 : i1 to vector<16xi1>
          %reduce_min3A_601 = tpu.scan <min>, %get3A_522 masked %reduce_min3A_600 : vector<16xf32>, vector<16xi1> -> vector<16xf32>
          %reduce_min3A_602 = vector.extract %reduce_min3A_601[15] : f32 from vector<16xf32>
          %le3A_603 = arith.cmpf ole, %reduce_min3A_602, %cond3A_596#4 : f32
          %convert_element_type3A_604 = arith.extui %le3A_603 : i1 to i32
          %cond3A_605 = arith.constant 0 : i32
          %cond3A_606 = arith.cmpi ne, %convert_element_type3A_604, %cond3A_605 : i32
          %cond3A_607:5 = scf.if %cond3A_606 -> (vector<16xf32>, vector<16xi32>, vector<16xf32>, vector<16xi32>, f32) {
            %mul3A_641 = arith.constant 16 : i32
            %mul3A_642 = arith.muli %add3A_598, %mul3A_641 : i32
            %add3A_643 = vector.broadcast %mul3A_642 : i32 to vector<16xi32>
            %add3A_644 = arith.addi %iota3A, %add3A_643 : vector<16xi32>
            %masked_sort3A = arith.constant dense<true> : vector<16xi1>
            %masked_sort3A_645, %masked_sort3A_646, %masked_sort3A_647 = tpu.sort %get3A_522, %add3A_644 masked %masked_sort3A : (vector<16xf32>, vector<16xi32>, vector<16xi1>) -> (vector<16xi1>, vector<16xf32>, vector<16xi32>)
            %rev3A_648 = arith.constant 15 : i32
            %rev3A_649 = vector.broadcast %rev3A_648 : i32 to vector<16xi32>
            %rev3A_650 = tpu.iota {dimensions = array<i32: 0>} : vector<16xi32>
            %rev3A_651 = arith.subi %rev3A_649, %rev3A_650 : vector<16xi32>
            %rev3A_652 = tpu.dynamic_gather %masked_sort3A_646[%rev3A_651] in [0] : vector<16xf32>, vector<16xi32> -> vector<16xf32>
            %rev3A_653 = arith.constant 15 : i32
            %rev3A_654 = vector.broadcast %rev3A_653 : i32 to vector<16xi32>
            %rev3A_655 = tpu.iota {dimensions = array<i32: 0>} : vector<16xi32>
            %rev3A_656 = arith.subi %rev3A_654, %rev3A_655 : vector<16xi32>
            %rev3A_657 = tpu.dynamic_gather %masked_sort3A_647[%rev3A_656] in [0] : vector<16xi32>, vector<16xi32> -> vector<16xi32>
            %lt3A = arith.cmpf olt, %rev3A_652, %cond3A_596#2 : vector<16xf32>
            %eq3A = arith.cmpf oeq, %rev3A_652, %cond3A_596#2 : vector<16xf32>
            %lt3A_658 = arith.cmpi slt, %rev3A_657, %cond3A_596#3 : vector<16xi32>
            %and3A = arith.andi %eq3A, %lt3A_658 : vector<16xi1>
            %or3A = arith.ori %lt3A, %and3A : vector<16xi1>
            %select_n3A = arith.select %or3A, %rev3A_652, %cond3A_596#2 : vector<16xi1>, vector<16xf32>
            %select_n3A_659 = arith.select %or3A, %rev3A_657, %cond3A_596#3 : vector<16xi1>, vector<16xi32>
            %select_n3A_660 = arith.select %or3A, %cond3A_596#2, %rev3A_652 : vector<16xi1>, vector<16xf32>
            %select_n3A_661 = arith.select %or3A, %cond3A_596#3, %rev3A_657 : vector<16xi1>, vector<16xi32>
            %lt3A_662 = arith.cmpf olt, %select_n3A, %cond3A_596#0 : vector<16xf32>
            %eq3A_663 = arith.cmpf oeq, %select_n3A, %cond3A_596#0 : vector<16xf32>
            %lt3A_664 = arith.cmpi slt, %select_n3A_659, %cond3A_596#1 : vector<16xi32>
            %and3A_665 = arith.andi %eq3A_663, %lt3A_664 : vector<16xi1>
            %or3A_666 = arith.ori %lt3A_662, %and3A_665 : vector<16xi1>
            %select_n3A_667 = arith.select %or3A_666, %select_n3A, %cond3A_596#0 : vector<16xi1>, vector<16xf32>
            %select_n3A_668 = arith.select %or3A_666, %select_n3A_659, %cond3A_596#1 : vector<16xi1>, vector<16xi32>
            %select_n3A_669 = arith.select %or3A_666, %cond3A_596#0, %select_n3A : vector<16xi1>, vector<16xf32>
            %select_n3A_670 = arith.select %or3A_666, %cond3A_596#1, %select_n3A_659 : vector<16xi1>, vector<16xi32>
            %masked_sort3A_671 = arith.constant dense<true> : vector<16xi1>
            %masked_sort3A_672, %masked_sort3A_673, %masked_sort3A_674 = tpu.sort %select_n3A_667, %select_n3A_668 masked %masked_sort3A_671 : (vector<16xf32>, vector<16xi32>, vector<16xi1>) -> (vector<16xi1>, vector<16xf32>, vector<16xi32>)
            %masked_sort3A_675 = arith.constant dense<true> : vector<16xi1>
            %masked_sort3A_676, %masked_sort3A_677, %masked_sort3A_678 = tpu.sort %select_n3A_669, %select_n3A_670 masked %masked_sort3A_675 : (vector<16xf32>, vector<16xi32>, vector<16xi1>) -> (vector<16xi1>, vector<16xf32>, vector<16xi32>)
            %reduce_max3A_679 = arith.constant true
            %reduce_max3A_680 = vector.broadcast %reduce_max3A_679 : i1 to vector<16xi1>
            %reduce_max3A_681 = tpu.scan <max>, %masked_sort3A_677 masked %reduce_max3A_680 : vector<16xf32>, vector<16xi1> -> vector<16xf32>
            %reduce_max3A_682 = vector.extract %reduce_max3A_681[15] : f32 from vector<16xf32>
            %min3A_683 = arith.minimumf %reduce_max3A_682, %reduce_max3A_240 : f32
            scf.yield %masked_sort3A_673, %masked_sort3A_674, %masked_sort3A_677, %masked_sort3A_678, %min3A_683 : vector<16xf32>, vector<16xi32>, vector<16xf32>, vector<16xi32>, f32
          } else {
            scf.yield %cond3A_596#0, %cond3A_596#1, %cond3A_596#2, %cond3A_596#3, %cond3A_596#4 : vector<16xf32>, vector<16xi32>, vector<16xf32>, vector<16xi32>, f32
          }
          %add3A_608 = arith.constant 5 : i32
          %add3A_609 = arith.addi %mul3A_492, %add3A_608 : i32
          %reduce_min3A_610 = arith.constant true
          %reduce_min3A_611 = vector.broadcast %reduce_min3A_610 : i1 to vector<16xi1>
          %reduce_min3A_612 = tpu.scan <min>, %get3A_528 masked %reduce_min3A_611 : vector<16xf32>, vector<16xi1> -> vector<16xf32>
          %reduce_min3A_613 = vector.extract %reduce_min3A_612[15] : f32 from vector<16xf32>
          %le3A_614 = arith.cmpf ole, %reduce_min3A_613, %cond3A_607#4 : f32
          %convert_element_type3A_615 = arith.extui %le3A_614 : i1 to i32
          %cond3A_616 = arith.constant 0 : i32
          %cond3A_617 = arith.cmpi ne, %convert_element_type3A_615, %cond3A_616 : i32
          %cond3A_618:5 = scf.if %cond3A_617 -> (vector<16xf32>, vector<16xi32>, vector<16xf32>, vector<16xi32>, f32) {
            %mul3A_641 = arith.constant 16 : i32
            %mul3A_642 = arith.muli %add3A_609, %mul3A_641 : i32
            %add3A_643 = vector.broadcast %mul3A_642 : i32 to vector<16xi32>
            %add3A_644 = arith.addi %iota3A, %add3A_643 : vector<16xi32>
            %masked_sort3A = arith.constant dense<true> : vector<16xi1>
            %masked_sort3A_645, %masked_sort3A_646, %masked_sort3A_647 = tpu.sort %get3A_528, %add3A_644 masked %masked_sort3A : (vector<16xf32>, vector<16xi32>, vector<16xi1>) -> (vector<16xi1>, vector<16xf32>, vector<16xi32>)
            %rev3A_648 = arith.constant 15 : i32
            %rev3A_649 = vector.broadcast %rev3A_648 : i32 to vector<16xi32>
            %rev3A_650 = tpu.iota {dimensions = array<i32: 0>} : vector<16xi32>
            %rev3A_651 = arith.subi %rev3A_649, %rev3A_650 : vector<16xi32>
            %rev3A_652 = tpu.dynamic_gather %masked_sort3A_646[%rev3A_651] in [0] : vector<16xf32>, vector<16xi32> -> vector<16xf32>
            %rev3A_653 = arith.constant 15 : i32
            %rev3A_654 = vector.broadcast %rev3A_653 : i32 to vector<16xi32>
            %rev3A_655 = tpu.iota {dimensions = array<i32: 0>} : vector<16xi32>
            %rev3A_656 = arith.subi %rev3A_654, %rev3A_655 : vector<16xi32>
            %rev3A_657 = tpu.dynamic_gather %masked_sort3A_647[%rev3A_656] in [0] : vector<16xi32>, vector<16xi32> -> vector<16xi32>
            %lt3A = arith.cmpf olt, %rev3A_652, %cond3A_607#2 : vector<16xf32>
            %eq3A = arith.cmpf oeq, %rev3A_652, %cond3A_607#2 : vector<16xf32>
            %lt3A_658 = arith.cmpi slt, %rev3A_657, %cond3A_607#3 : vector<16xi32>
            %and3A = arith.andi %eq3A, %lt3A_658 : vector<16xi1>
            %or3A = arith.ori %lt3A, %and3A : vector<16xi1>
            %select_n3A = arith.select %or3A, %rev3A_652, %cond3A_607#2 : vector<16xi1>, vector<16xf32>
            %select_n3A_659 = arith.select %or3A, %rev3A_657, %cond3A_607#3 : vector<16xi1>, vector<16xi32>
            %select_n3A_660 = arith.select %or3A, %cond3A_607#2, %rev3A_652 : vector<16xi1>, vector<16xf32>
            %select_n3A_661 = arith.select %or3A, %cond3A_607#3, %rev3A_657 : vector<16xi1>, vector<16xi32>
            %lt3A_662 = arith.cmpf olt, %select_n3A, %cond3A_607#0 : vector<16xf32>
            %eq3A_663 = arith.cmpf oeq, %select_n3A, %cond3A_607#0 : vector<16xf32>
            %lt3A_664 = arith.cmpi slt, %select_n3A_659, %cond3A_607#1 : vector<16xi32>
            %and3A_665 = arith.andi %eq3A_663, %lt3A_664 : vector<16xi1>
            %or3A_666 = arith.ori %lt3A_662, %and3A_665 : vector<16xi1>
            %select_n3A_667 = arith.select %or3A_666, %select_n3A, %cond3A_607#0 : vector<16xi1>, vector<16xf32>
            %select_n3A_668 = arith.select %or3A_666, %select_n3A_659, %cond3A_607#1 : vector<16xi1>, vector<16xi32>
            %select_n3A_669 = arith.select %or3A_666, %cond3A_607#0, %select_n3A : vector<16xi1>, vector<16xf32>
            %select_n3A_670 = arith.select %or3A_666, %cond3A_607#1, %select_n3A_659 : vector<16xi1>, vector<16xi32>
            %masked_sort3A_671 = arith.constant dense<true> : vector<16xi1>
            %masked_sort3A_672, %masked_sort3A_673, %masked_sort3A_674 = tpu.sort %select_n3A_667, %select_n3A_668 masked %masked_sort3A_671 : (vector<16xf32>, vector<16xi32>, vector<16xi1>) -> (vector<16xi1>, vector<16xf32>, vector<16xi32>)
            %masked_sort3A_675 = arith.constant dense<true> : vector<16xi1>
            %masked_sort3A_676, %masked_sort3A_677, %masked_sort3A_678 = tpu.sort %select_n3A_669, %select_n3A_670 masked %masked_sort3A_675 : (vector<16xf32>, vector<16xi32>, vector<16xi1>) -> (vector<16xi1>, vector<16xf32>, vector<16xi32>)
            %reduce_max3A_679 = arith.constant true
            %reduce_max3A_680 = vector.broadcast %reduce_max3A_679 : i1 to vector<16xi1>
            %reduce_max3A_681 = tpu.scan <max>, %masked_sort3A_677 masked %reduce_max3A_680 : vector<16xf32>, vector<16xi1> -> vector<16xf32>
            %reduce_max3A_682 = vector.extract %reduce_max3A_681[15] : f32 from vector<16xf32>
            %min3A_683 = arith.minimumf %reduce_max3A_682, %reduce_max3A_240 : f32
            scf.yield %masked_sort3A_673, %masked_sort3A_674, %masked_sort3A_677, %masked_sort3A_678, %min3A_683 : vector<16xf32>, vector<16xi32>, vector<16xf32>, vector<16xi32>, f32
          } else {
            scf.yield %cond3A_607#0, %cond3A_607#1, %cond3A_607#2, %cond3A_607#3, %cond3A_607#4 : vector<16xf32>, vector<16xi32>, vector<16xf32>, vector<16xi32>, f32
          }
          %add3A_619 = arith.constant 6 : i32
          %add3A_620 = arith.addi %mul3A_492, %add3A_619 : i32
          %reduce_min3A_621 = arith.constant true
          %reduce_min3A_622 = vector.broadcast %reduce_min3A_621 : i1 to vector<16xi1>
          %reduce_min3A_623 = tpu.scan <min>, %get3A_534 masked %reduce_min3A_622 : vector<16xf32>, vector<16xi1> -> vector<16xf32>
          %reduce_min3A_624 = vector.extract %reduce_min3A_623[15] : f32 from vector<16xf32>
          %le3A_625 = arith.cmpf ole, %reduce_min3A_624, %cond3A_618#4 : f32
          %convert_element_type3A_626 = arith.extui %le3A_625 : i1 to i32
          %cond3A_627 = arith.constant 0 : i32
          %cond3A_628 = arith.cmpi ne, %convert_element_type3A_626, %cond3A_627 : i32
          %cond3A_629:5 = scf.if %cond3A_628 -> (vector<16xf32>, vector<16xi32>, vector<16xf32>, vector<16xi32>, f32) {
            %mul3A_641 = arith.constant 16 : i32
            %mul3A_642 = arith.muli %add3A_620, %mul3A_641 : i32
            %add3A_643 = vector.broadcast %mul3A_642 : i32 to vector<16xi32>
            %add3A_644 = arith.addi %iota3A, %add3A_643 : vector<16xi32>
            %masked_sort3A = arith.constant dense<true> : vector<16xi1>
            %masked_sort3A_645, %masked_sort3A_646, %masked_sort3A_647 = tpu.sort %get3A_534, %add3A_644 masked %masked_sort3A : (vector<16xf32>, vector<16xi32>, vector<16xi1>) -> (vector<16xi1>, vector<16xf32>, vector<16xi32>)
            %rev3A_648 = arith.constant 15 : i32
            %rev3A_649 = vector.broadcast %rev3A_648 : i32 to vector<16xi32>
            %rev3A_650 = tpu.iota {dimensions = array<i32: 0>} : vector<16xi32>
            %rev3A_651 = arith.subi %rev3A_649, %rev3A_650 : vector<16xi32>
            %rev3A_652 = tpu.dynamic_gather %masked_sort3A_646[%rev3A_651] in [0] : vector<16xf32>, vector<16xi32> -> vector<16xf32>
            %rev3A_653 = arith.constant 15 : i32
            %rev3A_654 = vector.broadcast %rev3A_653 : i32 to vector<16xi32>
            %rev3A_655 = tpu.iota {dimensions = array<i32: 0>} : vector<16xi32>
            %rev3A_656 = arith.subi %rev3A_654, %rev3A_655 : vector<16xi32>
            %rev3A_657 = tpu.dynamic_gather %masked_sort3A_647[%rev3A_656] in [0] : vector<16xi32>, vector<16xi32> -> vector<16xi32>
            %lt3A = arith.cmpf olt, %rev3A_652, %cond3A_618#2 : vector<16xf32>
            %eq3A = arith.cmpf oeq, %rev3A_652, %cond3A_618#2 : vector<16xf32>
            %lt3A_658 = arith.cmpi slt, %rev3A_657, %cond3A_618#3 : vector<16xi32>
            %and3A = arith.andi %eq3A, %lt3A_658 : vector<16xi1>
            %or3A = arith.ori %lt3A, %and3A : vector<16xi1>
            %select_n3A = arith.select %or3A, %rev3A_652, %cond3A_618#2 : vector<16xi1>, vector<16xf32>
            %select_n3A_659 = arith.select %or3A, %rev3A_657, %cond3A_618#3 : vector<16xi1>, vector<16xi32>
            %select_n3A_660 = arith.select %or3A, %cond3A_618#2, %rev3A_652 : vector<16xi1>, vector<16xf32>
            %select_n3A_661 = arith.select %or3A, %cond3A_618#3, %rev3A_657 : vector<16xi1>, vector<16xi32>
            %lt3A_662 = arith.cmpf olt, %select_n3A, %cond3A_618#0 : vector<16xf32>
            %eq3A_663 = arith.cmpf oeq, %select_n3A, %cond3A_618#0 : vector<16xf32>
            %lt3A_664 = arith.cmpi slt, %select_n3A_659, %cond3A_618#1 : vector<16xi32>
            %and3A_665 = arith.andi %eq3A_663, %lt3A_664 : vector<16xi1>
            %or3A_666 = arith.ori %lt3A_662, %and3A_665 : vector<16xi1>
            %select_n3A_667 = arith.select %or3A_666, %select_n3A, %cond3A_618#0 : vector<16xi1>, vector<16xf32>
            %select_n3A_668 = arith.select %or3A_666, %select_n3A_659, %cond3A_618#1 : vector<16xi1>, vector<16xi32>
            %select_n3A_669 = arith.select %or3A_666, %cond3A_618#0, %select_n3A : vector<16xi1>, vector<16xf32>
            %select_n3A_670 = arith.select %or3A_666, %cond3A_618#1, %select_n3A_659 : vector<16xi1>, vector<16xi32>
            %masked_sort3A_671 = arith.constant dense<true> : vector<16xi1>
            %masked_sort3A_672, %masked_sort3A_673, %masked_sort3A_674 = tpu.sort %select_n3A_667, %select_n3A_668 masked %masked_sort3A_671 : (vector<16xf32>, vector<16xi32>, vector<16xi1>) -> (vector<16xi1>, vector<16xf32>, vector<16xi32>)
            %masked_sort3A_675 = arith.constant dense<true> : vector<16xi1>
            %masked_sort3A_676, %masked_sort3A_677, %masked_sort3A_678 = tpu.sort %select_n3A_669, %select_n3A_670 masked %masked_sort3A_675 : (vector<16xf32>, vector<16xi32>, vector<16xi1>) -> (vector<16xi1>, vector<16xf32>, vector<16xi32>)
            %reduce_max3A_679 = arith.constant true
            %reduce_max3A_680 = vector.broadcast %reduce_max3A_679 : i1 to vector<16xi1>
            %reduce_max3A_681 = tpu.scan <max>, %masked_sort3A_677 masked %reduce_max3A_680 : vector<16xf32>, vector<16xi1> -> vector<16xf32>
            %reduce_max3A_682 = vector.extract %reduce_max3A_681[15] : f32 from vector<16xf32>
            %min3A_683 = arith.minimumf %reduce_max3A_682, %reduce_max3A_240 : f32
            scf.yield %masked_sort3A_673, %masked_sort3A_674, %masked_sort3A_677, %masked_sort3A_678, %min3A_683 : vector<16xf32>, vector<16xi32>, vector<16xf32>, vector<16xi32>, f32
          } else {
            scf.yield %cond3A_618#0, %cond3A_618#1, %cond3A_618#2, %cond3A_618#3, %cond3A_618#4 : vector<16xf32>, vector<16xi32>, vector<16xf32>, vector<16xi32>, f32
          }
          %add3A_630 = arith.constant 7 : i32
          %add3A_631 = arith.addi %mul3A_492, %add3A_630 : i32
          %reduce_min3A_632 = arith.constant true
          %reduce_min3A_633 = vector.broadcast %reduce_min3A_632 : i1 to vector<16xi1>
          %reduce_min3A_634 = tpu.scan <min>, %get3A_540 masked %reduce_min3A_633 : vector<16xf32>, vector<16xi1> -> vector<16xf32>
          %reduce_min3A_635 = vector.extract %reduce_min3A_634[15] : f32 from vector<16xf32>
          %le3A_636 = arith.cmpf ole, %reduce_min3A_635, %cond3A_629#4 : f32
          %convert_element_type3A_637 = arith.extui %le3A_636 : i1 to i32
          %cond3A_638 = arith.constant 0 : i32
          %cond3A_639 = arith.cmpi ne, %convert_element_type3A_637, %cond3A_638 : i32
          %cond3A_640:5 = scf.if %cond3A_639 -> (vector<16xf32>, vector<16xi32>, vector<16xf32>, vector<16xi32>, f32) {
            %mul3A_641 = arith.constant 16 : i32
            %mul3A_642 = arith.muli %add3A_631, %mul3A_641 : i32
            %add3A_643 = vector.broadcast %mul3A_642 : i32 to vector<16xi32>
            %add3A_644 = arith.addi %iota3A, %add3A_643 : vector<16xi32>
            %masked_sort3A = arith.constant dense<true> : vector<16xi1>
            %masked_sort3A_645, %masked_sort3A_646, %masked_sort3A_647 = tpu.sort %get3A_540, %add3A_644 masked %masked_sort3A : (vector<16xf32>, vector<16xi32>, vector<16xi1>) -> (vector<16xi1>, vector<16xf32>, vector<16xi32>)
            %rev3A_648 = arith.constant 15 : i32
            %rev3A_649 = vector.broadcast %rev3A_648 : i32 to vector<16xi32>
            %rev3A_650 = tpu.iota {dimensions = array<i32: 0>} : vector<16xi32>
            %rev3A_651 = arith.subi %rev3A_649, %rev3A_650 : vector<16xi32>
            %rev3A_652 = tpu.dynamic_gather %masked_sort3A_646[%rev3A_651] in [0] : vector<16xf32>, vector<16xi32> -> vector<16xf32>
            %rev3A_653 = arith.constant 15 : i32
            %rev3A_654 = vector.broadcast %rev3A_653 : i32 to vector<16xi32>
            %rev3A_655 = tpu.iota {dimensions = array<i32: 0>} : vector<16xi32>
            %rev3A_656 = arith.subi %rev3A_654, %rev3A_655 : vector<16xi32>
            %rev3A_657 = tpu.dynamic_gather %masked_sort3A_647[%rev3A_656] in [0] : vector<16xi32>, vector<16xi32> -> vector<16xi32>
            %lt3A = arith.cmpf olt, %rev3A_652, %cond3A_629#2 : vector<16xf32>
            %eq3A = arith.cmpf oeq, %rev3A_652, %cond3A_629#2 : vector<16xf32>
            %lt3A_658 = arith.cmpi slt, %rev3A_657, %cond3A_629#3 : vector<16xi32>
            %and3A = arith.andi %eq3A, %lt3A_658 : vector<16xi1>
            %or3A = arith.ori %lt3A, %and3A : vector<16xi1>
            %select_n3A = arith.select %or3A, %rev3A_652, %cond3A_629#2 : vector<16xi1>, vector<16xf32>
            %select_n3A_659 = arith.select %or3A, %rev3A_657, %cond3A_629#3 : vector<16xi1>, vector<16xi32>
            %select_n3A_660 = arith.select %or3A, %cond3A_629#2, %rev3A_652 : vector<16xi1>, vector<16xf32>
            %select_n3A_661 = arith.select %or3A, %cond3A_629#3, %rev3A_657 : vector<16xi1>, vector<16xi32>
            %lt3A_662 = arith.cmpf olt, %select_n3A, %cond3A_629#0 : vector<16xf32>
            %eq3A_663 = arith.cmpf oeq, %select_n3A, %cond3A_629#0 : vector<16xf32>
            %lt3A_664 = arith.cmpi slt, %select_n3A_659, %cond3A_629#1 : vector<16xi32>
            %and3A_665 = arith.andi %eq3A_663, %lt3A_664 : vector<16xi1>
            %or3A_666 = arith.ori %lt3A_662, %and3A_665 : vector<16xi1>
            %select_n3A_667 = arith.select %or3A_666, %select_n3A, %cond3A_629#0 : vector<16xi1>, vector<16xf32>
            %select_n3A_668 = arith.select %or3A_666, %select_n3A_659, %cond3A_629#1 : vector<16xi1>, vector<16xi32>
            %select_n3A_669 = arith.select %or3A_666, %cond3A_629#0, %select_n3A : vector<16xi1>, vector<16xf32>
            %select_n3A_670 = arith.select %or3A_666, %cond3A_629#1, %select_n3A_659 : vector<16xi1>, vector<16xi32>
            %masked_sort3A_671 = arith.constant dense<true> : vector<16xi1>
            %masked_sort3A_672, %masked_sort3A_673, %masked_sort3A_674 = tpu.sort %select_n3A_667, %select_n3A_668 masked %masked_sort3A_671 : (vector<16xf32>, vector<16xi32>, vector<16xi1>) -> (vector<16xi1>, vector<16xf32>, vector<16xi32>)
            %masked_sort3A_675 = arith.constant dense<true> : vector<16xi1>
            %masked_sort3A_676, %masked_sort3A_677, %masked_sort3A_678 = tpu.sort %select_n3A_669, %select_n3A_670 masked %masked_sort3A_675 : (vector<16xf32>, vector<16xi32>, vector<16xi1>) -> (vector<16xi1>, vector<16xf32>, vector<16xi32>)
            %reduce_max3A_679 = arith.constant true
            %reduce_max3A_680 = vector.broadcast %reduce_max3A_679 : i1 to vector<16xi1>
            %reduce_max3A_681 = tpu.scan <max>, %masked_sort3A_677 masked %reduce_max3A_680 : vector<16xf32>, vector<16xi1> -> vector<16xf32>
            %reduce_max3A_682 = vector.extract %reduce_max3A_681[15] : f32 from vector<16xf32>
            %min3A_683 = arith.minimumf %reduce_max3A_682, %reduce_max3A_240 : f32
            scf.yield %masked_sort3A_673, %masked_sort3A_674, %masked_sort3A_677, %masked_sort3A_678, %min3A_683 : vector<16xf32>, vector<16xi32>, vector<16xf32>, vector<16xi32>, f32
          } else {
            scf.yield %cond3A_629#0, %cond3A_629#1, %cond3A_629#2, %cond3A_629#3, %cond3A_629#4 : vector<16xf32>, vector<16xi32>, vector<16xf32>, vector<16xi32>, f32
          }
          scf.yield %cond3A_640#0, %cond3A_640#1, %cond3A_640#2, %cond3A_640#3, %cond3A_640#4 : vector<16xf32>, vector<16xi32>, vector<16xf32>, vector<16xi32>, f32
        } else {
          scf.yield %scan3A_486, %scan3A_487, %scan3A_488, %scan3A_489, %scan3A_490 : vector<16xf32>, vector<16xi32>, vector<16xf32>, vector<16xi32>, f32
        }
        scf.yield %cond3A_552#0, %cond3A_552#1, %cond3A_552#2, %cond3A_552#3, %cond3A_552#4 : vector<16xf32>, vector<16xi32>, vector<16xf32>, vector<16xi32>, f32
      }
      %scan3A_249 = arith.constant 64 : i32
      %swap3A = arith.constant 0 : index
      %swap3A_250 = tpu.vector_load %arg9[%swap3A] {strides = array<i32>} : memref<32xi32, #tpu.memory_space<vmem>>, vector<16xi32>,
      tpu.vector_store %arg9[%swap3A], %scan3A_248#1 {strides = array<i32>} : memref<32xi32, #tpu.memory_space<vmem>>, vector<16xi32>,
      %swap3A_251 = arith.constant 16 : index
      %swap3A_252 = tpu.vector_load %arg9[%swap3A_251] {strides = array<i32>} : memref<32xi32, #tpu.memory_space<vmem>>, vector<16xi32>,
      tpu.vector_store %arg9[%swap3A_251], %scan3A_248#3 {strides = array<i32>} : memref<32xi32, #tpu.memory_space<vmem>>, vector<16xi32>,
      "tpu.region"() ({
        %run_scoped3A = tpu.sem_alloc : memref<!tpu.dma_semaphore, #tpu.memory_space<semaphore_mem>>
        %dma_start3A_485 = arith.constant 0 : i32
        %dma_start3A_486 = tpu.memref_slice %arg4[%add3A_37, %dma_start3A_485] : memref<1024x32xi32, #tpu.memory_space<hbm>> -> memref<1x32xi32, #tpu.memory_space<hbm>>
        %dma_start3A_487 = tpu.memref_squeeze %dma_start3A_486 : memref<1x32xi32, #tpu.memory_space<hbm>> -> memref<32xi32, #tpu.memory_space<hbm>>
        %dma_start3A_488 = arith.constant 0 : i32
        %dma_start3A_489 = tpu.memref_slice %arg4[%add3A_37, %dma_start3A_488] : memref<1024x32xi32, #tpu.memory_space<hbm>> -> memref<1x32xi32, #tpu.memory_space<hbm>>
        %dma_start3A_490 = tpu.memref_squeeze %dma_start3A_489 : memref<1x32xi32, #tpu.memory_space<hbm>> -> memref<32xi32, #tpu.memory_space<hbm>>
        tpu.enqueue_dma source(%arg9 : memref<32xi32, #tpu.memory_space<vmem>>) target(%dma_start3A_490 : memref<32xi32, #tpu.memory_space<hbm>>) target_semaphore(%run_scoped3A : memref<!tpu.dma_semaphore, #tpu.memory_space<semaphore_mem>>)
        %dma_wait3A_491 = arith.constant 0 : i32
        %dma_wait3A_492 = tpu.memref_slice %arg4[%add3A_37, %dma_wait3A_491] : memref<1024x32xi32, #tpu.memory_space<hbm>> -> memref<1x32xi32, #tpu.memory_space<hbm>>
        %dma_wait3A_493 = tpu.memref_squeeze %dma_wait3A_492 : memref<1x32xi32, #tpu.memory_space<hbm>> -> memref<32xi32, #tpu.memory_space<hbm>>
        %dma_wait3A_494 = arith.constant 0 : i32
        %dma_wait3A_495 = tpu.memref_slice %arg4[%add3A_37, %dma_wait3A_494] : memref<1024x32xi32, #tpu.memory_space<hbm>> -> memref<1x32xi32, #tpu.memory_space<hbm>>
        %dma_wait3A_496 = tpu.memref_squeeze %dma_wait3A_495 : memref<1x32xi32, #tpu.memory_space<hbm>> -> memref<32xi32, #tpu.memory_space<hbm>>
        tpu.wait_dma2 semaphore(%run_scoped3A : memref<!tpu.dma_semaphore, #tpu.memory_space<semaphore_mem>>) src(%arg9 : memref<32xi32, #tpu.memory_space<vmem>>) dst(%dma_wait3A_496 : memref<32xi32, #tpu.memory_space<hbm>>)
        tpu.yield
      }) : () -> ()
      %add3A_253 = arith.constant 2 : i32
      %add3A_254 = arith.addi %add3A_37, %add3A_253 : i32
      %min3A_255 = arith.minsi %add3A_254, %scan3A_14 : i32
      %dma_start3A_256 = arith.constant 0 : i32
      %dma_start3A_257 = tpu.memref_slice %arg2[%min3A_255, %dma_start3A_256] : memref<1024x8192xf32, #tpu.memory_space<hbm>> -> memref<1x8192xf32, #tpu.memory_space<hbm>>
      %dma_start3A_258 = tpu.memref_squeeze %dma_start3A_257 : memref<1x8192xf32, #tpu.memory_space<hbm>> -> memref<8192xf32, #tpu.memory_space<hbm>>
      %dma_start3A_259 = arith.constant 0 : i32
      %dma_start3A_260 = tpu.memref_slice %arg2[%min3A_255, %dma_start3A_259] : memref<1024x8192xf32, #tpu.memory_space<hbm>> -> memref<1x8192xf32, #tpu.memory_space<hbm>>
      %dma_start3A_261 = tpu.memref_squeeze %dma_start3A_260 : memref<1x8192xf32, #tpu.memory_space<hbm>> -> memref<8192xf32, #tpu.memory_space<hbm>>
      tpu.enqueue_dma source(%dma_start3A_261 : memref<8192xf32, #tpu.memory_space<hbm>>) target(%arg5 : memref<8192xf32, #tpu.memory_space<vmem>>) target_semaphore(%arg10 : memref<!tpu.dma_semaphore, #tpu.memory_space<semaphore_mem>>)
      %add3A_262 = arith.constant 2 : i32
      %add3A_263 = arith.addi %add3A_37, %add3A_262 : i32
      %min3A_264 = arith.minsi %add3A_263, %scan3A_14 : i32
      %dma_start3A_265 = arith.constant 0 : i32
      %dma_start3A_266 = tpu.memref_slice %arg3[%min3A_264, %dma_start3A_265] : memref<1024x128xf32, #tpu.memory_space<hbm>> -> memref<1x128xf32, #tpu.memory_space<hbm>>
      %dma_start3A_267 = tpu.memref_squeeze %dma_start3A_266 : memref<1x128xf32, #tpu.memory_space<hbm>> -> memref<128xf32, #tpu.memory_space<hbm>>
      %dma_start3A_268 = arith.constant 0 : i32
      %dma_start3A_269 = tpu.memref_slice %arg3[%min3A_264, %dma_start3A_268] : memref<1024x128xf32, #tpu.memory_space<hbm>> -> memref<1x128xf32, #tpu.memory_space<hbm>>
      %dma_start3A_270 = tpu.memref_squeeze %dma_start3A_269 : memref<1x128xf32, #tpu.memory_space<hbm>> -> memref<128xf32, #tpu.memory_space<hbm>>
      tpu.enqueue_dma source(%dma_start3A_270 : memref<128xf32, #tpu.memory_space<hbm>>) target(%arg7 : memref<128xf32, #tpu.memory_space<vmem>>) target_semaphore(%arg12 : memref<!tpu.dma_semaphore, #tpu.memory_space<semaphore_mem>>)
      %add3A_271 = arith.constant 1 : i32
      %add3A_272 = arith.addi %add3A_37, %add3A_271 : i32
      %dma_wait3A_273 = arith.constant 0 : i32
      %dma_wait3A_274 = tpu.memref_slice %arg2[%add3A_272, %dma_wait3A_273] : memref<1024x8192xf32, #tpu.memory_space<hbm>> -> memref<1x8192xf32, #tpu.memory_space<hbm>>
      %dma_wait3A_275 = tpu.memref_squeeze %dma_wait3A_274 : memref<1x8192xf32, #tpu.memory_space<hbm>> -> memref<8192xf32, #tpu.memory_space<hbm>>
      %dma_wait3A_276 = arith.constant 0 : i32
      %dma_wait3A_277 = tpu.memref_slice %arg2[%add3A_272, %dma_wait3A_276] : memref<1024x8192xf32, #tpu.memory_space<hbm>> -> memref<1x8192xf32, #tpu.memory_space<hbm>>
      %dma_wait3A_278 = tpu.memref_squeeze %dma_wait3A_277 : memref<1x8192xf32, #tpu.memory_space<hbm>> -> memref<8192xf32, #tpu.memory_space<hbm>>
      tpu.wait_dma2 semaphore(%arg11 : memref<!tpu.dma_semaphore, #tpu.memory_space<semaphore_mem>>) src(%dma_wait3A_278 : memref<8192xf32, #tpu.memory_space<hbm>>) dst(%arg6 : memref<8192xf32, #tpu.memory_space<vmem>>)
      %add3A_279 = arith.constant 1 : i32
      %add3A_280 = arith.addi %add3A_37, %add3A_279 : i32
      %dma_wait3A_281 = arith.constant 0 : i32
      %dma_wait3A_282 = tpu.memref_slice %arg3[%add3A_280, %dma_wait3A_281] : memref<1024x128xf32, #tpu.memory_space<hbm>> -> memref<1x128xf32, #tpu.memory_space<hbm>>
      %dma_wait3A_283 = tpu.memref_squeeze %dma_wait3A_282 : memref<1x128xf32, #tpu.memory_space<hbm>> -> memref<128xf32, #tpu.memory_space<hbm>>
      %dma_wait3A_284 = arith.constant 0 : i32
      %dma_wait3A_285 = tpu.memref_slice %arg3[%add3A_280, %dma_wait3A_284] : memref<1024x128xf32, #tpu.memory_space<hbm>> -> memref<1x128xf32, #tpu.memory_space<hbm>>
      %dma_wait3A_286 = tpu.memref_squeeze %dma_wait3A_285 : memref<1x128xf32, #tpu.memory_space<hbm>> -> memref<128xf32, #tpu.memory_space<hbm>>
      tpu.wait_dma2 semaphore(%arg13 : memref<!tpu.dma_semaphore, #tpu.memory_space<semaphore_mem>>) src(%dma_wait3A_286 : memref<128xf32, #tpu.memory_space<hbm>>) dst(%arg8 : memref<128xf32, #tpu.memory_space<vmem>>)
      %add3A_287 = arith.constant 1 : i32
      %add3A_288 = arith.addi %add3A_37, %add3A_287 : i32
      %broadcast_in_dim3A_289 = vector.broadcast %scan3A : f32 to vector<16xf32>
      %broadcast_in_dim3A_290 = vector.broadcast %scan3A : f32 to vector<16xf32>
      %get3A_291 = arith.constant 0 : index
      %get3A_292 = tpu.vector_load %arg8[%get3A_291] {strides = array<i32>} : memref<128xf32, #tpu.memory_space<vmem>>, vector<16xf32>,
      %sort3A_293 = arith.constant dense<true> : vector<16xi1>
      %sort3A_294, %sort3A_295, %sort3A_296 = tpu.sort %get3A_292, %get3A_292 masked %sort3A_293 : (vector<16xf32>, vector<16xf32>, vector<16xi1>) -> (vector<16xi1>, vector<16xf32>, vector<16xf32>)
      %rev3A_297 = arith.constant 15 : i32
      %rev3A_298 = vector.broadcast %rev3A_297 : i32 to vector<16xi32>
      %rev3A_299 = tpu.iota {dimensions = array<i32: 0>} : vector<16xi32>
      %rev3A_300 = arith.subi %rev3A_298, %rev3A_299 : vector<16xi32>
      %rev3A_301 = tpu.dynamic_gather %sort3A_295[%rev3A_300] in [0] : vector<16xf32>, vector<16xi32> -> vector<16xf32>
      %min3A_302 = arith.minimumf %broadcast_in_dim3A_290, %rev3A_301 : vector<16xf32>
      %min3A_303 = arith.minimumf %broadcast_in_dim3A_289, %min3A_302 : vector<16xf32>
      %max3A_304 = arith.maximumf %broadcast_in_dim3A_289, %min3A_302 : vector<16xf32>
      %sort3A_305 = arith.constant dense<true> : vector<16xi1>
      %sort3A_306, %sort3A_307, %sort3A_308 = tpu.sort %min3A_303, %min3A_303 masked %sort3A_305 : (vector<16xf32>, vector<16xf32>, vector<16xi1>) -> (vector<16xi1>, vector<16xf32>, vector<16xf32>)
      %sort3A_309 = arith.constant dense<true> : vector<16xi1>
      %sort3A_310, %sort3A_311, %sort3A_312 = tpu.sort %max3A_304, %max3A_304 masked %sort3A_309 : (vector<16xf32>, vector<16xf32>, vector<16xi1>) -> (vector<16xi1>, vector<16xf32>, vector<16xf32>)
      %get3A_313 = arith.constant 16 : index
      %get3A_314 = tpu.vector_load %arg8[%get3A_313] {strides = array<i32>} : memref<128xf32, #tpu.memory_space<vmem>>, vector<16xf32>,
      %sort3A_315 = arith.constant dense<true> : vector<16xi1>
      %sort3A_316, %sort3A_317, %sort3A_318 = tpu.sort %get3A_314, %get3A_314 masked %sort3A_315 : (vector<16xf32>, vector<16xf32>, vector<16xi1>) -> (vector<16xi1>, vector<16xf32>, vector<16xf32>)
      %rev3A_319 = arith.constant 15 : i32
      %rev3A_320 = vector.broadcast %rev3A_319 : i32 to vector<16xi32>
      %rev3A_321 = tpu.iota {dimensions = array<i32: 0>} : vector<16xi32>
      %rev3A_322 = arith.subi %rev3A_320, %rev3A_321 : vector<16xi32>
      %rev3A_323 = tpu.dynamic_gather %sort3A_317[%rev3A_322] in [0] : vector<16xf32>, vector<16xi32> -> vector<16xf32>
      %min3A_324 = arith.minimumf %sort3A_311, %rev3A_323 : vector<16xf32>
      %min3A_325 = arith.minimumf %sort3A_307, %min3A_324 : vector<16xf32>
      %max3A_326 = arith.maximumf %sort3A_307, %min3A_324 : vector<16xf32>
      %sort3A_327 = arith.constant dense<true> : vector<16xi1>
      %sort3A_328, %sort3A_329, %sort3A_330 = tpu.sort %min3A_325, %min3A_325 masked %sort3A_327 : (vector<16xf32>, vector<16xf32>, vector<16xi1>) -> (vector<16xi1>, vector<16xf32>, vector<16xf32>)
      %sort3A_331 = arith.constant dense<true> : vector<16xi1>
      %sort3A_332, %sort3A_333, %sort3A_334 = tpu.sort %max3A_326, %max3A_326 masked %sort3A_331 : (vector<16xf32>, vector<16xf32>, vector<16xi1>) -> (vector<16xi1>, vector<16xf32>, vector<16xf32>)
      %get3A_335 = arith.constant 32 : index
      %get3A_336 = tpu.vector_load %arg8[%get3A_335] {strides = array<i32>} : memref<128xf32, #tpu.memory_space<vmem>>, vector<16xf32>,
      %sort3A_337 = arith.constant dense<true> : vector<16xi1>
      %sort3A_338, %sort3A_339, %sort3A_340 = tpu.sort %get3A_336, %get3A_336 masked %sort3A_337 : (vector<16xf32>, vector<16xf32>, vector<16xi1>) -> (vector<16xi1>, vector<16xf32>, vector<16xf32>)
      %rev3A_341 = arith.constant 15 : i32
      %rev3A_342 = vector.broadcast %rev3A_341 : i32 to vector<16xi32>
      %rev3A_343 = tpu.iota {dimensions = array<i32: 0>} : vector<16xi32>
      %rev3A_344 = arith.subi %rev3A_342, %rev3A_343 : vector<16xi32>
      %rev3A_345 = tpu.dynamic_gather %sort3A_339[%rev3A_344] in [0] : vector<16xf32>, vector<16xi32> -> vector<16xf32>
      %min3A_346 = arith.minimumf %sort3A_333, %rev3A_345 : vector<16xf32>
      %min3A_347 = arith.minimumf %sort3A_329, %min3A_346 : vector<16xf32>
      %max3A_348 = arith.maximumf %sort3A_329, %min3A_346 : vector<16xf32>
      %sort3A_349 = arith.constant dense<true> : vector<16xi1>
      %sort3A_350, %sort3A_351, %sort3A_352 = tpu.sort %min3A_347, %min3A_347 masked %sort3A_349 : (vector<16xf32>, vector<16xf32>, vector<16xi1>) -> (vector<16xi1>, vector<16xf32>, vector<16xf32>)
      %sort3A_353 = arith.constant dense<true> : vector<16xi1>
      %sort3A_354, %sort3A_355, %sort3A_356 = tpu.sort %max3A_348, %max3A_348 masked %sort3A_353 : (vector<16xf32>, vector<16xf32>, vector<16xi1>) -> (vector<16xi1>, vector<16xf32>, vector<16xf32>)
      %get3A_357 = arith.constant 48 : index
      %get3A_358 = tpu.vector_load %arg8[%get3A_357] {strides = array<i32>} : memref<128xf32, #tpu.memory_space<vmem>>, vector<16xf32>,
      %sort3A_359 = arith.constant dense<true> : vector<16xi1>
      %sort3A_360, %sort3A_361, %sort3A_362 = tpu.sort %get3A_358, %get3A_358 masked %sort3A_359 : (vector<16xf32>, vector<16xf32>, vector<16xi1>) -> (vector<16xi1>, vector<16xf32>, vector<16xf32>)
      %rev3A_363 = arith.constant 15 : i32
      %rev3A_364 = vector.broadcast %rev3A_363 : i32 to vector<16xi32>
      %rev3A_365 = tpu.iota {dimensions = array<i32: 0>} : vector<16xi32>
      %rev3A_366 = arith.subi %rev3A_364, %rev3A_365 : vector<16xi32>
      %rev3A_367 = tpu.dynamic_gather %sort3A_361[%rev3A_366] in [0] : vector<16xf32>, vector<16xi32> -> vector<16xf32>
      %min3A_368 = arith.minimumf %sort3A_355, %rev3A_367 : vector<16xf32>
      %min3A_369 = arith.minimumf %sort3A_351, %min3A_368 : vector<16xf32>
      %max3A_370 = arith.maximumf %sort3A_351, %min3A_368 : vector<16xf32>
      %sort3A_371 = arith.constant dense<true> : vector<16xi1>
      %sort3A_372, %sort3A_373, %sort3A_374 = tpu.sort %min3A_369, %min3A_369 masked %sort3A_371 : (vector<16xf32>, vector<16xf32>, vector<16xi1>) -> (vector<16xi1>, vector<16xf32>, vector<16xf32>)
      %sort3A_375 = arith.constant dense<true> : vector<16xi1>
      %sort3A_376, %sort3A_377, %sort3A_378 = tpu.sort %max3A_370, %max3A_370 masked %sort3A_375 : (vector<16xf32>, vector<16xf32>, vector<16xi1>) -> (vector<16xi1>, vector<16xf32>, vector<16xf32>)
      %get3A_379 = arith.constant 64 : index
      %get3A_380 = tpu.vector_load %arg8[%get3A_379] {strides = array<i32>} : memref<128xf32, #tpu.memory_space<vmem>>, vector<16xf32>,
      %sort3A_381 = arith.constant dense<true> : vector<16xi1>
      %sort3A_382, %sort3A_383, %sort3A_384 = tpu.sort %get3A_380, %get3A_380 masked %sort3A_381 : (vector<16xf32>, vector<16xf32>, vector<16xi1>) -> (vector<16xi1>, vector<16xf32>, vector<16xf32>)
      %rev3A_385 = arith.constant 15 : i32
      %rev3A_386 = vector.broadcast %rev3A_385 : i32 to vector<16xi32>
      %rev3A_387 = tpu.iota {dimensions = array<i32: 0>} : vector<16xi32>
      %rev3A_388 = arith.subi %rev3A_386, %rev3A_387 : vector<16xi32>
      %rev3A_389 = tpu.dynamic_gather %sort3A_383[%rev3A_388] in [0] : vector<16xf32>, vector<16xi32> -> vector<16xf32>
      %min3A_390 = arith.minimumf %sort3A_377, %rev3A_389 : vector<16xf32>
      %min3A_391 = arith.minimumf %sort3A_373, %min3A_390 : vector<16xf32>
      %max3A_392 = arith.maximumf %sort3A_373, %min3A_390 : vector<16xf32>
      %sort3A_393 = arith.constant dense<true> : vector<16xi1>
      %sort3A_394, %sort3A_395, %sort3A_396 = tpu.sort %min3A_391, %min3A_391 masked %sort3A_393 : (vector<16xf32>, vector<16xf32>, vector<16xi1>) -> (vector<16xi1>, vector<16xf32>, vector<16xf32>)
      %sort3A_397 = arith.constant dense<true> : vector<16xi1>
      %sort3A_398, %sort3A_399, %sort3A_400 = tpu.sort %max3A_392, %max3A_392 masked %sort3A_397 : (vector<16xf32>, vector<16xf32>, vector<16xi1>) -> (vector<16xi1>, vector<16xf32>, vector<16xf32>)
      %get3A_401 = arith.constant 80 : index
      %get3A_402 = tpu.vector_load %arg8[%get3A_401] {strides = array<i32>} : memref<128xf32, #tpu.memory_space<vmem>>, vector<16xf32>,
      %sort3A_403 = arith.constant dense<true> : vector<16xi1>
      %sort3A_404, %sort3A_405, %sort3A_406 = tpu.sort %get3A_402, %get3A_402 masked %sort3A_403 : (vector<16xf32>, vector<16xf32>, vector<16xi1>) -> (vector<16xi1>, vector<16xf32>, vector<16xf32>)
      %rev3A_407 = arith.constant 15 : i32
      %rev3A_408 = vector.broadcast %rev3A_407 : i32 to vector<16xi32>
      %rev3A_409 = tpu.iota {dimensions = array<i32: 0>} : vector<16xi32>
      %rev3A_410 = arith.subi %rev3A_408, %rev3A_409 : vector<16xi32>
      %rev3A_411 = tpu.dynamic_gather %sort3A_405[%rev3A_410] in [0] : vector<16xf32>, vector<16xi32> -> vector<16xf32>
      %min3A_412 = arith.minimumf %sort3A_399, %rev3A_411 : vector<16xf32>
      %min3A_413 = arith.minimumf %sort3A_395, %min3A_412 : vector<16xf32>
      %max3A_414 = arith.maximumf %sort3A_395, %min3A_412 : vector<16xf32>
      %sort3A_415 = arith.constant dense<true> : vector<16xi1>
      %sort3A_416, %sort3A_417, %sort3A_418 = tpu.sort %min3A_413, %min3A_413 masked %sort3A_415 : (vector<16xf32>, vector<16xf32>, vector<16xi1>) -> (vector<16xi1>, vector<16xf32>, vector<16xf32>)
      %sort3A_419 = arith.constant dense<true> : vector<16xi1>
      %sort3A_420, %sort3A_421, %sort3A_422 = tpu.sort %max3A_414, %max3A_414 masked %sort3A_419 : (vector<16xf32>, vector<16xf32>, vector<16xi1>) -> (vector<16xi1>, vector<16xf32>, vector<16xf32>)
      %get3A_423 = arith.constant 96 : index
      %get3A_424 = tpu.vector_load %arg8[%get3A_423] {strides = array<i32>} : memref<128xf32, #tpu.memory_space<vmem>>, vector<16xf32>,
      %sort3A_425 = arith.constant dense<true> : vector<16xi1>
      %sort3A_426, %sort3A_427, %sort3A_428 = tpu.sort %get3A_424, %get3A_424 masked %sort3A_425 : (vector<16xf32>, vector<16xf32>, vector<16xi1>) -> (vector<16xi1>, vector<16xf32>, vector<16xf32>)
      %rev3A_429 = arith.constant 15 : i32
      %rev3A_430 = vector.broadcast %rev3A_429 : i32 to vector<16xi32>
      %rev3A_431 = tpu.iota {dimensions = array<i32: 0>} : vector<16xi32>
      %rev3A_432 = arith.subi %rev3A_430, %rev3A_431 : vector<16xi32>
      %rev3A_433 = tpu.dynamic_gather %sort3A_427[%rev3A_432] in [0] : vector<16xf32>, vector<16xi32> -> vector<16xf32>
      %min3A_434 = arith.minimumf %sort3A_421, %rev3A_433 : vector<16xf32>
      %min3A_435 = arith.minimumf %sort3A_417, %min3A_434 : vector<16xf32>
      %max3A_436 = arith.maximumf %sort3A_417, %min3A_434 : vector<16xf32>
      %sort3A_437 = arith.constant dense<true> : vector<16xi1>
      %sort3A_438, %sort3A_439, %sort3A_440 = tpu.sort %min3A_435, %min3A_435 masked %sort3A_437 : (vector<16xf32>, vector<16xf32>, vector<16xi1>) -> (vector<16xi1>, vector<16xf32>, vector<16xf32>)
      %sort3A_441 = arith.constant dense<true> : vector<16xi1>
      %sort3A_442, %sort3A_443, %sort3A_444 = tpu.sort %max3A_436, %max3A_436 masked %sort3A_441 : (vector<16xf32>, vector<16xf32>, vector<16xi1>) -> (vector<16xi1>, vector<16xf32>, vector<16xf32>)
      %get3A_445 = arith.constant 112 : index
      %get3A_446 = tpu.vector_load %arg8[%get3A_445] {strides = array<i32>} : memref<128xf32, #tpu.memory_space<vmem>>, vector<16xf32>,
      %sort3A_447 = arith.constant dense<true> : vector<16xi1>
      %sort3A_448, %sort3A_449, %sort3A_450 = tpu.sort %get3A_446, %get3A_446 masked %sort3A_447 : (vector<16xf32>, vector<16xf32>, vector<16xi1>) -> (vector<16xi1>, vector<16xf32>, vector<16xf32>)
      %rev3A_451 = arith.constant 15 : i32
      %rev3A_452 = vector.broadcast %rev3A_451 : i32 to vector<16xi32>
      %rev3A_453 = tpu.iota {dimensions = array<i32: 0>} : vector<16xi32>
      %rev3A_454 = arith.subi %rev3A_452, %rev3A_453 : vector<16xi32>
      %rev3A_455 = tpu.dynamic_gather %sort3A_449[%rev3A_454] in [0] : vector<16xf32>, vector<16xi32> -> vector<16xf32>
      %min3A_456 = arith.minimumf %sort3A_443, %rev3A_455 : vector<16xf32>
      %min3A_457 = arith.minimumf %sort3A_439, %min3A_456 : vector<16xf32>
      %max3A_458 = arith.maximumf %sort3A_439, %min3A_456 : vector<16xf32>
      %sort3A_459 = arith.constant dense<true> : vector<16xi1>
      %sort3A_460, %sort3A_461, %sort3A_462 = tpu.sort %min3A_457, %min3A_457 masked %sort3A_459 : (vector<16xf32>, vector<16xf32>, vector<16xi1>) -> (vector<16xi1>, vector<16xf32>, vector<16xf32>)
      %sort3A_463 = arith.constant dense<true> : vector<16xi1>
      %sort3A_464, %sort3A_465, %sort3A_466 = tpu.sort %max3A_458, %max3A_458 masked %sort3A_463 : (vector<16xf32>, vector<16xf32>, vector<16xi1>) -> (vector<16xi1>, vector<16xf32>, vector<16xf32>)
      %reduce_max3A_467 = arith.constant true
      %reduce_max3A_468 = vector.broadcast %reduce_max3A_467 : i1 to vector<16xi1>
      %reduce_max3A_469 = tpu.scan <max>, %sort3A_465 masked %reduce_max3A_468 : vector<16xf32>, vector<16xi1> -> vector<16xf32>
      %reduce_max3A_470 = vector.extract %reduce_max3A_469[15] : f32 from vector<16xf32>
      %broadcast_in_dim3A_471 = arith.constant 0 : i32
      %broadcast_in_dim3A_472 = vector.broadcast %broadcast_in_dim3A_471 : i32 to vector<16xi32>
      %broadcast_in_dim3A_473 = vector.broadcast %scan3A : f32 to vector<16xf32>
      %scan3A_474 = arith.constant 0 : i32
      %scan3A_475 = arith.constant 64 : i32
      %scan3A_476 = arith.addi %scan3A_474, %scan3A_475 : i32
      %scan3A_477 = arith.constant 1 : i32
      %scan3A_478:5 = scf.for %scan3A_485 = %scan3A_474 to %scan3A_476 step %scan3A_477 iter_args(%scan3A_486 = %broadcast_in_dim3A_473, %scan3A_487 = %broadcast_in_dim3A_472, %scan3A_488 = %broadcast_in_dim3A_473, %scan3A_489 = %broadcast_in_dim3A_472, %scan3A_490 = %reduce_max3A_470) -> (vector<16xf32>, vector<16xi32>, vector<16xf32>, vector<16xi32>, f32)  : i32 {
        %mul3A_491 = arith.constant 8 : i32
        %mul3A_492 = arith.muli %scan3A_485, %mul3A_491 : i32
        %add3A_493 = arith.constant 0 : i32
        %add3A_494 = arith.addi %mul3A_492, %add3A_493 : i32
        %mul3A_495 = arith.constant 16 : i32
        %mul3A_496 = arith.muli %add3A_494, %mul3A_495 : i32
        %get3A_497 = arith.index_cast %mul3A_496 : i32 to index
        %get3A_498 = tpu.vector_load %arg6[%get3A_497] {strides = array<i32>} : memref<8192xf32, #tpu.memory_space<vmem>>, vector<16xf32>,
        %add3A_499 = arith.constant 1 : i32
        %add3A_500 = arith.addi %mul3A_492, %add3A_499 : i32
        %mul3A_501 = arith.constant 16 : i32
        %mul3A_502 = arith.muli %add3A_500, %mul3A_501 : i32
        %get3A_503 = arith.index_cast %mul3A_502 : i32 to index
        %get3A_504 = tpu.vector_load %arg6[%get3A_503] {strides = array<i32>} : memref<8192xf32, #tpu.memory_space<vmem>>, vector<16xf32>,
        %add3A_505 = arith.constant 2 : i32
        %add3A_506 = arith.addi %mul3A_492, %add3A_505 : i32
        %mul3A_507 = arith.constant 16 : i32
        %mul3A_508 = arith.muli %add3A_506, %mul3A_507 : i32
        %get3A_509 = arith.index_cast %mul3A_508 : i32 to index
        %get3A_510 = tpu.vector_load %arg6[%get3A_509] {strides = array<i32>} : memref<8192xf32, #tpu.memory_space<vmem>>, vector<16xf32>,
        %add3A_511 = arith.constant 3 : i32
        %add3A_512 = arith.addi %mul3A_492, %add3A_511 : i32
        %mul3A_513 = arith.constant 16 : i32
        %mul3A_514 = arith.muli %add3A_512, %mul3A_513 : i32
        %get3A_515 = arith.index_cast %mul3A_514 : i32 to index
        %get3A_516 = tpu.vector_load %arg6[%get3A_515] {strides = array<i32>} : memref<8192xf32, #tpu.memory_space<vmem>>, vector<16xf32>,
        %add3A_517 = arith.constant 4 : i32
        %add3A_518 = arith.addi %mul3A_492, %add3A_517 : i32
        %mul3A_519 = arith.constant 16 : i32
        %mul3A_520 = arith.muli %add3A_518, %mul3A_519 : i32
        %get3A_521 = arith.index_cast %mul3A_520 : i32 to index
        %get3A_522 = tpu.vector_load %arg6[%get3A_521] {strides = array<i32>} : memref<8192xf32, #tpu.memory_space<vmem>>, vector<16xf32>,
        %add3A_523 = arith.constant 5 : i32
        %add3A_524 = arith.addi %mul3A_492, %add3A_523 : i32
        %mul3A_525 = arith.constant 16 : i32
        %mul3A_526 = arith.muli %add3A_524, %mul3A_525 : i32
        %get3A_527 = arith.index_cast %mul3A_526 : i32 to index
        %get3A_528 = tpu.vector_load %arg6[%get3A_527] {strides = array<i32>} : memref<8192xf32, #tpu.memory_space<vmem>>, vector<16xf32>,
        %add3A_529 = arith.constant 6 : i32
        %add3A_530 = arith.addi %mul3A_492, %add3A_529 : i32
        %mul3A_531 = arith.constant 16 : i32
        %mul3A_532 = arith.muli %add3A_530, %mul3A_531 : i32
        %get3A_533 = arith.index_cast %mul3A_532 : i32 to index
        %get3A_534 = tpu.vector_load %arg6[%get3A_533] {strides = array<i32>} : memref<8192xf32, #tpu.memory_space<vmem>>, vector<16xf32>,
        %add3A_535 = arith.constant 7 : i32
        %add3A_536 = arith.addi %mul3A_492, %add3A_535 : i32
        %mul3A_537 = arith.constant 16 : i32
        %mul3A_538 = arith.muli %add3A_536, %mul3A_537 : i32
        %get3A_539 = arith.index_cast %mul3A_538 : i32 to index
        %get3A_540 = tpu.vector_load %arg6[%get3A_539] {strides = array<i32>} : memref<8192xf32, #tpu.memory_space<vmem>>, vector<16xf32>,
        %min3A_541 = arith.minimumf %get3A_498, %get3A_504 : vector<16xf32>
        %min3A_542 = arith.minimumf %min3A_541, %get3A_510 : vector<16xf32>
        %min3A_543 = arith.minimumf %min3A_542, %get3A_516 : vector<16xf32>
        %min3A_544 = arith.minimumf %min3A_543, %get3A_522 : vector<16xf32>
        %min3A_545 = arith.minimumf %min3A_544, %get3A_528 : vector<16xf32>
        %min3A_546 = arith.minimumf %min3A_545, %get3A_534 : vector<16xf32>
        %min3A_547 = arith.minimumf %min3A_546, %get3A_540 : vector<16xf32>
        %reduce_min3A = arith.constant true
        %reduce_min3A_548 = vector.broadcast %reduce_min3A : i1 to vector<16xi1>
        %reduce_min3A_549 = tpu.scan <min>, %min3A_547 masked %reduce_min3A_548 : vector<16xf32>, vector<16xi1> -> vector<16xf32>
        %reduce_min3A_550 = vector.extract %reduce_min3A_549[15] : f32 from vector<16xf32>
        %le3A = arith.cmpf ole, %reduce_min3A_550, %scan3A_490 : f32
        %convert_element_type3A = arith.extui %le3A : i1 to i32
        %cond3A = arith.constant 0 : i32
        %cond3A_551 = arith.cmpi ne, %convert_element_type3A, %cond3A : i32
        %cond3A_552:5 = scf.if %cond3A_551 -> (vector<16xf32>, vector<16xi32>, vector<16xf32>, vector<16xi32>, f32) {
          %add3A_553 = arith.constant 0 : i32
          %add3A_554 = arith.addi %mul3A_492, %add3A_553 : i32
          %reduce_min3A_555 = arith.constant true
          %reduce_min3A_556 = vector.broadcast %reduce_min3A_555 : i1 to vector<16xi1>
          %reduce_min3A_557 = tpu.scan <min>, %get3A_498 masked %reduce_min3A_556 : vector<16xf32>, vector<16xi1> -> vector<16xf32>
          %reduce_min3A_558 = vector.extract %reduce_min3A_557[15] : f32 from vector<16xf32>
          %le3A_559 = arith.cmpf ole, %reduce_min3A_558, %scan3A_490 : f32
          %convert_element_type3A_560 = arith.extui %le3A_559 : i1 to i32
          %cond3A_561 = arith.constant 0 : i32
          %cond3A_562 = arith.cmpi ne, %convert_element_type3A_560, %cond3A_561 : i32
          %cond3A_563:5 = scf.if %cond3A_562 -> (vector<16xf32>, vector<16xi32>, vector<16xf32>, vector<16xi32>, f32) {
            %mul3A_641 = arith.constant 16 : i32
            %mul3A_642 = arith.muli %add3A_554, %mul3A_641 : i32
            %add3A_643 = vector.broadcast %mul3A_642 : i32 to vector<16xi32>
            %add3A_644 = arith.addi %iota3A, %add3A_643 : vector<16xi32>
            %masked_sort3A = arith.constant dense<true> : vector<16xi1>
            %masked_sort3A_645, %masked_sort3A_646, %masked_sort3A_647 = tpu.sort %get3A_498, %add3A_644 masked %masked_sort3A : (vector<16xf32>, vector<16xi32>, vector<16xi1>) -> (vector<16xi1>, vector<16xf32>, vector<16xi32>)
            %rev3A_648 = arith.constant 15 : i32
            %rev3A_649 = vector.broadcast %rev3A_648 : i32 to vector<16xi32>
            %rev3A_650 = tpu.iota {dimensions = array<i32: 0>} : vector<16xi32>
            %rev3A_651 = arith.subi %rev3A_649, %rev3A_650 : vector<16xi32>
            %rev3A_652 = tpu.dynamic_gather %masked_sort3A_646[%rev3A_651] in [0] : vector<16xf32>, vector<16xi32> -> vector<16xf32>
            %rev3A_653 = arith.constant 15 : i32
            %rev3A_654 = vector.broadcast %rev3A_653 : i32 to vector<16xi32>
            %rev3A_655 = tpu.iota {dimensions = array<i32: 0>} : vector<16xi32>
            %rev3A_656 = arith.subi %rev3A_654, %rev3A_655 : vector<16xi32>
            %rev3A_657 = tpu.dynamic_gather %masked_sort3A_647[%rev3A_656] in [0] : vector<16xi32>, vector<16xi32> -> vector<16xi32>
            %lt3A = arith.cmpf olt, %rev3A_652, %scan3A_488 : vector<16xf32>
            %eq3A = arith.cmpf oeq, %rev3A_652, %scan3A_488 : vector<16xf32>
            %lt3A_658 = arith.cmpi slt, %rev3A_657, %scan3A_489 : vector<16xi32>
            %and3A = arith.andi %eq3A, %lt3A_658 : vector<16xi1>
            %or3A = arith.ori %lt3A, %and3A : vector<16xi1>
            %select_n3A = arith.select %or3A, %rev3A_652, %scan3A_488 : vector<16xi1>, vector<16xf32>
            %select_n3A_659 = arith.select %or3A, %rev3A_657, %scan3A_489 : vector<16xi1>, vector<16xi32>
            %select_n3A_660 = arith.select %or3A, %scan3A_488, %rev3A_652 : vector<16xi1>, vector<16xf32>
            %select_n3A_661 = arith.select %or3A, %scan3A_489, %rev3A_657 : vector<16xi1>, vector<16xi32>
            %lt3A_662 = arith.cmpf olt, %select_n3A, %scan3A_486 : vector<16xf32>
            %eq3A_663 = arith.cmpf oeq, %select_n3A, %scan3A_486 : vector<16xf32>
            %lt3A_664 = arith.cmpi slt, %select_n3A_659, %scan3A_487 : vector<16xi32>
            %and3A_665 = arith.andi %eq3A_663, %lt3A_664 : vector<16xi1>
            %or3A_666 = arith.ori %lt3A_662, %and3A_665 : vector<16xi1>
            %select_n3A_667 = arith.select %or3A_666, %select_n3A, %scan3A_486 : vector<16xi1>, vector<16xf32>
            %select_n3A_668 = arith.select %or3A_666, %select_n3A_659, %scan3A_487 : vector<16xi1>, vector<16xi32>
            %select_n3A_669 = arith.select %or3A_666, %scan3A_486, %select_n3A : vector<16xi1>, vector<16xf32>
            %select_n3A_670 = arith.select %or3A_666, %scan3A_487, %select_n3A_659 : vector<16xi1>, vector<16xi32>
            %masked_sort3A_671 = arith.constant dense<true> : vector<16xi1>
            %masked_sort3A_672, %masked_sort3A_673, %masked_sort3A_674 = tpu.sort %select_n3A_667, %select_n3A_668 masked %masked_sort3A_671 : (vector<16xf32>, vector<16xi32>, vector<16xi1>) -> (vector<16xi1>, vector<16xf32>, vector<16xi32>)
            %masked_sort3A_675 = arith.constant dense<true> : vector<16xi1>
            %masked_sort3A_676, %masked_sort3A_677, %masked_sort3A_678 = tpu.sort %select_n3A_669, %select_n3A_670 masked %masked_sort3A_675 : (vector<16xf32>, vector<16xi32>, vector<16xi1>) -> (vector<16xi1>, vector<16xf32>, vector<16xi32>)
            %reduce_max3A_679 = arith.constant true
            %reduce_max3A_680 = vector.broadcast %reduce_max3A_679 : i1 to vector<16xi1>
            %reduce_max3A_681 = tpu.scan <max>, %masked_sort3A_677 masked %reduce_max3A_680 : vector<16xf32>, vector<16xi1> -> vector<16xf32>
            %reduce_max3A_682 = vector.extract %reduce_max3A_681[15] : f32 from vector<16xf32>
            %min3A_683 = arith.minimumf %reduce_max3A_682, %reduce_max3A_470 : f32
            scf.yield %masked_sort3A_673, %masked_sort3A_674, %masked_sort3A_677, %masked_sort3A_678, %min3A_683 : vector<16xf32>, vector<16xi32>, vector<16xf32>, vector<16xi32>, f32
          } else {
            scf.yield %scan3A_486, %scan3A_487, %scan3A_488, %scan3A_489, %scan3A_490 : vector<16xf32>, vector<16xi32>, vector<16xf32>, vector<16xi32>, f32
          }
          %add3A_564 = arith.constant 1 : i32
          %add3A_565 = arith.addi %mul3A_492, %add3A_564 : i32
          %reduce_min3A_566 = arith.constant true
          %reduce_min3A_567 = vector.broadcast %reduce_min3A_566 : i1 to vector<16xi1>
          %reduce_min3A_568 = tpu.scan <min>, %get3A_504 masked %reduce_min3A_567 : vector<16xf32>, vector<16xi1> -> vector<16xf32>
          %reduce_min3A_569 = vector.extract %reduce_min3A_568[15] : f32 from vector<16xf32>
          %le3A_570 = arith.cmpf ole, %reduce_min3A_569, %cond3A_563#4 : f32
          %convert_element_type3A_571 = arith.extui %le3A_570 : i1 to i32
          %cond3A_572 = arith.constant 0 : i32
          %cond3A_573 = arith.cmpi ne, %convert_element_type3A_571, %cond3A_572 : i32
          %cond3A_574:5 = scf.if %cond3A_573 -> (vector<16xf32>, vector<16xi32>, vector<16xf32>, vector<16xi32>, f32) {
            %mul3A_641 = arith.constant 16 : i32
            %mul3A_642 = arith.muli %add3A_565, %mul3A_641 : i32
            %add3A_643 = vector.broadcast %mul3A_642 : i32 to vector<16xi32>
            %add3A_644 = arith.addi %iota3A, %add3A_643 : vector<16xi32>
            %masked_sort3A = arith.constant dense<true> : vector<16xi1>
            %masked_sort3A_645, %masked_sort3A_646, %masked_sort3A_647 = tpu.sort %get3A_504, %add3A_644 masked %masked_sort3A : (vector<16xf32>, vector<16xi32>, vector<16xi1>) -> (vector<16xi1>, vector<16xf32>, vector<16xi32>)
            %rev3A_648 = arith.constant 15 : i32
            %rev3A_649 = vector.broadcast %rev3A_648 : i32 to vector<16xi32>
            %rev3A_650 = tpu.iota {dimensions = array<i32: 0>} : vector<16xi32>
            %rev3A_651 = arith.subi %rev3A_649, %rev3A_650 : vector<16xi32>
            %rev3A_652 = tpu.dynamic_gather %masked_sort3A_646[%rev3A_651] in [0] : vector<16xf32>, vector<16xi32> -> vector<16xf32>
            %rev3A_653 = arith.constant 15 : i32
            %rev3A_654 = vector.broadcast %rev3A_653 : i32 to vector<16xi32>
            %rev3A_655 = tpu.iota {dimensions = array<i32: 0>} : vector<16xi32>
            %rev3A_656 = arith.subi %rev3A_654, %rev3A_655 : vector<16xi32>
            %rev3A_657 = tpu.dynamic_gather %masked_sort3A_647[%rev3A_656] in [0] : vector<16xi32>, vector<16xi32> -> vector<16xi32>
            %lt3A = arith.cmpf olt, %rev3A_652, %cond3A_563#2 : vector<16xf32>
            %eq3A = arith.cmpf oeq, %rev3A_652, %cond3A_563#2 : vector<16xf32>
            %lt3A_658 = arith.cmpi slt, %rev3A_657, %cond3A_563#3 : vector<16xi32>
            %and3A = arith.andi %eq3A, %lt3A_658 : vector<16xi1>
            %or3A = arith.ori %lt3A, %and3A : vector<16xi1>
            %select_n3A = arith.select %or3A, %rev3A_652, %cond3A_563#2 : vector<16xi1>, vector<16xf32>
            %select_n3A_659 = arith.select %or3A, %rev3A_657, %cond3A_563#3 : vector<16xi1>, vector<16xi32>
            %select_n3A_660 = arith.select %or3A, %cond3A_563#2, %rev3A_652 : vector<16xi1>, vector<16xf32>
            %select_n3A_661 = arith.select %or3A, %cond3A_563#3, %rev3A_657 : vector<16xi1>, vector<16xi32>
            %lt3A_662 = arith.cmpf olt, %select_n3A, %cond3A_563#0 : vector<16xf32>
            %eq3A_663 = arith.cmpf oeq, %select_n3A, %cond3A_563#0 : vector<16xf32>
            %lt3A_664 = arith.cmpi slt, %select_n3A_659, %cond3A_563#1 : vector<16xi32>
            %and3A_665 = arith.andi %eq3A_663, %lt3A_664 : vector<16xi1>
            %or3A_666 = arith.ori %lt3A_662, %and3A_665 : vector<16xi1>
            %select_n3A_667 = arith.select %or3A_666, %select_n3A, %cond3A_563#0 : vector<16xi1>, vector<16xf32>
            %select_n3A_668 = arith.select %or3A_666, %select_n3A_659, %cond3A_563#1 : vector<16xi1>, vector<16xi32>
            %select_n3A_669 = arith.select %or3A_666, %cond3A_563#0, %select_n3A : vector<16xi1>, vector<16xf32>
            %select_n3A_670 = arith.select %or3A_666, %cond3A_563#1, %select_n3A_659 : vector<16xi1>, vector<16xi32>
            %masked_sort3A_671 = arith.constant dense<true> : vector<16xi1>
            %masked_sort3A_672, %masked_sort3A_673, %masked_sort3A_674 = tpu.sort %select_n3A_667, %select_n3A_668 masked %masked_sort3A_671 : (vector<16xf32>, vector<16xi32>, vector<16xi1>) -> (vector<16xi1>, vector<16xf32>, vector<16xi32>)
            %masked_sort3A_675 = arith.constant dense<true> : vector<16xi1>
            %masked_sort3A_676, %masked_sort3A_677, %masked_sort3A_678 = tpu.sort %select_n3A_669, %select_n3A_670 masked %masked_sort3A_675 : (vector<16xf32>, vector<16xi32>, vector<16xi1>) -> (vector<16xi1>, vector<16xf32>, vector<16xi32>)
            %reduce_max3A_679 = arith.constant true
            %reduce_max3A_680 = vector.broadcast %reduce_max3A_679 : i1 to vector<16xi1>
            %reduce_max3A_681 = tpu.scan <max>, %masked_sort3A_677 masked %reduce_max3A_680 : vector<16xf32>, vector<16xi1> -> vector<16xf32>
            %reduce_max3A_682 = vector.extract %reduce_max3A_681[15] : f32 from vector<16xf32>
            %min3A_683 = arith.minimumf %reduce_max3A_682, %reduce_max3A_470 : f32
            scf.yield %masked_sort3A_673, %masked_sort3A_674, %masked_sort3A_677, %masked_sort3A_678, %min3A_683 : vector<16xf32>, vector<16xi32>, vector<16xf32>, vector<16xi32>, f32
          } else {
            scf.yield %cond3A_563#0, %cond3A_563#1, %cond3A_563#2, %cond3A_563#3, %cond3A_563#4 : vector<16xf32>, vector<16xi32>, vector<16xf32>, vector<16xi32>, f32
          }
          %add3A_575 = arith.constant 2 : i32
          %add3A_576 = arith.addi %mul3A_492, %add3A_575 : i32
          %reduce_min3A_577 = arith.constant true
          %reduce_min3A_578 = vector.broadcast %reduce_min3A_577 : i1 to vector<16xi1>
          %reduce_min3A_579 = tpu.scan <min>, %get3A_510 masked %reduce_min3A_578 : vector<16xf32>, vector<16xi1> -> vector<16xf32>
          %reduce_min3A_580 = vector.extract %reduce_min3A_579[15] : f32 from vector<16xf32>
          %le3A_581 = arith.cmpf ole, %reduce_min3A_580, %cond3A_574#4 : f32
          %convert_element_type3A_582 = arith.extui %le3A_581 : i1 to i32
          %cond3A_583 = arith.constant 0 : i32
          %cond3A_584 = arith.cmpi ne, %convert_element_type3A_582, %cond3A_583 : i32
          %cond3A_585:5 = scf.if %cond3A_584 -> (vector<16xf32>, vector<16xi32>, vector<16xf32>, vector<16xi32>, f32) {
            %mul3A_641 = arith.constant 16 : i32
            %mul3A_642 = arith.muli %add3A_576, %mul3A_641 : i32
            %add3A_643 = vector.broadcast %mul3A_642 : i32 to vector<16xi32>
            %add3A_644 = arith.addi %iota3A, %add3A_643 : vector<16xi32>
            %masked_sort3A = arith.constant dense<true> : vector<16xi1>
            %masked_sort3A_645, %masked_sort3A_646, %masked_sort3A_647 = tpu.sort %get3A_510, %add3A_644 masked %masked_sort3A : (vector<16xf32>, vector<16xi32>, vector<16xi1>) -> (vector<16xi1>, vector<16xf32>, vector<16xi32>)
            %rev3A_648 = arith.constant 15 : i32
            %rev3A_649 = vector.broadcast %rev3A_648 : i32 to vector<16xi32>
            %rev3A_650 = tpu.iota {dimensions = array<i32: 0>} : vector<16xi32>
            %rev3A_651 = arith.subi %rev3A_649, %rev3A_650 : vector<16xi32>
            %rev3A_652 = tpu.dynamic_gather %masked_sort3A_646[%rev3A_651] in [0] : vector<16xf32>, vector<16xi32> -> vector<16xf32>
            %rev3A_653 = arith.constant 15 : i32
            %rev3A_654 = vector.broadcast %rev3A_653 : i32 to vector<16xi32>
            %rev3A_655 = tpu.iota {dimensions = array<i32: 0>} : vector<16xi32>
            %rev3A_656 = arith.subi %rev3A_654, %rev3A_655 : vector<16xi32>
            %rev3A_657 = tpu.dynamic_gather %masked_sort3A_647[%rev3A_656] in [0] : vector<16xi32>, vector<16xi32> -> vector<16xi32>
            %lt3A = arith.cmpf olt, %rev3A_652, %cond3A_574#2 : vector<16xf32>
            %eq3A = arith.cmpf oeq, %rev3A_652, %cond3A_574#2 : vector<16xf32>
            %lt3A_658 = arith.cmpi slt, %rev3A_657, %cond3A_574#3 : vector<16xi32>
            %and3A = arith.andi %eq3A, %lt3A_658 : vector<16xi1>
            %or3A = arith.ori %lt3A, %and3A : vector<16xi1>
            %select_n3A = arith.select %or3A, %rev3A_652, %cond3A_574#2 : vector<16xi1>, vector<16xf32>
            %select_n3A_659 = arith.select %or3A, %rev3A_657, %cond3A_574#3 : vector<16xi1>, vector<16xi32>
            %select_n3A_660 = arith.select %or3A, %cond3A_574#2, %rev3A_652 : vector<16xi1>, vector<16xf32>
            %select_n3A_661 = arith.select %or3A, %cond3A_574#3, %rev3A_657 : vector<16xi1>, vector<16xi32>
            %lt3A_662 = arith.cmpf olt, %select_n3A, %cond3A_574#0 : vector<16xf32>
            %eq3A_663 = arith.cmpf oeq, %select_n3A, %cond3A_574#0 : vector<16xf32>
            %lt3A_664 = arith.cmpi slt, %select_n3A_659, %cond3A_574#1 : vector<16xi32>
            %and3A_665 = arith.andi %eq3A_663, %lt3A_664 : vector<16xi1>
            %or3A_666 = arith.ori %lt3A_662, %and3A_665 : vector<16xi1>
            %select_n3A_667 = arith.select %or3A_666, %select_n3A, %cond3A_574#0 : vector<16xi1>, vector<16xf32>
            %select_n3A_668 = arith.select %or3A_666, %select_n3A_659, %cond3A_574#1 : vector<16xi1>, vector<16xi32>
            %select_n3A_669 = arith.select %or3A_666, %cond3A_574#0, %select_n3A : vector<16xi1>, vector<16xf32>
            %select_n3A_670 = arith.select %or3A_666, %cond3A_574#1, %select_n3A_659 : vector<16xi1>, vector<16xi32>
            %masked_sort3A_671 = arith.constant dense<true> : vector<16xi1>
            %masked_sort3A_672, %masked_sort3A_673, %masked_sort3A_674 = tpu.sort %select_n3A_667, %select_n3A_668 masked %masked_sort3A_671 : (vector<16xf32>, vector<16xi32>, vector<16xi1>) -> (vector<16xi1>, vector<16xf32>, vector<16xi32>)
            %masked_sort3A_675 = arith.constant dense<true> : vector<16xi1>
            %masked_sort3A_676, %masked_sort3A_677, %masked_sort3A_678 = tpu.sort %select_n3A_669, %select_n3A_670 masked %masked_sort3A_675 : (vector<16xf32>, vector<16xi32>, vector<16xi1>) -> (vector<16xi1>, vector<16xf32>, vector<16xi32>)
            %reduce_max3A_679 = arith.constant true
            %reduce_max3A_680 = vector.broadcast %reduce_max3A_679 : i1 to vector<16xi1>
            %reduce_max3A_681 = tpu.scan <max>, %masked_sort3A_677 masked %reduce_max3A_680 : vector<16xf32>, vector<16xi1> -> vector<16xf32>
            %reduce_max3A_682 = vector.extract %reduce_max3A_681[15] : f32 from vector<16xf32>
            %min3A_683 = arith.minimumf %reduce_max3A_682, %reduce_max3A_470 : f32
            scf.yield %masked_sort3A_673, %masked_sort3A_674, %masked_sort3A_677, %masked_sort3A_678, %min3A_683 : vector<16xf32>, vector<16xi32>, vector<16xf32>, vector<16xi32>, f32
          } else {
            scf.yield %cond3A_574#0, %cond3A_574#1, %cond3A_574#2, %cond3A_574#3, %cond3A_574#4 : vector<16xf32>, vector<16xi32>, vector<16xf32>, vector<16xi32>, f32
          }
          %add3A_586 = arith.constant 3 : i32
          %add3A_587 = arith.addi %mul3A_492, %add3A_586 : i32
          %reduce_min3A_588 = arith.constant true
          %reduce_min3A_589 = vector.broadcast %reduce_min3A_588 : i1 to vector<16xi1>
          %reduce_min3A_590 = tpu.scan <min>, %get3A_516 masked %reduce_min3A_589 : vector<16xf32>, vector<16xi1> -> vector<16xf32>
          %reduce_min3A_591 = vector.extract %reduce_min3A_590[15] : f32 from vector<16xf32>
          %le3A_592 = arith.cmpf ole, %reduce_min3A_591, %cond3A_585#4 : f32
          %convert_element_type3A_593 = arith.extui %le3A_592 : i1 to i32
          %cond3A_594 = arith.constant 0 : i32
          %cond3A_595 = arith.cmpi ne, %convert_element_type3A_593, %cond3A_594 : i32
          %cond3A_596:5 = scf.if %cond3A_595 -> (vector<16xf32>, vector<16xi32>, vector<16xf32>, vector<16xi32>, f32) {
            %mul3A_641 = arith.constant 16 : i32
            %mul3A_642 = arith.muli %add3A_587, %mul3A_641 : i32
            %add3A_643 = vector.broadcast %mul3A_642 : i32 to vector<16xi32>
            %add3A_644 = arith.addi %iota3A, %add3A_643 : vector<16xi32>
            %masked_sort3A = arith.constant dense<true> : vector<16xi1>
            %masked_sort3A_645, %masked_sort3A_646, %masked_sort3A_647 = tpu.sort %get3A_516, %add3A_644 masked %masked_sort3A : (vector<16xf32>, vector<16xi32>, vector<16xi1>) -> (vector<16xi1>, vector<16xf32>, vector<16xi32>)
            %rev3A_648 = arith.constant 15 : i32
            %rev3A_649 = vector.broadcast %rev3A_648 : i32 to vector<16xi32>
            %rev3A_650 = tpu.iota {dimensions = array<i32: 0>} : vector<16xi32>
            %rev3A_651 = arith.subi %rev3A_649, %rev3A_650 : vector<16xi32>
            %rev3A_652 = tpu.dynamic_gather %masked_sort3A_646[%rev3A_651] in [0] : vector<16xf32>, vector<16xi32> -> vector<16xf32>
            %rev3A_653 = arith.constant 15 : i32
            %rev3A_654 = vector.broadcast %rev3A_653 : i32 to vector<16xi32>
            %rev3A_655 = tpu.iota {dimensions = array<i32: 0>} : vector<16xi32>
            %rev3A_656 = arith.subi %rev3A_654, %rev3A_655 : vector<16xi32>
            %rev3A_657 = tpu.dynamic_gather %masked_sort3A_647[%rev3A_656] in [0] : vector<16xi32>, vector<16xi32> -> vector<16xi32>
            %lt3A = arith.cmpf olt, %rev3A_652, %cond3A_585#2 : vector<16xf32>
            %eq3A = arith.cmpf oeq, %rev3A_652, %cond3A_585#2 : vector<16xf32>
            %lt3A_658 = arith.cmpi slt, %rev3A_657, %cond3A_585#3 : vector<16xi32>
            %and3A = arith.andi %eq3A, %lt3A_658 : vector<16xi1>
            %or3A = arith.ori %lt3A, %and3A : vector<16xi1>
            %select_n3A = arith.select %or3A, %rev3A_652, %cond3A_585#2 : vector<16xi1>, vector<16xf32>
            %select_n3A_659 = arith.select %or3A, %rev3A_657, %cond3A_585#3 : vector<16xi1>, vector<16xi32>
            %select_n3A_660 = arith.select %or3A, %cond3A_585#2, %rev3A_652 : vector<16xi1>, vector<16xf32>
            %select_n3A_661 = arith.select %or3A, %cond3A_585#3, %rev3A_657 : vector<16xi1>, vector<16xi32>
            %lt3A_662 = arith.cmpf olt, %select_n3A, %cond3A_585#0 : vector<16xf32>
            %eq3A_663 = arith.cmpf oeq, %select_n3A, %cond3A_585#0 : vector<16xf32>
            %lt3A_664 = arith.cmpi slt, %select_n3A_659, %cond3A_585#1 : vector<16xi32>
            %and3A_665 = arith.andi %eq3A_663, %lt3A_664 : vector<16xi1>
            %or3A_666 = arith.ori %lt3A_662, %and3A_665 : vector<16xi1>
            %select_n3A_667 = arith.select %or3A_666, %select_n3A, %cond3A_585#0 : vector<16xi1>, vector<16xf32>
            %select_n3A_668 = arith.select %or3A_666, %select_n3A_659, %cond3A_585#1 : vector<16xi1>, vector<16xi32>
            %select_n3A_669 = arith.select %or3A_666, %cond3A_585#0, %select_n3A : vector<16xi1>, vector<16xf32>
            %select_n3A_670 = arith.select %or3A_666, %cond3A_585#1, %select_n3A_659 : vector<16xi1>, vector<16xi32>
            %masked_sort3A_671 = arith.constant dense<true> : vector<16xi1>
            %masked_sort3A_672, %masked_sort3A_673, %masked_sort3A_674 = tpu.sort %select_n3A_667, %select_n3A_668 masked %masked_sort3A_671 : (vector<16xf32>, vector<16xi32>, vector<16xi1>) -> (vector<16xi1>, vector<16xf32>, vector<16xi32>)
            %masked_sort3A_675 = arith.constant dense<true> : vector<16xi1>
            %masked_sort3A_676, %masked_sort3A_677, %masked_sort3A_678 = tpu.sort %select_n3A_669, %select_n3A_670 masked %masked_sort3A_675 : (vector<16xf32>, vector<16xi32>, vector<16xi1>) -> (vector<16xi1>, vector<16xf32>, vector<16xi32>)
            %reduce_max3A_679 = arith.constant true
            %reduce_max3A_680 = vector.broadcast %reduce_max3A_679 : i1 to vector<16xi1>
            %reduce_max3A_681 = tpu.scan <max>, %masked_sort3A_677 masked %reduce_max3A_680 : vector<16xf32>, vector<16xi1> -> vector<16xf32>
            %reduce_max3A_682 = vector.extract %reduce_max3A_681[15] : f32 from vector<16xf32>
            %min3A_683 = arith.minimumf %reduce_max3A_682, %reduce_max3A_470 : f32
            scf.yield %masked_sort3A_673, %masked_sort3A_674, %masked_sort3A_677, %masked_sort3A_678, %min3A_683 : vector<16xf32>, vector<16xi32>, vector<16xf32>, vector<16xi32>, f32
          } else {
            scf.yield %cond3A_585#0, %cond3A_585#1, %cond3A_585#2, %cond3A_585#3, %cond3A_585#4 : vector<16xf32>, vector<16xi32>, vector<16xf32>, vector<16xi32>, f32
          }
          %add3A_597 = arith.constant 4 : i32
          %add3A_598 = arith.addi %mul3A_492, %add3A_597 : i32
          %reduce_min3A_599 = arith.constant true
          %reduce_min3A_600 = vector.broadcast %reduce_min3A_599 : i1 to vector<16xi1>
          %reduce_min3A_601 = tpu.scan <min>, %get3A_522 masked %reduce_min3A_600 : vector<16xf32>, vector<16xi1> -> vector<16xf32>
          %reduce_min3A_602 = vector.extract %reduce_min3A_601[15] : f32 from vector<16xf32>
          %le3A_603 = arith.cmpf ole, %reduce_min3A_602, %cond3A_596#4 : f32
          %convert_element_type3A_604 = arith.extui %le3A_603 : i1 to i32
          %cond3A_605 = arith.constant 0 : i32
          %cond3A_606 = arith.cmpi ne, %convert_element_type3A_604, %cond3A_605 : i32
          %cond3A_607:5 = scf.if %cond3A_606 -> (vector<16xf32>, vector<16xi32>, vector<16xf32>, vector<16xi32>, f32) {
            %mul3A_641 = arith.constant 16 : i32
            %mul3A_642 = arith.muli %add3A_598, %mul3A_641 : i32
            %add3A_643 = vector.broadcast %mul3A_642 : i32 to vector<16xi32>
            %add3A_644 = arith.addi %iota3A, %add3A_643 : vector<16xi32>
            %masked_sort3A = arith.constant dense<true> : vector<16xi1>
            %masked_sort3A_645, %masked_sort3A_646, %masked_sort3A_647 = tpu.sort %get3A_522, %add3A_644 masked %masked_sort3A : (vector<16xf32>, vector<16xi32>, vector<16xi1>) -> (vector<16xi1>, vector<16xf32>, vector<16xi32>)
            %rev3A_648 = arith.constant 15 : i32
            %rev3A_649 = vector.broadcast %rev3A_648 : i32 to vector<16xi32>
            %rev3A_650 = tpu.iota {dimensions = array<i32: 0>} : vector<16xi32>
            %rev3A_651 = arith.subi %rev3A_649, %rev3A_650 : vector<16xi32>
            %rev3A_652 = tpu.dynamic_gather %masked_sort3A_646[%rev3A_651] in [0] : vector<16xf32>, vector<16xi32> -> vector<16xf32>
            %rev3A_653 = arith.constant 15 : i32
            %rev3A_654 = vector.broadcast %rev3A_653 : i32 to vector<16xi32>
            %rev3A_655 = tpu.iota {dimensions = array<i32: 0>} : vector<16xi32>
            %rev3A_656 = arith.subi %rev3A_654, %rev3A_655 : vector<16xi32>
            %rev3A_657 = tpu.dynamic_gather %masked_sort3A_647[%rev3A_656] in [0] : vector<16xi32>, vector<16xi32> -> vector<16xi32>
            %lt3A = arith.cmpf olt, %rev3A_652, %cond3A_596#2 : vector<16xf32>
            %eq3A = arith.cmpf oeq, %rev3A_652, %cond3A_596#2 : vector<16xf32>
            %lt3A_658 = arith.cmpi slt, %rev3A_657, %cond3A_596#3 : vector<16xi32>
            %and3A = arith.andi %eq3A, %lt3A_658 : vector<16xi1>
            %or3A = arith.ori %lt3A, %and3A : vector<16xi1>
            %select_n3A = arith.select %or3A, %rev3A_652, %cond3A_596#2 : vector<16xi1>, vector<16xf32>
            %select_n3A_659 = arith.select %or3A, %rev3A_657, %cond3A_596#3 : vector<16xi1>, vector<16xi32>
            %select_n3A_660 = arith.select %or3A, %cond3A_596#2, %rev3A_652 : vector<16xi1>, vector<16xf32>
            %select_n3A_661 = arith.select %or3A, %cond3A_596#3, %rev3A_657 : vector<16xi1>, vector<16xi32>
            %lt3A_662 = arith.cmpf olt, %select_n3A, %cond3A_596#0 : vector<16xf32>
            %eq3A_663 = arith.cmpf oeq, %select_n3A, %cond3A_596#0 : vector<16xf32>
            %lt3A_664 = arith.cmpi slt, %select_n3A_659, %cond3A_596#1 : vector<16xi32>
            %and3A_665 = arith.andi %eq3A_663, %lt3A_664 : vector<16xi1>
            %or3A_666 = arith.ori %lt3A_662, %and3A_665 : vector<16xi1>
            %select_n3A_667 = arith.select %or3A_666, %select_n3A, %cond3A_596#0 : vector<16xi1>, vector<16xf32>
            %select_n3A_668 = arith.select %or3A_666, %select_n3A_659, %cond3A_596#1 : vector<16xi1>, vector<16xi32>
            %select_n3A_669 = arith.select %or3A_666, %cond3A_596#0, %select_n3A : vector<16xi1>, vector<16xf32>
            %select_n3A_670 = arith.select %or3A_666, %cond3A_596#1, %select_n3A_659 : vector<16xi1>, vector<16xi32>
            %masked_sort3A_671 = arith.constant dense<true> : vector<16xi1>
            %masked_sort3A_672, %masked_sort3A_673, %masked_sort3A_674 = tpu.sort %select_n3A_667, %select_n3A_668 masked %masked_sort3A_671 : (vector<16xf32>, vector<16xi32>, vector<16xi1>) -> (vector<16xi1>, vector<16xf32>, vector<16xi32>)
            %masked_sort3A_675 = arith.constant dense<true> : vector<16xi1>
            %masked_sort3A_676, %masked_sort3A_677, %masked_sort3A_678 = tpu.sort %select_n3A_669, %select_n3A_670 masked %masked_sort3A_675 : (vector<16xf32>, vector<16xi32>, vector<16xi1>) -> (vector<16xi1>, vector<16xf32>, vector<16xi32>)
            %reduce_max3A_679 = arith.constant true
            %reduce_max3A_680 = vector.broadcast %reduce_max3A_679 : i1 to vector<16xi1>
            %reduce_max3A_681 = tpu.scan <max>, %masked_sort3A_677 masked %reduce_max3A_680 : vector<16xf32>, vector<16xi1> -> vector<16xf32>
            %reduce_max3A_682 = vector.extract %reduce_max3A_681[15] : f32 from vector<16xf32>
            %min3A_683 = arith.minimumf %reduce_max3A_682, %reduce_max3A_470 : f32
            scf.yield %masked_sort3A_673, %masked_sort3A_674, %masked_sort3A_677, %masked_sort3A_678, %min3A_683 : vector<16xf32>, vector<16xi32>, vector<16xf32>, vector<16xi32>, f32
          } else {
            scf.yield %cond3A_596#0, %cond3A_596#1, %cond3A_596#2, %cond3A_596#3, %cond3A_596#4 : vector<16xf32>, vector<16xi32>, vector<16xf32>, vector<16xi32>, f32
          }
          %add3A_608 = arith.constant 5 : i32
          %add3A_609 = arith.addi %mul3A_492, %add3A_608 : i32
          %reduce_min3A_610 = arith.constant true
          %reduce_min3A_611 = vector.broadcast %reduce_min3A_610 : i1 to vector<16xi1>
          %reduce_min3A_612 = tpu.scan <min>, %get3A_528 masked %reduce_min3A_611 : vector<16xf32>, vector<16xi1> -> vector<16xf32>
          %reduce_min3A_613 = vector.extract %reduce_min3A_612[15] : f32 from vector<16xf32>
          %le3A_614 = arith.cmpf ole, %reduce_min3A_613, %cond3A_607#4 : f32
          %convert_element_type3A_615 = arith.extui %le3A_614 : i1 to i32
          %cond3A_616 = arith.constant 0 : i32
          %cond3A_617 = arith.cmpi ne, %convert_element_type3A_615, %cond3A_616 : i32
          %cond3A_618:5 = scf.if %cond3A_617 -> (vector<16xf32>, vector<16xi32>, vector<16xf32>, vector<16xi32>, f32) {
            %mul3A_641 = arith.constant 16 : i32
            %mul3A_642 = arith.muli %add3A_609, %mul3A_641 : i32
            %add3A_643 = vector.broadcast %mul3A_642 : i32 to vector<16xi32>
            %add3A_644 = arith.addi %iota3A, %add3A_643 : vector<16xi32>
            %masked_sort3A = arith.constant dense<true> : vector<16xi1>
            %masked_sort3A_645, %masked_sort3A_646, %masked_sort3A_647 = tpu.sort %get3A_528, %add3A_644 masked %masked_sort3A : (vector<16xf32>, vector<16xi32>, vector<16xi1>) -> (vector<16xi1>, vector<16xf32>, vector<16xi32>)
            %rev3A_648 = arith.constant 15 : i32
            %rev3A_649 = vector.broadcast %rev3A_648 : i32 to vector<16xi32>
            %rev3A_650 = tpu.iota {dimensions = array<i32: 0>} : vector<16xi32>
            %rev3A_651 = arith.subi %rev3A_649, %rev3A_650 : vector<16xi32>
            %rev3A_652 = tpu.dynamic_gather %masked_sort3A_646[%rev3A_651] in [0] : vector<16xf32>, vector<16xi32> -> vector<16xf32>
            %rev3A_653 = arith.constant 15 : i32
            %rev3A_654 = vector.broadcast %rev3A_653 : i32 to vector<16xi32>
            %rev3A_655 = tpu.iota {dimensions = array<i32: 0>} : vector<16xi32>
            %rev3A_656 = arith.subi %rev3A_654, %rev3A_655 : vector<16xi32>
            %rev3A_657 = tpu.dynamic_gather %masked_sort3A_647[%rev3A_656] in [0] : vector<16xi32>, vector<16xi32> -> vector<16xi32>
            %lt3A = arith.cmpf olt, %rev3A_652, %cond3A_607#2 : vector<16xf32>
            %eq3A = arith.cmpf oeq, %rev3A_652, %cond3A_607#2 : vector<16xf32>
            %lt3A_658 = arith.cmpi slt, %rev3A_657, %cond3A_607#3 : vector<16xi32>
            %and3A = arith.andi %eq3A, %lt3A_658 : vector<16xi1>
            %or3A = arith.ori %lt3A, %and3A : vector<16xi1>
            %select_n3A = arith.select %or3A, %rev3A_652, %cond3A_607#2 : vector<16xi1>, vector<16xf32>
            %select_n3A_659 = arith.select %or3A, %rev3A_657, %cond3A_607#3 : vector<16xi1>, vector<16xi32>
            %select_n3A_660 = arith.select %or3A, %cond3A_607#2, %rev3A_652 : vector<16xi1>, vector<16xf32>
            %select_n3A_661 = arith.select %or3A, %cond3A_607#3, %rev3A_657 : vector<16xi1>, vector<16xi32>
            %lt3A_662 = arith.cmpf olt, %select_n3A, %cond3A_607#0 : vector<16xf32>
            %eq3A_663 = arith.cmpf oeq, %select_n3A, %cond3A_607#0 : vector<16xf32>
            %lt3A_664 = arith.cmpi slt, %select_n3A_659, %cond3A_607#1 : vector<16xi32>
            %and3A_665 = arith.andi %eq3A_663, %lt3A_664 : vector<16xi1>
            %or3A_666 = arith.ori %lt3A_662, %and3A_665 : vector<16xi1>
            %select_n3A_667 = arith.select %or3A_666, %select_n3A, %cond3A_607#0 : vector<16xi1>, vector<16xf32>
            %select_n3A_668 = arith.select %or3A_666, %select_n3A_659, %cond3A_607#1 : vector<16xi1>, vector<16xi32>
            %select_n3A_669 = arith.select %or3A_666, %cond3A_607#0, %select_n3A : vector<16xi1>, vector<16xf32>
            %select_n3A_670 = arith.select %or3A_666, %cond3A_607#1, %select_n3A_659 : vector<16xi1>, vector<16xi32>
            %masked_sort3A_671 = arith.constant dense<true> : vector<16xi1>
            %masked_sort3A_672, %masked_sort3A_673, %masked_sort3A_674 = tpu.sort %select_n3A_667, %select_n3A_668 masked %masked_sort3A_671 : (vector<16xf32>, vector<16xi32>, vector<16xi1>) -> (vector<16xi1>, vector<16xf32>, vector<16xi32>)
            %masked_sort3A_675 = arith.constant dense<true> : vector<16xi1>
            %masked_sort3A_676, %masked_sort3A_677, %masked_sort3A_678 = tpu.sort %select_n3A_669, %select_n3A_670 masked %masked_sort3A_675 : (vector<16xf32>, vector<16xi32>, vector<16xi1>) -> (vector<16xi1>, vector<16xf32>, vector<16xi32>)
            %reduce_max3A_679 = arith.constant true
            %reduce_max3A_680 = vector.broadcast %reduce_max3A_679 : i1 to vector<16xi1>
            %reduce_max3A_681 = tpu.scan <max>, %masked_sort3A_677 masked %reduce_max3A_680 : vector<16xf32>, vector<16xi1> -> vector<16xf32>
            %reduce_max3A_682 = vector.extract %reduce_max3A_681[15] : f32 from vector<16xf32>
            %min3A_683 = arith.minimumf %reduce_max3A_682, %reduce_max3A_470 : f32
            scf.yield %masked_sort3A_673, %masked_sort3A_674, %masked_sort3A_677, %masked_sort3A_678, %min3A_683 : vector<16xf32>, vector<16xi32>, vector<16xf32>, vector<16xi32>, f32
          } else {
            scf.yield %cond3A_607#0, %cond3A_607#1, %cond3A_607#2, %cond3A_607#3, %cond3A_607#4 : vector<16xf32>, vector<16xi32>, vector<16xf32>, vector<16xi32>, f32
          }
          %add3A_619 = arith.constant 6 : i32
          %add3A_620 = arith.addi %mul3A_492, %add3A_619 : i32
          %reduce_min3A_621 = arith.constant true
          %reduce_min3A_622 = vector.broadcast %reduce_min3A_621 : i1 to vector<16xi1>
          %reduce_min3A_623 = tpu.scan <min>, %get3A_534 masked %reduce_min3A_622 : vector<16xf32>, vector<16xi1> -> vector<16xf32>
          %reduce_min3A_624 = vector.extract %reduce_min3A_623[15] : f32 from vector<16xf32>
          %le3A_625 = arith.cmpf ole, %reduce_min3A_624, %cond3A_618#4 : f32
          %convert_element_type3A_626 = arith.extui %le3A_625 : i1 to i32
          %cond3A_627 = arith.constant 0 : i32
          %cond3A_628 = arith.cmpi ne, %convert_element_type3A_626, %cond3A_627 : i32
          %cond3A_629:5 = scf.if %cond3A_628 -> (vector<16xf32>, vector<16xi32>, vector<16xf32>, vector<16xi32>, f32) {
            %mul3A_641 = arith.constant 16 : i32
            %mul3A_642 = arith.muli %add3A_620, %mul3A_641 : i32
            %add3A_643 = vector.broadcast %mul3A_642 : i32 to vector<16xi32>
            %add3A_644 = arith.addi %iota3A, %add3A_643 : vector<16xi32>
            %masked_sort3A = arith.constant dense<true> : vector<16xi1>
            %masked_sort3A_645, %masked_sort3A_646, %masked_sort3A_647 = tpu.sort %get3A_534, %add3A_644 masked %masked_sort3A : (vector<16xf32>, vector<16xi32>, vector<16xi1>) -> (vector<16xi1>, vector<16xf32>, vector<16xi32>)
            %rev3A_648 = arith.constant 15 : i32
            %rev3A_649 = vector.broadcast %rev3A_648 : i32 to vector<16xi32>
            %rev3A_650 = tpu.iota {dimensions = array<i32: 0>} : vector<16xi32>
            %rev3A_651 = arith.subi %rev3A_649, %rev3A_650 : vector<16xi32>
            %rev3A_652 = tpu.dynamic_gather %masked_sort3A_646[%rev3A_651] in [0] : vector<16xf32>, vector<16xi32> -> vector<16xf32>
            %rev3A_653 = arith.constant 15 : i32
            %rev3A_654 = vector.broadcast %rev3A_653 : i32 to vector<16xi32>
            %rev3A_655 = tpu.iota {dimensions = array<i32: 0>} : vector<16xi32>
            %rev3A_656 = arith.subi %rev3A_654, %rev3A_655 : vector<16xi32>
            %rev3A_657 = tpu.dynamic_gather %masked_sort3A_647[%rev3A_656] in [0] : vector<16xi32>, vector<16xi32> -> vector<16xi32>
            %lt3A = arith.cmpf olt, %rev3A_652, %cond3A_618#2 : vector<16xf32>
            %eq3A = arith.cmpf oeq, %rev3A_652, %cond3A_618#2 : vector<16xf32>
            %lt3A_658 = arith.cmpi slt, %rev3A_657, %cond3A_618#3 : vector<16xi32>
            %and3A = arith.andi %eq3A, %lt3A_658 : vector<16xi1>
            %or3A = arith.ori %lt3A, %and3A : vector<16xi1>
            %select_n3A = arith.select %or3A, %rev3A_652, %cond3A_618#2 : vector<16xi1>, vector<16xf32>
            %select_n3A_659 = arith.select %or3A, %rev3A_657, %cond3A_618#3 : vector<16xi1>, vector<16xi32>
            %select_n3A_660 = arith.select %or3A, %cond3A_618#2, %rev3A_652 : vector<16xi1>, vector<16xf32>
            %select_n3A_661 = arith.select %or3A, %cond3A_618#3, %rev3A_657 : vector<16xi1>, vector<16xi32>
            %lt3A_662 = arith.cmpf olt, %select_n3A, %cond3A_618#0 : vector<16xf32>
            %eq3A_663 = arith.cmpf oeq, %select_n3A, %cond3A_618#0 : vector<16xf32>
            %lt3A_664 = arith.cmpi slt, %select_n3A_659, %cond3A_618#1 : vector<16xi32>
            %and3A_665 = arith.andi %eq3A_663, %lt3A_664 : vector<16xi1>
            %or3A_666 = arith.ori %lt3A_662, %and3A_665 : vector<16xi1>
            %select_n3A_667 = arith.select %or3A_666, %select_n3A, %cond3A_618#0 : vector<16xi1>, vector<16xf32>
            %select_n3A_668 = arith.select %or3A_666, %select_n3A_659, %cond3A_618#1 : vector<16xi1>, vector<16xi32>
            %select_n3A_669 = arith.select %or3A_666, %cond3A_618#0, %select_n3A : vector<16xi1>, vector<16xf32>
            %select_n3A_670 = arith.select %or3A_666, %cond3A_618#1, %select_n3A_659 : vector<16xi1>, vector<16xi32>
            %masked_sort3A_671 = arith.constant dense<true> : vector<16xi1>
            %masked_sort3A_672, %masked_sort3A_673, %masked_sort3A_674 = tpu.sort %select_n3A_667, %select_n3A_668 masked %masked_sort3A_671 : (vector<16xf32>, vector<16xi32>, vector<16xi1>) -> (vector<16xi1>, vector<16xf32>, vector<16xi32>)
            %masked_sort3A_675 = arith.constant dense<true> : vector<16xi1>
            %masked_sort3A_676, %masked_sort3A_677, %masked_sort3A_678 = tpu.sort %select_n3A_669, %select_n3A_670 masked %masked_sort3A_675 : (vector<16xf32>, vector<16xi32>, vector<16xi1>) -> (vector<16xi1>, vector<16xf32>, vector<16xi32>)
            %reduce_max3A_679 = arith.constant true
            %reduce_max3A_680 = vector.broadcast %reduce_max3A_679 : i1 to vector<16xi1>
            %reduce_max3A_681 = tpu.scan <max>, %masked_sort3A_677 masked %reduce_max3A_680 : vector<16xf32>, vector<16xi1> -> vector<16xf32>
            %reduce_max3A_682 = vector.extract %reduce_max3A_681[15] : f32 from vector<16xf32>
            %min3A_683 = arith.minimumf %reduce_max3A_682, %reduce_max3A_470 : f32
            scf.yield %masked_sort3A_673, %masked_sort3A_674, %masked_sort3A_677, %masked_sort3A_678, %min3A_683 : vector<16xf32>, vector<16xi32>, vector<16xf32>, vector<16xi32>, f32
          } else {
            scf.yield %cond3A_618#0, %cond3A_618#1, %cond3A_618#2, %cond3A_618#3, %cond3A_618#4 : vector<16xf32>, vector<16xi32>, vector<16xf32>, vector<16xi32>, f32
          }
          %add3A_630 = arith.constant 7 : i32
          %add3A_631 = arith.addi %mul3A_492, %add3A_630 : i32
          %reduce_min3A_632 = arith.constant true
          %reduce_min3A_633 = vector.broadcast %reduce_min3A_632 : i1 to vector<16xi1>
          %reduce_min3A_634 = tpu.scan <min>, %get3A_540 masked %reduce_min3A_633 : vector<16xf32>, vector<16xi1> -> vector<16xf32>
          %reduce_min3A_635 = vector.extract %reduce_min3A_634[15] : f32 from vector<16xf32>
          %le3A_636 = arith.cmpf ole, %reduce_min3A_635, %cond3A_629#4 : f32
          %convert_element_type3A_637 = arith.extui %le3A_636 : i1 to i32
          %cond3A_638 = arith.constant 0 : i32
          %cond3A_639 = arith.cmpi ne, %convert_element_type3A_637, %cond3A_638 : i32
          %cond3A_640:5 = scf.if %cond3A_639 -> (vector<16xf32>, vector<16xi32>, vector<16xf32>, vector<16xi32>, f32) {
            %mul3A_641 = arith.constant 16 : i32
            %mul3A_642 = arith.muli %add3A_631, %mul3A_641 : i32
            %add3A_643 = vector.broadcast %mul3A_642 : i32 to vector<16xi32>
            %add3A_644 = arith.addi %iota3A, %add3A_643 : vector<16xi32>
            %masked_sort3A = arith.constant dense<true> : vector<16xi1>
            %masked_sort3A_645, %masked_sort3A_646, %masked_sort3A_647 = tpu.sort %get3A_540, %add3A_644 masked %masked_sort3A : (vector<16xf32>, vector<16xi32>, vector<16xi1>) -> (vector<16xi1>, vector<16xf32>, vector<16xi32>)
            %rev3A_648 = arith.constant 15 : i32
            %rev3A_649 = vector.broadcast %rev3A_648 : i32 to vector<16xi32>
            %rev3A_650 = tpu.iota {dimensions = array<i32: 0>} : vector<16xi32>
            %rev3A_651 = arith.subi %rev3A_649, %rev3A_650 : vector<16xi32>
            %rev3A_652 = tpu.dynamic_gather %masked_sort3A_646[%rev3A_651] in [0] : vector<16xf32>, vector<16xi32> -> vector<16xf32>
            %rev3A_653 = arith.constant 15 : i32
            %rev3A_654 = vector.broadcast %rev3A_653 : i32 to vector<16xi32>
            %rev3A_655 = tpu.iota {dimensions = array<i32: 0>} : vector<16xi32>
            %rev3A_656 = arith.subi %rev3A_654, %rev3A_655 : vector<16xi32>
            %rev3A_657 = tpu.dynamic_gather %masked_sort3A_647[%rev3A_656] in [0] : vector<16xi32>, vector<16xi32> -> vector<16xi32>
            %lt3A = arith.cmpf olt, %rev3A_652, %cond3A_629#2 : vector<16xf32>
            %eq3A = arith.cmpf oeq, %rev3A_652, %cond3A_629#2 : vector<16xf32>
            %lt3A_658 = arith.cmpi slt, %rev3A_657, %cond3A_629#3 : vector<16xi32>
            %and3A = arith.andi %eq3A, %lt3A_658 : vector<16xi1>
            %or3A = arith.ori %lt3A, %and3A : vector<16xi1>
            %select_n3A = arith.select %or3A, %rev3A_652, %cond3A_629#2 : vector<16xi1>, vector<16xf32>
            %select_n3A_659 = arith.select %or3A, %rev3A_657, %cond3A_629#3 : vector<16xi1>, vector<16xi32>
            %select_n3A_660 = arith.select %or3A, %cond3A_629#2, %rev3A_652 : vector<16xi1>, vector<16xf32>
            %select_n3A_661 = arith.select %or3A, %cond3A_629#3, %rev3A_657 : vector<16xi1>, vector<16xi32>
            %lt3A_662 = arith.cmpf olt, %select_n3A, %cond3A_629#0 : vector<16xf32>
            %eq3A_663 = arith.cmpf oeq, %select_n3A, %cond3A_629#0 : vector<16xf32>
            %lt3A_664 = arith.cmpi slt, %select_n3A_659, %cond3A_629#1 : vector<16xi32>
            %and3A_665 = arith.andi %eq3A_663, %lt3A_664 : vector<16xi1>
            %or3A_666 = arith.ori %lt3A_662, %and3A_665 : vector<16xi1>
            %select_n3A_667 = arith.select %or3A_666, %select_n3A, %cond3A_629#0 : vector<16xi1>, vector<16xf32>
            %select_n3A_668 = arith.select %or3A_666, %select_n3A_659, %cond3A_629#1 : vector<16xi1>, vector<16xi32>
            %select_n3A_669 = arith.select %or3A_666, %cond3A_629#0, %select_n3A : vector<16xi1>, vector<16xf32>
            %select_n3A_670 = arith.select %or3A_666, %cond3A_629#1, %select_n3A_659 : vector<16xi1>, vector<16xi32>
            %masked_sort3A_671 = arith.constant dense<true> : vector<16xi1>
            %masked_sort3A_672, %masked_sort3A_673, %masked_sort3A_674 = tpu.sort %select_n3A_667, %select_n3A_668 masked %masked_sort3A_671 : (vector<16xf32>, vector<16xi32>, vector<16xi1>) -> (vector<16xi1>, vector<16xf32>, vector<16xi32>)
            %masked_sort3A_675 = arith.constant dense<true> : vector<16xi1>
            %masked_sort3A_676, %masked_sort3A_677, %masked_sort3A_678 = tpu.sort %select_n3A_669, %select_n3A_670 masked %masked_sort3A_675 : (vector<16xf32>, vector<16xi32>, vector<16xi1>) -> (vector<16xi1>, vector<16xf32>, vector<16xi32>)
            %reduce_max3A_679 = arith.constant true
            %reduce_max3A_680 = vector.broadcast %reduce_max3A_679 : i1 to vector<16xi1>
            %reduce_max3A_681 = tpu.scan <max>, %masked_sort3A_677 masked %reduce_max3A_680 : vector<16xf32>, vector<16xi1> -> vector<16xf32>
            %reduce_max3A_682 = vector.extract %reduce_max3A_681[15] : f32 from vector<16xf32>
            %min3A_683 = arith.minimumf %reduce_max3A_682, %reduce_max3A_470 : f32
            scf.yield %masked_sort3A_673, %masked_sort3A_674, %masked_sort3A_677, %masked_sort3A_678, %min3A_683 : vector<16xf32>, vector<16xi32>, vector<16xf32>, vector<16xi32>, f32
          } else {
            scf.yield %cond3A_629#0, %cond3A_629#1, %cond3A_629#2, %cond3A_629#3, %cond3A_629#4 : vector<16xf32>, vector<16xi32>, vector<16xf32>, vector<16xi32>, f32
          }
          scf.yield %cond3A_640#0, %cond3A_640#1, %cond3A_640#2, %cond3A_640#3, %cond3A_640#4 : vector<16xf32>, vector<16xi32>, vector<16xf32>, vector<16xi32>, f32
        } else {
          scf.yield %scan3A_486, %scan3A_487, %scan3A_488, %scan3A_489, %scan3A_490 : vector<16xf32>, vector<16xi32>, vector<16xf32>, vector<16xi32>, f32
        }
        scf.yield %cond3A_552#0, %cond3A_552#1, %cond3A_552#2, %cond3A_552#3, %cond3A_552#4 : vector<16xf32>, vector<16xi32>, vector<16xf32>, vector<16xi32>, f32
      }
      %scan3A_479 = arith.constant 64 : i32
      %swap3A_480 = arith.constant 0 : index
      %swap3A_481 = tpu.vector_load %arg9[%swap3A_480] {strides = array<i32>} : memref<32xi32, #tpu.memory_space<vmem>>, vector<16xi32>,
      tpu.vector_store %arg9[%swap3A_480], %scan3A_478#1 {strides = array<i32>} : memref<32xi32, #tpu.memory_space<vmem>>, vector<16xi32>,
      %swap3A_482 = arith.constant 16 : index
      %swap3A_483 = tpu.vector_load %arg9[%swap3A_482] {strides = array<i32>} : memref<32xi32, #tpu.memory_space<vmem>>, vector<16xi32>,
      tpu.vector_store %arg9[%swap3A_482], %scan3A_478#3 {strides = array<i32>} : memref<32xi32, #tpu.memory_space<vmem>>, vector<16xi32>,
      "tpu.region"() ({
        %run_scoped3A = tpu.sem_alloc : memref<!tpu.dma_semaphore, #tpu.memory_space<semaphore_mem>>
        %dma_start3A_485 = arith.constant 0 : i32
        %dma_start3A_486 = tpu.memref_slice %arg4[%add3A_288, %dma_start3A_485] : memref<1024x32xi32, #tpu.memory_space<hbm>> -> memref<1x32xi32, #tpu.memory_space<hbm>>
        %dma_start3A_487 = tpu.memref_squeeze %dma_start3A_486 : memref<1x32xi32, #tpu.memory_space<hbm>> -> memref<32xi32, #tpu.memory_space<hbm>>
        %dma_start3A_488 = arith.constant 0 : i32
        %dma_start3A_489 = tpu.memref_slice %arg4[%add3A_288, %dma_start3A_488] : memref<1024x32xi32, #tpu.memory_space<hbm>> -> memref<1x32xi32, #tpu.memory_space<hbm>>
        %dma_start3A_490 = tpu.memref_squeeze %dma_start3A_489 : memref<1x32xi32, #tpu.memory_space<hbm>> -> memref<32xi32, #tpu.memory_space<hbm>>
        tpu.enqueue_dma source(%arg9 : memref<32xi32, #tpu.memory_space<vmem>>) target(%dma_start3A_490 : memref<32xi32, #tpu.memory_space<hbm>>) target_semaphore(%run_scoped3A : memref<!tpu.dma_semaphore, #tpu.memory_space<semaphore_mem>>)
        %dma_wait3A_491 = arith.constant 0 : i32
        %dma_wait3A_492 = tpu.memref_slice %arg4[%add3A_288, %dma_wait3A_491] : memref<1024x32xi32, #tpu.memory_space<hbm>> -> memref<1x32xi32, #tpu.memory_space<hbm>>
        %dma_wait3A_493 = tpu.memref_squeeze %dma_wait3A_492 : memref<1x32xi32, #tpu.memory_space<hbm>> -> memref<32xi32, #tpu.memory_space<hbm>>
        %dma_wait3A_494 = arith.constant 0 : i32
        %dma_wait3A_495 = tpu.memref_slice %arg4[%add3A_288, %dma_wait3A_494] : memref<1024x32xi32, #tpu.memory_space<hbm>> -> memref<1x32xi32, #tpu.memory_space<hbm>>
        %dma_wait3A_496 = tpu.memref_squeeze %dma_wait3A_495 : memref<1x32xi32, #tpu.memory_space<hbm>> -> memref<32xi32, #tpu.memory_space<hbm>>
        tpu.wait_dma2 semaphore(%run_scoped3A : memref<!tpu.dma_semaphore, #tpu.memory_space<semaphore_mem>>) src(%arg9 : memref<32xi32, #tpu.memory_space<vmem>>) dst(%dma_wait3A_496 : memref<32xi32, #tpu.memory_space<hbm>>)
        tpu.yield
      }) : () -> ()
      %scan3A_484 = arith.constant 0 : i32
      scf.yield %scan3A_484 : i32
    }
    %scan3A_21 = arith.constant 16 : i32
    %dma_wait3A = arith.constant 0 : i32
    %dma_wait3A_22 = tpu.memref_slice %arg2[%mul3A_2, %dma_wait3A] : memref<1024x8192xf32, #tpu.memory_space<hbm>> -> memref<1x8192xf32, #tpu.memory_space<hbm>>
    %dma_wait3A_23 = tpu.memref_squeeze %dma_wait3A_22 : memref<1x8192xf32, #tpu.memory_space<hbm>> -> memref<8192xf32, #tpu.memory_space<hbm>>
    %dma_wait3A_24 = arith.constant 0 : i32
    %dma_wait3A_25 = tpu.memref_slice %arg2[%mul3A_2, %dma_wait3A_24] : memref<1024x8192xf32, #tpu.memory_space<hbm>> -> memref<1x8192xf32, #tpu.memory_space<hbm>>
    %dma_wait3A_26 = tpu.memref_squeeze %dma_wait3A_25 : memref<1x8192xf32, #tpu.memory_space<hbm>> -> memref<8192xf32, #tpu.memory_space<hbm>>
    tpu.wait_dma2 semaphore(%arg10 : memref<!tpu.dma_semaphore, #tpu.memory_space<semaphore_mem>>) src(%dma_wait3A_26 : memref<8192xf32, #tpu.memory_space<hbm>>) dst(%arg5 : memref<8192xf32, #tpu.memory_space<vmem>>)
    %dma_wait3A_27 = arith.constant 0 : i32
    %dma_wait3A_28 = tpu.memref_slice %arg3[%mul3A_2, %dma_wait3A_27] : memref<1024x128xf32, #tpu.memory_space<hbm>> -> memref<1x128xf32, #tpu.memory_space<hbm>>
    %dma_wait3A_29 = tpu.memref_squeeze %dma_wait3A_28 : memref<1x128xf32, #tpu.memory_space<hbm>> -> memref<128xf32, #tpu.memory_space<hbm>>
    %dma_wait3A_30 = arith.constant 0 : i32
    %dma_wait3A_31 = tpu.memref_slice %arg3[%mul3A_2, %dma_wait3A_30] : memref<1024x128xf32, #tpu.memory_space<hbm>> -> memref<1x128xf32, #tpu.memory_space<hbm>>
    %dma_wait3A_32 = tpu.memref_squeeze %dma_wait3A_31 : memref<1x128xf32, #tpu.memory_space<hbm>> -> memref<128xf32, #tpu.memory_space<hbm>>
    tpu.wait_dma2 semaphore(%arg12 : memref<!tpu.dma_semaphore, #tpu.memory_space<semaphore_mem>>) src(%dma_wait3A_32 : memref<128xf32, #tpu.memory_space<hbm>>) dst(%arg7 : memref<128xf32, #tpu.memory_space<vmem>>)
    return
  }
}

#map = affine_map<(d0, d1) -> (0, 0)>
#map1 = affine_map<(d0, d1) -> (0)>
module attributes {stable_mosaic.version = 14 : i64} {
  func.func @k(%arg0: i32, %arg1: i32, %arg2: memref<32768x16xf32, #tpu.memory_space<hbm>>, %arg3: memref<32768xi32, #tpu.memory_space<hbm>>, %arg4: memref<32768x16xf32, #tpu.memory_space<hbm>>, %arg5: memref<1024xi32, #tpu.memory_space<vmem>>, %arg6: memref<1024x16xf32, #tpu.memory_space<vmem>>, %arg7: memref<!tpu.dma_semaphore, #tpu.memory_space<semaphore_mem>>) attributes {dimension_semantics = [#tpu.dimension_semantics<core_parallel>, #tpu.dimension_semantics<subcore_parallel>], iteration_bounds = array<i64: 2, 16>, scalar_prefetch = 0 : i64, scratch_operands = 3 : i64, tpu.core_type = #tpu.core_type<sc_vector_subcore>, window_params = [{transform_indices = #map}, {transform_indices = #map1}, {transform_indices = #map}]} {
    %mul3A = arith.constant 2 : i32
    %mul3A_0 = arith.muli %arg1, %mul3A : i32
    %add3A = arith.addi %mul3A_0, %arg0 : i32
    %mul3A_1 = arith.constant 1024 : i32
    %mul3A_2 = arith.muli %add3A, %mul3A_1 : i32
    %jit3A = arith.constant 8 : i32
    %div3A = arith.divsi %add3A, %jit3A : i32
    %sign3A = arith.constant 0 : i32
    %sign3A_3 = arith.cmpi sgt, %add3A, %sign3A : i32
    %sign3A_4 = arith.extui %sign3A_3 : i1 to i32
    %sign3A_5 = arith.constant 0 : i32
    %sign3A_6 = arith.cmpi slt, %add3A, %sign3A_5 : i32
    %sign3A_7 = arith.extui %sign3A_6 : i1 to i32
    %sign3A_8 = arith.subi %sign3A_4, %sign3A_7 : i32
    %sign3A_9 = arith.constant 0 : i32
    %sign3A_10 = arith.cmpi sgt, %jit3A, %sign3A_9 : i32
    %sign3A_11 = arith.extui %sign3A_10 : i1 to i32
    %sign3A_12 = arith.constant 0 : i32
    %sign3A_13 = arith.cmpi slt, %jit3A, %sign3A_12 : i32
    %sign3A_14 = arith.extui %sign3A_13 : i1 to i32
    %sign3A_15 = arith.subi %sign3A_11, %sign3A_14 : i32
    %ne3A = arith.cmpi ne, %sign3A_8, %sign3A_15 : i32
    %rem3A = arith.remsi %add3A, %jit3A : i32
    %ne3A_16 = arith.constant 0 : i32
    %ne3A_17 = arith.cmpi ne, %rem3A, %ne3A_16 : i32
    %and3A = arith.andi %ne3A, %ne3A_17 : i1
    %sub3A = arith.constant 1 : i32
    %sub3A_18 = arith.subi %div3A, %sub3A : i32
    %select_n3A = arith.select %and3A, %sub3A_18, %div3A : i32
    %mul3A_19 = arith.constant 8192 : i32
    %mul3A_20 = arith.muli %select_n3A, %mul3A_19 : i32
    "tpu.region"() ({
      %run_scoped3A = tpu.sem_alloc : memref<!tpu.dma_semaphore, #tpu.memory_space<semaphore_mem>>
      %dma_start3A_31 = tpu.memref_slice %arg3[%mul3A_2] : memref<32768xi32, #tpu.memory_space<hbm>> -> memref<1024xi32, #tpu.memory_space<hbm>>
      %dma_start3A_32 = tpu.memref_slice %arg3[%mul3A_2] : memref<32768xi32, #tpu.memory_space<hbm>> -> memref<1024xi32, #tpu.memory_space<hbm>>
      tpu.enqueue_dma source(%dma_start3A_32 : memref<1024xi32, #tpu.memory_space<hbm>>) target(%arg5 : memref<1024xi32, #tpu.memory_space<vmem>>) target_semaphore(%run_scoped3A : memref<!tpu.dma_semaphore, #tpu.memory_space<semaphore_mem>>)
      %dma_wait3A_33 = tpu.memref_slice %arg3[%mul3A_2] : memref<32768xi32, #tpu.memory_space<hbm>> -> memref<1024xi32, #tpu.memory_space<hbm>>
      %dma_wait3A_34 = tpu.memref_slice %arg3[%mul3A_2] : memref<32768xi32, #tpu.memory_space<hbm>> -> memref<1024xi32, #tpu.memory_space<hbm>>
      tpu.wait_dma2 semaphore(%run_scoped3A : memref<!tpu.dma_semaphore, #tpu.memory_space<semaphore_mem>>) src(%dma_wait3A_34 : memref<1024xi32, #tpu.memory_space<hbm>>) dst(%arg5 : memref<1024xi32, #tpu.memory_space<vmem>>)
      tpu.yield
    }) : () -> ()
    %scan3A = arith.constant 0 : i32
    %scan3A_21 = arith.constant 0 : i32
    %scan3A_22 = arith.constant 64 : i32
    %scan3A_23 = arith.addi %scan3A_21, %scan3A_22 : i32
    %scan3A_24 = arith.constant 1 : i32
    %scan3A_25 = scf.for %scan3A_31 = %scan3A_21 to %scan3A_23 step %scan3A_24 iter_args(%scan3A_32 = %scan3A) -> (i32)  : i32 {
      %mul3A_33 = arith.constant 16 : i32
      %mul3A_34 = arith.muli %scan3A_31, %mul3A_33 : i32
      %get3A = arith.index_cast %mul3A_34 : i32 to index
      %get3A_35 = tpu.vector_load %arg5[%get3A] {strides = array<i32>} : memref<1024xi32, #tpu.memory_space<vmem>>, vector<16xi32>,
      %get3A_36 = vector.shape_cast %get3A_35 : vector<16xi32> to vector<16xi32>
      %add3A_37 = vector.broadcast %mul3A_20 : i32 to vector<16xi32>
      %add3A_38 = arith.addi %get3A_36, %add3A_37 : vector<16xi32>
      %swap3A = arith.index_cast %mul3A_34 : i32 to index
      %swap3A_39 = tpu.vector_load %arg5[%swap3A] {strides = array<i32>} : memref<1024xi32, #tpu.memory_space<vmem>>, vector<16xi32>,
      %swap3A_40 = vector.shape_cast %swap3A_39 : vector<16xi32> to vector<16xi32>
      %swap3A_41 = vector.shape_cast %add3A_38 : vector<16xi32> to vector<16xi32>
      tpu.vector_store %arg5[%swap3A], %swap3A_41 {strides = array<i32>} : memref<1024xi32, #tpu.memory_space<vmem>>, vector<16xi32>,
      %scan3A_42 = arith.constant 0 : i32
      scf.yield %scan3A_42 : i32
    }
    %scan3A_26 = arith.constant 64 : i32
    %dma_start3A = arith.constant 0 : i32
    %dma_start3A_27 = arith.constant 0 : i32
    %dma_start3A_28 = tpu.memref_slice %arg2[%dma_start3A, %dma_start3A_27] : memref<32768x16xf32, #tpu.memory_space<hbm>> -> memref<32768x16xf32, #tpu.memory_space<hbm>>
    tpu.enqueue_indirect_dma source(%dma_start3A_28 : memref<32768x16xf32, #tpu.memory_space<hbm>>) target(%arg6 : memref<1024x16xf32, #tpu.memory_space<vmem>>) offsets(%arg5 : memref<1024xi32, #tpu.memory_space<vmem>>) semaphore(%arg7 : memref<!tpu.dma_semaphore, #tpu.memory_space<semaphore_mem>>)
    %dma_wait3A = arith.constant 0 : i32
    %dma_wait3A_29 = arith.constant 0 : i32
    %dma_wait3A_30 = tpu.memref_slice %arg2[%dma_wait3A, %dma_wait3A_29] : memref<32768x16xf32, #tpu.memory_space<hbm>> -> memref<32768x16xf32, #tpu.memory_space<hbm>>
    tpu.wait_indirect_dma semaphore(%arg7 : memref<!tpu.dma_semaphore, #tpu.memory_space<semaphore_mem>>) src(%dma_wait3A_30 : memref<32768x16xf32, #tpu.memory_space<hbm>>) dst(%arg6 : memref<1024x16xf32, #tpu.memory_space<vmem>>)
    "tpu.region"() ({
      %run_scoped3A = tpu.sem_alloc : memref<!tpu.dma_semaphore, #tpu.memory_space<semaphore_mem>>
      %dma_start3A_31 = arith.constant 0 : i32
      %dma_start3A_32 = tpu.memref_slice %arg4[%mul3A_2, %dma_start3A_31] : memref<32768x16xf32, #tpu.memory_space<hbm>> -> memref<1024x16xf32, #tpu.memory_space<hbm>>
      %dma_start3A_33 = arith.constant 0 : i32
      %dma_start3A_34 = tpu.memref_slice %arg4[%mul3A_2, %dma_start3A_33] : memref<32768x16xf32, #tpu.memory_space<hbm>> -> memref<1024x16xf32, #tpu.memory_space<hbm>>
      tpu.enqueue_dma source(%arg6 : memref<1024x16xf32, #tpu.memory_space<vmem>>) target(%dma_start3A_34 : memref<1024x16xf32, #tpu.memory_space<hbm>>) target_semaphore(%run_scoped3A : memref<!tpu.dma_semaphore, #tpu.memory_space<semaphore_mem>>)
      %dma_wait3A_35 = arith.constant 0 : i32
      %dma_wait3A_36 = tpu.memref_slice %arg4[%mul3A_2, %dma_wait3A_35] : memref<32768x16xf32, #tpu.memory_space<hbm>> -> memref<1024x16xf32, #tpu.memory_space<hbm>>
      %dma_wait3A_37 = arith.constant 0 : i32
      %dma_wait3A_38 = tpu.memref_slice %arg4[%mul3A_2, %dma_wait3A_37] : memref<32768x16xf32, #tpu.memory_space<hbm>> -> memref<1024x16xf32, #tpu.memory_space<hbm>>
      tpu.wait_dma2 semaphore(%run_scoped3A : memref<!tpu.dma_semaphore, #tpu.memory_space<semaphore_mem>>) src(%arg6 : memref<1024x16xf32, #tpu.memory_space<vmem>>) dst(%dma_wait3A_38 : memref<1024x16xf32, #tpu.memory_space<hbm>>)
      tpu.yield
    }) : () -> ()
    return
  }
}

module attributes {stable_mosaic.version = 14 : i64} {
  func.func @_fps_body(%arg0: memref<4x1xf32, #tpu.memory_space<smem>>, %arg1: memref<4x64x128xf32, #tpu.memory_space<vmem>>, %arg2: memref<4x64x128xf32, #tpu.memory_space<vmem>>, %arg3: memref<4x64x128xf32, #tpu.memory_space<vmem>>, %arg4: memref<4x1x256xf32, #tpu.memory_space<vmem>>, %arg5: memref<4x1x256xf32, #tpu.memory_space<vmem>>, %arg6: memref<4x1x256xf32, #tpu.memory_space<vmem>>, %arg7: memref<4x64x128xf32, #tpu.memory_space<vmem>>) attributes {dimension_semantics = [], scalar_prefetch = 0 : i64, scratch_operands = 1 : i64, tpu.core_type = #tpu.core_type<tc>} {
    %iota3A = tpu.iota {dimensions = array<i32: 0>} : vector<64x128xi32>
    %convert_element_type3A = arith.sitofp %iota3A : vector<64x128xi32> to vector<64x128xf32>
    %iota3A_0 = tpu.iota {dimensions = array<i32: 1>} : vector<64x128xi32>
    %convert_element_type3A_1 = arith.sitofp %iota3A_0 : vector<64x128xi32> to vector<64x128xf32>
    %mul3A = arith.constant 1.280000e+02 : f32
    %mul3A_2 = vector.broadcast %mul3A : f32 to vector<64x128xf32>
    %mul3A_3 = arith.mulf %convert_element_type3A, %mul3A_2 : vector<64x128xf32>
    %add3A = arith.addf %mul3A_3, %convert_element_type3A_1 : vector<64x128xf32>
    %iota3A_4 = tpu.iota {dimensions = array<i32: 1>} : vector<1x128xi32>
    %convert_element_type3A_5 = arith.sitofp %iota3A_4 : vector<1x128xi32> to vector<1x128xf32>
    %broadcast_in_dim3A = arith.constant 0.000000e+00 : f32
    %broadcast_in_dim3A_6 = vector.broadcast %broadcast_in_dim3A : f32 to vector<1x128xf32>
    %get3A = arith.constant 0 : index
    %get3A_7 = arith.constant 0 : index
    %get3A_8 = arith.constant 0 : index
    %get3A_9 = vector.load %arg1[%get3A, %get3A_7, %get3A_8] : memref<4x64x128xf32, #tpu.memory_space<vmem>>, vector<1x64x128xf32>
    %get3A_10 = vector.shape_cast %get3A_9 : vector<1x64x128xf32> to vector<64x128xf32>
    %get3A_11 = arith.constant 0 : index
    %get3A_12 = arith.constant 0 : index
    %get3A_13 = arith.constant 0 : index
    %get3A_14 = vector.load %arg2[%get3A_11, %get3A_12, %get3A_13] : memref<4x64x128xf32, #tpu.memory_space<vmem>>, vector<1x64x128xf32>
    %get3A_15 = vector.shape_cast %get3A_14 : vector<1x64x128xf32> to vector<64x128xf32>
    %get3A_16 = arith.constant 0 : index
    %get3A_17 = arith.constant 0 : index
    %get3A_18 = arith.constant 0 : index
    %get3A_19 = vector.load %arg3[%get3A_16, %get3A_17, %get3A_18] : memref<4x64x128xf32, #tpu.memory_space<vmem>>, vector<1x64x128xf32>
    %get3A_20 = vector.shape_cast %get3A_19 : vector<1x64x128xf32> to vector<64x128xf32>
    %get3A_21 = arith.constant 0 : index
    %get3A_22 = arith.constant 0 : index
    %get3A_23 = memref.load %arg0[%get3A_21, %get3A_22] : memref<4x1xf32, #tpu.memory_space<smem>>
    %slice3A = vector.extract_strided_slice %get3A_10 {offsets = [0, 0], sizes = [1, 1], strides = [1, 1]} : vector<64x128xf32> to vector<1x1xf32>
    %slice3A_24 = vector.extract_strided_slice %get3A_15 {offsets = [0, 0], sizes = [1, 1], strides = [1, 1]} : vector<64x128xf32> to vector<1x1xf32>
    %slice3A_25 = vector.extract_strided_slice %get3A_20 {offsets = [0, 0], sizes = [1, 1], strides = [1, 1]} : vector<64x128xf32> to vector<1x1xf32>
    %sub3A = vector.broadcast %slice3A : vector<1x1xf32> to vector<64x128xf32>
    %sub3A_26 = arith.subf %get3A_10, %sub3A : vector<64x128xf32>
    %integer_pow3A = arith.mulf %sub3A_26, %sub3A_26 : vector<64x128xf32>
    %sub3A_27 = vector.broadcast %slice3A_24 : vector<1x1xf32> to vector<64x128xf32>
    %sub3A_28 = arith.subf %get3A_15, %sub3A_27 : vector<64x128xf32>
    %integer_pow3A_29 = arith.mulf %sub3A_28, %sub3A_28 : vector<64x128xf32>
    %add3A_30 = arith.addf %integer_pow3A, %integer_pow3A_29 : vector<64x128xf32>
    %sub3A_31 = vector.broadcast %slice3A_25 : vector<1x1xf32> to vector<64x128xf32>
    %sub3A_32 = arith.subf %get3A_20, %sub3A_31 : vector<64x128xf32>
    %integer_pow3A_33 = arith.mulf %sub3A_32, %sub3A_32 : vector<64x128xf32>
    %add3A_34 = arith.addf %add3A_30, %integer_pow3A_33 : vector<64x128xf32>
    %lt3A = vector.broadcast %get3A_23 : f32 to vector<64x128xf32>
    %lt3A_35 = arith.cmpf olt, %add3A, %lt3A : vector<64x128xf32>
    %jit3A = arith.constant 0xFF800000 : f32
    %broadcast_in_dim3A_36 = vector.broadcast %jit3A : f32 to vector<64x128xf32>
    %select_n3A = arith.select %lt3A_35, %add3A_34, %broadcast_in_dim3A_36 : vector<64x128xi1>, vector<64x128xf32>
    %swap3A = arith.constant 0 : index
    %swap3A_37 = arith.constant 0 : index
    %swap3A_38 = arith.constant 0 : index
    %swap3A_39 = vector.load %arg7[%swap3A, %swap3A_37, %swap3A_38] : memref<4x64x128xf32, #tpu.memory_space<vmem>>, vector<1x64x128xf32>
    %swap3A_40 = vector.shape_cast %swap3A_39 : vector<1x64x128xf32> to vector<64x128xf32>
    %swap3A_41 = vector.shape_cast %select_n3A : vector<64x128xf32> to vector<1x64x128xf32>
    tpu.vector_store %arg7[%swap3A, %swap3A_37, %swap3A_38], %swap3A_41 {strides = array<i32>} : memref<4x64x128xf32, #tpu.memory_space<vmem>>, vector<1x64x128xf32>,
    %eq3A = arith.constant 0.000000e+00 : f32
    %eq3A_42 = vector.broadcast %eq3A : f32 to vector<1x128xf32>
    %eq3A_43 = arith.cmpf oeq, %convert_element_type3A_5, %eq3A_42 : vector<1x128xf32>
    %broadcast_in_dim3A_44 = vector.shape_cast %slice3A : vector<1x1xf32> to vector<1x1xf32>
    %broadcast_in_dim3A_45 = vector.broadcast %broadcast_in_dim3A_44 : vector<1x1xf32> to vector<1x128xf32>
    %jit3A_46 = arith.constant 0.000000e+00 : f32
    %broadcast_in_dim3A_47 = vector.broadcast %jit3A_46 : f32 to vector<1x128xf32>
    %select_n3A_48 = arith.select %eq3A_43, %broadcast_in_dim3A_45, %broadcast_in_dim3A_47 : vector<1x128xi1>, vector<1x128xf32>
    %eq3A_49 = arith.constant 0.000000e+00 : f32
    %eq3A_50 = vector.broadcast %eq3A_49 : f32 to vector<1x128xf32>
    %eq3A_51 = arith.cmpf oeq, %convert_element_type3A_5, %eq3A_50 : vector<1x128xf32>
    %broadcast_in_dim3A_52 = vector.shape_cast %slice3A_24 : vector<1x1xf32> to vector<1x1xf32>
    %broadcast_in_dim3A_53 = vector.broadcast %broadcast_in_dim3A_52 : vector<1x1xf32> to vector<1x128xf32>
    %jit3A_54 = arith.constant 0.000000e+00 : f32
    %broadcast_in_dim3A_55 = vector.broadcast %jit3A_54 : f32 to vector<1x128xf32>
    %select_n3A_56 = arith.select %eq3A_51, %broadcast_in_dim3A_53, %broadcast_in_dim3A_55 : vector<1x128xi1>, vector<1x128xf32>
    %eq3A_57 = arith.constant 0.000000e+00 : f32
    %eq3A_58 = vector.broadcast %eq3A_57 : f32 to vector<1x128xf32>
    %eq3A_59 = arith.cmpf oeq, %convert_element_type3A_5, %eq3A_58 : vector<1x128xf32>
    %broadcast_in_dim3A_60 = vector.shape_cast %slice3A_25 : vector<1x1xf32> to vector<1x1xf32>
    %broadcast_in_dim3A_61 = vector.broadcast %broadcast_in_dim3A_60 : vector<1x1xf32> to vector<1x128xf32>
    %jit3A_62 = arith.constant 0.000000e+00 : f32
    %broadcast_in_dim3A_63 = vector.broadcast %jit3A_62 : f32 to vector<1x128xf32>
    %select_n3A_64 = arith.select %eq3A_59, %broadcast_in_dim3A_61, %broadcast_in_dim3A_63 : vector<1x128xi1>, vector<1x128xf32>
    %get3A_65 = arith.constant 1 : index
    %get3A_66 = arith.constant 0 : index
    %get3A_67 = arith.constant 0 : index
    %get3A_68 = vector.load %arg1[%get3A_65, %get3A_66, %get3A_67] : memref<4x64x128xf32, #tpu.memory_space<vmem>>, vector<1x64x128xf32>
    %get3A_69 = vector.shape_cast %get3A_68 : vector<1x64x128xf32> to vector<64x128xf32>
    %get3A_70 = arith.constant 1 : index
    %get3A_71 = arith.constant 0 : index
    %get3A_72 = arith.constant 0 : index
    %get3A_73 = vector.load %arg2[%get3A_70, %get3A_71, %get3A_72] : memref<4x64x128xf32, #tpu.memory_space<vmem>>, vector<1x64x128xf32>
    %get3A_74 = vector.shape_cast %get3A_73 : vector<1x64x128xf32> to vector<64x128xf32>
    %get3A_75 = arith.constant 1 : index
    %get3A_76 = arith.constant 0 : index
    %get3A_77 = arith.constant 0 : index
    %get3A_78 = vector.load %arg3[%get3A_75, %get3A_76, %get3A_77] : memref<4x64x128xf32, #tpu.memory_space<vmem>>, vector<1x64x128xf32>
    %get3A_79 = vector.shape_cast %get3A_78 : vector<1x64x128xf32> to vector<64x128xf32>
    %get3A_80 = arith.constant 1 : index
    %get3A_81 = arith.constant 0 : index
    %get3A_82 = memref.load %arg0[%get3A_80, %get3A_81] : memref<4x1xf32, #tpu.memory_space<smem>>
    %slice3A_83 = vector.extract_strided_slice %get3A_69 {offsets = [0, 0], sizes = [1, 1], strides = [1, 1]} : vector<64x128xf32> to vector<1x1xf32>
    %slice3A_84 = vector.extract_strided_slice %get3A_74 {offsets = [0, 0], sizes = [1, 1], strides = [1, 1]} : vector<64x128xf32> to vector<1x1xf32>
    %slice3A_85 = vector.extract_strided_slice %get3A_79 {offsets = [0, 0], sizes = [1, 1], strides = [1, 1]} : vector<64x128xf32> to vector<1x1xf32>
    %sub3A_86 = vector.broadcast %slice3A_83 : vector<1x1xf32> to vector<64x128xf32>
    %sub3A_87 = arith.subf %get3A_69, %sub3A_86 : vector<64x128xf32>
    %integer_pow3A_88 = arith.mulf %sub3A_87, %sub3A_87 : vector<64x128xf32>
    %sub3A_89 = vector.broadcast %slice3A_84 : vector<1x1xf32> to vector<64x128xf32>
    %sub3A_90 = arith.subf %get3A_74, %sub3A_89 : vector<64x128xf32>
    %integer_pow3A_91 = arith.mulf %sub3A_90, %sub3A_90 : vector<64x128xf32>
    %add3A_92 = arith.addf %integer_pow3A_88, %integer_pow3A_91 : vector<64x128xf32>
    %sub3A_93 = vector.broadcast %slice3A_85 : vector<1x1xf32> to vector<64x128xf32>
    %sub3A_94 = arith.subf %get3A_79, %sub3A_93 : vector<64x128xf32>
    %integer_pow3A_95 = arith.mulf %sub3A_94, %sub3A_94 : vector<64x128xf32>
    %add3A_96 = arith.addf %add3A_92, %integer_pow3A_95 : vector<64x128xf32>
    %lt3A_97 = vector.broadcast %get3A_82 : f32 to vector<64x128xf32>
    %lt3A_98 = arith.cmpf olt, %add3A, %lt3A_97 : vector<64x128xf32>
    %jit3A_99 = arith.constant 0xFF800000 : f32
    %broadcast_in_dim3A_100 = vector.broadcast %jit3A_99 : f32 to vector<64x128xf32>
    %select_n3A_101 = arith.select %lt3A_98, %add3A_96, %broadcast_in_dim3A_100 : vector<64x128xi1>, vector<64x128xf32>
    %swap3A_102 = arith.constant 1 : index
    %swap3A_103 = arith.constant 0 : index
    %swap3A_104 = arith.constant 0 : index
    %swap3A_105 = vector.load %arg7[%swap3A_102, %swap3A_103, %swap3A_104] : memref<4x64x128xf32, #tpu.memory_space<vmem>>, vector<1x64x128xf32>
    %swap3A_106 = vector.shape_cast %swap3A_105 : vector<1x64x128xf32> to vector<64x128xf32>
    %swap3A_107 = vector.shape_cast %select_n3A_101 : vector<64x128xf32> to vector<1x64x128xf32>
    tpu.vector_store %arg7[%swap3A_102, %swap3A_103, %swap3A_104], %swap3A_107 {strides = array<i32>} : memref<4x64x128xf32, #tpu.memory_space<vmem>>, vector<1x64x128xf32>,
    %eq3A_108 = arith.constant 0.000000e+00 : f32
    %eq3A_109 = vector.broadcast %eq3A_108 : f32 to vector<1x128xf32>
    %eq3A_110 = arith.cmpf oeq, %convert_element_type3A_5, %eq3A_109 : vector<1x128xf32>
    %broadcast_in_dim3A_111 = vector.shape_cast %slice3A_83 : vector<1x1xf32> to vector<1x1xf32>
    %broadcast_in_dim3A_112 = vector.broadcast %broadcast_in_dim3A_111 : vector<1x1xf32> to vector<1x128xf32>
    %jit3A_113 = arith.constant 0.000000e+00 : f32
    %broadcast_in_dim3A_114 = vector.broadcast %jit3A_113 : f32 to vector<1x128xf32>
    %select_n3A_115 = arith.select %eq3A_110, %broadcast_in_dim3A_112, %broadcast_in_dim3A_114 : vector<1x128xi1>, vector<1x128xf32>
    %eq3A_116 = arith.constant 0.000000e+00 : f32
    %eq3A_117 = vector.broadcast %eq3A_116 : f32 to vector<1x128xf32>
    %eq3A_118 = arith.cmpf oeq, %convert_element_type3A_5, %eq3A_117 : vector<1x128xf32>
    %broadcast_in_dim3A_119 = vector.shape_cast %slice3A_84 : vector<1x1xf32> to vector<1x1xf32>
    %broadcast_in_dim3A_120 = vector.broadcast %broadcast_in_dim3A_119 : vector<1x1xf32> to vector<1x128xf32>
    %jit3A_121 = arith.constant 0.000000e+00 : f32
    %broadcast_in_dim3A_122 = vector.broadcast %jit3A_121 : f32 to vector<1x128xf32>
    %select_n3A_123 = arith.select %eq3A_118, %broadcast_in_dim3A_120, %broadcast_in_dim3A_122 : vector<1x128xi1>, vector<1x128xf32>
    %eq3A_124 = arith.constant 0.000000e+00 : f32
    %eq3A_125 = vector.broadcast %eq3A_124 : f32 to vector<1x128xf32>
    %eq3A_126 = arith.cmpf oeq, %convert_element_type3A_5, %eq3A_125 : vector<1x128xf32>
    %broadcast_in_dim3A_127 = vector.shape_cast %slice3A_85 : vector<1x1xf32> to vector<1x1xf32>
    %broadcast_in_dim3A_128 = vector.broadcast %broadcast_in_dim3A_127 : vector<1x1xf32> to vector<1x128xf32>
    %jit3A_129 = arith.constant 0.000000e+00 : f32
    %broadcast_in_dim3A_130 = vector.broadcast %jit3A_129 : f32 to vector<1x128xf32>
    %select_n3A_131 = arith.select %eq3A_126, %broadcast_in_dim3A_128, %broadcast_in_dim3A_130 : vector<1x128xi1>, vector<1x128xf32>
    %get3A_132 = arith.constant 2 : index
    %get3A_133 = arith.constant 0 : index
    %get3A_134 = arith.constant 0 : index
    %get3A_135 = vector.load %arg1[%get3A_132, %get3A_133, %get3A_134] : memref<4x64x128xf32, #tpu.memory_space<vmem>>, vector<1x64x128xf32>
    %get3A_136 = vector.shape_cast %get3A_135 : vector<1x64x128xf32> to vector<64x128xf32>
    %get3A_137 = arith.constant 2 : index
    %get3A_138 = arith.constant 0 : index
    %get3A_139 = arith.constant 0 : index
    %get3A_140 = vector.load %arg2[%get3A_137, %get3A_138, %get3A_139] : memref<4x64x128xf32, #tpu.memory_space<vmem>>, vector<1x64x128xf32>
    %get3A_141 = vector.shape_cast %get3A_140 : vector<1x64x128xf32> to vector<64x128xf32>
    %get3A_142 = arith.constant 2 : index
    %get3A_143 = arith.constant 0 : index
    %get3A_144 = arith.constant 0 : index
    %get3A_145 = vector.load %arg3[%get3A_142, %get3A_143, %get3A_144] : memref<4x64x128xf32, #tpu.memory_space<vmem>>, vector<1x64x128xf32>
    %get3A_146 = vector.shape_cast %get3A_145 : vector<1x64x128xf32> to vector<64x128xf32>
    %get3A_147 = arith.constant 2 : index
    %get3A_148 = arith.constant 0 : index
    %get3A_149 = memref.load %arg0[%get3A_147, %get3A_148] : memref<4x1xf32, #tpu.memory_space<smem>>
    %slice3A_150 = vector.extract_strided_slice %get3A_136 {offsets = [0, 0], sizes = [1, 1], strides = [1, 1]} : vector<64x128xf32> to vector<1x1xf32>
    %slice3A_151 = vector.extract_strided_slice %get3A_141 {offsets = [0, 0], sizes = [1, 1], strides = [1, 1]} : vector<64x128xf32> to vector<1x1xf32>
    %slice3A_152 = vector.extract_strided_slice %get3A_146 {offsets = [0, 0], sizes = [1, 1], strides = [1, 1]} : vector<64x128xf32> to vector<1x1xf32>
    %sub3A_153 = vector.broadcast %slice3A_150 : vector<1x1xf32> to vector<64x128xf32>
    %sub3A_154 = arith.subf %get3A_136, %sub3A_153 : vector<64x128xf32>
    %integer_pow3A_155 = arith.mulf %sub3A_154, %sub3A_154 : vector<64x128xf32>
    %sub3A_156 = vector.broadcast %slice3A_151 : vector<1x1xf32> to vector<64x128xf32>
    %sub3A_157 = arith.subf %get3A_141, %sub3A_156 : vector<64x128xf32>
    %integer_pow3A_158 = arith.mulf %sub3A_157, %sub3A_157 : vector<64x128xf32>
    %add3A_159 = arith.addf %integer_pow3A_155, %integer_pow3A_158 : vector<64x128xf32>
    %sub3A_160 = vector.broadcast %slice3A_152 : vector<1x1xf32> to vector<64x128xf32>
    %sub3A_161 = arith.subf %get3A_146, %sub3A_160 : vector<64x128xf32>
    %integer_pow3A_162 = arith.mulf %sub3A_161, %sub3A_161 : vector<64x128xf32>
    %add3A_163 = arith.addf %add3A_159, %integer_pow3A_162 : vector<64x128xf32>
    %lt3A_164 = vector.broadcast %get3A_149 : f32 to vector<64x128xf32>
    %lt3A_165 = arith.cmpf olt, %add3A, %lt3A_164 : vector<64x128xf32>
    %jit3A_166 = arith.constant 0xFF800000 : f32
    %broadcast_in_dim3A_167 = vector.broadcast %jit3A_166 : f32 to vector<64x128xf32>
    %select_n3A_168 = arith.select %lt3A_165, %add3A_163, %broadcast_in_dim3A_167 : vector<64x128xi1>, vector<64x128xf32>
    %swap3A_169 = arith.constant 2 : index
    %swap3A_170 = arith.constant 0 : index
    %swap3A_171 = arith.constant 0 : index
    %swap3A_172 = vector.load %arg7[%swap3A_169, %swap3A_170, %swap3A_171] : memref<4x64x128xf32, #tpu.memory_space<vmem>>, vector<1x64x128xf32>
    %swap3A_173 = vector.shape_cast %swap3A_172 : vector<1x64x128xf32> to vector<64x128xf32>
    %swap3A_174 = vector.shape_cast %select_n3A_168 : vector<64x128xf32> to vector<1x64x128xf32>
    tpu.vector_store %arg7[%swap3A_169, %swap3A_170, %swap3A_171], %swap3A_174 {strides = array<i32>} : memref<4x64x128xf32, #tpu.memory_space<vmem>>, vector<1x64x128xf32>,
    %eq3A_175 = arith.constant 0.000000e+00 : f32
    %eq3A_176 = vector.broadcast %eq3A_175 : f32 to vector<1x128xf32>
    %eq3A_177 = arith.cmpf oeq, %convert_element_type3A_5, %eq3A_176 : vector<1x128xf32>
    %broadcast_in_dim3A_178 = vector.shape_cast %slice3A_150 : vector<1x1xf32> to vector<1x1xf32>
    %broadcast_in_dim3A_179 = vector.broadcast %broadcast_in_dim3A_178 : vector<1x1xf32> to vector<1x128xf32>
    %jit3A_180 = arith.constant 0.000000e+00 : f32
    %broadcast_in_dim3A_181 = vector.broadcast %jit3A_180 : f32 to vector<1x128xf32>
    %select_n3A_182 = arith.select %eq3A_177, %broadcast_in_dim3A_179, %broadcast_in_dim3A_181 : vector<1x128xi1>, vector<1x128xf32>
    %eq3A_183 = arith.constant 0.000000e+00 : f32
    %eq3A_184 = vector.broadcast %eq3A_183 : f32 to vector<1x128xf32>
    %eq3A_185 = arith.cmpf oeq, %convert_element_type3A_5, %eq3A_184 : vector<1x128xf32>
    %broadcast_in_dim3A_186 = vector.shape_cast %slice3A_151 : vector<1x1xf32> to vector<1x1xf32>
    %broadcast_in_dim3A_187 = vector.broadcast %broadcast_in_dim3A_186 : vector<1x1xf32> to vector<1x128xf32>
    %jit3A_188 = arith.constant 0.000000e+00 : f32
    %broadcast_in_dim3A_189 = vector.broadcast %jit3A_188 : f32 to vector<1x128xf32>
    %select_n3A_190 = arith.select %eq3A_185, %broadcast_in_dim3A_187, %broadcast_in_dim3A_189 : vector<1x128xi1>, vector<1x128xf32>
    %eq3A_191 = arith.constant 0.000000e+00 : f32
    %eq3A_192 = vector.broadcast %eq3A_191 : f32 to vector<1x128xf32>
    %eq3A_193 = arith.cmpf oeq, %convert_element_type3A_5, %eq3A_192 : vector<1x128xf32>
    %broadcast_in_dim3A_194 = vector.shape_cast %slice3A_152 : vector<1x1xf32> to vector<1x1xf32>
    %broadcast_in_dim3A_195 = vector.broadcast %broadcast_in_dim3A_194 : vector<1x1xf32> to vector<1x128xf32>
    %jit3A_196 = arith.constant 0.000000e+00 : f32
    %broadcast_in_dim3A_197 = vector.broadcast %jit3A_196 : f32 to vector<1x128xf32>
    %select_n3A_198 = arith.select %eq3A_193, %broadcast_in_dim3A_195, %broadcast_in_dim3A_197 : vector<1x128xi1>, vector<1x128xf32>
    %get3A_199 = arith.constant 3 : index
    %get3A_200 = arith.constant 0 : index
    %get3A_201 = arith.constant 0 : index
    %get3A_202 = vector.load %arg1[%get3A_199, %get3A_200, %get3A_201] : memref<4x64x128xf32, #tpu.memory_space<vmem>>, vector<1x64x128xf32>
    %get3A_203 = vector.shape_cast %get3A_202 : vector<1x64x128xf32> to vector<64x128xf32>
    %get3A_204 = arith.constant 3 : index
    %get3A_205 = arith.constant 0 : index
    %get3A_206 = arith.constant 0 : index
    %get3A_207 = vector.load %arg2[%get3A_204, %get3A_205, %get3A_206] : memref<4x64x128xf32, #tpu.memory_space<vmem>>, vector<1x64x128xf32>
    %get3A_208 = vector.shape_cast %get3A_207 : vector<1x64x128xf32> to vector<64x128xf32>
    %get3A_209 = arith.constant 3 : index
    %get3A_210 = arith.constant 0 : index
    %get3A_211 = arith.constant 0 : index
    %get3A_212 = vector.load %arg3[%get3A_209, %get3A_210, %get3A_211] : memref<4x64x128xf32, #tpu.memory_space<vmem>>, vector<1x64x128xf32>
    %get3A_213 = vector.shape_cast %get3A_212 : vector<1x64x128xf32> to vector<64x128xf32>
    %get3A_214 = arith.constant 3 : index
    %get3A_215 = arith.constant 0 : index
    %get3A_216 = memref.load %arg0[%get3A_214, %get3A_215] : memref<4x1xf32, #tpu.memory_space<smem>>
    %slice3A_217 = vector.extract_strided_slice %get3A_203 {offsets = [0, 0], sizes = [1, 1], strides = [1, 1]} : vector<64x128xf32> to vector<1x1xf32>
    %slice3A_218 = vector.extract_strided_slice %get3A_208 {offsets = [0, 0], sizes = [1, 1], strides = [1, 1]} : vector<64x128xf32> to vector<1x1xf32>
    %slice3A_219 = vector.extract_strided_slice %get3A_213 {offsets = [0, 0], sizes = [1, 1], strides = [1, 1]} : vector<64x128xf32> to vector<1x1xf32>
    %sub3A_220 = vector.broadcast %slice3A_217 : vector<1x1xf32> to vector<64x128xf32>
    %sub3A_221 = arith.subf %get3A_203, %sub3A_220 : vector<64x128xf32>
    %integer_pow3A_222 = arith.mulf %sub3A_221, %sub3A_221 : vector<64x128xf32>
    %sub3A_223 = vector.broadcast %slice3A_218 : vector<1x1xf32> to vector<64x128xf32>
    %sub3A_224 = arith.subf %get3A_208, %sub3A_223 : vector<64x128xf32>
    %integer_pow3A_225 = arith.mulf %sub3A_224, %sub3A_224 : vector<64x128xf32>
    %add3A_226 = arith.addf %integer_pow3A_222, %integer_pow3A_225 : vector<64x128xf32>
    %sub3A_227 = vector.broadcast %slice3A_219 : vector<1x1xf32> to vector<64x128xf32>
    %sub3A_228 = arith.subf %get3A_213, %sub3A_227 : vector<64x128xf32>
    %integer_pow3A_229 = arith.mulf %sub3A_228, %sub3A_228 : vector<64x128xf32>
    %add3A_230 = arith.addf %add3A_226, %integer_pow3A_229 : vector<64x128xf32>
    %lt3A_231 = vector.broadcast %get3A_216 : f32 to vector<64x128xf32>
    %lt3A_232 = arith.cmpf olt, %add3A, %lt3A_231 : vector<64x128xf32>
    %jit3A_233 = arith.constant 0xFF800000 : f32
    %broadcast_in_dim3A_234 = vector.broadcast %jit3A_233 : f32 to vector<64x128xf32>
    %select_n3A_235 = arith.select %lt3A_232, %add3A_230, %broadcast_in_dim3A_234 : vector<64x128xi1>, vector<64x128xf32>
    %swap3A_236 = arith.constant 3 : index
    %swap3A_237 = arith.constant 0 : index
    %swap3A_238 = arith.constant 0 : index
    %swap3A_239 = vector.load %arg7[%swap3A_236, %swap3A_237, %swap3A_238] : memref<4x64x128xf32, #tpu.memory_space<vmem>>, vector<1x64x128xf32>
    %swap3A_240 = vector.shape_cast %swap3A_239 : vector<1x64x128xf32> to vector<64x128xf32>
    %swap3A_241 = vector.shape_cast %select_n3A_235 : vector<64x128xf32> to vector<1x64x128xf32>
    tpu.vector_store %arg7[%swap3A_236, %swap3A_237, %swap3A_238], %swap3A_241 {strides = array<i32>} : memref<4x64x128xf32, #tpu.memory_space<vmem>>, vector<1x64x128xf32>,
    %eq3A_242 = arith.constant 0.000000e+00 : f32
    %eq3A_243 = vector.broadcast %eq3A_242 : f32 to vector<1x128xf32>
    %eq3A_244 = arith.cmpf oeq, %convert_element_type3A_5, %eq3A_243 : vector<1x128xf32>
    %broadcast_in_dim3A_245 = vector.shape_cast %slice3A_217 : vector<1x1xf32> to vector<1x1xf32>
    %broadcast_in_dim3A_246 = vector.broadcast %broadcast_in_dim3A_245 : vector<1x1xf32> to vector<1x128xf32>
    %jit3A_247 = arith.constant 0.000000e+00 : f32
    %broadcast_in_dim3A_248 = vector.broadcast %jit3A_247 : f32 to vector<1x128xf32>
    %select_n3A_249 = arith.select %eq3A_244, %broadcast_in_dim3A_246, %broadcast_in_dim3A_248 : vector<1x128xi1>, vector<1x128xf32>
    %eq3A_250 = arith.constant 0.000000e+00 : f32
    %eq3A_251 = vector.broadcast %eq3A_250 : f32 to vector<1x128xf32>
    %eq3A_252 = arith.cmpf oeq, %convert_element_type3A_5, %eq3A_251 : vector<1x128xf32>
    %broadcast_in_dim3A_253 = vector.shape_cast %slice3A_218 : vector<1x1xf32> to vector<1x1xf32>
    %broadcast_in_dim3A_254 = vector.broadcast %broadcast_in_dim3A_253 : vector<1x1xf32> to vector<1x128xf32>
    %jit3A_255 = arith.constant 0.000000e+00 : f32
    %broadcast_in_dim3A_256 = vector.broadcast %jit3A_255 : f32 to vector<1x128xf32>
    %select_n3A_257 = arith.select %eq3A_252, %broadcast_in_dim3A_254, %broadcast_in_dim3A_256 : vector<1x128xi1>, vector<1x128xf32>
    %eq3A_258 = arith.constant 0.000000e+00 : f32
    %eq3A_259 = vector.broadcast %eq3A_258 : f32 to vector<1x128xf32>
    %eq3A_260 = arith.cmpf oeq, %convert_element_type3A_5, %eq3A_259 : vector<1x128xf32>
    %broadcast_in_dim3A_261 = vector.shape_cast %slice3A_219 : vector<1x1xf32> to vector<1x1xf32>
    %broadcast_in_dim3A_262 = vector.broadcast %broadcast_in_dim3A_261 : vector<1x1xf32> to vector<1x128xf32>
    %jit3A_263 = arith.constant 0.000000e+00 : f32
    %broadcast_in_dim3A_264 = vector.broadcast %jit3A_263 : f32 to vector<1x128xf32>
    %select_n3A_265 = arith.select %eq3A_260, %broadcast_in_dim3A_262, %broadcast_in_dim3A_264 : vector<1x128xi1>, vector<1x128xf32>
    %scan3A = arith.constant 1 : i32
    %scan3A_266 = arith.constant 255 : i32
    %scan3A_267 = arith.addi %scan3A, %scan3A_266 : i32
    %scan3A_268 = arith.constant 1 : i32
    %scan3A_269:24 = scf.for %scan3A_415 = %scan3A to %scan3A_267 step %scan3A_268 iter_args(%scan3A_416 = %select_n3A_48, %scan3A_417 = %broadcast_in_dim3A_6, %scan3A_418 = %select_n3A_56, %scan3A_419 = %broadcast_in_dim3A_6, %scan3A_420 = %select_n3A_64, %scan3A_421 = %broadcast_in_dim3A_6, %scan3A_422 = %select_n3A_115, %scan3A_423 = %broadcast_in_dim3A_6, %scan3A_424 = %select_n3A_123, %scan3A_425 = %broadcast_in_dim3A_6, %scan3A_426 = %select_n3A_131, %scan3A_427 = %broadcast_in_dim3A_6, %scan3A_428 = %select_n3A_182, %scan3A_429 = %broadcast_in_dim3A_6, %scan3A_430 = %select_n3A_190, %scan3A_431 = %broadcast_in_dim3A_6, %scan3A_432 = %select_n3A_198, %scan3A_433 = %broadcast_in_dim3A_6, %scan3A_434 = %select_n3A_249, %scan3A_435 = %broadcast_in_dim3A_6, %scan3A_436 = %select_n3A_257, %scan3A_437 = %broadcast_in_dim3A_6, %scan3A_438 = %select_n3A_265, %scan3A_439 = %broadcast_in_dim3A_6) -> (vector<1x128xf32>, vector<1x128xf32>, vector<1x128xf32>, vector<1x128xf32>, vector<1x128xf32>, vector<1x128xf32>, vector<1x128xf32>, vector<1x128xf32>, vector<1x128xf32>, vector<1x128xf32>, vector<1x128xf32>, vector<1x128xf32>, vector<1x128xf32>, vector<1x128xf32>, vector<1x128xf32>, vector<1x128xf32>, vector<1x128xf32>, vector<1x128xf32>, vector<1x128xf32>, vector<1x128xf32>, vector<1x128xf32>, vector<1x128xf32>, vector<1x128xf32>, vector<1x128xf32>)  : i32 {
      %convert_element_type3A_440 = arith.sitofp %scan3A_415 : i32 to f32
      %sub3A_441 = arith.constant 1.280000e+02 : f32
      %sub3A_442 = arith.subf %convert_element_type3A_440, %sub3A_441 : f32
      %get3A_443 = arith.constant 0 : index
      %get3A_444 = arith.constant 0 : index
      %get3A_445 = arith.constant 0 : index
      %get3A_446 = vector.load %arg7[%get3A_443, %get3A_444, %get3A_445] : memref<4x64x128xf32, #tpu.memory_space<vmem>>, vector<1x64x128xf32>
      %get3A_447 = vector.shape_cast %get3A_446 : vector<1x64x128xf32> to vector<64x128xf32>
      %get3A_448 = arith.constant 1 : index
      %get3A_449 = arith.constant 0 : index
      %get3A_450 = arith.constant 0 : index
      %get3A_451 = vector.load %arg7[%get3A_448, %get3A_449, %get3A_450] : memref<4x64x128xf32, #tpu.memory_space<vmem>>, vector<1x64x128xf32>
      %get3A_452 = vector.shape_cast %get3A_451 : vector<1x64x128xf32> to vector<64x128xf32>
      %get3A_453 = arith.constant 2 : index
      %get3A_454 = arith.constant 0 : index
      %get3A_455 = arith.constant 0 : index
      %get3A_456 = vector.load %arg7[%get3A_453, %get3A_454, %get3A_455] : memref<4x64x128xf32, #tpu.memory_space<vmem>>, vector<1x64x128xf32>
      %get3A_457 = vector.shape_cast %get3A_456 : vector<1x64x128xf32> to vector<64x128xf32>
      %get3A_458 = arith.constant 3 : index
      %get3A_459 = arith.constant 0 : index
      %get3A_460 = arith.constant 0 : index
      %get3A_461 = vector.load %arg7[%get3A_458, %get3A_459, %get3A_460] : memref<4x64x128xf32, #tpu.memory_space<vmem>>, vector<1x64x128xf32>
      %get3A_462 = vector.shape_cast %get3A_461 : vector<1x64x128xf32> to vector<64x128xf32>
      %reshape3A = vector.shape_cast %get3A_447 : vector<64x128xf32> to vector<8x8x128xf32>
      %slice3A_463 = vector.extract_strided_slice %reshape3A {offsets = [0, 0, 0], sizes = [1, 8, 128], strides = [1, 1, 1]} : vector<8x8x128xf32> to vector<1x8x128xf32>
      %squeeze3A = vector.shape_cast %slice3A_463 : vector<1x8x128xf32> to vector<8x128xf32>
      %slice3A_464 = vector.extract_strided_slice %reshape3A {offsets = [1, 0, 0], sizes = [1, 8, 128], strides = [1, 1, 1]} : vector<8x8x128xf32> to vector<1x8x128xf32>
      %squeeze3A_465 = vector.shape_cast %slice3A_464 : vector<1x8x128xf32> to vector<8x128xf32>
      %slice3A_466 = vector.extract_strided_slice %reshape3A {offsets = [2, 0, 0], sizes = [1, 8, 128], strides = [1, 1, 1]} : vector<8x8x128xf32> to vector<1x8x128xf32>
      %squeeze3A_467 = vector.shape_cast %slice3A_466 : vector<1x8x128xf32> to vector<8x128xf32>
      %slice3A_468 = vector.extract_strided_slice %reshape3A {offsets = [3, 0, 0], sizes = [1, 8, 128], strides = [1, 1, 1]} : vector<8x8x128xf32> to vector<1x8x128xf32>
      %squeeze3A_469 = vector.shape_cast %slice3A_468 : vector<1x8x128xf32> to vector<8x128xf32>
      %slice3A_470 = vector.extract_strided_slice %reshape3A {offsets = [4, 0, 0], sizes = [1, 8, 128], strides = [1, 1, 1]} : vector<8x8x128xf32> to vector<1x8x128xf32>
      %squeeze3A_471 = vector.shape_cast %slice3A_470 : vector<1x8x128xf32> to vector<8x128xf32>
      %slice3A_472 = vector.extract_strided_slice %reshape3A {offsets = [5, 0, 0], sizes = [1, 8, 128], strides = [1, 1, 1]} : vector<8x8x128xf32> to vector<1x8x128xf32>
      %squeeze3A_473 = vector.shape_cast %slice3A_472 : vector<1x8x128xf32> to vector<8x128xf32>
      %slice3A_474 = vector.extract_strided_slice %reshape3A {offsets = [6, 0, 0], sizes = [1, 8, 128], strides = [1, 1, 1]} : vector<8x8x128xf32> to vector<1x8x128xf32>
      %squeeze3A_475 = vector.shape_cast %slice3A_474 : vector<1x8x128xf32> to vector<8x128xf32>
      %slice3A_476 = vector.extract_strided_slice %reshape3A {offsets = [7, 0, 0], sizes = [1, 8, 128], strides = [1, 1, 1]} : vector<8x8x128xf32> to vector<1x8x128xf32>
      %squeeze3A_477 = vector.shape_cast %slice3A_476 : vector<1x8x128xf32> to vector<8x128xf32>
      %max3A = arith.maximumf %squeeze3A, %squeeze3A_465 : vector<8x128xf32>
      %max3A_478 = arith.maximumf %squeeze3A_467, %squeeze3A_469 : vector<8x128xf32>
      %max3A_479 = arith.maximumf %squeeze3A_471, %squeeze3A_473 : vector<8x128xf32>
      %max3A_480 = arith.maximumf %squeeze3A_475, %squeeze3A_477 : vector<8x128xf32>
      %max3A_481 = arith.maximumf %max3A, %max3A_478 : vector<8x128xf32>
      %max3A_482 = arith.maximumf %max3A_479, %max3A_480 : vector<8x128xf32>
      %max3A_483 = arith.maximumf %max3A_481, %max3A_482 : vector<8x128xf32>
      %roll3A = arith.constant 4 : i32
      %roll3A_484 = tpu.dynamic_rotate %max3A_483 by %roll3A dim 0 : vector<8x128xf32>, i32 -> vector<8x128xf32>
      %max3A_485 = arith.maximumf %max3A_483, %roll3A_484 : vector<8x128xf32>
      %roll3A_486 = arith.constant 2 : i32
      %roll3A_487 = tpu.dynamic_rotate %max3A_485 by %roll3A_486 dim 0 : vector<8x128xf32>, i32 -> vector<8x128xf32>
      %max3A_488 = arith.maximumf %max3A_485, %roll3A_487 : vector<8x128xf32>
      %roll3A_489 = arith.constant 1 : i32
      %roll3A_490 = tpu.dynamic_rotate %max3A_488 by %roll3A_489 dim 0 : vector<8x128xf32>, i32 -> vector<8x128xf32>
      %max3A_491 = arith.maximumf %max3A_488, %roll3A_490 : vector<8x128xf32>
      %slice3A_492 = vector.extract_strided_slice %max3A_491 {offsets = [0, 0], sizes = [1, 128], strides = [1, 1]} : vector<8x128xf32> to vector<1x128xf32>
      %reshape3A_493 = vector.shape_cast %get3A_452 : vector<64x128xf32> to vector<8x8x128xf32>
      %slice3A_494 = vector.extract_strided_slice %reshape3A_493 {offsets = [0, 0, 0], sizes = [1, 8, 128], strides = [1, 1, 1]} : vector<8x8x128xf32> to vector<1x8x128xf32>
      %squeeze3A_495 = vector.shape_cast %slice3A_494 : vector<1x8x128xf32> to vector<8x128xf32>
      %slice3A_496 = vector.extract_strided_slice %reshape3A_493 {offsets = [1, 0, 0], sizes = [1, 8, 128], strides = [1, 1, 1]} : vector<8x8x128xf32> to vector<1x8x128xf32>
      %squeeze3A_497 = vector.shape_cast %slice3A_496 : vector<1x8x128xf32> to vector<8x128xf32>
      %slice3A_498 = vector.extract_strided_slice %reshape3A_493 {offsets = [2, 0, 0], sizes = [1, 8, 128], strides = [1, 1, 1]} : vector<8x8x128xf32> to vector<1x8x128xf32>
      %squeeze3A_499 = vector.shape_cast %slice3A_498 : vector<1x8x128xf32> to vector<8x128xf32>
      %slice3A_500 = vector.extract_strided_slice %reshape3A_493 {offsets = [3, 0, 0], sizes = [1, 8, 128], strides = [1, 1, 1]} : vector<8x8x128xf32> to vector<1x8x128xf32>
      %squeeze3A_501 = vector.shape_cast %slice3A_500 : vector<1x8x128xf32> to vector<8x128xf32>
      %slice3A_502 = vector.extract_strided_slice %reshape3A_493 {offsets = [4, 0, 0], sizes = [1, 8, 128], strides = [1, 1, 1]} : vector<8x8x128xf32> to vector<1x8x128xf32>
      %squeeze3A_503 = vector.shape_cast %slice3A_502 : vector<1x8x128xf32> to vector<8x128xf32>
      %slice3A_504 = vector.extract_strided_slice %reshape3A_493 {offsets = [5, 0, 0], sizes = [1, 8, 128], strides = [1, 1, 1]} : vector<8x8x128xf32> to vector<1x8x128xf32>
      %squeeze3A_505 = vector.shape_cast %slice3A_504 : vector<1x8x128xf32> to vector<8x128xf32>
      %slice3A_506 = vector.extract_strided_slice %reshape3A_493 {offsets = [6, 0, 0], sizes = [1, 8, 128], strides = [1, 1, 1]} : vector<8x8x128xf32> to vector<1x8x128xf32>
      %squeeze3A_507 = vector.shape_cast %slice3A_506 : vector<1x8x128xf32> to vector<8x128xf32>
      %slice3A_508 = vector.extract_strided_slice %reshape3A_493 {offsets = [7, 0, 0], sizes = [1, 8, 128], strides = [1, 1, 1]} : vector<8x8x128xf32> to vector<1x8x128xf32>
      %squeeze3A_509 = vector.shape_cast %slice3A_508 : vector<1x8x128xf32> to vector<8x128xf32>
      %max3A_510 = arith.maximumf %squeeze3A_495, %squeeze3A_497 : vector<8x128xf32>
      %max3A_511 = arith.maximumf %squeeze3A_499, %squeeze3A_501 : vector<8x128xf32>
      %max3A_512 = arith.maximumf %squeeze3A_503, %squeeze3A_505 : vector<8x128xf32>
      %max3A_513 = arith.maximumf %squeeze3A_507, %squeeze3A_509 : vector<8x128xf32>
      %max3A_514 = arith.maximumf %max3A_510, %max3A_511 : vector<8x128xf32>
      %max3A_515 = arith.maximumf %max3A_512, %max3A_513 : vector<8x128xf32>
      %max3A_516 = arith.maximumf %max3A_514, %max3A_515 : vector<8x128xf32>
      %roll3A_517 = arith.constant 4 : i32
      %roll3A_518 = tpu.dynamic_rotate %max3A_516 by %roll3A_517 dim 0 : vector<8x128xf32>, i32 -> vector<8x128xf32>
      %max3A_519 = arith.maximumf %max3A_516, %roll3A_518 : vector<8x128xf32>
      %roll3A_520 = arith.constant 2 : i32
      %roll3A_521 = tpu.dynamic_rotate %max3A_519 by %roll3A_520 dim 0 : vector<8x128xf32>, i32 -> vector<8x128xf32>
      %max3A_522 = arith.maximumf %max3A_519, %roll3A_521 : vector<8x128xf32>
      %roll3A_523 = arith.constant 1 : i32
      %roll3A_524 = tpu.dynamic_rotate %max3A_522 by %roll3A_523 dim 0 : vector<8x128xf32>, i32 -> vector<8x128xf32>
      %max3A_525 = arith.maximumf %max3A_522, %roll3A_524 : vector<8x128xf32>
      %slice3A_526 = vector.extract_strided_slice %max3A_525 {offsets = [0, 0], sizes = [1, 128], strides = [1, 1]} : vector<8x128xf32> to vector<1x128xf32>
      %reshape3A_527 = vector.shape_cast %get3A_457 : vector<64x128xf32> to vector<8x8x128xf32>
      %slice3A_528 = vector.extract_strided_slice %reshape3A_527 {offsets = [0, 0, 0], sizes = [1, 8, 128], strides = [1, 1, 1]} : vector<8x8x128xf32> to vector<1x8x128xf32>
      %squeeze3A_529 = vector.shape_cast %slice3A_528 : vector<1x8x128xf32> to vector<8x128xf32>
      %slice3A_530 = vector.extract_strided_slice %reshape3A_527 {offsets = [1, 0, 0], sizes = [1, 8, 128], strides = [1, 1, 1]} : vector<8x8x128xf32> to vector<1x8x128xf32>
      %squeeze3A_531 = vector.shape_cast %slice3A_530 : vector<1x8x128xf32> to vector<8x128xf32>
      %slice3A_532 = vector.extract_strided_slice %reshape3A_527 {offsets = [2, 0, 0], sizes = [1, 8, 128], strides = [1, 1, 1]} : vector<8x8x128xf32> to vector<1x8x128xf32>
      %squeeze3A_533 = vector.shape_cast %slice3A_532 : vector<1x8x128xf32> to vector<8x128xf32>
      %slice3A_534 = vector.extract_strided_slice %reshape3A_527 {offsets = [3, 0, 0], sizes = [1, 8, 128], strides = [1, 1, 1]} : vector<8x8x128xf32> to vector<1x8x128xf32>
      %squeeze3A_535 = vector.shape_cast %slice3A_534 : vector<1x8x128xf32> to vector<8x128xf32>
      %slice3A_536 = vector.extract_strided_slice %reshape3A_527 {offsets = [4, 0, 0], sizes = [1, 8, 128], strides = [1, 1, 1]} : vector<8x8x128xf32> to vector<1x8x128xf32>
      %squeeze3A_537 = vector.shape_cast %slice3A_536 : vector<1x8x128xf32> to vector<8x128xf32>
      %slice3A_538 = vector.extract_strided_slice %reshape3A_527 {offsets = [5, 0, 0], sizes = [1, 8, 128], strides = [1, 1, 1]} : vector<8x8x128xf32> to vector<1x8x128xf32>
      %squeeze3A_539 = vector.shape_cast %slice3A_538 : vector<1x8x128xf32> to vector<8x128xf32>
      %slice3A_540 = vector.extract_strided_slice %reshape3A_527 {offsets = [6, 0, 0], sizes = [1, 8, 128], strides = [1, 1, 1]} : vector<8x8x128xf32> to vector<1x8x128xf32>
      %squeeze3A_541 = vector.shape_cast %slice3A_540 : vector<1x8x128xf32> to vector<8x128xf32>
      %slice3A_542 = vector.extract_strided_slice %reshape3A_527 {offsets = [7, 0, 0], sizes = [1, 8, 128], strides = [1, 1, 1]} : vector<8x8x128xf32> to vector<1x8x128xf32>
      %squeeze3A_543 = vector.shape_cast %slice3A_542 : vector<1x8x128xf32> to vector<8x128xf32>
      %max3A_544 = arith.maximumf %squeeze3A_529, %squeeze3A_531 : vector<8x128xf32>
      %max3A_545 = arith.maximumf %squeeze3A_533, %squeeze3A_535 : vector<8x128xf32>
      %max3A_546 = arith.maximumf %squeeze3A_537, %squeeze3A_539 : vector<8x128xf32>
      %max3A_547 = arith.maximumf %squeeze3A_541, %squeeze3A_543 : vector<8x128xf32>
      %max3A_548 = arith.maximumf %max3A_544, %max3A_545 : vector<8x128xf32>
      %max3A_549 = arith.maximumf %max3A_546, %max3A_547 : vector<8x128xf32>
      %max3A_550 = arith.maximumf %max3A_548, %max3A_549 : vector<8x128xf32>
      %roll3A_551 = arith.constant 4 : i32
      %roll3A_552 = tpu.dynamic_rotate %max3A_550 by %roll3A_551 dim 0 : vector<8x128xf32>, i32 -> vector<8x128xf32>
      %max3A_553 = arith.maximumf %max3A_550, %roll3A_552 : vector<8x128xf32>
      %roll3A_554 = arith.constant 2 : i32
      %roll3A_555 = tpu.dynamic_rotate %max3A_553 by %roll3A_554 dim 0 : vector<8x128xf32>, i32 -> vector<8x128xf32>
      %max3A_556 = arith.maximumf %max3A_553, %roll3A_555 : vector<8x128xf32>
      %roll3A_557 = arith.constant 1 : i32
      %roll3A_558 = tpu.dynamic_rotate %max3A_556 by %roll3A_557 dim 0 : vector<8x128xf32>, i32 -> vector<8x128xf32>
      %max3A_559 = arith.maximumf %max3A_556, %roll3A_558 : vector<8x128xf32>
      %slice3A_560 = vector.extract_strided_slice %max3A_559 {offsets = [0, 0], sizes = [1, 128], strides = [1, 1]} : vector<8x128xf32> to vector<1x128xf32>
      %reshape3A_561 = vector.shape_cast %get3A_462 : vector<64x128xf32> to vector<8x8x128xf32>
      %slice3A_562 = vector.extract_strided_slice %reshape3A_561 {offsets = [0, 0, 0], sizes = [1, 8, 128], strides = [1, 1, 1]} : vector<8x8x128xf32> to vector<1x8x128xf32>
      %squeeze3A_563 = vector.shape_cast %slice3A_562 : vector<1x8x128xf32> to vector<8x128xf32>
      %slice3A_564 = vector.extract_strided_slice %reshape3A_561 {offsets = [1, 0, 0], sizes = [1, 8, 128], strides = [1, 1, 1]} : vector<8x8x128xf32> to vector<1x8x128xf32>
      %squeeze3A_565 = vector.shape_cast %slice3A_564 : vector<1x8x128xf32> to vector<8x128xf32>
      %slice3A_566 = vector.extract_strided_slice %reshape3A_561 {offsets = [2, 0, 0], sizes = [1, 8, 128], strides = [1, 1, 1]} : vector<8x8x128xf32> to vector<1x8x128xf32>
      %squeeze3A_567 = vector.shape_cast %slice3A_566 : vector<1x8x128xf32> to vector<8x128xf32>
      %slice3A_568 = vector.extract_strided_slice %reshape3A_561 {offsets = [3, 0, 0], sizes = [1, 8, 128], strides = [1, 1, 1]} : vector<8x8x128xf32> to vector<1x8x128xf32>
      %squeeze3A_569 = vector.shape_cast %slice3A_568 : vector<1x8x128xf32> to vector<8x128xf32>
      %slice3A_570 = vector.extract_strided_slice %reshape3A_561 {offsets = [4, 0, 0], sizes = [1, 8, 128], strides = [1, 1, 1]} : vector<8x8x128xf32> to vector<1x8x128xf32>
      %squeeze3A_571 = vector.shape_cast %slice3A_570 : vector<1x8x128xf32> to vector<8x128xf32>
      %slice3A_572 = vector.extract_strided_slice %reshape3A_561 {offsets = [5, 0, 0], sizes = [1, 8, 128], strides = [1, 1, 1]} : vector<8x8x128xf32> to vector<1x8x128xf32>
      %squeeze3A_573 = vector.shape_cast %slice3A_572 : vector<1x8x128xf32> to vector<8x128xf32>
      %slice3A_574 = vector.extract_strided_slice %reshape3A_561 {offsets = [6, 0, 0], sizes = [1, 8, 128], strides = [1, 1, 1]} : vector<8x8x128xf32> to vector<1x8x128xf32>
      %squeeze3A_575 = vector.shape_cast %slice3A_574 : vector<1x8x128xf32> to vector<8x128xf32>
      %slice3A_576 = vector.extract_strided_slice %reshape3A_561 {offsets = [7, 0, 0], sizes = [1, 8, 128], strides = [1, 1, 1]} : vector<8x8x128xf32> to vector<1x8x128xf32>
      %squeeze3A_577 = vector.shape_cast %slice3A_576 : vector<1x8x128xf32> to vector<8x128xf32>
      %max3A_578 = arith.maximumf %squeeze3A_563, %squeeze3A_565 : vector<8x128xf32>
      %max3A_579 = arith.maximumf %squeeze3A_567, %squeeze3A_569 : vector<8x128xf32>
      %max3A_580 = arith.maximumf %squeeze3A_571, %squeeze3A_573 : vector<8x128xf32>
      %max3A_581 = arith.maximumf %squeeze3A_575, %squeeze3A_577 : vector<8x128xf32>
      %max3A_582 = arith.maximumf %max3A_578, %max3A_579 : vector<8x128xf32>
      %max3A_583 = arith.maximumf %max3A_580, %max3A_581 : vector<8x128xf32>
      %max3A_584 = arith.maximumf %max3A_582, %max3A_583 : vector<8x128xf32>
      %roll3A_585 = arith.constant 4 : i32
      %roll3A_586 = tpu.dynamic_rotate %max3A_584 by %roll3A_585 dim 0 : vector<8x128xf32>, i32 -> vector<8x128xf32>
      %max3A_587 = arith.maximumf %max3A_584, %roll3A_586 : vector<8x128xf32>
      %roll3A_588 = arith.constant 2 : i32
      %roll3A_589 = tpu.dynamic_rotate %max3A_587 by %roll3A_588 dim 0 : vector<8x128xf32>, i32 -> vector<8x128xf32>
      %max3A_590 = arith.maximumf %max3A_587, %roll3A_589 : vector<8x128xf32>
      %roll3A_591 = arith.constant 1 : i32
      %roll3A_592 = tpu.dynamic_rotate %max3A_590 by %roll3A_591 dim 0 : vector<8x128xf32>, i32 -> vector<8x128xf32>
      %max3A_593 = arith.maximumf %max3A_590, %roll3A_592 : vector<8x128xf32>
      %slice3A_594 = vector.extract_strided_slice %max3A_593 {offsets = [0, 0], sizes = [1, 128], strides = [1, 1]} : vector<8x128xf32> to vector<1x128xf32>
      %concatenate3A = tpu.concatenate %slice3A_492, %slice3A_526, %slice3A_560, %slice3A_594 in 0 : vector<1x128xf32>, vector<1x128xf32>, vector<1x128xf32>, vector<1x128xf32> -> vector<4x128xf32>
      %reduce_max3A = arith.constant dense<0xFF800000> : vector<4xf32>
      %reduce_max3A_595 = vector.multi_reduction <maximumf>, %concatenate3A, %reduce_max3A [1] : vector<4x128xf32> to vector<4xf32>
      %broadcast_in_dim3A_596 = vector.shape_cast %reduce_max3A_595 : vector<4xf32> to vector<4x1xf32>
      %slice3A_597 = vector.extract_strided_slice %broadcast_in_dim3A_596 {offsets = [0, 0], sizes = [1, 1], strides = [1, 1]} : vector<4x1xf32> to vector<1x1xf32>
      %broadcast_in_dim3A_598 = vector.shape_cast %slice3A_597 : vector<1x1xf32> to vector<1x1xf32>
      %broadcast_in_dim3A_599 = vector.broadcast %broadcast_in_dim3A_598 : vector<1x1xf32> to vector<64x128xf32>
      %eq3A_600 = arith.cmpf oeq, %get3A_447, %broadcast_in_dim3A_599 : vector<64x128xf32>
      %jit3A_601 = arith.constant 1.000000e+09 : f32
      %broadcast_in_dim3A_602 = vector.broadcast %jit3A_601 : f32 to vector<64x128xf32>
      %select_n3A_603 = arith.select %eq3A_600, %add3A, %broadcast_in_dim3A_602 : vector<64x128xi1>, vector<64x128xf32>
      %slice3A_604 = vector.extract_strided_slice %broadcast_in_dim3A_596 {offsets = [1, 0], sizes = [1, 1], strides = [1, 1]} : vector<4x1xf32> to vector<1x1xf32>
      %broadcast_in_dim3A_605 = vector.shape_cast %slice3A_604 : vector<1x1xf32> to vector<1x1xf32>
      %broadcast_in_dim3A_606 = vector.broadcast %broadcast_in_dim3A_605 : vector<1x1xf32> to vector<64x128xf32>
      %eq3A_607 = arith.cmpf oeq, %get3A_452, %broadcast_in_dim3A_606 : vector<64x128xf32>
      %jit3A_608 = arith.constant 1.000000e+09 : f32
      %broadcast_in_dim3A_609 = vector.broadcast %jit3A_608 : f32 to vector<64x128xf32>
      %select_n3A_610 = arith.select %eq3A_607, %add3A, %broadcast_in_dim3A_609 : vector<64x128xi1>, vector<64x128xf32>
      %slice3A_611 = vector.extract_strided_slice %broadcast_in_dim3A_596 {offsets = [2, 0], sizes = [1, 1], strides = [1, 1]} : vector<4x1xf32> to vector<1x1xf32>
      %broadcast_in_dim3A_612 = vector.shape_cast %slice3A_611 : vector<1x1xf32> to vector<1x1xf32>
      %broadcast_in_dim3A_613 = vector.broadcast %broadcast_in_dim3A_612 : vector<1x1xf32> to vector<64x128xf32>
      %eq3A_614 = arith.cmpf oeq, %get3A_457, %broadcast_in_dim3A_613 : vector<64x128xf32>
      %jit3A_615 = arith.constant 1.000000e+09 : f32
      %broadcast_in_dim3A_616 = vector.broadcast %jit3A_615 : f32 to vector<64x128xf32>
      %select_n3A_617 = arith.select %eq3A_614, %add3A, %broadcast_in_dim3A_616 : vector<64x128xi1>, vector<64x128xf32>
      %slice3A_618 = vector.extract_strided_slice %broadcast_in_dim3A_596 {offsets = [3, 0], sizes = [1, 1], strides = [1, 1]} : vector<4x1xf32> to vector<1x1xf32>
      %broadcast_in_dim3A_619 = vector.shape_cast %slice3A_618 : vector<1x1xf32> to vector<1x1xf32>
      %broadcast_in_dim3A_620 = vector.broadcast %broadcast_in_dim3A_619 : vector<1x1xf32> to vector<64x128xf32>
      %eq3A_621 = arith.cmpf oeq, %get3A_462, %broadcast_in_dim3A_620 : vector<64x128xf32>
      %jit3A_622 = arith.constant 1.000000e+09 : f32
      %broadcast_in_dim3A_623 = vector.broadcast %jit3A_622 : f32 to vector<64x128xf32>
      %select_n3A_624 = arith.select %eq3A_621, %add3A, %broadcast_in_dim3A_623 : vector<64x128xi1>, vector<64x128xf32>
      %reshape3A_625 = vector.shape_cast %select_n3A_603 : vector<64x128xf32> to vector<8x8x128xf32>
      %slice3A_626 = vector.extract_strided_slice %reshape3A_625 {offsets = [0, 0, 0], sizes = [1, 8, 128], strides = [1, 1, 1]} : vector<8x8x128xf32> to vector<1x8x128xf32>
      %squeeze3A_627 = vector.shape_cast %slice3A_626 : vector<1x8x128xf32> to vector<8x128xf32>
      %slice3A_628 = vector.extract_strided_slice %reshape3A_625 {offsets = [1, 0, 0], sizes = [1, 8, 128], strides = [1, 1, 1]} : vector<8x8x128xf32> to vector<1x8x128xf32>
      %squeeze3A_629 = vector.shape_cast %slice3A_628 : vector<1x8x128xf32> to vector<8x128xf32>
      %slice3A_630 = vector.extract_strided_slice %reshape3A_625 {offsets = [2, 0, 0], sizes = [1, 8, 128], strides = [1, 1, 1]} : vector<8x8x128xf32> to vector<1x8x128xf32>
      %squeeze3A_631 = vector.shape_cast %slice3A_630 : vector<1x8x128xf32> to vector<8x128xf32>
      %slice3A_632 = vector.extract_strided_slice %reshape3A_625 {offsets = [3, 0, 0], sizes = [1, 8, 128], strides = [1, 1, 1]} : vector<8x8x128xf32> to vector<1x8x128xf32>
      %squeeze3A_633 = vector.shape_cast %slice3A_632 : vector<1x8x128xf32> to vector<8x128xf32>
      %slice3A_634 = vector.extract_strided_slice %reshape3A_625 {offsets = [4, 0, 0], sizes = [1, 8, 128], strides = [1, 1, 1]} : vector<8x8x128xf32> to vector<1x8x128xf32>
      %squeeze3A_635 = vector.shape_cast %slice3A_634 : vector<1x8x128xf32> to vector<8x128xf32>
      %slice3A_636 = vector.extract_strided_slice %reshape3A_625 {offsets = [5, 0, 0], sizes = [1, 8, 128], strides = [1, 1, 1]} : vector<8x8x128xf32> to vector<1x8x128xf32>
      %squeeze3A_637 = vector.shape_cast %slice3A_636 : vector<1x8x128xf32> to vector<8x128xf32>
      %slice3A_638 = vector.extract_strided_slice %reshape3A_625 {offsets = [6, 0, 0], sizes = [1, 8, 128], strides = [1, 1, 1]} : vector<8x8x128xf32> to vector<1x8x128xf32>
      %squeeze3A_639 = vector.shape_cast %slice3A_638 : vector<1x8x128xf32> to vector<8x128xf32>
      %slice3A_640 = vector.extract_strided_slice %reshape3A_625 {offsets = [7, 0, 0], sizes = [1, 8, 128], strides = [1, 1, 1]} : vector<8x8x128xf32> to vector<1x8x128xf32>
      %squeeze3A_641 = vector.shape_cast %slice3A_640 : vector<1x8x128xf32> to vector<8x128xf32>
      %min3A = arith.minimumf %squeeze3A_627, %squeeze3A_629 : vector<8x128xf32>
      %min3A_642 = arith.minimumf %squeeze3A_631, %squeeze3A_633 : vector<8x128xf32>
      %min3A_643 = arith.minimumf %squeeze3A_635, %squeeze3A_637 : vector<8x128xf32>
      %min3A_644 = arith.minimumf %squeeze3A_639, %squeeze3A_641 : vector<8x128xf32>
      %min3A_645 = arith.minimumf %min3A, %min3A_642 : vector<8x128xf32>
      %min3A_646 = arith.minimumf %min3A_643, %min3A_644 : vector<8x128xf32>
      %min3A_647 = arith.minimumf %min3A_645, %min3A_646 : vector<8x128xf32>
      %roll3A_648 = arith.constant 4 : i32
      %roll3A_649 = tpu.dynamic_rotate %min3A_647 by %roll3A_648 dim 0 : vector<8x128xf32>, i32 -> vector<8x128xf32>
      %min3A_650 = arith.minimumf %min3A_647, %roll3A_649 : vector<8x128xf32>
      %roll3A_651 = arith.constant 2 : i32
      %roll3A_652 = tpu.dynamic_rotate %min3A_650 by %roll3A_651 dim 0 : vector<8x128xf32>, i32 -> vector<8x128xf32>
      %min3A_653 = arith.minimumf %min3A_650, %roll3A_652 : vector<8x128xf32>
      %roll3A_654 = arith.constant 1 : i32
      %roll3A_655 = tpu.dynamic_rotate %min3A_653 by %roll3A_654 dim 0 : vector<8x128xf32>, i32 -> vector<8x128xf32>
      %min3A_656 = arith.minimumf %min3A_653, %roll3A_655 : vector<8x128xf32>
      %slice3A_657 = vector.extract_strided_slice %min3A_656 {offsets = [0, 0], sizes = [1, 128], strides = [1, 1]} : vector<8x128xf32> to vector<1x128xf32>
      %reshape3A_658 = vector.shape_cast %select_n3A_610 : vector<64x128xf32> to vector<8x8x128xf32>
      %slice3A_659 = vector.extract_strided_slice %reshape3A_658 {offsets = [0, 0, 0], sizes = [1, 8, 128], strides = [1, 1, 1]} : vector<8x8x128xf32> to vector<1x8x128xf32>
      %squeeze3A_660 = vector.shape_cast %slice3A_659 : vector<1x8x128xf32> to vector<8x128xf32>
      %slice3A_661 = vector.extract_strided_slice %reshape3A_658 {offsets = [1, 0, 0], sizes = [1, 8, 128], strides = [1, 1, 1]} : vector<8x8x128xf32> to vector<1x8x128xf32>
      %squeeze3A_662 = vector.shape_cast %slice3A_661 : vector<1x8x128xf32> to vector<8x128xf32>
      %slice3A_663 = vector.extract_strided_slice %reshape3A_658 {offsets = [2, 0, 0], sizes = [1, 8, 128], strides = [1, 1, 1]} : vector<8x8x128xf32> to vector<1x8x128xf32>
      %squeeze3A_664 = vector.shape_cast %slice3A_663 : vector<1x8x128xf32> to vector<8x128xf32>
      %slice3A_665 = vector.extract_strided_slice %reshape3A_658 {offsets = [3, 0, 0], sizes = [1, 8, 128], strides = [1, 1, 1]} : vector<8x8x128xf32> to vector<1x8x128xf32>
      %squeeze3A_666 = vector.shape_cast %slice3A_665 : vector<1x8x128xf32> to vector<8x128xf32>
      %slice3A_667 = vector.extract_strided_slice %reshape3A_658 {offsets = [4, 0, 0], sizes = [1, 8, 128], strides = [1, 1, 1]} : vector<8x8x128xf32> to vector<1x8x128xf32>
      %squeeze3A_668 = vector.shape_cast %slice3A_667 : vector<1x8x128xf32> to vector<8x128xf32>
      %slice3A_669 = vector.extract_strided_slice %reshape3A_658 {offsets = [5, 0, 0], sizes = [1, 8, 128], strides = [1, 1, 1]} : vector<8x8x128xf32> to vector<1x8x128xf32>
      %squeeze3A_670 = vector.shape_cast %slice3A_669 : vector<1x8x128xf32> to vector<8x128xf32>
      %slice3A_671 = vector.extract_strided_slice %reshape3A_658 {offsets = [6, 0, 0], sizes = [1, 8, 128], strides = [1, 1, 1]} : vector<8x8x128xf32> to vector<1x8x128xf32>
      %squeeze3A_672 = vector.shape_cast %slice3A_671 : vector<1x8x128xf32> to vector<8x128xf32>
      %slice3A_673 = vector.extract_strided_slice %reshape3A_658 {offsets = [7, 0, 0], sizes = [1, 8, 128], strides = [1, 1, 1]} : vector<8x8x128xf32> to vector<1x8x128xf32>
      %squeeze3A_674 = vector.shape_cast %slice3A_673 : vector<1x8x128xf32> to vector<8x128xf32>
      %min3A_675 = arith.minimumf %squeeze3A_660, %squeeze3A_662 : vector<8x128xf32>
      %min3A_676 = arith.minimumf %squeeze3A_664, %squeeze3A_666 : vector<8x128xf32>
      %min3A_677 = arith.minimumf %squeeze3A_668, %squeeze3A_670 : vector<8x128xf32>
      %min3A_678 = arith.minimumf %squeeze3A_672, %squeeze3A_674 : vector<8x128xf32>
      %min3A_679 = arith.minimumf %min3A_675, %min3A_676 : vector<8x128xf32>
      %min3A_680 = arith.minimumf %min3A_677, %min3A_678 : vector<8x128xf32>
      %min3A_681 = arith.minimumf %min3A_679, %min3A_680 : vector<8x128xf32>
      %roll3A_682 = arith.constant 4 : i32
      %roll3A_683 = tpu.dynamic_rotate %min3A_681 by %roll3A_682 dim 0 : vector<8x128xf32>, i32 -> vector<8x128xf32>
      %min3A_684 = arith.minimumf %min3A_681, %roll3A_683 : vector<8x128xf32>
      %roll3A_685 = arith.constant 2 : i32
      %roll3A_686 = tpu.dynamic_rotate %min3A_684 by %roll3A_685 dim 0 : vector<8x128xf32>, i32 -> vector<8x128xf32>
      %min3A_687 = arith.minimumf %min3A_684, %roll3A_686 : vector<8x128xf32>
      %roll3A_688 = arith.constant 1 : i32
      %roll3A_689 = tpu.dynamic_rotate %min3A_687 by %roll3A_688 dim 0 : vector<8x128xf32>, i32 -> vector<8x128xf32>
      %min3A_690 = arith.minimumf %min3A_687, %roll3A_689 : vector<8x128xf32>
      %slice3A_691 = vector.extract_strided_slice %min3A_690 {offsets = [0, 0], sizes = [1, 128], strides = [1, 1]} : vector<8x128xf32> to vector<1x128xf32>
      %reshape3A_692 = vector.shape_cast %select_n3A_617 : vector<64x128xf32> to vector<8x8x128xf32>
      %slice3A_693 = vector.extract_strided_slice %reshape3A_692 {offsets = [0, 0, 0], sizes = [1, 8, 128], strides = [1, 1, 1]} : vector<8x8x128xf32> to vector<1x8x128xf32>
      %squeeze3A_694 = vector.shape_cast %slice3A_693 : vector<1x8x128xf32> to vector<8x128xf32>
      %slice3A_695 = vector.extract_strided_slice %reshape3A_692 {offsets = [1, 0, 0], sizes = [1, 8, 128], strides = [1, 1, 1]} : vector<8x8x128xf32> to vector<1x8x128xf32>
      %squeeze3A_696 = vector.shape_cast %slice3A_695 : vector<1x8x128xf32> to vector<8x128xf32>
      %slice3A_697 = vector.extract_strided_slice %reshape3A_692 {offsets = [2, 0, 0], sizes = [1, 8, 128], strides = [1, 1, 1]} : vector<8x8x128xf32> to vector<1x8x128xf32>
      %squeeze3A_698 = vector.shape_cast %slice3A_697 : vector<1x8x128xf32> to vector<8x128xf32>
      %slice3A_699 = vector.extract_strided_slice %reshape3A_692 {offsets = [3, 0, 0], sizes = [1, 8, 128], strides = [1, 1, 1]} : vector<8x8x128xf32> to vector<1x8x128xf32>
      %squeeze3A_700 = vector.shape_cast %slice3A_699 : vector<1x8x128xf32> to vector<8x128xf32>
      %slice3A_701 = vector.extract_strided_slice %reshape3A_692 {offsets = [4, 0, 0], sizes = [1, 8, 128], strides = [1, 1, 1]} : vector<8x8x128xf32> to vector<1x8x128xf32>
      %squeeze3A_702 = vector.shape_cast %slice3A_701 : vector<1x8x128xf32> to vector<8x128xf32>
      %slice3A_703 = vector.extract_strided_slice %reshape3A_692 {offsets = [5, 0, 0], sizes = [1, 8, 128], strides = [1, 1, 1]} : vector<8x8x128xf32> to vector<1x8x128xf32>
      %squeeze3A_704 = vector.shape_cast %slice3A_703 : vector<1x8x128xf32> to vector<8x128xf32>
      %slice3A_705 = vector.extract_strided_slice %reshape3A_692 {offsets = [6, 0, 0], sizes = [1, 8, 128], strides = [1, 1, 1]} : vector<8x8x128xf32> to vector<1x8x128xf32>
      %squeeze3A_706 = vector.shape_cast %slice3A_705 : vector<1x8x128xf32> to vector<8x128xf32>
      %slice3A_707 = vector.extract_strided_slice %reshape3A_692 {offsets = [7, 0, 0], sizes = [1, 8, 128], strides = [1, 1, 1]} : vector<8x8x128xf32> to vector<1x8x128xf32>
      %squeeze3A_708 = vector.shape_cast %slice3A_707 : vector<1x8x128xf32> to vector<8x128xf32>
      %min3A_709 = arith.minimumf %squeeze3A_694, %squeeze3A_696 : vector<8x128xf32>
      %min3A_710 = arith.minimumf %squeeze3A_698, %squeeze3A_700 : vector<8x128xf32>
      %min3A_711 = arith.minimumf %squeeze3A_702, %squeeze3A_704 : vector<8x128xf32>
      %min3A_712 = arith.minimumf %squeeze3A_706, %squeeze3A_708 : vector<8x128xf32>
      %min3A_713 = arith.minimumf %min3A_709, %min3A_710 : vector<8x128xf32>
      %min3A_714 = arith.minimumf %min3A_711, %min3A_712 : vector<8x128xf32>
      %min3A_715 = arith.minimumf %min3A_713, %min3A_714 : vector<8x128xf32>
      %roll3A_716 = arith.constant 4 : i32
      %roll3A_717 = tpu.dynamic_rotate %min3A_715 by %roll3A_716 dim 0 : vector<8x128xf32>, i32 -> vector<8x128xf32>
      %min3A_718 = arith.minimumf %min3A_715, %roll3A_717 : vector<8x128xf32>
      %roll3A_719 = arith.constant 2 : i32
      %roll3A_720 = tpu.dynamic_rotate %min3A_718 by %roll3A_719 dim 0 : vector<8x128xf32>, i32 -> vector<8x128xf32>
      %min3A_721 = arith.minimumf %min3A_718, %roll3A_720 : vector<8x128xf32>
      %roll3A_722 = arith.constant 1 : i32
      %roll3A_723 = tpu.dynamic_rotate %min3A_721 by %roll3A_722 dim 0 : vector<8x128xf32>, i32 -> vector<8x128xf32>
      %min3A_724 = arith.minimumf %min3A_721, %roll3A_723 : vector<8x128xf32>
      %slice3A_725 = vector.extract_strided_slice %min3A_724 {offsets = [0, 0], sizes = [1, 128], strides = [1, 1]} : vector<8x128xf32> to vector<1x128xf32>
      %reshape3A_726 = vector.shape_cast %select_n3A_624 : vector<64x128xf32> to vector<8x8x128xf32>
      %slice3A_727 = vector.extract_strided_slice %reshape3A_726 {offsets = [0, 0, 0], sizes = [1, 8, 128], strides = [1, 1, 1]} : vector<8x8x128xf32> to vector<1x8x128xf32>
      %squeeze3A_728 = vector.shape_cast %slice3A_727 : vector<1x8x128xf32> to vector<8x128xf32>
      %slice3A_729 = vector.extract_strided_slice %reshape3A_726 {offsets = [1, 0, 0], sizes = [1, 8, 128], strides = [1, 1, 1]} : vector<8x8x128xf32> to vector<1x8x128xf32>
      %squeeze3A_730 = vector.shape_cast %slice3A_729 : vector<1x8x128xf32> to vector<8x128xf32>
      %slice3A_731 = vector.extract_strided_slice %reshape3A_726 {offsets = [2, 0, 0], sizes = [1, 8, 128], strides = [1, 1, 1]} : vector<8x8x128xf32> to vector<1x8x128xf32>
      %squeeze3A_732 = vector.shape_cast %slice3A_731 : vector<1x8x128xf32> to vector<8x128xf32>
      %slice3A_733 = vector.extract_strided_slice %reshape3A_726 {offsets = [3, 0, 0], sizes = [1, 8, 128], strides = [1, 1, 1]} : vector<8x8x128xf32> to vector<1x8x128xf32>
      %squeeze3A_734 = vector.shape_cast %slice3A_733 : vector<1x8x128xf32> to vector<8x128xf32>
      %slice3A_735 = vector.extract_strided_slice %reshape3A_726 {offsets = [4, 0, 0], sizes = [1, 8, 128], strides = [1, 1, 1]} : vector<8x8x128xf32> to vector<1x8x128xf32>
      %squeeze3A_736 = vector.shape_cast %slice3A_735 : vector<1x8x128xf32> to vector<8x128xf32>
      %slice3A_737 = vector.extract_strided_slice %reshape3A_726 {offsets = [5, 0, 0], sizes = [1, 8, 128], strides = [1, 1, 1]} : vector<8x8x128xf32> to vector<1x8x128xf32>
      %squeeze3A_738 = vector.shape_cast %slice3A_737 : vector<1x8x128xf32> to vector<8x128xf32>
      %slice3A_739 = vector.extract_strided_slice %reshape3A_726 {offsets = [6, 0, 0], sizes = [1, 8, 128], strides = [1, 1, 1]} : vector<8x8x128xf32> to vector<1x8x128xf32>
      %squeeze3A_740 = vector.shape_cast %slice3A_739 : vector<1x8x128xf32> to vector<8x128xf32>
      %slice3A_741 = vector.extract_strided_slice %reshape3A_726 {offsets = [7, 0, 0], sizes = [1, 8, 128], strides = [1, 1, 1]} : vector<8x8x128xf32> to vector<1x8x128xf32>
      %squeeze3A_742 = vector.shape_cast %slice3A_741 : vector<1x8x128xf32> to vector<8x128xf32>
      %min3A_743 = arith.minimumf %squeeze3A_728, %squeeze3A_730 : vector<8x128xf32>
      %min3A_744 = arith.minimumf %squeeze3A_732, %squeeze3A_734 : vector<8x128xf32>
      %min3A_745 = arith.minimumf %squeeze3A_736, %squeeze3A_738 : vector<8x128xf32>
      %min3A_746 = arith.minimumf %squeeze3A_740, %squeeze3A_742 : vector<8x128xf32>
      %min3A_747 = arith.minimumf %min3A_743, %min3A_744 : vector<8x128xf32>
      %min3A_748 = arith.minimumf %min3A_745, %min3A_746 : vector<8x128xf32>
      %min3A_749 = arith.minimumf %min3A_747, %min3A_748 : vector<8x128xf32>
      %roll3A_750 = arith.constant 4 : i32
      %roll3A_751 = tpu.dynamic_rotate %min3A_749 by %roll3A_750 dim 0 : vector<8x128xf32>, i32 -> vector<8x128xf32>
      %min3A_752 = arith.minimumf %min3A_749, %roll3A_751 : vector<8x128xf32>
      %roll3A_753 = arith.constant 2 : i32
      %roll3A_754 = tpu.dynamic_rotate %min3A_752 by %roll3A_753 dim 0 : vector<8x128xf32>, i32 -> vector<8x128xf32>
      %min3A_755 = arith.minimumf %min3A_752, %roll3A_754 : vector<8x128xf32>
      %roll3A_756 = arith.constant 1 : i32
      %roll3A_757 = tpu.dynamic_rotate %min3A_755 by %roll3A_756 dim 0 : vector<8x128xf32>, i32 -> vector<8x128xf32>
      %min3A_758 = arith.minimumf %min3A_755, %roll3A_757 : vector<8x128xf32>
      %slice3A_759 = vector.extract_strided_slice %min3A_758 {offsets = [0, 0], sizes = [1, 128], strides = [1, 1]} : vector<8x128xf32> to vector<1x128xf32>
      %concatenate3A_760 = tpu.concatenate %slice3A_657, %slice3A_691, %slice3A_725, %slice3A_759 in 0 : vector<1x128xf32>, vector<1x128xf32>, vector<1x128xf32>, vector<1x128xf32> -> vector<4x128xf32>
      %reduce_min3A = arith.constant dense<0x7F800000> : vector<4xf32>
      %reduce_min3A_761 = vector.multi_reduction <minimumf>, %concatenate3A_760, %reduce_min3A [1] : vector<4x128xf32> to vector<4xf32>
      %broadcast_in_dim3A_762 = vector.shape_cast %reduce_min3A_761 : vector<4xf32> to vector<4x1xf32>
      %get3A_763 = arith.constant 0 : index
      %get3A_764 = arith.constant 0 : index
      %get3A_765 = arith.constant 0 : index
      %get3A_766 = vector.load %arg1[%get3A_763, %get3A_764, %get3A_765] : memref<4x64x128xf32, #tpu.memory_space<vmem>>, vector<1x64x128xf32>
      %get3A_767 = vector.shape_cast %get3A_766 : vector<1x64x128xf32> to vector<64x128xf32>
      %get3A_768 = arith.constant 0 : index
      %get3A_769 = arith.constant 0 : index
      %get3A_770 = arith.constant 0 : index
      %get3A_771 = vector.load %arg2[%get3A_768, %get3A_769, %get3A_770] : memref<4x64x128xf32, #tpu.memory_space<vmem>>, vector<1x64x128xf32>
      %get3A_772 = vector.shape_cast %get3A_771 : vector<1x64x128xf32> to vector<64x128xf32>
      %get3A_773 = arith.constant 0 : index
      %get3A_774 = arith.constant 0 : index
      %get3A_775 = arith.constant 0 : index
      %get3A_776 = vector.load %arg3[%get3A_773, %get3A_774, %get3A_775] : memref<4x64x128xf32, #tpu.memory_space<vmem>>, vector<1x64x128xf32>
      %get3A_777 = vector.shape_cast %get3A_776 : vector<1x64x128xf32> to vector<64x128xf32>
      %slice3A_778 = vector.extract_strided_slice %broadcast_in_dim3A_762 {offsets = [0, 0], sizes = [1, 1], strides = [1, 1]} : vector<4x1xf32> to vector<1x1xf32>
      %broadcast_in_dim3A_779 = vector.shape_cast %slice3A_778 : vector<1x1xf32> to vector<1x1xf32>
      %broadcast_in_dim3A_780 = vector.broadcast %broadcast_in_dim3A_779 : vector<1x1xf32> to vector<64x128xf32>
      %eq3A_781 = arith.cmpf oeq, %add3A, %broadcast_in_dim3A_780 : vector<64x128xf32>
      %jit3A_782 = arith.constant 0.000000e+00 : f32
      %broadcast_in_dim3A_783 = vector.broadcast %jit3A_782 : f32 to vector<64x128xf32>
      %select_n3A_784 = arith.select %eq3A_781, %get3A_767, %broadcast_in_dim3A_783 : vector<64x128xi1>, vector<64x128xf32>
      %reshape3A_785 = vector.shape_cast %select_n3A_784 : vector<64x128xf32> to vector<8x8x128xf32>
      %slice3A_786 = vector.extract_strided_slice %reshape3A_785 {offsets = [0, 0, 0], sizes = [1, 8, 128], strides = [1, 1, 1]} : vector<8x8x128xf32> to vector<1x8x128xf32>
      %squeeze3A_787 = vector.shape_cast %slice3A_786 : vector<1x8x128xf32> to vector<8x128xf32>
      %slice3A_788 = vector.extract_strided_slice %reshape3A_785 {offsets = [1, 0, 0], sizes = [1, 8, 128], strides = [1, 1, 1]} : vector<8x8x128xf32> to vector<1x8x128xf32>
      %squeeze3A_789 = vector.shape_cast %slice3A_788 : vector<1x8x128xf32> to vector<8x128xf32>
      %slice3A_790 = vector.extract_strided_slice %reshape3A_785 {offsets = [2, 0, 0], sizes = [1, 8, 128], strides = [1, 1, 1]} : vector<8x8x128xf32> to vector<1x8x128xf32>
      %squeeze3A_791 = vector.shape_cast %slice3A_790 : vector<1x8x128xf32> to vector<8x128xf32>
      %slice3A_792 = vector.extract_strided_slice %reshape3A_785 {offsets = [3, 0, 0], sizes = [1, 8, 128], strides = [1, 1, 1]} : vector<8x8x128xf32> to vector<1x8x128xf32>
      %squeeze3A_793 = vector.shape_cast %slice3A_792 : vector<1x8x128xf32> to vector<8x128xf32>
      %slice3A_794 = vector.extract_strided_slice %reshape3A_785 {offsets = [4, 0, 0], sizes = [1, 8, 128], strides = [1, 1, 1]} : vector<8x8x128xf32> to vector<1x8x128xf32>
      %squeeze3A_795 = vector.shape_cast %slice3A_794 : vector<1x8x128xf32> to vector<8x128xf32>
      %slice3A_796 = vector.extract_strided_slice %reshape3A_785 {offsets = [5, 0, 0], sizes = [1, 8, 128], strides = [1, 1, 1]} : vector<8x8x128xf32> to vector<1x8x128xf32>
      %squeeze3A_797 = vector.shape_cast %slice3A_796 : vector<1x8x128xf32> to vector<8x128xf32>
      %slice3A_798 = vector.extract_strided_slice %reshape3A_785 {offsets = [6, 0, 0], sizes = [1, 8, 128], strides = [1, 1, 1]} : vector<8x8x128xf32> to vector<1x8x128xf32>
      %squeeze3A_799 = vector.shape_cast %slice3A_798 : vector<1x8x128xf32> to vector<8x128xf32>
      %slice3A_800 = vector.extract_strided_slice %reshape3A_785 {offsets = [7, 0, 0], sizes = [1, 8, 128], strides = [1, 1, 1]} : vector<8x8x128xf32> to vector<1x8x128xf32>
      %squeeze3A_801 = vector.shape_cast %slice3A_800 : vector<1x8x128xf32> to vector<8x128xf32>
      %add3A_802 = arith.addf %squeeze3A_787, %squeeze3A_789 : vector<8x128xf32>
      %add3A_803 = arith.addf %squeeze3A_791, %squeeze3A_793 : vector<8x128xf32>
      %add3A_804 = arith.addf %squeeze3A_795, %squeeze3A_797 : vector<8x128xf32>
      %add3A_805 = arith.addf %squeeze3A_799, %squeeze3A_801 : vector<8x128xf32>
      %add3A_806 = arith.addf %add3A_802, %add3A_803 : vector<8x128xf32>
      %add3A_807 = arith.addf %add3A_804, %add3A_805 : vector<8x128xf32>
      %add3A_808 = arith.addf %add3A_806, %add3A_807 : vector<8x128xf32>
      %roll3A_809 = arith.constant 4 : i32
      %roll3A_810 = tpu.dynamic_rotate %add3A_808 by %roll3A_809 dim 0 : vector<8x128xf32>, i32 -> vector<8x128xf32>
      %add3A_811 = arith.addf %add3A_808, %roll3A_810 : vector<8x128xf32>
      %roll3A_812 = arith.constant 2 : i32
      %roll3A_813 = tpu.dynamic_rotate %add3A_811 by %roll3A_812 dim 0 : vector<8x128xf32>, i32 -> vector<8x128xf32>
      %add3A_814 = arith.addf %add3A_811, %roll3A_813 : vector<8x128xf32>
      %roll3A_815 = arith.constant 1 : i32
      %roll3A_816 = tpu.dynamic_rotate %add3A_814 by %roll3A_815 dim 0 : vector<8x128xf32>, i32 -> vector<8x128xf32>
      %add3A_817 = arith.addf %add3A_814, %roll3A_816 : vector<8x128xf32>
      %slice3A_818 = vector.extract_strided_slice %add3A_817 {offsets = [0, 0], sizes = [1, 128], strides = [1, 1]} : vector<8x128xf32> to vector<1x128xf32>
      %jit3A_819 = arith.constant 0.000000e+00 : f32
      %broadcast_in_dim3A_820 = vector.broadcast %jit3A_819 : f32 to vector<64x128xf32>
      %select_n3A_821 = arith.select %eq3A_781, %get3A_772, %broadcast_in_dim3A_820 : vector<64x128xi1>, vector<64x128xf32>
      %reshape3A_822 = vector.shape_cast %select_n3A_821 : vector<64x128xf32> to vector<8x8x128xf32>
      %slice3A_823 = vector.extract_strided_slice %reshape3A_822 {offsets = [0, 0, 0], sizes = [1, 8, 128], strides = [1, 1, 1]} : vector<8x8x128xf32> to vector<1x8x128xf32>
      %squeeze3A_824 = vector.shape_cast %slice3A_823 : vector<1x8x128xf32> to vector<8x128xf32>
      %slice3A_825 = vector.extract_strided_slice %reshape3A_822 {offsets = [1, 0, 0], sizes = [1, 8, 128], strides = [1, 1, 1]} : vector<8x8x128xf32> to vector<1x8x128xf32>
      %squeeze3A_826 = vector.shape_cast %slice3A_825 : vector<1x8x128xf32> to vector<8x128xf32>
      %slice3A_827 = vector.extract_strided_slice %reshape3A_822 {offsets = [2, 0, 0], sizes = [1, 8, 128], strides = [1, 1, 1]} : vector<8x8x128xf32> to vector<1x8x128xf32>
      %squeeze3A_828 = vector.shape_cast %slice3A_827 : vector<1x8x128xf32> to vector<8x128xf32>
      %slice3A_829 = vector.extract_strided_slice %reshape3A_822 {offsets = [3, 0, 0], sizes = [1, 8, 128], strides = [1, 1, 1]} : vector<8x8x128xf32> to vector<1x8x128xf32>
      %squeeze3A_830 = vector.shape_cast %slice3A_829 : vector<1x8x128xf32> to vector<8x128xf32>
      %slice3A_831 = vector.extract_strided_slice %reshape3A_822 {offsets = [4, 0, 0], sizes = [1, 8, 128], strides = [1, 1, 1]} : vector<8x8x128xf32> to vector<1x8x128xf32>
      %squeeze3A_832 = vector.shape_cast %slice3A_831 : vector<1x8x128xf32> to vector<8x128xf32>
      %slice3A_833 = vector.extract_strided_slice %reshape3A_822 {offsets = [5, 0, 0], sizes = [1, 8, 128], strides = [1, 1, 1]} : vector<8x8x128xf32> to vector<1x8x128xf32>
      %squeeze3A_834 = vector.shape_cast %slice3A_833 : vector<1x8x128xf32> to vector<8x128xf32>
      %slice3A_835 = vector.extract_strided_slice %reshape3A_822 {offsets = [6, 0, 0], sizes = [1, 8, 128], strides = [1, 1, 1]} : vector<8x8x128xf32> to vector<1x8x128xf32>
      %squeeze3A_836 = vector.shape_cast %slice3A_835 : vector<1x8x128xf32> to vector<8x128xf32>
      %slice3A_837 = vector.extract_strided_slice %reshape3A_822 {offsets = [7, 0, 0], sizes = [1, 8, 128], strides = [1, 1, 1]} : vector<8x8x128xf32> to vector<1x8x128xf32>
      %squeeze3A_838 = vector.shape_cast %slice3A_837 : vector<1x8x128xf32> to vector<8x128xf32>
      %add3A_839 = arith.addf %squeeze3A_824, %squeeze3A_826 : vector<8x128xf32>
      %add3A_840 = arith.addf %squeeze3A_828, %squeeze3A_830 : vector<8x128xf32>
      %add3A_841 = arith.addf %squeeze3A_832, %squeeze3A_834 : vector<8x128xf32>
      %add3A_842 = arith.addf %squeeze3A_836, %squeeze3A_838 : vector<8x128xf32>
      %add3A_843 = arith.addf %add3A_839, %add3A_840 : vector<8x128xf32>
      %add3A_844 = arith.addf %add3A_841, %add3A_842 : vector<8x128xf32>
      %add3A_845 = arith.addf %add3A_843, %add3A_844 : vector<8x128xf32>
      %roll3A_846 = arith.constant 4 : i32
      %roll3A_847 = tpu.dynamic_rotate %add3A_845 by %roll3A_846 dim 0 : vector<8x128xf32>, i32 -> vector<8x128xf32>
      %add3A_848 = arith.addf %add3A_845, %roll3A_847 : vector<8x128xf32>
      %roll3A_849 = arith.constant 2 : i32
      %roll3A_850 = tpu.dynamic_rotate %add3A_848 by %roll3A_849 dim 0 : vector<8x128xf32>, i32 -> vector<8x128xf32>
      %add3A_851 = arith.addf %add3A_848, %roll3A_850 : vector<8x128xf32>
      %roll3A_852 = arith.constant 1 : i32
      %roll3A_853 = tpu.dynamic_rotate %add3A_851 by %roll3A_852 dim 0 : vector<8x128xf32>, i32 -> vector<8x128xf32>
      %add3A_854 = arith.addf %add3A_851, %roll3A_853 : vector<8x128xf32>
      %slice3A_855 = vector.extract_strided_slice %add3A_854 {offsets = [0, 0], sizes = [1, 128], strides = [1, 1]} : vector<8x128xf32> to vector<1x128xf32>
      %jit3A_856 = arith.constant 0.000000e+00 : f32
      %broadcast_in_dim3A_857 = vector.broadcast %jit3A_856 : f32 to vector<64x128xf32>
      %select_n3A_858 = arith.select %eq3A_781, %get3A_777, %broadcast_in_dim3A_857 : vector<64x128xi1>, vector<64x128xf32>
      %reshape3A_859 = vector.shape_cast %select_n3A_858 : vector<64x128xf32> to vector<8x8x128xf32>
      %slice3A_860 = vector.extract_strided_slice %reshape3A_859 {offsets = [0, 0, 0], sizes = [1, 8, 128], strides = [1, 1, 1]} : vector<8x8x128xf32> to vector<1x8x128xf32>
      %squeeze3A_861 = vector.shape_cast %slice3A_860 : vector<1x8x128xf32> to vector<8x128xf32>
      %slice3A_862 = vector.extract_strided_slice %reshape3A_859 {offsets = [1, 0, 0], sizes = [1, 8, 128], strides = [1, 1, 1]} : vector<8x8x128xf32> to vector<1x8x128xf32>
      %squeeze3A_863 = vector.shape_cast %slice3A_862 : vector<1x8x128xf32> to vector<8x128xf32>
      %slice3A_864 = vector.extract_strided_slice %reshape3A_859 {offsets = [2, 0, 0], sizes = [1, 8, 128], strides = [1, 1, 1]} : vector<8x8x128xf32> to vector<1x8x128xf32>
      %squeeze3A_865 = vector.shape_cast %slice3A_864 : vector<1x8x128xf32> to vector<8x128xf32>
      %slice3A_866 = vector.extract_strided_slice %reshape3A_859 {offsets = [3, 0, 0], sizes = [1, 8, 128], strides = [1, 1, 1]} : vector<8x8x128xf32> to vector<1x8x128xf32>
      %squeeze3A_867 = vector.shape_cast %slice3A_866 : vector<1x8x128xf32> to vector<8x128xf32>
      %slice3A_868 = vector.extract_strided_slice %reshape3A_859 {offsets = [4, 0, 0], sizes = [1, 8, 128], strides = [1, 1, 1]} : vector<8x8x128xf32> to vector<1x8x128xf32>
      %squeeze3A_869 = vector.shape_cast %slice3A_868 : vector<1x8x128xf32> to vector<8x128xf32>
      %slice3A_870 = vector.extract_strided_slice %reshape3A_859 {offsets = [5, 0, 0], sizes = [1, 8, 128], strides = [1, 1, 1]} : vector<8x8x128xf32> to vector<1x8x128xf32>
      %squeeze3A_871 = vector.shape_cast %slice3A_870 : vector<1x8x128xf32> to vector<8x128xf32>
      %slice3A_872 = vector.extract_strided_slice %reshape3A_859 {offsets = [6, 0, 0], sizes = [1, 8, 128], strides = [1, 1, 1]} : vector<8x8x128xf32> to vector<1x8x128xf32>
      %squeeze3A_873 = vector.shape_cast %slice3A_872 : vector<1x8x128xf32> to vector<8x128xf32>
      %slice3A_874 = vector.extract_strided_slice %reshape3A_859 {offsets = [7, 0, 0], sizes = [1, 8, 128], strides = [1, 1, 1]} : vector<8x8x128xf32> to vector<1x8x128xf32>
      %squeeze3A_875 = vector.shape_cast %slice3A_874 : vector<1x8x128xf32> to vector<8x128xf32>
      %add3A_876 = arith.addf %squeeze3A_861, %squeeze3A_863 : vector<8x128xf32>
      %add3A_877 = arith.addf %squeeze3A_865, %squeeze3A_867 : vector<8x128xf32>
      %add3A_878 = arith.addf %squeeze3A_869, %squeeze3A_871 : vector<8x128xf32>
      %add3A_879 = arith.addf %squeeze3A_873, %squeeze3A_875 : vector<8x128xf32>
      %add3A_880 = arith.addf %add3A_876, %add3A_877 : vector<8x128xf32>
      %add3A_881 = arith.addf %add3A_878, %add3A_879 : vector<8x128xf32>
      %add3A_882 = arith.addf %add3A_880, %add3A_881 : vector<8x128xf32>
      %roll3A_883 = arith.constant 4 : i32
      %roll3A_884 = tpu.dynamic_rotate %add3A_882 by %roll3A_883 dim 0 : vector<8x128xf32>, i32 -> vector<8x128xf32>
      %add3A_885 = arith.addf %add3A_882, %roll3A_884 : vector<8x128xf32>
      %roll3A_886 = arith.constant 2 : i32
      %roll3A_887 = tpu.dynamic_rotate %add3A_885 by %roll3A_886 dim 0 : vector<8x128xf32>, i32 -> vector<8x128xf32>
      %add3A_888 = arith.addf %add3A_885, %roll3A_887 : vector<8x128xf32>
      %roll3A_889 = arith.constant 1 : i32
      %roll3A_890 = tpu.dynamic_rotate %add3A_888 by %roll3A_889 dim 0 : vector<8x128xf32>, i32 -> vector<8x128xf32>
      %add3A_891 = arith.addf %add3A_888, %roll3A_890 : vector<8x128xf32>
      %slice3A_892 = vector.extract_strided_slice %add3A_891 {offsets = [0, 0], sizes = [1, 128], strides = [1, 1]} : vector<8x128xf32> to vector<1x128xf32>
      %concatenate3A_893 = tpu.concatenate %slice3A_818, %slice3A_855, %slice3A_892 in 0 : vector<1x128xf32>, vector<1x128xf32>, vector<1x128xf32> -> vector<3x128xf32>
      %reduce_sum3A = arith.constant dense<0.000000e+00> : vector<3xf32>
      %reduce_sum3A_894 = vector.multi_reduction <add>, %concatenate3A_893, %reduce_sum3A [1] : vector<3x128xf32> to vector<3xf32>
      %broadcast_in_dim3A_895 = vector.shape_cast %reduce_sum3A_894 : vector<3xf32> to vector<3x1xf32>
      %slice3A_896 = vector.extract_strided_slice %broadcast_in_dim3A_895 {offsets = [0, 0], sizes = [1, 1], strides = [1, 1]} : vector<3x1xf32> to vector<1x1xf32>
      %broadcast_in_dim3A_897 = vector.shape_cast %slice3A_896 : vector<1x1xf32> to vector<1x1xf32>
      %broadcast_in_dim3A_898 = vector.broadcast %broadcast_in_dim3A_897 : vector<1x1xf32> to vector<64x128xf32>
      %slice3A_899 = vector.extract_strided_slice %broadcast_in_dim3A_895 {offsets = [1, 0], sizes = [1, 1], strides = [1, 1]} : vector<3x1xf32> to vector<1x1xf32>
      %broadcast_in_dim3A_900 = vector.shape_cast %slice3A_899 : vector<1x1xf32> to vector<1x1xf32>
      %broadcast_in_dim3A_901 = vector.broadcast %broadcast_in_dim3A_900 : vector<1x1xf32> to vector<64x128xf32>
      %slice3A_902 = vector.extract_strided_slice %broadcast_in_dim3A_895 {offsets = [2, 0], sizes = [1, 1], strides = [1, 1]} : vector<3x1xf32> to vector<1x1xf32>
      %broadcast_in_dim3A_903 = vector.shape_cast %slice3A_902 : vector<1x1xf32> to vector<1x1xf32>
      %broadcast_in_dim3A_904 = vector.broadcast %broadcast_in_dim3A_903 : vector<1x1xf32> to vector<64x128xf32>
      %sub3A_905 = arith.subf %get3A_767, %broadcast_in_dim3A_898 : vector<64x128xf32>
      %integer_pow3A_906 = arith.mulf %sub3A_905, %sub3A_905 : vector<64x128xf32>
      %sub3A_907 = arith.subf %get3A_772, %broadcast_in_dim3A_901 : vector<64x128xf32>
      %integer_pow3A_908 = arith.mulf %sub3A_907, %sub3A_907 : vector<64x128xf32>
      %add3A_909 = arith.addf %integer_pow3A_906, %integer_pow3A_908 : vector<64x128xf32>
      %sub3A_910 = arith.subf %get3A_777, %broadcast_in_dim3A_904 : vector<64x128xf32>
      %integer_pow3A_911 = arith.mulf %sub3A_910, %sub3A_910 : vector<64x128xf32>
      %add3A_912 = arith.addf %add3A_909, %integer_pow3A_911 : vector<64x128xf32>
      %min3A_913 = arith.minimumf %get3A_447, %add3A_912 : vector<64x128xf32>
      %swap3A_914 = arith.constant 0 : index
      %swap3A_915 = arith.constant 0 : index
      %swap3A_916 = arith.constant 0 : index
      %swap3A_917 = vector.load %arg7[%swap3A_914, %swap3A_915, %swap3A_916] : memref<4x64x128xf32, #tpu.memory_space<vmem>>, vector<1x64x128xf32>
      %swap3A_918 = vector.shape_cast %swap3A_917 : vector<1x64x128xf32> to vector<64x128xf32>
      %swap3A_919 = vector.shape_cast %min3A_913 : vector<64x128xf32> to vector<1x64x128xf32>
      tpu.vector_store %arg7[%swap3A_914, %swap3A_915, %swap3A_916], %swap3A_919 {strides = array<i32>} : memref<4x64x128xf32, #tpu.memory_space<vmem>>, vector<1x64x128xf32>,
      %slice3A_920 = vector.extract_strided_slice %broadcast_in_dim3A_895 {offsets = [0, 0], sizes = [1, 1], strides = [1, 1]} : vector<3x1xf32> to vector<1x1xf32>
      %broadcast_in_dim3A_921 = vector.shape_cast %slice3A_920 : vector<1x1xf32> to vector<1x1xf32>
      %broadcast_in_dim3A_922 = vector.broadcast %broadcast_in_dim3A_921 : vector<1x1xf32> to vector<1x128xf32>
      %slice3A_923 = vector.extract_strided_slice %broadcast_in_dim3A_895 {offsets = [1, 0], sizes = [1, 1], strides = [1, 1]} : vector<3x1xf32> to vector<1x1xf32>
      %broadcast_in_dim3A_924 = vector.shape_cast %slice3A_923 : vector<1x1xf32> to vector<1x1xf32>
      %broadcast_in_dim3A_925 = vector.broadcast %broadcast_in_dim3A_924 : vector<1x1xf32> to vector<1x128xf32>
      %slice3A_926 = vector.extract_strided_slice %broadcast_in_dim3A_895 {offsets = [2, 0], sizes = [1, 1], strides = [1, 1]} : vector<3x1xf32> to vector<1x1xf32>
      %broadcast_in_dim3A_927 = vector.shape_cast %slice3A_926 : vector<1x1xf32> to vector<1x1xf32>
      %broadcast_in_dim3A_928 = vector.broadcast %broadcast_in_dim3A_927 : vector<1x1xf32> to vector<1x128xf32>
      %eq3A_929 = vector.broadcast %convert_element_type3A_440 : f32 to vector<1x128xf32>
      %eq3A_930 = arith.cmpf oeq, %convert_element_type3A_5, %eq3A_929 : vector<1x128xf32>
      %select_n3A_931 = arith.select %eq3A_930, %broadcast_in_dim3A_922, %scan3A_416 : vector<1x128xi1>, vector<1x128xf32>
      %eq3A_932 = vector.broadcast %sub3A_442 : f32 to vector<1x128xf32>
      %eq3A_933 = arith.cmpf oeq, %convert_element_type3A_5, %eq3A_932 : vector<1x128xf32>
      %select_n3A_934 = arith.select %eq3A_933, %broadcast_in_dim3A_922, %scan3A_417 : vector<1x128xi1>, vector<1x128xf32>
      %eq3A_935 = vector.broadcast %convert_element_type3A_440 : f32 to vector<1x128xf32>
      %eq3A_936 = arith.cmpf oeq, %convert_element_type3A_5, %eq3A_935 : vector<1x128xf32>
      %select_n3A_937 = arith.select %eq3A_936, %broadcast_in_dim3A_925, %scan3A_418 : vector<1x128xi1>, vector<1x128xf32>
      %eq3A_938 = vector.broadcast %sub3A_442 : f32 to vector<1x128xf32>
      %eq3A_939 = arith.cmpf oeq, %convert_element_type3A_5, %eq3A_938 : vector<1x128xf32>
      %select_n3A_940 = arith.select %eq3A_939, %broadcast_in_dim3A_925, %scan3A_419 : vector<1x128xi1>, vector<1x128xf32>
      %eq3A_941 = vector.broadcast %convert_element_type3A_440 : f32 to vector<1x128xf32>
      %eq3A_942 = arith.cmpf oeq, %convert_element_type3A_5, %eq3A_941 : vector<1x128xf32>
      %select_n3A_943 = arith.select %eq3A_942, %broadcast_in_dim3A_928, %scan3A_420 : vector<1x128xi1>, vector<1x128xf32>
      %eq3A_944 = vector.broadcast %sub3A_442 : f32 to vector<1x128xf32>
      %eq3A_945 = arith.cmpf oeq, %convert_element_type3A_5, %eq3A_944 : vector<1x128xf32>
      %select_n3A_946 = arith.select %eq3A_945, %broadcast_in_dim3A_928, %scan3A_421 : vector<1x128xi1>, vector<1x128xf32>
      %get3A_947 = arith.constant 1 : index
      %get3A_948 = arith.constant 0 : index
      %get3A_949 = arith.constant 0 : index
      %get3A_950 = vector.load %arg1[%get3A_947, %get3A_948, %get3A_949] : memref<4x64x128xf32, #tpu.memory_space<vmem>>, vector<1x64x128xf32>
      %get3A_951 = vector.shape_cast %get3A_950 : vector<1x64x128xf32> to vector<64x128xf32>
      %get3A_952 = arith.constant 1 : index
      %get3A_953 = arith.constant 0 : index
      %get3A_954 = arith.constant 0 : index
      %get3A_955 = vector.load %arg2[%get3A_952, %get3A_953, %get3A_954] : memref<4x64x128xf32, #tpu.memory_space<vmem>>, vector<1x64x128xf32>
      %get3A_956 = vector.shape_cast %get3A_955 : vector<1x64x128xf32> to vector<64x128xf32>
      %get3A_957 = arith.constant 1 : index
      %get3A_958 = arith.constant 0 : index
      %get3A_959 = arith.constant 0 : index
      %get3A_960 = vector.load %arg3[%get3A_957, %get3A_958, %get3A_959] : memref<4x64x128xf32, #tpu.memory_space<vmem>>, vector<1x64x128xf32>
      %get3A_961 = vector.shape_cast %get3A_960 : vector<1x64x128xf32> to vector<64x128xf32>
      %slice3A_962 = vector.extract_strided_slice %broadcast_in_dim3A_762 {offsets = [1, 0], sizes = [1, 1], strides = [1, 1]} : vector<4x1xf32> to vector<1x1xf32>
      %broadcast_in_dim3A_963 = vector.shape_cast %slice3A_962 : vector<1x1xf32> to vector<1x1xf32>
      %broadcast_in_dim3A_964 = vector.broadcast %broadcast_in_dim3A_963 : vector<1x1xf32> to vector<64x128xf32>
      %eq3A_965 = arith.cmpf oeq, %add3A, %broadcast_in_dim3A_964 : vector<64x128xf32>
      %jit3A_966 = arith.constant 0.000000e+00 : f32
      %broadcast_in_dim3A_967 = vector.broadcast %jit3A_966 : f32 to vector<64x128xf32>
      %select_n3A_968 = arith.select %eq3A_965, %get3A_951, %broadcast_in_dim3A_967 : vector<64x128xi1>, vector<64x128xf32>
      %reshape3A_969 = vector.shape_cast %select_n3A_968 : vector<64x128xf32> to vector<8x8x128xf32>
      %slice3A_970 = vector.extract_strided_slice %reshape3A_969 {offsets = [0, 0, 0], sizes = [1, 8, 128], strides = [1, 1, 1]} : vector<8x8x128xf32> to vector<1x8x128xf32>
      %squeeze3A_971 = vector.shape_cast %slice3A_970 : vector<1x8x128xf32> to vector<8x128xf32>
      %slice3A_972 = vector.extract_strided_slice %reshape3A_969 {offsets = [1, 0, 0], sizes = [1, 8, 128], strides = [1, 1, 1]} : vector<8x8x128xf32> to vector<1x8x128xf32>
      %squeeze3A_973 = vector.shape_cast %slice3A_972 : vector<1x8x128xf32> to vector<8x128xf32>
      %slice3A_974 = vector.extract_strided_slice %reshape3A_969 {offsets = [2, 0, 0], sizes = [1, 8, 128], strides = [1, 1, 1]} : vector<8x8x128xf32> to vector<1x8x128xf32>
      %squeeze3A_975 = vector.shape_cast %slice3A_974 : vector<1x8x128xf32> to vector<8x128xf32>
      %slice3A_976 = vector.extract_strided_slice %reshape3A_969 {offsets = [3, 0, 0], sizes = [1, 8, 128], strides = [1, 1, 1]} : vector<8x8x128xf32> to vector<1x8x128xf32>
      %squeeze3A_977 = vector.shape_cast %slice3A_976 : vector<1x8x128xf32> to vector<8x128xf32>
      %slice3A_978 = vector.extract_strided_slice %reshape3A_969 {offsets = [4, 0, 0], sizes = [1, 8, 128], strides = [1, 1, 1]} : vector<8x8x128xf32> to vector<1x8x128xf32>
      %squeeze3A_979 = vector.shape_cast %slice3A_978 : vector<1x8x128xf32> to vector<8x128xf32>
      %slice3A_980 = vector.extract_strided_slice %reshape3A_969 {offsets = [5, 0, 0], sizes = [1, 8, 128], strides = [1, 1, 1]} : vector<8x8x128xf32> to vector<1x8x128xf32>
      %squeeze3A_981 = vector.shape_cast %slice3A_980 : vector<1x8x128xf32> to vector<8x128xf32>
      %slice3A_982 = vector.extract_strided_slice %reshape3A_969 {offsets = [6, 0, 0], sizes = [1, 8, 128], strides = [1, 1, 1]} : vector<8x8x128xf32> to vector<1x8x128xf32>
      %squeeze3A_983 = vector.shape_cast %slice3A_982 : vector<1x8x128xf32> to vector<8x128xf32>
      %slice3A_984 = vector.extract_strided_slice %reshape3A_969 {offsets = [7, 0, 0], sizes = [1, 8, 128], strides = [1, 1, 1]} : vector<8x8x128xf32> to vector<1x8x128xf32>
      %squeeze3A_985 = vector.shape_cast %slice3A_984 : vector<1x8x128xf32> to vector<8x128xf32>
      %add3A_986 = arith.addf %squeeze3A_971, %squeeze3A_973 : vector<8x128xf32>
      %add3A_987 = arith.addf %squeeze3A_975, %squeeze3A_977 : vector<8x128xf32>
      %add3A_988 = arith.addf %squeeze3A_979, %squeeze3A_981 : vector<8x128xf32>
      %add3A_989 = arith.addf %squeeze3A_983, %squeeze3A_985 : vector<8x128xf32>
      %add3A_990 = arith.addf %add3A_986, %add3A_987 : vector<8x128xf32>
      %add3A_991 = arith.addf %add3A_988, %add3A_989 : vector<8x128xf32>
      %add3A_992 = arith.addf %add3A_990, %add3A_991 : vector<8x128xf32>
      %roll3A_993 = arith.constant 4 : i32
      %roll3A_994 = tpu.dynamic_rotate %add3A_992 by %roll3A_993 dim 0 : vector<8x128xf32>, i32 -> vector<8x128xf32>
      %add3A_995 = arith.addf %add3A_992, %roll3A_994 : vector<8x128xf32>
      %roll3A_996 = arith.constant 2 : i32
      %roll3A_997 = tpu.dynamic_rotate %add3A_995 by %roll3A_996 dim 0 : vector<8x128xf32>, i32 -> vector<8x128xf32>
      %add3A_998 = arith.addf %add3A_995, %roll3A_997 : vector<8x128xf32>
      %roll3A_999 = arith.constant 1 : i32
      %roll3A_1000 = tpu.dynamic_rotate %add3A_998 by %roll3A_999 dim 0 : vector<8x128xf32>, i32 -> vector<8x128xf32>
      %add3A_1001 = arith.addf %add3A_998, %roll3A_1000 : vector<8x128xf32>
      %slice3A_1002 = vector.extract_strided_slice %add3A_1001 {offsets = [0, 0], sizes = [1, 128], strides = [1, 1]} : vector<8x128xf32> to vector<1x128xf32>
      %jit3A_1003 = arith.constant 0.000000e+00 : f32
      %broadcast_in_dim3A_1004 = vector.broadcast %jit3A_1003 : f32 to vector<64x128xf32>
      %select_n3A_1005 = arith.select %eq3A_965, %get3A_956, %broadcast_in_dim3A_1004 : vector<64x128xi1>, vector<64x128xf32>
      %reshape3A_1006 = vector.shape_cast %select_n3A_1005 : vector<64x128xf32> to vector<8x8x128xf32>
      %slice3A_1007 = vector.extract_strided_slice %reshape3A_1006 {offsets = [0, 0, 0], sizes = [1, 8, 128], strides = [1, 1, 1]} : vector<8x8x128xf32> to vector<1x8x128xf32>
      %squeeze3A_1008 = vector.shape_cast %slice3A_1007 : vector<1x8x128xf32> to vector<8x128xf32>
      %slice3A_1009 = vector.extract_strided_slice %reshape3A_1006 {offsets = [1, 0, 0], sizes = [1, 8, 128], strides = [1, 1, 1]} : vector<8x8x128xf32> to vector<1x8x128xf32>
      %squeeze3A_1010 = vector.shape_cast %slice3A_1009 : vector<1x8x128xf32> to vector<8x128xf32>
      %slice3A_1011 = vector.extract_strided_slice %reshape3A_1006 {offsets = [2, 0, 0], sizes = [1, 8, 128], strides = [1, 1, 1]} : vector<8x8x128xf32> to vector<1x8x128xf32>
      %squeeze3A_1012 = vector.shape_cast %slice3A_1011 : vector<1x8x128xf32> to vector<8x128xf32>
      %slice3A_1013 = vector.extract_strided_slice %reshape3A_1006 {offsets = [3, 0, 0], sizes = [1, 8, 128], strides = [1, 1, 1]} : vector<8x8x128xf32> to vector<1x8x128xf32>
      %squeeze3A_1014 = vector.shape_cast %slice3A_1013 : vector<1x8x128xf32> to vector<8x128xf32>
      %slice3A_1015 = vector.extract_strided_slice %reshape3A_1006 {offsets = [4, 0, 0], sizes = [1, 8, 128], strides = [1, 1, 1]} : vector<8x8x128xf32> to vector<1x8x128xf32>
      %squeeze3A_1016 = vector.shape_cast %slice3A_1015 : vector<1x8x128xf32> to vector<8x128xf32>
      %slice3A_1017 = vector.extract_strided_slice %reshape3A_1006 {offsets = [5, 0, 0], sizes = [1, 8, 128], strides = [1, 1, 1]} : vector<8x8x128xf32> to vector<1x8x128xf32>
      %squeeze3A_1018 = vector.shape_cast %slice3A_1017 : vector<1x8x128xf32> to vector<8x128xf32>
      %slice3A_1019 = vector.extract_strided_slice %reshape3A_1006 {offsets = [6, 0, 0], sizes = [1, 8, 128], strides = [1, 1, 1]} : vector<8x8x128xf32> to vector<1x8x128xf32>
      %squeeze3A_1020 = vector.shape_cast %slice3A_1019 : vector<1x8x128xf32> to vector<8x128xf32>
      %slice3A_1021 = vector.extract_strided_slice %reshape3A_1006 {offsets = [7, 0, 0], sizes = [1, 8, 128], strides = [1, 1, 1]} : vector<8x8x128xf32> to vector<1x8x128xf32>
      %squeeze3A_1022 = vector.shape_cast %slice3A_1021 : vector<1x8x128xf32> to vector<8x128xf32>
      %add3A_1023 = arith.addf %squeeze3A_1008, %squeeze3A_1010 : vector<8x128xf32>
      %add3A_1024 = arith.addf %squeeze3A_1012, %squeeze3A_1014 : vector<8x128xf32>
      %add3A_1025 = arith.addf %squeeze3A_1016, %squeeze3A_1018 : vector<8x128xf32>
      %add3A_1026 = arith.addf %squeeze3A_1020, %squeeze3A_1022 : vector<8x128xf32>
      %add3A_1027 = arith.addf %add3A_1023, %add3A_1024 : vector<8x128xf32>
      %add3A_1028 = arith.addf %add3A_1025, %add3A_1026 : vector<8x128xf32>
      %add3A_1029 = arith.addf %add3A_1027, %add3A_1028 : vector<8x128xf32>
      %roll3A_1030 = arith.constant 4 : i32
      %roll3A_1031 = tpu.dynamic_rotate %add3A_1029 by %roll3A_1030 dim 0 : vector<8x128xf32>, i32 -> vector<8x128xf32>
      %add3A_1032 = arith.addf %add3A_1029, %roll3A_1031 : vector<8x128xf32>
      %roll3A_1033 = arith.constant 2 : i32
      %roll3A_1034 = tpu.dynamic_rotate %add3A_1032 by %roll3A_1033 dim 0 : vector<8x128xf32>, i32 -> vector<8x128xf32>
      %add3A_1035 = arith.addf %add3A_1032, %roll3A_1034 : vector<8x128xf32>
      %roll3A_1036 = arith.constant 1 : i32
      %roll3A_1037 = tpu.dynamic_rotate %add3A_1035 by %roll3A_1036 dim 0 : vector<8x128xf32>, i32 -> vector<8x128xf32>
      %add3A_1038 = arith.addf %add3A_1035, %roll3A_1037 : vector<8x128xf32>
      %slice3A_1039 = vector.extract_strided_slice %add3A_1038 {offsets = [0, 0], sizes = [1, 128], strides = [1, 1]} : vector<8x128xf32> to vector<1x128xf32>
      %jit3A_1040 = arith.constant 0.000000e+00 : f32
      %broadcast_in_dim3A_1041 = vector.broadcast %jit3A_1040 : f32 to vector<64x128xf32>
      %select_n3A_1042 = arith.select %eq3A_965, %get3A_961, %broadcast_in_dim3A_1041 : vector<64x128xi1>, vector<64x128xf32>
      %reshape3A_1043 = vector.shape_cast %select_n3A_1042 : vector<64x128xf32> to vector<8x8x128xf32>
      %slice3A_1044 = vector.extract_strided_slice %reshape3A_1043 {offsets = [0, 0, 0], sizes = [1, 8, 128], strides = [1, 1, 1]} : vector<8x8x128xf32> to vector<1x8x128xf32>
      %squeeze3A_1045 = vector.shape_cast %slice3A_1044 : vector<1x8x128xf32> to vector<8x128xf32>
      %slice3A_1046 = vector.extract_strided_slice %reshape3A_1043 {offsets = [1, 0, 0], sizes = [1, 8, 128], strides = [1, 1, 1]} : vector<8x8x128xf32> to vector<1x8x128xf32>
      %squeeze3A_1047 = vector.shape_cast %slice3A_1046 : vector<1x8x128xf32> to vector<8x128xf32>
      %slice3A_1048 = vector.extract_strided_slice %reshape3A_1043 {offsets = [2, 0, 0], sizes = [1, 8, 128], strides = [1, 1, 1]} : vector<8x8x128xf32> to vector<1x8x128xf32>
      %squeeze3A_1049 = vector.shape_cast %slice3A_1048 : vector<1x8x128xf32> to vector<8x128xf32>
      %slice3A_1050 = vector.extract_strided_slice %reshape3A_1043 {offsets = [3, 0, 0], sizes = [1, 8, 128], strides = [1, 1, 1]} : vector<8x8x128xf32> to vector<1x8x128xf32>
      %squeeze3A_1051 = vector.shape_cast %slice3A_1050 : vector<1x8x128xf32> to vector<8x128xf32>
      %slice3A_1052 = vector.extract_strided_slice %reshape3A_1043 {offsets = [4, 0, 0], sizes = [1, 8, 128], strides = [1, 1, 1]} : vector<8x8x128xf32> to vector<1x8x128xf32>
      %squeeze3A_1053 = vector.shape_cast %slice3A_1052 : vector<1x8x128xf32> to vector<8x128xf32>
      %slice3A_1054 = vector.extract_strided_slice %reshape3A_1043 {offsets = [5, 0, 0], sizes = [1, 8, 128], strides = [1, 1, 1]} : vector<8x8x128xf32> to vector<1x8x128xf32>
      %squeeze3A_1055 = vector.shape_cast %slice3A_1054 : vector<1x8x128xf32> to vector<8x128xf32>
      %slice3A_1056 = vector.extract_strided_slice %reshape3A_1043 {offsets = [6, 0, 0], sizes = [1, 8, 128], strides = [1, 1, 1]} : vector<8x8x128xf32> to vector<1x8x128xf32>
      %squeeze3A_1057 = vector.shape_cast %slice3A_1056 : vector<1x8x128xf32> to vector<8x128xf32>
      %slice3A_1058 = vector.extract_strided_slice %reshape3A_1043 {offsets = [7, 0, 0], sizes = [1, 8, 128], strides = [1, 1, 1]} : vector<8x8x128xf32> to vector<1x8x128xf32>
      %squeeze3A_1059 = vector.shape_cast %slice3A_1058 : vector<1x8x128xf32> to vector<8x128xf32>
      %add3A_1060 = arith.addf %squeeze3A_1045, %squeeze3A_1047 : vector<8x128xf32>
      %add3A_1061 = arith.addf %squeeze3A_1049, %squeeze3A_1051 : vector<8x128xf32>
      %add3A_1062 = arith.addf %squeeze3A_1053, %squeeze3A_1055 : vector<8x128xf32>
      %add3A_1063 = arith.addf %squeeze3A_1057, %squeeze3A_1059 : vector<8x128xf32>
      %add3A_1064 = arith.addf %add3A_1060, %add3A_1061 : vector<8x128xf32>
      %add3A_1065 = arith.addf %add3A_1062, %add3A_1063 : vector<8x128xf32>
      %add3A_1066 = arith.addf %add3A_1064, %add3A_1065 : vector<8x128xf32>
      %roll3A_1067 = arith.constant 4 : i32
      %roll3A_1068 = tpu.dynamic_rotate %add3A_1066 by %roll3A_1067 dim 0 : vector<8x128xf32>, i32 -> vector<8x128xf32>
      %add3A_1069 = arith.addf %add3A_1066, %roll3A_1068 : vector<8x128xf32>
      %roll3A_1070 = arith.constant 2 : i32
      %roll3A_1071 = tpu.dynamic_rotate %add3A_1069 by %roll3A_1070 dim 0 : vector<8x128xf32>, i32 -> vector<8x128xf32>
      %add3A_1072 = arith.addf %add3A_1069, %roll3A_1071 : vector<8x128xf32>
      %roll3A_1073 = arith.constant 1 : i32
      %roll3A_1074 = tpu.dynamic_rotate %add3A_1072 by %roll3A_1073 dim 0 : vector<8x128xf32>, i32 -> vector<8x128xf32>
      %add3A_1075 = arith.addf %add3A_1072, %roll3A_1074 : vector<8x128xf32>
      %slice3A_1076 = vector.extract_strided_slice %add3A_1075 {offsets = [0, 0], sizes = [1, 128], strides = [1, 1]} : vector<8x128xf32> to vector<1x128xf32>
      %concatenate3A_1077 = tpu.concatenate %slice3A_1002, %slice3A_1039, %slice3A_1076 in 0 : vector<1x128xf32>, vector<1x128xf32>, vector<1x128xf32> -> vector<3x128xf32>
      %reduce_sum3A_1078 = arith.constant dense<0.000000e+00> : vector<3xf32>
      %reduce_sum3A_1079 = vector.multi_reduction <add>, %concatenate3A_1077, %reduce_sum3A_1078 [1] : vector<3x128xf32> to vector<3xf32>
      %broadcast_in_dim3A_1080 = vector.shape_cast %reduce_sum3A_1079 : vector<3xf32> to vector<3x1xf32>
      %slice3A_1081 = vector.extract_strided_slice %broadcast_in_dim3A_1080 {offsets = [0, 0], sizes = [1, 1], strides = [1, 1]} : vector<3x1xf32> to vector<1x1xf32>
      %broadcast_in_dim3A_1082 = vector.shape_cast %slice3A_1081 : vector<1x1xf32> to vector<1x1xf32>
      %broadcast_in_dim3A_1083 = vector.broadcast %broadcast_in_dim3A_1082 : vector<1x1xf32> to vector<64x128xf32>
      %slice3A_1084 = vector.extract_strided_slice %broadcast_in_dim3A_1080 {offsets = [1, 0], sizes = [1, 1], strides = [1, 1]} : vector<3x1xf32> to vector<1x1xf32>
      %broadcast_in_dim3A_1085 = vector.shape_cast %slice3A_1084 : vector<1x1xf32> to vector<1x1xf32>
      %broadcast_in_dim3A_1086 = vector.broadcast %broadcast_in_dim3A_1085 : vector<1x1xf32> to vector<64x128xf32>
      %slice3A_1087 = vector.extract_strided_slice %broadcast_in_dim3A_1080 {offsets = [2, 0], sizes = [1, 1], strides = [1, 1]} : vector<3x1xf32> to vector<1x1xf32>
      %broadcast_in_dim3A_1088 = vector.shape_cast %slice3A_1087 : vector<1x1xf32> to vector<1x1xf32>
      %broadcast_in_dim3A_1089 = vector.broadcast %broadcast_in_dim3A_1088 : vector<1x1xf32> to vector<64x128xf32>
      %sub3A_1090 = arith.subf %get3A_951, %broadcast_in_dim3A_1083 : vector<64x128xf32>
      %integer_pow3A_1091 = arith.mulf %sub3A_1090, %sub3A_1090 : vector<64x128xf32>
      %sub3A_1092 = arith.subf %get3A_956, %broadcast_in_dim3A_1086 : vector<64x128xf32>
      %integer_pow3A_1093 = arith.mulf %sub3A_1092, %sub3A_1092 : vector<64x128xf32>
      %add3A_1094 = arith.addf %integer_pow3A_1091, %integer_pow3A_1093 : vector<64x128xf32>
      %sub3A_1095 = arith.subf %get3A_961, %broadcast_in_dim3A_1089 : vector<64x128xf32>
      %integer_pow3A_1096 = arith.mulf %sub3A_1095, %sub3A_1095 : vector<64x128xf32>
      %add3A_1097 = arith.addf %add3A_1094, %integer_pow3A_1096 : vector<64x128xf32>
      %min3A_1098 = arith.minimumf %get3A_452, %add3A_1097 : vector<64x128xf32>
      %swap3A_1099 = arith.constant 1 : index
      %swap3A_1100 = arith.constant 0 : index
      %swap3A_1101 = arith.constant 0 : index
      %swap3A_1102 = vector.load %arg7[%swap3A_1099, %swap3A_1100, %swap3A_1101] : memref<4x64x128xf32, #tpu.memory_space<vmem>>, vector<1x64x128xf32>
      %swap3A_1103 = vector.shape_cast %swap3A_1102 : vector<1x64x128xf32> to vector<64x128xf32>
      %swap3A_1104 = vector.shape_cast %min3A_1098 : vector<64x128xf32> to vector<1x64x128xf32>
      tpu.vector_store %arg7[%swap3A_1099, %swap3A_1100, %swap3A_1101], %swap3A_1104 {strides = array<i32>} : memref<4x64x128xf32, #tpu.memory_space<vmem>>, vector<1x64x128xf32>,
      %slice3A_1105 = vector.extract_strided_slice %broadcast_in_dim3A_1080 {offsets = [0, 0], sizes = [1, 1], strides = [1, 1]} : vector<3x1xf32> to vector<1x1xf32>
      %broadcast_in_dim3A_1106 = vector.shape_cast %slice3A_1105 : vector<1x1xf32> to vector<1x1xf32>
      %broadcast_in_dim3A_1107 = vector.broadcast %broadcast_in_dim3A_1106 : vector<1x1xf32> to vector<1x128xf32>
      %slice3A_1108 = vector.extract_strided_slice %broadcast_in_dim3A_1080 {offsets = [1, 0], sizes = [1, 1], strides = [1, 1]} : vector<3x1xf32> to vector<1x1xf32>
      %broadcast_in_dim3A_1109 = vector.shape_cast %slice3A_1108 : vector<1x1xf32> to vector<1x1xf32>
      %broadcast_in_dim3A_1110 = vector.broadcast %broadcast_in_dim3A_1109 : vector<1x1xf32> to vector<1x128xf32>
      %slice3A_1111 = vector.extract_strided_slice %broadcast_in_dim3A_1080 {offsets = [2, 0], sizes = [1, 1], strides = [1, 1]} : vector<3x1xf32> to vector<1x1xf32>
      %broadcast_in_dim3A_1112 = vector.shape_cast %slice3A_1111 : vector<1x1xf32> to vector<1x1xf32>
      %broadcast_in_dim3A_1113 = vector.broadcast %broadcast_in_dim3A_1112 : vector<1x1xf32> to vector<1x128xf32>
      %eq3A_1114 = vector.broadcast %convert_element_type3A_440 : f32 to vector<1x128xf32>
      %eq3A_1115 = arith.cmpf oeq, %convert_element_type3A_5, %eq3A_1114 : vector<1x128xf32>
      %select_n3A_1116 = arith.select %eq3A_1115, %broadcast_in_dim3A_1107, %scan3A_422 : vector<1x128xi1>, vector<1x128xf32>
      %eq3A_1117 = vector.broadcast %sub3A_442 : f32 to vector<1x128xf32>
      %eq3A_1118 = arith.cmpf oeq, %convert_element_type3A_5, %eq3A_1117 : vector<1x128xf32>
      %select_n3A_1119 = arith.select %eq3A_1118, %broadcast_in_dim3A_1107, %scan3A_423 : vector<1x128xi1>, vector<1x128xf32>
      %eq3A_1120 = vector.broadcast %convert_element_type3A_440 : f32 to vector<1x128xf32>
      %eq3A_1121 = arith.cmpf oeq, %convert_element_type3A_5, %eq3A_1120 : vector<1x128xf32>
      %select_n3A_1122 = arith.select %eq3A_1121, %broadcast_in_dim3A_1110, %scan3A_424 : vector<1x128xi1>, vector<1x128xf32>
      %eq3A_1123 = vector.broadcast %sub3A_442 : f32 to vector<1x128xf32>
      %eq3A_1124 = arith.cmpf oeq, %convert_element_type3A_5, %eq3A_1123 : vector<1x128xf32>
      %select_n3A_1125 = arith.select %eq3A_1124, %broadcast_in_dim3A_1110, %scan3A_425 : vector<1x128xi1>, vector<1x128xf32>
      %eq3A_1126 = vector.broadcast %convert_element_type3A_440 : f32 to vector<1x128xf32>
      %eq3A_1127 = arith.cmpf oeq, %convert_element_type3A_5, %eq3A_1126 : vector<1x128xf32>
      %select_n3A_1128 = arith.select %eq3A_1127, %broadcast_in_dim3A_1113, %scan3A_426 : vector<1x128xi1>, vector<1x128xf32>
      %eq3A_1129 = vector.broadcast %sub3A_442 : f32 to vector<1x128xf32>
      %eq3A_1130 = arith.cmpf oeq, %convert_element_type3A_5, %eq3A_1129 : vector<1x128xf32>
      %select_n3A_1131 = arith.select %eq3A_1130, %broadcast_in_dim3A_1113, %scan3A_427 : vector<1x128xi1>, vector<1x128xf32>
      %get3A_1132 = arith.constant 2 : index
      %get3A_1133 = arith.constant 0 : index
      %get3A_1134 = arith.constant 0 : index
      %get3A_1135 = vector.load %arg1[%get3A_1132, %get3A_1133, %get3A_1134] : memref<4x64x128xf32, #tpu.memory_space<vmem>>, vector<1x64x128xf32>
      %get3A_1136 = vector.shape_cast %get3A_1135 : vector<1x64x128xf32> to vector<64x128xf32>
      %get3A_1137 = arith.constant 2 : index
      %get3A_1138 = arith.constant 0 : index
      %get3A_1139 = arith.constant 0 : index
      %get3A_1140 = vector.load %arg2[%get3A_1137, %get3A_1138, %get3A_1139] : memref<4x64x128xf32, #tpu.memory_space<vmem>>, vector<1x64x128xf32>
      %get3A_1141 = vector.shape_cast %get3A_1140 : vector<1x64x128xf32> to vector<64x128xf32>
      %get3A_1142 = arith.constant 2 : index
      %get3A_1143 = arith.constant 0 : index
      %get3A_1144 = arith.constant 0 : index
      %get3A_1145 = vector.load %arg3[%get3A_1142, %get3A_1143, %get3A_1144] : memref<4x64x128xf32, #tpu.memory_space<vmem>>, vector<1x64x128xf32>
      %get3A_1146 = vector.shape_cast %get3A_1145 : vector<1x64x128xf32> to vector<64x128xf32>
      %slice3A_1147 = vector.extract_strided_slice %broadcast_in_dim3A_762 {offsets = [2, 0], sizes = [1, 1], strides = [1, 1]} : vector<4x1xf32> to vector<1x1xf32>
      %broadcast_in_dim3A_1148 = vector.shape_cast %slice3A_1147 : vector<1x1xf32> to vector<1x1xf32>
      %broadcast_in_dim3A_1149 = vector.broadcast %broadcast_in_dim3A_1148 : vector<1x1xf32> to vector<64x128xf32>
      %eq3A_1150 = arith.cmpf oeq, %add3A, %broadcast_in_dim3A_1149 : vector<64x128xf32>
      %jit3A_1151 = arith.constant 0.000000e+00 : f32
      %broadcast_in_dim3A_1152 = vector.broadcast %jit3A_1151 : f32 to vector<64x128xf32>
      %select_n3A_1153 = arith.select %eq3A_1150, %get3A_1136, %broadcast_in_dim3A_1152 : vector<64x128xi1>, vector<64x128xf32>
      %reshape3A_1154 = vector.shape_cast %select_n3A_1153 : vector<64x128xf32> to vector<8x8x128xf32>
      %slice3A_1155 = vector.extract_strided_slice %reshape3A_1154 {offsets = [0, 0, 0], sizes = [1, 8, 128], strides = [1, 1, 1]} : vector<8x8x128xf32> to vector<1x8x128xf32>
      %squeeze3A_1156 = vector.shape_cast %slice3A_1155 : vector<1x8x128xf32> to vector<8x128xf32>
      %slice3A_1157 = vector.extract_strided_slice %reshape3A_1154 {offsets = [1, 0, 0], sizes = [1, 8, 128], strides = [1, 1, 1]} : vector<8x8x128xf32> to vector<1x8x128xf32>
      %squeeze3A_1158 = vector.shape_cast %slice3A_1157 : vector<1x8x128xf32> to vector<8x128xf32>
      %slice3A_1159 = vector.extract_strided_slice %reshape3A_1154 {offsets = [2, 0, 0], sizes = [1, 8, 128], strides = [1, 1, 1]} : vector<8x8x128xf32> to vector<1x8x128xf32>
      %squeeze3A_1160 = vector.shape_cast %slice3A_1159 : vector<1x8x128xf32> to vector<8x128xf32>
      %slice3A_1161 = vector.extract_strided_slice %reshape3A_1154 {offsets = [3, 0, 0], sizes = [1, 8, 128], strides = [1, 1, 1]} : vector<8x8x128xf32> to vector<1x8x128xf32>
      %squeeze3A_1162 = vector.shape_cast %slice3A_1161 : vector<1x8x128xf32> to vector<8x128xf32>
      %slice3A_1163 = vector.extract_strided_slice %reshape3A_1154 {offsets = [4, 0, 0], sizes = [1, 8, 128], strides = [1, 1, 1]} : vector<8x8x128xf32> to vector<1x8x128xf32>
      %squeeze3A_1164 = vector.shape_cast %slice3A_1163 : vector<1x8x128xf32> to vector<8x128xf32>
      %slice3A_1165 = vector.extract_strided_slice %reshape3A_1154 {offsets = [5, 0, 0], sizes = [1, 8, 128], strides = [1, 1, 1]} : vector<8x8x128xf32> to vector<1x8x128xf32>
      %squeeze3A_1166 = vector.shape_cast %slice3A_1165 : vector<1x8x128xf32> to vector<8x128xf32>
      %slice3A_1167 = vector.extract_strided_slice %reshape3A_1154 {offsets = [6, 0, 0], sizes = [1, 8, 128], strides = [1, 1, 1]} : vector<8x8x128xf32> to vector<1x8x128xf32>
      %squeeze3A_1168 = vector.shape_cast %slice3A_1167 : vector<1x8x128xf32> to vector<8x128xf32>
      %slice3A_1169 = vector.extract_strided_slice %reshape3A_1154 {offsets = [7, 0, 0], sizes = [1, 8, 128], strides = [1, 1, 1]} : vector<8x8x128xf32> to vector<1x8x128xf32>
      %squeeze3A_1170 = vector.shape_cast %slice3A_1169 : vector<1x8x128xf32> to vector<8x128xf32>
      %add3A_1171 = arith.addf %squeeze3A_1156, %squeeze3A_1158 : vector<8x128xf32>
      %add3A_1172 = arith.addf %squeeze3A_1160, %squeeze3A_1162 : vector<8x128xf32>
      %add3A_1173 = arith.addf %squeeze3A_1164, %squeeze3A_1166 : vector<8x128xf32>
      %add3A_1174 = arith.addf %squeeze3A_1168, %squeeze3A_1170 : vector<8x128xf32>
      %add3A_1175 = arith.addf %add3A_1171, %add3A_1172 : vector<8x128xf32>
      %add3A_1176 = arith.addf %add3A_1173, %add3A_1174 : vector<8x128xf32>
      %add3A_1177 = arith.addf %add3A_1175, %add3A_1176 : vector<8x128xf32>
      %roll3A_1178 = arith.constant 4 : i32
      %roll3A_1179 = tpu.dynamic_rotate %add3A_1177 by %roll3A_1178 dim 0 : vector<8x128xf32>, i32 -> vector<8x128xf32>
      %add3A_1180 = arith.addf %add3A_1177, %roll3A_1179 : vector<8x128xf32>
      %roll3A_1181 = arith.constant 2 : i32
      %roll3A_1182 = tpu.dynamic_rotate %add3A_1180 by %roll3A_1181 dim 0 : vector<8x128xf32>, i32 -> vector<8x128xf32>
      %add3A_1183 = arith.addf %add3A_1180, %roll3A_1182 : vector<8x128xf32>
      %roll3A_1184 = arith.constant 1 : i32
      %roll3A_1185 = tpu.dynamic_rotate %add3A_1183 by %roll3A_1184 dim 0 : vector<8x128xf32>, i32 -> vector<8x128xf32>
      %add3A_1186 = arith.addf %add3A_1183, %roll3A_1185 : vector<8x128xf32>
      %slice3A_1187 = vector.extract_strided_slice %add3A_1186 {offsets = [0, 0], sizes = [1, 128], strides = [1, 1]} : vector<8x128xf32> to vector<1x128xf32>
      %jit3A_1188 = arith.constant 0.000000e+00 : f32
      %broadcast_in_dim3A_1189 = vector.broadcast %jit3A_1188 : f32 to vector<64x128xf32>
      %select_n3A_1190 = arith.select %eq3A_1150, %get3A_1141, %broadcast_in_dim3A_1189 : vector<64x128xi1>, vector<64x128xf32>
      %reshape3A_1191 = vector.shape_cast %select_n3A_1190 : vector<64x128xf32> to vector<8x8x128xf32>
      %slice3A_1192 = vector.extract_strided_slice %reshape3A_1191 {offsets = [0, 0, 0], sizes = [1, 8, 128], strides = [1, 1, 1]} : vector<8x8x128xf32> to vector<1x8x128xf32>
      %squeeze3A_1193 = vector.shape_cast %slice3A_1192 : vector<1x8x128xf32> to vector<8x128xf32>
      %slice3A_1194 = vector.extract_strided_slice %reshape3A_1191 {offsets = [1, 0, 0], sizes = [1, 8, 128], strides = [1, 1, 1]} : vector<8x8x128xf32> to vector<1x8x128xf32>
      %squeeze3A_1195 = vector.shape_cast %slice3A_1194 : vector<1x8x128xf32> to vector<8x128xf32>
      %slice3A_1196 = vector.extract_strided_slice %reshape3A_1191 {offsets = [2, 0, 0], sizes = [1, 8, 128], strides = [1, 1, 1]} : vector<8x8x128xf32> to vector<1x8x128xf32>
      %squeeze3A_1197 = vector.shape_cast %slice3A_1196 : vector<1x8x128xf32> to vector<8x128xf32>
      %slice3A_1198 = vector.extract_strided_slice %reshape3A_1191 {offsets = [3, 0, 0], sizes = [1, 8, 128], strides = [1, 1, 1]} : vector<8x8x128xf32> to vector<1x8x128xf32>
      %squeeze3A_1199 = vector.shape_cast %slice3A_1198 : vector<1x8x128xf32> to vector<8x128xf32>
      %slice3A_1200 = vector.extract_strided_slice %reshape3A_1191 {offsets = [4, 0, 0], sizes = [1, 8, 128], strides = [1, 1, 1]} : vector<8x8x128xf32> to vector<1x8x128xf32>
      %squeeze3A_1201 = vector.shape_cast %slice3A_1200 : vector<1x8x128xf32> to vector<8x128xf32>
      %slice3A_1202 = vector.extract_strided_slice %reshape3A_1191 {offsets = [5, 0, 0], sizes = [1, 8, 128], strides = [1, 1, 1]} : vector<8x8x128xf32> to vector<1x8x128xf32>
      %squeeze3A_1203 = vector.shape_cast %slice3A_1202 : vector<1x8x128xf32> to vector<8x128xf32>
      %slice3A_1204 = vector.extract_strided_slice %reshape3A_1191 {offsets = [6, 0, 0], sizes = [1, 8, 128], strides = [1, 1, 1]} : vector<8x8x128xf32> to vector<1x8x128xf32>
      %squeeze3A_1205 = vector.shape_cast %slice3A_1204 : vector<1x8x128xf32> to vector<8x128xf32>
      %slice3A_1206 = vector.extract_strided_slice %reshape3A_1191 {offsets = [7, 0, 0], sizes = [1, 8, 128], strides = [1, 1, 1]} : vector<8x8x128xf32> to vector<1x8x128xf32>
      %squeeze3A_1207 = vector.shape_cast %slice3A_1206 : vector<1x8x128xf32> to vector<8x128xf32>
      %add3A_1208 = arith.addf %squeeze3A_1193, %squeeze3A_1195 : vector<8x128xf32>
      %add3A_1209 = arith.addf %squeeze3A_1197, %squeeze3A_1199 : vector<8x128xf32>
      %add3A_1210 = arith.addf %squeeze3A_1201, %squeeze3A_1203 : vector<8x128xf32>
      %add3A_1211 = arith.addf %squeeze3A_1205, %squeeze3A_1207 : vector<8x128xf32>
      %add3A_1212 = arith.addf %add3A_1208, %add3A_1209 : vector<8x128xf32>
      %add3A_1213 = arith.addf %add3A_1210, %add3A_1211 : vector<8x128xf32>
      %add3A_1214 = arith.addf %add3A_1212, %add3A_1213 : vector<8x128xf32>
      %roll3A_1215 = arith.constant 4 : i32
      %roll3A_1216 = tpu.dynamic_rotate %add3A_1214 by %roll3A_1215 dim 0 : vector<8x128xf32>, i32 -> vector<8x128xf32>
      %add3A_1217 = arith.addf %add3A_1214, %roll3A_1216 : vector<8x128xf32>
      %roll3A_1218 = arith.constant 2 : i32
      %roll3A_1219 = tpu.dynamic_rotate %add3A_1217 by %roll3A_1218 dim 0 : vector<8x128xf32>, i32 -> vector<8x128xf32>
      %add3A_1220 = arith.addf %add3A_1217, %roll3A_1219 : vector<8x128xf32>
      %roll3A_1221 = arith.constant 1 : i32
      %roll3A_1222 = tpu.dynamic_rotate %add3A_1220 by %roll3A_1221 dim 0 : vector<8x128xf32>, i32 -> vector<8x128xf32>
      %add3A_1223 = arith.addf %add3A_1220, %roll3A_1222 : vector<8x128xf32>
      %slice3A_1224 = vector.extract_strided_slice %add3A_1223 {offsets = [0, 0], sizes = [1, 128], strides = [1, 1]} : vector<8x128xf32> to vector<1x128xf32>
      %jit3A_1225 = arith.constant 0.000000e+00 : f32
      %broadcast_in_dim3A_1226 = vector.broadcast %jit3A_1225 : f32 to vector<64x128xf32>
      %select_n3A_1227 = arith.select %eq3A_1150, %get3A_1146, %broadcast_in_dim3A_1226 : vector<64x128xi1>, vector<64x128xf32>
      %reshape3A_1228 = vector.shape_cast %select_n3A_1227 : vector<64x128xf32> to vector<8x8x128xf32>
      %slice3A_1229 = vector.extract_strided_slice %reshape3A_1228 {offsets = [0, 0, 0], sizes = [1, 8, 128], strides = [1, 1, 1]} : vector<8x8x128xf32> to vector<1x8x128xf32>
      %squeeze3A_1230 = vector.shape_cast %slice3A_1229 : vector<1x8x128xf32> to vector<8x128xf32>
      %slice3A_1231 = vector.extract_strided_slice %reshape3A_1228 {offsets = [1, 0, 0], sizes = [1, 8, 128], strides = [1, 1, 1]} : vector<8x8x128xf32> to vector<1x8x128xf32>
      %squeeze3A_1232 = vector.shape_cast %slice3A_1231 : vector<1x8x128xf32> to vector<8x128xf32>
      %slice3A_1233 = vector.extract_strided_slice %reshape3A_1228 {offsets = [2, 0, 0], sizes = [1, 8, 128], strides = [1, 1, 1]} : vector<8x8x128xf32> to vector<1x8x128xf32>
      %squeeze3A_1234 = vector.shape_cast %slice3A_1233 : vector<1x8x128xf32> to vector<8x128xf32>
      %slice3A_1235 = vector.extract_strided_slice %reshape3A_1228 {offsets = [3, 0, 0], sizes = [1, 8, 128], strides = [1, 1, 1]} : vector<8x8x128xf32> to vector<1x8x128xf32>
      %squeeze3A_1236 = vector.shape_cast %slice3A_1235 : vector<1x8x128xf32> to vector<8x128xf32>
      %slice3A_1237 = vector.extract_strided_slice %reshape3A_1228 {offsets = [4, 0, 0], sizes = [1, 8, 128], strides = [1, 1, 1]} : vector<8x8x128xf32> to vector<1x8x128xf32>
      %squeeze3A_1238 = vector.shape_cast %slice3A_1237 : vector<1x8x128xf32> to vector<8x128xf32>
      %slice3A_1239 = vector.extract_strided_slice %reshape3A_1228 {offsets = [5, 0, 0], sizes = [1, 8, 128], strides = [1, 1, 1]} : vector<8x8x128xf32> to vector<1x8x128xf32>
      %squeeze3A_1240 = vector.shape_cast %slice3A_1239 : vector<1x8x128xf32> to vector<8x128xf32>
      %slice3A_1241 = vector.extract_strided_slice %reshape3A_1228 {offsets = [6, 0, 0], sizes = [1, 8, 128], strides = [1, 1, 1]} : vector<8x8x128xf32> to vector<1x8x128xf32>
      %squeeze3A_1242 = vector.shape_cast %slice3A_1241 : vector<1x8x128xf32> to vector<8x128xf32>
      %slice3A_1243 = vector.extract_strided_slice %reshape3A_1228 {offsets = [7, 0, 0], sizes = [1, 8, 128], strides = [1, 1, 1]} : vector<8x8x128xf32> to vector<1x8x128xf32>
      %squeeze3A_1244 = vector.shape_cast %slice3A_1243 : vector<1x8x128xf32> to vector<8x128xf32>
      %add3A_1245 = arith.addf %squeeze3A_1230, %squeeze3A_1232 : vector<8x128xf32>
      %add3A_1246 = arith.addf %squeeze3A_1234, %squeeze3A_1236 : vector<8x128xf32>
      %add3A_1247 = arith.addf %squeeze3A_1238, %squeeze3A_1240 : vector<8x128xf32>
      %add3A_1248 = arith.addf %squeeze3A_1242, %squeeze3A_1244 : vector<8x128xf32>
      %add3A_1249 = arith.addf %add3A_1245, %add3A_1246 : vector<8x128xf32>
      %add3A_1250 = arith.addf %add3A_1247, %add3A_1248 : vector<8x128xf32>
      %add3A_1251 = arith.addf %add3A_1249, %add3A_1250 : vector<8x128xf32>
      %roll3A_1252 = arith.constant 4 : i32
      %roll3A_1253 = tpu.dynamic_rotate %add3A_1251 by %roll3A_1252 dim 0 : vector<8x128xf32>, i32 -> vector<8x128xf32>
      %add3A_1254 = arith.addf %add3A_1251, %roll3A_1253 : vector<8x128xf32>
      %roll3A_1255 = arith.constant 2 : i32
      %roll3A_1256 = tpu.dynamic_rotate %add3A_1254 by %roll3A_1255 dim 0 : vector<8x128xf32>, i32 -> vector<8x128xf32>
      %add3A_1257 = arith.addf %add3A_1254, %roll3A_1256 : vector<8x128xf32>
      %roll3A_1258 = arith.constant 1 : i32
      %roll3A_1259 = tpu.dynamic_rotate %add3A_1257 by %roll3A_1258 dim 0 : vector<8x128xf32>, i32 -> vector<8x128xf32>
      %add3A_1260 = arith.addf %add3A_1257, %roll3A_1259 : vector<8x128xf32>
      %slice3A_1261 = vector.extract_strided_slice %add3A_1260 {offsets = [0, 0], sizes = [1, 128], strides = [1, 1]} : vector<8x128xf32> to vector<1x128xf32>
      %concatenate3A_1262 = tpu.concatenate %slice3A_1187, %slice3A_1224, %slice3A_1261 in 0 : vector<1x128xf32>, vector<1x128xf32>, vector<1x128xf32> -> vector<3x128xf32>
      %reduce_sum3A_1263 = arith.constant dense<0.000000e+00> : vector<3xf32>
      %reduce_sum3A_1264 = vector.multi_reduction <add>, %concatenate3A_1262, %reduce_sum3A_1263 [1] : vector<3x128xf32> to vector<3xf32>
      %broadcast_in_dim3A_1265 = vector.shape_cast %reduce_sum3A_1264 : vector<3xf32> to vector<3x1xf32>
      %slice3A_1266 = vector.extract_strided_slice %broadcast_in_dim3A_1265 {offsets = [0, 0], sizes = [1, 1], strides = [1, 1]} : vector<3x1xf32> to vector<1x1xf32>
      %broadcast_in_dim3A_1267 = vector.shape_cast %slice3A_1266 : vector<1x1xf32> to vector<1x1xf32>
      %broadcast_in_dim3A_1268 = vector.broadcast %broadcast_in_dim3A_1267 : vector<1x1xf32> to vector<64x128xf32>
      %slice3A_1269 = vector.extract_strided_slice %broadcast_in_dim3A_1265 {offsets = [1, 0], sizes = [1, 1], strides = [1, 1]} : vector<3x1xf32> to vector<1x1xf32>
      %broadcast_in_dim3A_1270 = vector.shape_cast %slice3A_1269 : vector<1x1xf32> to vector<1x1xf32>
      %broadcast_in_dim3A_1271 = vector.broadcast %broadcast_in_dim3A_1270 : vector<1x1xf32> to vector<64x128xf32>
      %slice3A_1272 = vector.extract_strided_slice %broadcast_in_dim3A_1265 {offsets = [2, 0], sizes = [1, 1], strides = [1, 1]} : vector<3x1xf32> to vector<1x1xf32>
      %broadcast_in_dim3A_1273 = vector.shape_cast %slice3A_1272 : vector<1x1xf32> to vector<1x1xf32>
      %broadcast_in_dim3A_1274 = vector.broadcast %broadcast_in_dim3A_1273 : vector<1x1xf32> to vector<64x128xf32>
      %sub3A_1275 = arith.subf %get3A_1136, %broadcast_in_dim3A_1268 : vector<64x128xf32>
      %integer_pow3A_1276 = arith.mulf %sub3A_1275, %sub3A_1275 : vector<64x128xf32>
      %sub3A_1277 = arith.subf %get3A_1141, %broadcast_in_dim3A_1271 : vector<64x128xf32>
      %integer_pow3A_1278 = arith.mulf %sub3A_1277, %sub3A_1277 : vector<64x128xf32>
      %add3A_1279 = arith.addf %integer_pow3A_1276, %integer_pow3A_1278 : vector<64x128xf32>
      %sub3A_1280 = arith.subf %get3A_1146, %broadcast_in_dim3A_1274 : vector<64x128xf32>
      %integer_pow3A_1281 = arith.mulf %sub3A_1280, %sub3A_1280 : vector<64x128xf32>
      %add3A_1282 = arith.addf %add3A_1279, %integer_pow3A_1281 : vector<64x128xf32>
      %min3A_1283 = arith.minimumf %get3A_457, %add3A_1282 : vector<64x128xf32>
      %swap3A_1284 = arith.constant 2 : index
      %swap3A_1285 = arith.constant 0 : index
      %swap3A_1286 = arith.constant 0 : index
      %swap3A_1287 = vector.load %arg7[%swap3A_1284, %swap3A_1285, %swap3A_1286] : memref<4x64x128xf32, #tpu.memory_space<vmem>>, vector<1x64x128xf32>
      %swap3A_1288 = vector.shape_cast %swap3A_1287 : vector<1x64x128xf32> to vector<64x128xf32>
      %swap3A_1289 = vector.shape_cast %min3A_1283 : vector<64x128xf32> to vector<1x64x128xf32>
      tpu.vector_store %arg7[%swap3A_1284, %swap3A_1285, %swap3A_1286], %swap3A_1289 {strides = array<i32>} : memref<4x64x128xf32, #tpu.memory_space<vmem>>, vector<1x64x128xf32>,
      %slice3A_1290 = vector.extract_strided_slice %broadcast_in_dim3A_1265 {offsets = [0, 0], sizes = [1, 1], strides = [1, 1]} : vector<3x1xf32> to vector<1x1xf32>
      %broadcast_in_dim3A_1291 = vector.shape_cast %slice3A_1290 : vector<1x1xf32> to vector<1x1xf32>
      %broadcast_in_dim3A_1292 = vector.broadcast %broadcast_in_dim3A_1291 : vector<1x1xf32> to vector<1x128xf32>
      %slice3A_1293 = vector.extract_strided_slice %broadcast_in_dim3A_1265 {offsets = [1, 0], sizes = [1, 1], strides = [1, 1]} : vector<3x1xf32> to vector<1x1xf32>
      %broadcast_in_dim3A_1294 = vector.shape_cast %slice3A_1293 : vector<1x1xf32> to vector<1x1xf32>
      %broadcast_in_dim3A_1295 = vector.broadcast %broadcast_in_dim3A_1294 : vector<1x1xf32> to vector<1x128xf32>
      %slice3A_1296 = vector.extract_strided_slice %broadcast_in_dim3A_1265 {offsets = [2, 0], sizes = [1, 1], strides = [1, 1]} : vector<3x1xf32> to vector<1x1xf32>
      %broadcast_in_dim3A_1297 = vector.shape_cast %slice3A_1296 : vector<1x1xf32> to vector<1x1xf32>
      %broadcast_in_dim3A_1298 = vector.broadcast %broadcast_in_dim3A_1297 : vector<1x1xf32> to vector<1x128xf32>
      %eq3A_1299 = vector.broadcast %convert_element_type3A_440 : f32 to vector<1x128xf32>
      %eq3A_1300 = arith.cmpf oeq, %convert_element_type3A_5, %eq3A_1299 : vector<1x128xf32>
      %select_n3A_1301 = arith.select %eq3A_1300, %broadcast_in_dim3A_1292, %scan3A_428 : vector<1x128xi1>, vector<1x128xf32>
      %eq3A_1302 = vector.broadcast %sub3A_442 : f32 to vector<1x128xf32>
      %eq3A_1303 = arith.cmpf oeq, %convert_element_type3A_5, %eq3A_1302 : vector<1x128xf32>
      %select_n3A_1304 = arith.select %eq3A_1303, %broadcast_in_dim3A_1292, %scan3A_429 : vector<1x128xi1>, vector<1x128xf32>
      %eq3A_1305 = vector.broadcast %convert_element_type3A_440 : f32 to vector<1x128xf32>
      %eq3A_1306 = arith.cmpf oeq, %convert_element_type3A_5, %eq3A_1305 : vector<1x128xf32>
      %select_n3A_1307 = arith.select %eq3A_1306, %broadcast_in_dim3A_1295, %scan3A_430 : vector<1x128xi1>, vector<1x128xf32>
      %eq3A_1308 = vector.broadcast %sub3A_442 : f32 to vector<1x128xf32>
      %eq3A_1309 = arith.cmpf oeq, %convert_element_type3A_5, %eq3A_1308 : vector<1x128xf32>
      %select_n3A_1310 = arith.select %eq3A_1309, %broadcast_in_dim3A_1295, %scan3A_431 : vector<1x128xi1>, vector<1x128xf32>
      %eq3A_1311 = vector.broadcast %convert_element_type3A_440 : f32 to vector<1x128xf32>
      %eq3A_1312 = arith.cmpf oeq, %convert_element_type3A_5, %eq3A_1311 : vector<1x128xf32>
      %select_n3A_1313 = arith.select %eq3A_1312, %broadcast_in_dim3A_1298, %scan3A_432 : vector<1x128xi1>, vector<1x128xf32>
      %eq3A_1314 = vector.broadcast %sub3A_442 : f32 to vector<1x128xf32>
      %eq3A_1315 = arith.cmpf oeq, %convert_element_type3A_5, %eq3A_1314 : vector<1x128xf32>
      %select_n3A_1316 = arith.select %eq3A_1315, %broadcast_in_dim3A_1298, %scan3A_433 : vector<1x128xi1>, vector<1x128xf32>
      %get3A_1317 = arith.constant 3 : index
      %get3A_1318 = arith.constant 0 : index
      %get3A_1319 = arith.constant 0 : index
      %get3A_1320 = vector.load %arg1[%get3A_1317, %get3A_1318, %get3A_1319] : memref<4x64x128xf32, #tpu.memory_space<vmem>>, vector<1x64x128xf32>
      %get3A_1321 = vector.shape_cast %get3A_1320 : vector<1x64x128xf32> to vector<64x128xf32>
      %get3A_1322 = arith.constant 3 : index
      %get3A_1323 = arith.constant 0 : index
      %get3A_1324 = arith.constant 0 : index
      %get3A_1325 = vector.load %arg2[%get3A_1322, %get3A_1323, %get3A_1324] : memref<4x64x128xf32, #tpu.memory_space<vmem>>, vector<1x64x128xf32>
      %get3A_1326 = vector.shape_cast %get3A_1325 : vector<1x64x128xf32> to vector<64x128xf32>
      %get3A_1327 = arith.constant 3 : index
      %get3A_1328 = arith.constant 0 : index
      %get3A_1329 = arith.constant 0 : index
      %get3A_1330 = vector.load %arg3[%get3A_1327, %get3A_1328, %get3A_1329] : memref<4x64x128xf32, #tpu.memory_space<vmem>>, vector<1x64x128xf32>
      %get3A_1331 = vector.shape_cast %get3A_1330 : vector<1x64x128xf32> to vector<64x128xf32>
      %slice3A_1332 = vector.extract_strided_slice %broadcast_in_dim3A_762 {offsets = [3, 0], sizes = [1, 1], strides = [1, 1]} : vector<4x1xf32> to vector<1x1xf32>
      %broadcast_in_dim3A_1333 = vector.shape_cast %slice3A_1332 : vector<1x1xf32> to vector<1x1xf32>
      %broadcast_in_dim3A_1334 = vector.broadcast %broadcast_in_dim3A_1333 : vector<1x1xf32> to vector<64x128xf32>
      %eq3A_1335 = arith.cmpf oeq, %add3A, %broadcast_in_dim3A_1334 : vector<64x128xf32>
      %jit3A_1336 = arith.constant 0.000000e+00 : f32
      %broadcast_in_dim3A_1337 = vector.broadcast %jit3A_1336 : f32 to vector<64x128xf32>
      %select_n3A_1338 = arith.select %eq3A_1335, %get3A_1321, %broadcast_in_dim3A_1337 : vector<64x128xi1>, vector<64x128xf32>
      %reshape3A_1339 = vector.shape_cast %select_n3A_1338 : vector<64x128xf32> to vector<8x8x128xf32>
      %slice3A_1340 = vector.extract_strided_slice %reshape3A_1339 {offsets = [0, 0, 0], sizes = [1, 8, 128], strides = [1, 1, 1]} : vector<8x8x128xf32> to vector<1x8x128xf32>
      %squeeze3A_1341 = vector.shape_cast %slice3A_1340 : vector<1x8x128xf32> to vector<8x128xf32>
      %slice3A_1342 = vector.extract_strided_slice %reshape3A_1339 {offsets = [1, 0, 0], sizes = [1, 8, 128], strides = [1, 1, 1]} : vector<8x8x128xf32> to vector<1x8x128xf32>
      %squeeze3A_1343 = vector.shape_cast %slice3A_1342 : vector<1x8x128xf32> to vector<8x128xf32>
      %slice3A_1344 = vector.extract_strided_slice %reshape3A_1339 {offsets = [2, 0, 0], sizes = [1, 8, 128], strides = [1, 1, 1]} : vector<8x8x128xf32> to vector<1x8x128xf32>
      %squeeze3A_1345 = vector.shape_cast %slice3A_1344 : vector<1x8x128xf32> to vector<8x128xf32>
      %slice3A_1346 = vector.extract_strided_slice %reshape3A_1339 {offsets = [3, 0, 0], sizes = [1, 8, 128], strides = [1, 1, 1]} : vector<8x8x128xf32> to vector<1x8x128xf32>
      %squeeze3A_1347 = vector.shape_cast %slice3A_1346 : vector<1x8x128xf32> to vector<8x128xf32>
      %slice3A_1348 = vector.extract_strided_slice %reshape3A_1339 {offsets = [4, 0, 0], sizes = [1, 8, 128], strides = [1, 1, 1]} : vector<8x8x128xf32> to vector<1x8x128xf32>
      %squeeze3A_1349 = vector.shape_cast %slice3A_1348 : vector<1x8x128xf32> to vector<8x128xf32>
      %slice3A_1350 = vector.extract_strided_slice %reshape3A_1339 {offsets = [5, 0, 0], sizes = [1, 8, 128], strides = [1, 1, 1]} : vector<8x8x128xf32> to vector<1x8x128xf32>
      %squeeze3A_1351 = vector.shape_cast %slice3A_1350 : vector<1x8x128xf32> to vector<8x128xf32>
      %slice3A_1352 = vector.extract_strided_slice %reshape3A_1339 {offsets = [6, 0, 0], sizes = [1, 8, 128], strides = [1, 1, 1]} : vector<8x8x128xf32> to vector<1x8x128xf32>
      %squeeze3A_1353 = vector.shape_cast %slice3A_1352 : vector<1x8x128xf32> to vector<8x128xf32>
      %slice3A_1354 = vector.extract_strided_slice %reshape3A_1339 {offsets = [7, 0, 0], sizes = [1, 8, 128], strides = [1, 1, 1]} : vector<8x8x128xf32> to vector<1x8x128xf32>
      %squeeze3A_1355 = vector.shape_cast %slice3A_1354 : vector<1x8x128xf32> to vector<8x128xf32>
      %add3A_1356 = arith.addf %squeeze3A_1341, %squeeze3A_1343 : vector<8x128xf32>
      %add3A_1357 = arith.addf %squeeze3A_1345, %squeeze3A_1347 : vector<8x128xf32>
      %add3A_1358 = arith.addf %squeeze3A_1349, %squeeze3A_1351 : vector<8x128xf32>
      %add3A_1359 = arith.addf %squeeze3A_1353, %squeeze3A_1355 : vector<8x128xf32>
      %add3A_1360 = arith.addf %add3A_1356, %add3A_1357 : vector<8x128xf32>
      %add3A_1361 = arith.addf %add3A_1358, %add3A_1359 : vector<8x128xf32>
      %add3A_1362 = arith.addf %add3A_1360, %add3A_1361 : vector<8x128xf32>
      %roll3A_1363 = arith.constant 4 : i32
      %roll3A_1364 = tpu.dynamic_rotate %add3A_1362 by %roll3A_1363 dim 0 : vector<8x128xf32>, i32 -> vector<8x128xf32>
      %add3A_1365 = arith.addf %add3A_1362, %roll3A_1364 : vector<8x128xf32>
      %roll3A_1366 = arith.constant 2 : i32
      %roll3A_1367 = tpu.dynamic_rotate %add3A_1365 by %roll3A_1366 dim 0 : vector<8x128xf32>, i32 -> vector<8x128xf32>
      %add3A_1368 = arith.addf %add3A_1365, %roll3A_1367 : vector<8x128xf32>
      %roll3A_1369 = arith.constant 1 : i32
      %roll3A_1370 = tpu.dynamic_rotate %add3A_1368 by %roll3A_1369 dim 0 : vector<8x128xf32>, i32 -> vector<8x128xf32>
      %add3A_1371 = arith.addf %add3A_1368, %roll3A_1370 : vector<8x128xf32>
      %slice3A_1372 = vector.extract_strided_slice %add3A_1371 {offsets = [0, 0], sizes = [1, 128], strides = [1, 1]} : vector<8x128xf32> to vector<1x128xf32>
      %jit3A_1373 = arith.constant 0.000000e+00 : f32
      %broadcast_in_dim3A_1374 = vector.broadcast %jit3A_1373 : f32 to vector<64x128xf32>
      %select_n3A_1375 = arith.select %eq3A_1335, %get3A_1326, %broadcast_in_dim3A_1374 : vector<64x128xi1>, vector<64x128xf32>
      %reshape3A_1376 = vector.shape_cast %select_n3A_1375 : vector<64x128xf32> to vector<8x8x128xf32>
      %slice3A_1377 = vector.extract_strided_slice %reshape3A_1376 {offsets = [0, 0, 0], sizes = [1, 8, 128], strides = [1, 1, 1]} : vector<8x8x128xf32> to vector<1x8x128xf32>
      %squeeze3A_1378 = vector.shape_cast %slice3A_1377 : vector<1x8x128xf32> to vector<8x128xf32>
      %slice3A_1379 = vector.extract_strided_slice %reshape3A_1376 {offsets = [1, 0, 0], sizes = [1, 8, 128], strides = [1, 1, 1]} : vector<8x8x128xf32> to vector<1x8x128xf32>
      %squeeze3A_1380 = vector.shape_cast %slice3A_1379 : vector<1x8x128xf32> to vector<8x128xf32>
      %slice3A_1381 = vector.extract_strided_slice %reshape3A_1376 {offsets = [2, 0, 0], sizes = [1, 8, 128], strides = [1, 1, 1]} : vector<8x8x128xf32> to vector<1x8x128xf32>
      %squeeze3A_1382 = vector.shape_cast %slice3A_1381 : vector<1x8x128xf32> to vector<8x128xf32>
      %slice3A_1383 = vector.extract_strided_slice %reshape3A_1376 {offsets = [3, 0, 0], sizes = [1, 8, 128], strides = [1, 1, 1]} : vector<8x8x128xf32> to vector<1x8x128xf32>
      %squeeze3A_1384 = vector.shape_cast %slice3A_1383 : vector<1x8x128xf32> to vector<8x128xf32>
      %slice3A_1385 = vector.extract_strided_slice %reshape3A_1376 {offsets = [4, 0, 0], sizes = [1, 8, 128], strides = [1, 1, 1]} : vector<8x8x128xf32> to vector<1x8x128xf32>
      %squeeze3A_1386 = vector.shape_cast %slice3A_1385 : vector<1x8x128xf32> to vector<8x128xf32>
      %slice3A_1387 = vector.extract_strided_slice %reshape3A_1376 {offsets = [5, 0, 0], sizes = [1, 8, 128], strides = [1, 1, 1]} : vector<8x8x128xf32> to vector<1x8x128xf32>
      %squeeze3A_1388 = vector.shape_cast %slice3A_1387 : vector<1x8x128xf32> to vector<8x128xf32>
      %slice3A_1389 = vector.extract_strided_slice %reshape3A_1376 {offsets = [6, 0, 0], sizes = [1, 8, 128], strides = [1, 1, 1]} : vector<8x8x128xf32> to vector<1x8x128xf32>
      %squeeze3A_1390 = vector.shape_cast %slice3A_1389 : vector<1x8x128xf32> to vector<8x128xf32>
      %slice3A_1391 = vector.extract_strided_slice %reshape3A_1376 {offsets = [7, 0, 0], sizes = [1, 8, 128], strides = [1, 1, 1]} : vector<8x8x128xf32> to vector<1x8x128xf32>
      %squeeze3A_1392 = vector.shape_cast %slice3A_1391 : vector<1x8x128xf32> to vector<8x128xf32>
      %add3A_1393 = arith.addf %squeeze3A_1378, %squeeze3A_1380 : vector<8x128xf32>
      %add3A_1394 = arith.addf %squeeze3A_1382, %squeeze3A_1384 : vector<8x128xf32>
      %add3A_1395 = arith.addf %squeeze3A_1386, %squeeze3A_1388 : vector<8x128xf32>
      %add3A_1396 = arith.addf %squeeze3A_1390, %squeeze3A_1392 : vector<8x128xf32>
      %add3A_1397 = arith.addf %add3A_1393, %add3A_1394 : vector<8x128xf32>
      %add3A_1398 = arith.addf %add3A_1395, %add3A_1396 : vector<8x128xf32>
      %add3A_1399 = arith.addf %add3A_1397, %add3A_1398 : vector<8x128xf32>
      %roll3A_1400 = arith.constant 4 : i32
      %roll3A_1401 = tpu.dynamic_rotate %add3A_1399 by %roll3A_1400 dim 0 : vector<8x128xf32>, i32 -> vector<8x128xf32>
      %add3A_1402 = arith.addf %add3A_1399, %roll3A_1401 : vector<8x128xf32>
      %roll3A_1403 = arith.constant 2 : i32
      %roll3A_1404 = tpu.dynamic_rotate %add3A_1402 by %roll3A_1403 dim 0 : vector<8x128xf32>, i32 -> vector<8x128xf32>
      %add3A_1405 = arith.addf %add3A_1402, %roll3A_1404 : vector<8x128xf32>
      %roll3A_1406 = arith.constant 1 : i32
      %roll3A_1407 = tpu.dynamic_rotate %add3A_1405 by %roll3A_1406 dim 0 : vector<8x128xf32>, i32 -> vector<8x128xf32>
      %add3A_1408 = arith.addf %add3A_1405, %roll3A_1407 : vector<8x128xf32>
      %slice3A_1409 = vector.extract_strided_slice %add3A_1408 {offsets = [0, 0], sizes = [1, 128], strides = [1, 1]} : vector<8x128xf32> to vector<1x128xf32>
      %jit3A_1410 = arith.constant 0.000000e+00 : f32
      %broadcast_in_dim3A_1411 = vector.broadcast %jit3A_1410 : f32 to vector<64x128xf32>
      %select_n3A_1412 = arith.select %eq3A_1335, %get3A_1331, %broadcast_in_dim3A_1411 : vector<64x128xi1>, vector<64x128xf32>
      %reshape3A_1413 = vector.shape_cast %select_n3A_1412 : vector<64x128xf32> to vector<8x8x128xf32>
      %slice3A_1414 = vector.extract_strided_slice %reshape3A_1413 {offsets = [0, 0, 0], sizes = [1, 8, 128], strides = [1, 1, 1]} : vector<8x8x128xf32> to vector<1x8x128xf32>
      %squeeze3A_1415 = vector.shape_cast %slice3A_1414 : vector<1x8x128xf32> to vector<8x128xf32>
      %slice3A_1416 = vector.extract_strided_slice %reshape3A_1413 {offsets = [1, 0, 0], sizes = [1, 8, 128], strides = [1, 1, 1]} : vector<8x8x128xf32> to vector<1x8x128xf32>
      %squeeze3A_1417 = vector.shape_cast %slice3A_1416 : vector<1x8x128xf32> to vector<8x128xf32>
      %slice3A_1418 = vector.extract_strided_slice %reshape3A_1413 {offsets = [2, 0, 0], sizes = [1, 8, 128], strides = [1, 1, 1]} : vector<8x8x128xf32> to vector<1x8x128xf32>
      %squeeze3A_1419 = vector.shape_cast %slice3A_1418 : vector<1x8x128xf32> to vector<8x128xf32>
      %slice3A_1420 = vector.extract_strided_slice %reshape3A_1413 {offsets = [3, 0, 0], sizes = [1, 8, 128], strides = [1, 1, 1]} : vector<8x8x128xf32> to vector<1x8x128xf32>
      %squeeze3A_1421 = vector.shape_cast %slice3A_1420 : vector<1x8x128xf32> to vector<8x128xf32>
      %slice3A_1422 = vector.extract_strided_slice %reshape3A_1413 {offsets = [4, 0, 0], sizes = [1, 8, 128], strides = [1, 1, 1]} : vector<8x8x128xf32> to vector<1x8x128xf32>
      %squeeze3A_1423 = vector.shape_cast %slice3A_1422 : vector<1x8x128xf32> to vector<8x128xf32>
      %slice3A_1424 = vector.extract_strided_slice %reshape3A_1413 {offsets = [5, 0, 0], sizes = [1, 8, 128], strides = [1, 1, 1]} : vector<8x8x128xf32> to vector<1x8x128xf32>
      %squeeze3A_1425 = vector.shape_cast %slice3A_1424 : vector<1x8x128xf32> to vector<8x128xf32>
      %slice3A_1426 = vector.extract_strided_slice %reshape3A_1413 {offsets = [6, 0, 0], sizes = [1, 8, 128], strides = [1, 1, 1]} : vector<8x8x128xf32> to vector<1x8x128xf32>
      %squeeze3A_1427 = vector.shape_cast %slice3A_1426 : vector<1x8x128xf32> to vector<8x128xf32>
      %slice3A_1428 = vector.extract_strided_slice %reshape3A_1413 {offsets = [7, 0, 0], sizes = [1, 8, 128], strides = [1, 1, 1]} : vector<8x8x128xf32> to vector<1x8x128xf32>
      %squeeze3A_1429 = vector.shape_cast %slice3A_1428 : vector<1x8x128xf32> to vector<8x128xf32>
      %add3A_1430 = arith.addf %squeeze3A_1415, %squeeze3A_1417 : vector<8x128xf32>
      %add3A_1431 = arith.addf %squeeze3A_1419, %squeeze3A_1421 : vector<8x128xf32>
      %add3A_1432 = arith.addf %squeeze3A_1423, %squeeze3A_1425 : vector<8x128xf32>
      %add3A_1433 = arith.addf %squeeze3A_1427, %squeeze3A_1429 : vector<8x128xf32>
      %add3A_1434 = arith.addf %add3A_1430, %add3A_1431 : vector<8x128xf32>
      %add3A_1435 = arith.addf %add3A_1432, %add3A_1433 : vector<8x128xf32>
      %add3A_1436 = arith.addf %add3A_1434, %add3A_1435 : vector<8x128xf32>
      %roll3A_1437 = arith.constant 4 : i32
      %roll3A_1438 = tpu.dynamic_rotate %add3A_1436 by %roll3A_1437 dim 0 : vector<8x128xf32>, i32 -> vector<8x128xf32>
      %add3A_1439 = arith.addf %add3A_1436, %roll3A_1438 : vector<8x128xf32>
      %roll3A_1440 = arith.constant 2 : i32
      %roll3A_1441 = tpu.dynamic_rotate %add3A_1439 by %roll3A_1440 dim 0 : vector<8x128xf32>, i32 -> vector<8x128xf32>
      %add3A_1442 = arith.addf %add3A_1439, %roll3A_1441 : vector<8x128xf32>
      %roll3A_1443 = arith.constant 1 : i32
      %roll3A_1444 = tpu.dynamic_rotate %add3A_1442 by %roll3A_1443 dim 0 : vector<8x128xf32>, i32 -> vector<8x128xf32>
      %add3A_1445 = arith.addf %add3A_1442, %roll3A_1444 : vector<8x128xf32>
      %slice3A_1446 = vector.extract_strided_slice %add3A_1445 {offsets = [0, 0], sizes = [1, 128], strides = [1, 1]} : vector<8x128xf32> to vector<1x128xf32>
      %concatenate3A_1447 = tpu.concatenate %slice3A_1372, %slice3A_1409, %slice3A_1446 in 0 : vector<1x128xf32>, vector<1x128xf32>, vector<1x128xf32> -> vector<3x128xf32>
      %reduce_sum3A_1448 = arith.constant dense<0.000000e+00> : vector<3xf32>
      %reduce_sum3A_1449 = vector.multi_reduction <add>, %concatenate3A_1447, %reduce_sum3A_1448 [1] : vector<3x128xf32> to vector<3xf32>
      %broadcast_in_dim3A_1450 = vector.shape_cast %reduce_sum3A_1449 : vector<3xf32> to vector<3x1xf32>
      %slice3A_1451 = vector.extract_strided_slice %broadcast_in_dim3A_1450 {offsets = [0, 0], sizes = [1, 1], strides = [1, 1]} : vector<3x1xf32> to vector<1x1xf32>
      %broadcast_in_dim3A_1452 = vector.shape_cast %slice3A_1451 : vector<1x1xf32> to vector<1x1xf32>
      %broadcast_in_dim3A_1453 = vector.broadcast %broadcast_in_dim3A_1452 : vector<1x1xf32> to vector<64x128xf32>
      %slice3A_1454 = vector.extract_strided_slice %broadcast_in_dim3A_1450 {offsets = [1, 0], sizes = [1, 1], strides = [1, 1]} : vector<3x1xf32> to vector<1x1xf32>
      %broadcast_in_dim3A_1455 = vector.shape_cast %slice3A_1454 : vector<1x1xf32> to vector<1x1xf32>
      %broadcast_in_dim3A_1456 = vector.broadcast %broadcast_in_dim3A_1455 : vector<1x1xf32> to vector<64x128xf32>
      %slice3A_1457 = vector.extract_strided_slice %broadcast_in_dim3A_1450 {offsets = [2, 0], sizes = [1, 1], strides = [1, 1]} : vector<3x1xf32> to vector<1x1xf32>
      %broadcast_in_dim3A_1458 = vector.shape_cast %slice3A_1457 : vector<1x1xf32> to vector<1x1xf32>
      %broadcast_in_dim3A_1459 = vector.broadcast %broadcast_in_dim3A_1458 : vector<1x1xf32> to vector<64x128xf32>
      %sub3A_1460 = arith.subf %get3A_1321, %broadcast_in_dim3A_1453 : vector<64x128xf32>
      %integer_pow3A_1461 = arith.mulf %sub3A_1460, %sub3A_1460 : vector<64x128xf32>
      %sub3A_1462 = arith.subf %get3A_1326, %broadcast_in_dim3A_1456 : vector<64x128xf32>
      %integer_pow3A_1463 = arith.mulf %sub3A_1462, %sub3A_1462 : vector<64x128xf32>
      %add3A_1464 = arith.addf %integer_pow3A_1461, %integer_pow3A_1463 : vector<64x128xf32>
      %sub3A_1465 = arith.subf %get3A_1331, %broadcast_in_dim3A_1459 : vector<64x128xf32>
      %integer_pow3A_1466 = arith.mulf %sub3A_1465, %sub3A_1465 : vector<64x128xf32>
      %add3A_1467 = arith.addf %add3A_1464, %integer_pow3A_1466 : vector<64x128xf32>
      %min3A_1468 = arith.minimumf %get3A_462, %add3A_1467 : vector<64x128xf32>
      %swap3A_1469 = arith.constant 3 : index
      %swap3A_1470 = arith.constant 0 : index
      %swap3A_1471 = arith.constant 0 : index
      %swap3A_1472 = vector.load %arg7[%swap3A_1469, %swap3A_1470, %swap3A_1471] : memref<4x64x128xf32, #tpu.memory_space<vmem>>, vector<1x64x128xf32>
      %swap3A_1473 = vector.shape_cast %swap3A_1472 : vector<1x64x128xf32> to vector<64x128xf32>
      %swap3A_1474 = vector.shape_cast %min3A_1468 : vector<64x128xf32> to vector<1x64x128xf32>
      tpu.vector_store %arg7[%swap3A_1469, %swap3A_1470, %swap3A_1471], %swap3A_1474 {strides = array<i32>} : memref<4x64x128xf32, #tpu.memory_space<vmem>>, vector<1x64x128xf32>,
      %slice3A_1475 = vector.extract_strided_slice %broadcast_in_dim3A_1450 {offsets = [0, 0], sizes = [1, 1], strides = [1, 1]} : vector<3x1xf32> to vector<1x1xf32>
      %broadcast_in_dim3A_1476 = vector.shape_cast %slice3A_1475 : vector<1x1xf32> to vector<1x1xf32>
      %broadcast_in_dim3A_1477 = vector.broadcast %broadcast_in_dim3A_1476 : vector<1x1xf32> to vector<1x128xf32>
      %slice3A_1478 = vector.extract_strided_slice %broadcast_in_dim3A_1450 {offsets = [1, 0], sizes = [1, 1], strides = [1, 1]} : vector<3x1xf32> to vector<1x1xf32>
      %broadcast_in_dim3A_1479 = vector.shape_cast %slice3A_1478 : vector<1x1xf32> to vector<1x1xf32>
      %broadcast_in_dim3A_1480 = vector.broadcast %broadcast_in_dim3A_1479 : vector<1x1xf32> to vector<1x128xf32>
      %slice3A_1481 = vector.extract_strided_slice %broadcast_in_dim3A_1450 {offsets = [2, 0], sizes = [1, 1], strides = [1, 1]} : vector<3x1xf32> to vector<1x1xf32>
      %broadcast_in_dim3A_1482 = vector.shape_cast %slice3A_1481 : vector<1x1xf32> to vector<1x1xf32>
      %broadcast_in_dim3A_1483 = vector.broadcast %broadcast_in_dim3A_1482 : vector<1x1xf32> to vector<1x128xf32>
      %eq3A_1484 = vector.broadcast %convert_element_type3A_440 : f32 to vector<1x128xf32>
      %eq3A_1485 = arith.cmpf oeq, %convert_element_type3A_5, %eq3A_1484 : vector<1x128xf32>
      %select_n3A_1486 = arith.select %eq3A_1485, %broadcast_in_dim3A_1477, %scan3A_434 : vector<1x128xi1>, vector<1x128xf32>
      %eq3A_1487 = vector.broadcast %sub3A_442 : f32 to vector<1x128xf32>
      %eq3A_1488 = arith.cmpf oeq, %convert_element_type3A_5, %eq3A_1487 : vector<1x128xf32>
      %select_n3A_1489 = arith.select %eq3A_1488, %broadcast_in_dim3A_1477, %scan3A_435 : vector<1x128xi1>, vector<1x128xf32>
      %eq3A_1490 = vector.broadcast %convert_element_type3A_440 : f32 to vector<1x128xf32>
      %eq3A_1491 = arith.cmpf oeq, %convert_element_type3A_5, %eq3A_1490 : vector<1x128xf32>
      %select_n3A_1492 = arith.select %eq3A_1491, %broadcast_in_dim3A_1480, %scan3A_436 : vector<1x128xi1>, vector<1x128xf32>
      %eq3A_1493 = vector.broadcast %sub3A_442 : f32 to vector<1x128xf32>
      %eq3A_1494 = arith.cmpf oeq, %convert_element_type3A_5, %eq3A_1493 : vector<1x128xf32>
      %select_n3A_1495 = arith.select %eq3A_1494, %broadcast_in_dim3A_1480, %scan3A_437 : vector<1x128xi1>, vector<1x128xf32>
      %eq3A_1496 = vector.broadcast %convert_element_type3A_440 : f32 to vector<1x128xf32>
      %eq3A_1497 = arith.cmpf oeq, %convert_element_type3A_5, %eq3A_1496 : vector<1x128xf32>
      %select_n3A_1498 = arith.select %eq3A_1497, %broadcast_in_dim3A_1483, %scan3A_438 : vector<1x128xi1>, vector<1x128xf32>
      %eq3A_1499 = vector.broadcast %sub3A_442 : f32 to vector<1x128xf32>
      %eq3A_1500 = arith.cmpf oeq, %convert_element_type3A_5, %eq3A_1499 : vector<1x128xf32>
      %select_n3A_1501 = arith.select %eq3A_1500, %broadcast_in_dim3A_1483, %scan3A_439 : vector<1x128xi1>, vector<1x128xf32>
      scf.yield %select_n3A_931, %select_n3A_934, %select_n3A_937, %select_n3A_940, %select_n3A_943, %select_n3A_946, %select_n3A_1116, %select_n3A_1119, %select_n3A_1122, %select_n3A_1125, %select_n3A_1128, %select_n3A_1131, %select_n3A_1301, %select_n3A_1304, %select_n3A_1307, %select_n3A_1310, %select_n3A_1313, %select_n3A_1316, %select_n3A_1486, %select_n3A_1489, %select_n3A_1492, %select_n3A_1495, %select_n3A_1498, %select_n3A_1501 : vector<1x128xf32>, vector<1x128xf32>, vector<1x128xf32>, vector<1x128xf32>, vector<1x128xf32>, vector<1x128xf32>, vector<1x128xf32>, vector<1x128xf32>, vector<1x128xf32>, vector<1x128xf32>, vector<1x128xf32>, vector<1x128xf32>, vector<1x128xf32>, vector<1x128xf32>, vector<1x128xf32>, vector<1x128xf32>, vector<1x128xf32>, vector<1x128xf32>, vector<1x128xf32>, vector<1x128xf32>, vector<1x128xf32>, vector<1x128xf32>, vector<1x128xf32>, vector<1x128xf32>
    }
    %scan3A_270 = arith.constant 255 : i32
    %swap3A_271 = arith.constant 0 : index
    %swap3A_272 = arith.constant 0 : index
    %swap3A_273 = arith.constant 0 : index
    %swap3A_274 = vector.load %arg4[%swap3A_271, %swap3A_272, %swap3A_273] : memref<4x1x256xf32, #tpu.memory_space<vmem>>, vector<1x1x128xf32>
    %swap3A_275 = vector.shape_cast %swap3A_274 : vector<1x1x128xf32> to vector<1x128xf32>
    %swap3A_276 = vector.shape_cast %scan3A_269#0 : vector<1x128xf32> to vector<1x1x128xf32>
    tpu.vector_store %arg4[%swap3A_271, %swap3A_272, %swap3A_273], %swap3A_276 {strides = array<i32>} : memref<4x1x256xf32, #tpu.memory_space<vmem>>, vector<1x1x128xf32>,
    %swap3A_277 = arith.constant 0 : index
    %swap3A_278 = arith.constant 0 : index
    %swap3A_279 = arith.constant 128 : index
    %swap3A_280 = vector.load %arg4[%swap3A_277, %swap3A_278, %swap3A_279] : memref<4x1x256xf32, #tpu.memory_space<vmem>>, vector<1x1x128xf32>
    %swap3A_281 = vector.shape_cast %swap3A_280 : vector<1x1x128xf32> to vector<1x128xf32>
    %swap3A_282 = vector.shape_cast %scan3A_269#1 : vector<1x128xf32> to vector<1x1x128xf32>
    tpu.vector_store %arg4[%swap3A_277, %swap3A_278, %swap3A_279], %swap3A_282 {strides = array<i32>} : memref<4x1x256xf32, #tpu.memory_space<vmem>>, vector<1x1x128xf32>,
    %swap3A_283 = arith.constant 0 : index
    %swap3A_284 = arith.constant 0 : index
    %swap3A_285 = arith.constant 0 : index
    %swap3A_286 = vector.load %arg5[%swap3A_283, %swap3A_284, %swap3A_285] : memref<4x1x256xf32, #tpu.memory_space<vmem>>, vector<1x1x128xf32>
    %swap3A_287 = vector.shape_cast %swap3A_286 : vector<1x1x128xf32> to vector<1x128xf32>
    %swap3A_288 = vector.shape_cast %scan3A_269#2 : vector<1x128xf32> to vector<1x1x128xf32>
    tpu.vector_store %arg5[%swap3A_283, %swap3A_284, %swap3A_285], %swap3A_288 {strides = array<i32>} : memref<4x1x256xf32, #tpu.memory_space<vmem>>, vector<1x1x128xf32>,
    %swap3A_289 = arith.constant 0 : index
    %swap3A_290 = arith.constant 0 : index
    %swap3A_291 = arith.constant 128 : index
    %swap3A_292 = vector.load %arg5[%swap3A_289, %swap3A_290, %swap3A_291] : memref<4x1x256xf32, #tpu.memory_space<vmem>>, vector<1x1x128xf32>
    %swap3A_293 = vector.shape_cast %swap3A_292 : vector<1x1x128xf32> to vector<1x128xf32>
    %swap3A_294 = vector.shape_cast %scan3A_269#3 : vector<1x128xf32> to vector<1x1x128xf32>
    tpu.vector_store %arg5[%swap3A_289, %swap3A_290, %swap3A_291], %swap3A_294 {strides = array<i32>} : memref<4x1x256xf32, #tpu.memory_space<vmem>>, vector<1x1x128xf32>,
    %swap3A_295 = arith.constant 0 : index
    %swap3A_296 = arith.constant 0 : index
    %swap3A_297 = arith.constant 0 : index
    %swap3A_298 = vector.load %arg6[%swap3A_295, %swap3A_296, %swap3A_297] : memref<4x1x256xf32, #tpu.memory_space<vmem>>, vector<1x1x128xf32>
    %swap3A_299 = vector.shape_cast %swap3A_298 : vector<1x1x128xf32> to vector<1x128xf32>
    %swap3A_300 = vector.shape_cast %scan3A_269#4 : vector<1x128xf32> to vector<1x1x128xf32>
    tpu.vector_store %arg6[%swap3A_295, %swap3A_296, %swap3A_297], %swap3A_300 {strides = array<i32>} : memref<4x1x256xf32, #tpu.memory_space<vmem>>, vector<1x1x128xf32>,
    %swap3A_301 = arith.constant 0 : index
    %swap3A_302 = arith.constant 0 : index
    %swap3A_303 = arith.constant 128 : index
    %swap3A_304 = vector.load %arg6[%swap3A_301, %swap3A_302, %swap3A_303] : memref<4x1x256xf32, #tpu.memory_space<vmem>>, vector<1x1x128xf32>
    %swap3A_305 = vector.shape_cast %swap3A_304 : vector<1x1x128xf32> to vector<1x128xf32>
    %swap3A_306 = vector.shape_cast %scan3A_269#5 : vector<1x128xf32> to vector<1x1x128xf32>
    tpu.vector_store %arg6[%swap3A_301, %swap3A_302, %swap3A_303], %swap3A_306 {strides = array<i32>} : memref<4x1x256xf32, #tpu.memory_space<vmem>>, vector<1x1x128xf32>,
    %swap3A_307 = arith.constant 1 : index
    %swap3A_308 = arith.constant 0 : index
    %swap3A_309 = arith.constant 0 : index
    %swap3A_310 = vector.load %arg4[%swap3A_307, %swap3A_308, %swap3A_309] : memref<4x1x256xf32, #tpu.memory_space<vmem>>, vector<1x1x128xf32>
    %swap3A_311 = vector.shape_cast %swap3A_310 : vector<1x1x128xf32> to vector<1x128xf32>
    %swap3A_312 = vector.shape_cast %scan3A_269#6 : vector<1x128xf32> to vector<1x1x128xf32>
    tpu.vector_store %arg4[%swap3A_307, %swap3A_308, %swap3A_309], %swap3A_312 {strides = array<i32>} : memref<4x1x256xf32, #tpu.memory_space<vmem>>, vector<1x1x128xf32>,
    %swap3A_313 = arith.constant 1 : index
    %swap3A_314 = arith.constant 0 : index
    %swap3A_315 = arith.constant 128 : index
    %swap3A_316 = vector.load %arg4[%swap3A_313, %swap3A_314, %swap3A_315] : memref<4x1x256xf32, #tpu.memory_space<vmem>>, vector<1x1x128xf32>
    %swap3A_317 = vector.shape_cast %swap3A_316 : vector<1x1x128xf32> to vector<1x128xf32>
    %swap3A_318 = vector.shape_cast %scan3A_269#7 : vector<1x128xf32> to vector<1x1x128xf32>
    tpu.vector_store %arg4[%swap3A_313, %swap3A_314, %swap3A_315], %swap3A_318 {strides = array<i32>} : memref<4x1x256xf32, #tpu.memory_space<vmem>>, vector<1x1x128xf32>,
    %swap3A_319 = arith.constant 1 : index
    %swap3A_320 = arith.constant 0 : index
    %swap3A_321 = arith.constant 0 : index
    %swap3A_322 = vector.load %arg5[%swap3A_319, %swap3A_320, %swap3A_321] : memref<4x1x256xf32, #tpu.memory_space<vmem>>, vector<1x1x128xf32>
    %swap3A_323 = vector.shape_cast %swap3A_322 : vector<1x1x128xf32> to vector<1x128xf32>
    %swap3A_324 = vector.shape_cast %scan3A_269#8 : vector<1x128xf32> to vector<1x1x128xf32>
    tpu.vector_store %arg5[%swap3A_319, %swap3A_320, %swap3A_321], %swap3A_324 {strides = array<i32>} : memref<4x1x256xf32, #tpu.memory_space<vmem>>, vector<1x1x128xf32>,
    %swap3A_325 = arith.constant 1 : index
    %swap3A_326 = arith.constant 0 : index
    %swap3A_327 = arith.constant 128 : index
    %swap3A_328 = vector.load %arg5[%swap3A_325, %swap3A_326, %swap3A_327] : memref<4x1x256xf32, #tpu.memory_space<vmem>>, vector<1x1x128xf32>
    %swap3A_329 = vector.shape_cast %swap3A_328 : vector<1x1x128xf32> to vector<1x128xf32>
    %swap3A_330 = vector.shape_cast %scan3A_269#9 : vector<1x128xf32> to vector<1x1x128xf32>
    tpu.vector_store %arg5[%swap3A_325, %swap3A_326, %swap3A_327], %swap3A_330 {strides = array<i32>} : memref<4x1x256xf32, #tpu.memory_space<vmem>>, vector<1x1x128xf32>,
    %swap3A_331 = arith.constant 1 : index
    %swap3A_332 = arith.constant 0 : index
    %swap3A_333 = arith.constant 0 : index
    %swap3A_334 = vector.load %arg6[%swap3A_331, %swap3A_332, %swap3A_333] : memref<4x1x256xf32, #tpu.memory_space<vmem>>, vector<1x1x128xf32>
    %swap3A_335 = vector.shape_cast %swap3A_334 : vector<1x1x128xf32> to vector<1x128xf32>
    %swap3A_336 = vector.shape_cast %scan3A_269#10 : vector<1x128xf32> to vector<1x1x128xf32>
    tpu.vector_store %arg6[%swap3A_331, %swap3A_332, %swap3A_333], %swap3A_336 {strides = array<i32>} : memref<4x1x256xf32, #tpu.memory_space<vmem>>, vector<1x1x128xf32>,
    %swap3A_337 = arith.constant 1 : index
    %swap3A_338 = arith.constant 0 : index
    %swap3A_339 = arith.constant 128 : index
    %swap3A_340 = vector.load %arg6[%swap3A_337, %swap3A_338, %swap3A_339] : memref<4x1x256xf32, #tpu.memory_space<vmem>>, vector<1x1x128xf32>
    %swap3A_341 = vector.shape_cast %swap3A_340 : vector<1x1x128xf32> to vector<1x128xf32>
    %swap3A_342 = vector.shape_cast %scan3A_269#11 : vector<1x128xf32> to vector<1x1x128xf32>
    tpu.vector_store %arg6[%swap3A_337, %swap3A_338, %swap3A_339], %swap3A_342 {strides = array<i32>} : memref<4x1x256xf32, #tpu.memory_space<vmem>>, vector<1x1x128xf32>,
    %swap3A_343 = arith.constant 2 : index
    %swap3A_344 = arith.constant 0 : index
    %swap3A_345 = arith.constant 0 : index
    %swap3A_346 = vector.load %arg4[%swap3A_343, %swap3A_344, %swap3A_345] : memref<4x1x256xf32, #tpu.memory_space<vmem>>, vector<1x1x128xf32>
    %swap3A_347 = vector.shape_cast %swap3A_346 : vector<1x1x128xf32> to vector<1x128xf32>
    %swap3A_348 = vector.shape_cast %scan3A_269#12 : vector<1x128xf32> to vector<1x1x128xf32>
    tpu.vector_store %arg4[%swap3A_343, %swap3A_344, %swap3A_345], %swap3A_348 {strides = array<i32>} : memref<4x1x256xf32, #tpu.memory_space<vmem>>, vector<1x1x128xf32>,
    %swap3A_349 = arith.constant 2 : index
    %swap3A_350 = arith.constant 0 : index
    %swap3A_351 = arith.constant 128 : index
    %swap3A_352 = vector.load %arg4[%swap3A_349, %swap3A_350, %swap3A_351] : memref<4x1x256xf32, #tpu.memory_space<vmem>>, vector<1x1x128xf32>
    %swap3A_353 = vector.shape_cast %swap3A_352 : vector<1x1x128xf32> to vector<1x128xf32>
    %swap3A_354 = vector.shape_cast %scan3A_269#13 : vector<1x128xf32> to vector<1x1x128xf32>
    tpu.vector_store %arg4[%swap3A_349, %swap3A_350, %swap3A_351], %swap3A_354 {strides = array<i32>} : memref<4x1x256xf32, #tpu.memory_space<vmem>>, vector<1x1x128xf32>,
    %swap3A_355 = arith.constant 2 : index
    %swap3A_356 = arith.constant 0 : index
    %swap3A_357 = arith.constant 0 : index
    %swap3A_358 = vector.load %arg5[%swap3A_355, %swap3A_356, %swap3A_357] : memref<4x1x256xf32, #tpu.memory_space<vmem>>, vector<1x1x128xf32>
    %swap3A_359 = vector.shape_cast %swap3A_358 : vector<1x1x128xf32> to vector<1x128xf32>
    %swap3A_360 = vector.shape_cast %scan3A_269#14 : vector<1x128xf32> to vector<1x1x128xf32>
    tpu.vector_store %arg5[%swap3A_355, %swap3A_356, %swap3A_357], %swap3A_360 {strides = array<i32>} : memref<4x1x256xf32, #tpu.memory_space<vmem>>, vector<1x1x128xf32>,
    %swap3A_361 = arith.constant 2 : index
    %swap3A_362 = arith.constant 0 : index
    %swap3A_363 = arith.constant 128 : index
    %swap3A_364 = vector.load %arg5[%swap3A_361, %swap3A_362, %swap3A_363] : memref<4x1x256xf32, #tpu.memory_space<vmem>>, vector<1x1x128xf32>
    %swap3A_365 = vector.shape_cast %swap3A_364 : vector<1x1x128xf32> to vector<1x128xf32>
    %swap3A_366 = vector.shape_cast %scan3A_269#15 : vector<1x128xf32> to vector<1x1x128xf32>
    tpu.vector_store %arg5[%swap3A_361, %swap3A_362, %swap3A_363], %swap3A_366 {strides = array<i32>} : memref<4x1x256xf32, #tpu.memory_space<vmem>>, vector<1x1x128xf32>,
    %swap3A_367 = arith.constant 2 : index
    %swap3A_368 = arith.constant 0 : index
    %swap3A_369 = arith.constant 0 : index
    %swap3A_370 = vector.load %arg6[%swap3A_367, %swap3A_368, %swap3A_369] : memref<4x1x256xf32, #tpu.memory_space<vmem>>, vector<1x1x128xf32>
    %swap3A_371 = vector.shape_cast %swap3A_370 : vector<1x1x128xf32> to vector<1x128xf32>
    %swap3A_372 = vector.shape_cast %scan3A_269#16 : vector<1x128xf32> to vector<1x1x128xf32>
    tpu.vector_store %arg6[%swap3A_367, %swap3A_368, %swap3A_369], %swap3A_372 {strides = array<i32>} : memref<4x1x256xf32, #tpu.memory_space<vmem>>, vector<1x1x128xf32>,
    %swap3A_373 = arith.constant 2 : index
    %swap3A_374 = arith.constant 0 : index
    %swap3A_375 = arith.constant 128 : index
    %swap3A_376 = vector.load %arg6[%swap3A_373, %swap3A_374, %swap3A_375] : memref<4x1x256xf32, #tpu.memory_space<vmem>>, vector<1x1x128xf32>
    %swap3A_377 = vector.shape_cast %swap3A_376 : vector<1x1x128xf32> to vector<1x128xf32>
    %swap3A_378 = vector.shape_cast %scan3A_269#17 : vector<1x128xf32> to vector<1x1x128xf32>
    tpu.vector_store %arg6[%swap3A_373, %swap3A_374, %swap3A_375], %swap3A_378 {strides = array<i32>} : memref<4x1x256xf32, #tpu.memory_space<vmem>>, vector<1x1x128xf32>,
    %swap3A_379 = arith.constant 3 : index
    %swap3A_380 = arith.constant 0 : index
    %swap3A_381 = arith.constant 0 : index
    %swap3A_382 = vector.load %arg4[%swap3A_379, %swap3A_380, %swap3A_381] : memref<4x1x256xf32, #tpu.memory_space<vmem>>, vector<1x1x128xf32>
    %swap3A_383 = vector.shape_cast %swap3A_382 : vector<1x1x128xf32> to vector<1x128xf32>
    %swap3A_384 = vector.shape_cast %scan3A_269#18 : vector<1x128xf32> to vector<1x1x128xf32>
    tpu.vector_store %arg4[%swap3A_379, %swap3A_380, %swap3A_381], %swap3A_384 {strides = array<i32>} : memref<4x1x256xf32, #tpu.memory_space<vmem>>, vector<1x1x128xf32>,
    %swap3A_385 = arith.constant 3 : index
    %swap3A_386 = arith.constant 0 : index
    %swap3A_387 = arith.constant 128 : index
    %swap3A_388 = vector.load %arg4[%swap3A_385, %swap3A_386, %swap3A_387] : memref<4x1x256xf32, #tpu.memory_space<vmem>>, vector<1x1x128xf32>
    %swap3A_389 = vector.shape_cast %swap3A_388 : vector<1x1x128xf32> to vector<1x128xf32>
    %swap3A_390 = vector.shape_cast %scan3A_269#19 : vector<1x128xf32> to vector<1x1x128xf32>
    tpu.vector_store %arg4[%swap3A_385, %swap3A_386, %swap3A_387], %swap3A_390 {strides = array<i32>} : memref<4x1x256xf32, #tpu.memory_space<vmem>>, vector<1x1x128xf32>,
    %swap3A_391 = arith.constant 3 : index
    %swap3A_392 = arith.constant 0 : index
    %swap3A_393 = arith.constant 0 : index
    %swap3A_394 = vector.load %arg5[%swap3A_391, %swap3A_392, %swap3A_393] : memref<4x1x256xf32, #tpu.memory_space<vmem>>, vector<1x1x128xf32>
    %swap3A_395 = vector.shape_cast %swap3A_394 : vector<1x1x128xf32> to vector<1x128xf32>
    %swap3A_396 = vector.shape_cast %scan3A_269#20 : vector<1x128xf32> to vector<1x1x128xf32>
    tpu.vector_store %arg5[%swap3A_391, %swap3A_392, %swap3A_393], %swap3A_396 {strides = array<i32>} : memref<4x1x256xf32, #tpu.memory_space<vmem>>, vector<1x1x128xf32>,
    %swap3A_397 = arith.constant 3 : index
    %swap3A_398 = arith.constant 0 : index
    %swap3A_399 = arith.constant 128 : index
    %swap3A_400 = vector.load %arg5[%swap3A_397, %swap3A_398, %swap3A_399] : memref<4x1x256xf32, #tpu.memory_space<vmem>>, vector<1x1x128xf32>
    %swap3A_401 = vector.shape_cast %swap3A_400 : vector<1x1x128xf32> to vector<1x128xf32>
    %swap3A_402 = vector.shape_cast %scan3A_269#21 : vector<1x128xf32> to vector<1x1x128xf32>
    tpu.vector_store %arg5[%swap3A_397, %swap3A_398, %swap3A_399], %swap3A_402 {strides = array<i32>} : memref<4x1x256xf32, #tpu.memory_space<vmem>>, vector<1x1x128xf32>,
    %swap3A_403 = arith.constant 3 : index
    %swap3A_404 = arith.constant 0 : index
    %swap3A_405 = arith.constant 0 : index
    %swap3A_406 = vector.load %arg6[%swap3A_403, %swap3A_404, %swap3A_405] : memref<4x1x256xf32, #tpu.memory_space<vmem>>, vector<1x1x128xf32>
    %swap3A_407 = vector.shape_cast %swap3A_406 : vector<1x1x128xf32> to vector<1x128xf32>
    %swap3A_408 = vector.shape_cast %scan3A_269#22 : vector<1x128xf32> to vector<1x1x128xf32>
    tpu.vector_store %arg6[%swap3A_403, %swap3A_404, %swap3A_405], %swap3A_408 {strides = array<i32>} : memref<4x1x256xf32, #tpu.memory_space<vmem>>, vector<1x1x128xf32>,
    %swap3A_409 = arith.constant 3 : index
    %swap3A_410 = arith.constant 0 : index
    %swap3A_411 = arith.constant 128 : index
    %swap3A_412 = vector.load %arg6[%swap3A_409, %swap3A_410, %swap3A_411] : memref<4x1x256xf32, #tpu.memory_space<vmem>>, vector<1x1x128xf32>
    %swap3A_413 = vector.shape_cast %swap3A_412 : vector<1x1x128xf32> to vector<1x128xf32>
    %swap3A_414 = vector.shape_cast %scan3A_269#23 : vector<1x128xf32> to vector<1x1x128xf32>
    tpu.vector_store %arg6[%swap3A_409, %swap3A_410, %swap3A_411], %swap3A_414 {strides = array<i32>} : memref<4x1x256xf32, #tpu.memory_space<vmem>>, vector<1x1x128xf32>,
    return
  }
}

module attributes {stable_mosaic.version = 14 : i64} {
  func.func @_dist_body(%arg0: i32, %arg1: i32, %arg2: memref<4x256xf32, #tpu.memory_space<smem>>, %arg3: memref<4x256xf32, #tpu.memory_space<smem>>, %arg4: memref<4x256xf32, #tpu.memory_space<smem>>, %arg5: memref<4x1xf32, #tpu.memory_space<smem>>, %arg6: memref<1x64x128xf32, #tpu.memory_space<vmem>>, %arg7: memref<1x64x128xf32, #tpu.memory_space<vmem>>, %arg8: memref<1x64x128xf32, #tpu.memory_space<vmem>>, %arg9: memref<8x64x128xf32, #tpu.memory_space<vmem>>, %arg10: memref<8x128xf32, #tpu.memory_space<vmem>>) attributes {dimension_semantics = [#tpu.dimension_semantics<arbitrary>, #tpu.dimension_semantics<arbitrary>], iteration_bounds = array<i64: 4, 32>, scalar_prefetch = 0 : i64, scratch_operands = 0 : i64, tpu.core_type = #tpu.core_type<tc>, window_params = [{transform_indices = @transform_0, window_bounds = array<i64: 4, 256>}, {transform_indices = @transform_1, window_bounds = array<i64: 4, 256>}, {transform_indices = @transform_2, window_bounds = array<i64: 4, 256>}, {transform_indices = @transform_3, window_bounds = array<i64: 4, 1>}, {transform_indices = @transform_4, window_bounds = array<i64: 1, 64, 128>}, {transform_indices = @transform_5, window_bounds = array<i64: 1, 64, 128>}, {transform_indices = @transform_6, window_bounds = array<i64: 1, 64, 128>}, {transform_indices = @transform_7, window_bounds = array<i64: 8, 64, 128>}, {transform_indices = @transform_8, window_bounds = array<i64: 8, 128>}]} {
    %get3A = arith.constant 0 : index
    %get3A_0 = arith.constant 0 : index
    %get3A_1 = arith.constant 0 : index
    %get3A_2 = vector.load %arg6[%get3A, %get3A_0, %get3A_1] : memref<1x64x128xf32, #tpu.memory_space<vmem>>, vector<1x64x128xf32>
    %get3A_3 = vector.shape_cast %get3A_2 : vector<1x64x128xf32> to vector<64x128xf32>
    %get3A_4 = arith.constant 0 : index
    %get3A_5 = arith.constant 0 : index
    %get3A_6 = arith.constant 0 : index
    %get3A_7 = vector.load %arg7[%get3A_4, %get3A_5, %get3A_6] : memref<1x64x128xf32, #tpu.memory_space<vmem>>, vector<1x64x128xf32>
    %get3A_8 = vector.shape_cast %get3A_7 : vector<1x64x128xf32> to vector<64x128xf32>
    %get3A_9 = arith.constant 0 : index
    %get3A_10 = arith.constant 0 : index
    %get3A_11 = arith.constant 0 : index
    %get3A_12 = vector.load %arg8[%get3A_9, %get3A_10, %get3A_11] : memref<1x64x128xf32, #tpu.memory_space<vmem>>, vector<1x64x128xf32>
    %get3A_13 = vector.shape_cast %get3A_12 : vector<1x64x128xf32> to vector<64x128xf32>
    %iota3A = tpu.iota {dimensions = array<i32: 0>} : vector<64x128xi32>
    %convert_element_type3A = arith.sitofp %iota3A : vector<64x128xi32> to vector<64x128xf32>
    %iota3A_14 = tpu.iota {dimensions = array<i32: 1>} : vector<64x128xi32>
    %convert_element_type3A_15 = arith.sitofp %iota3A_14 : vector<64x128xi32> to vector<64x128xf32>
    %mul3A = arith.constant 1.280000e+02 : f32
    %mul3A_16 = vector.broadcast %mul3A : f32 to vector<64x128xf32>
    %mul3A_17 = arith.mulf %convert_element_type3A, %mul3A_16 : vector<64x128xf32>
    %add3A = arith.addf %mul3A_17, %convert_element_type3A_15 : vector<64x128xf32>
    %get3A_18 = arith.index_cast %arg0 : i32 to index
    %get3A_19 = arith.constant 0 : index
    %get3A_20 = memref.load %arg5[%get3A_18, %get3A_19] : memref<4x1xf32, #tpu.memory_space<smem>>
    %ge3A = vector.broadcast %get3A_20 : f32 to vector<64x128xf32>
    %ge3A_21 = arith.cmpf oge, %add3A, %ge3A : vector<64x128xf32>
    %mul3A_22 = arith.constant 8 : i32
    %mul3A_23 = arith.muli %arg1, %mul3A_22 : i32
    %add3A_24 = arith.constant 0 : i32
    %add3A_25 = arith.addi %mul3A_23, %add3A_24 : i32
    %get3A_26 = arith.index_cast %arg0 : i32 to index
    %get3A_27 = arith.index_cast %add3A_25 : i32 to index
    %get3A_28 = memref.load %arg2[%get3A_26, %get3A_27] : memref<4x256xf32, #tpu.memory_space<smem>>
    %mul3A_29 = arith.constant 8 : i32
    %mul3A_30 = arith.muli %arg1, %mul3A_29 : i32
    %add3A_31 = arith.constant 0 : i32
    %add3A_32 = arith.addi %mul3A_30, %add3A_31 : i32
    %get3A_33 = arith.index_cast %arg0 : i32 to index
    %get3A_34 = arith.index_cast %add3A_32 : i32 to index
    %get3A_35 = memref.load %arg3[%get3A_33, %get3A_34] : memref<4x256xf32, #tpu.memory_space<smem>>
    %mul3A_36 = arith.constant 8 : i32
    %mul3A_37 = arith.muli %arg1, %mul3A_36 : i32
    %add3A_38 = arith.constant 0 : i32
    %add3A_39 = arith.addi %mul3A_37, %add3A_38 : i32
    %get3A_40 = arith.index_cast %arg0 : i32 to index
    %get3A_41 = arith.index_cast %add3A_39 : i32 to index
    %get3A_42 = memref.load %arg4[%get3A_40, %get3A_41] : memref<4x256xf32, #tpu.memory_space<smem>>
    %sub3A = vector.broadcast %get3A_28 : f32 to vector<64x128xf32>
    %sub3A_43 = arith.subf %sub3A, %get3A_3 : vector<64x128xf32>
    %integer_pow3A = arith.mulf %sub3A_43, %sub3A_43 : vector<64x128xf32>
    %sub3A_44 = vector.broadcast %get3A_35 : f32 to vector<64x128xf32>
    %sub3A_45 = arith.subf %sub3A_44, %get3A_8 : vector<64x128xf32>
    %integer_pow3A_46 = arith.mulf %sub3A_45, %sub3A_45 : vector<64x128xf32>
    %add3A_47 = arith.addf %integer_pow3A, %integer_pow3A_46 : vector<64x128xf32>
    %sub3A_48 = vector.broadcast %get3A_42 : f32 to vector<64x128xf32>
    %sub3A_49 = arith.subf %sub3A_48, %get3A_13 : vector<64x128xf32>
    %integer_pow3A_50 = arith.mulf %sub3A_49, %sub3A_49 : vector<64x128xf32>
    %add3A_51 = arith.addf %add3A_47, %integer_pow3A_50 : vector<64x128xf32>
    %jit3A = arith.constant 0x7F800000 : f32
    %broadcast_in_dim3A = vector.broadcast %jit3A : f32 to vector<64x128xf32>
    %select_n3A = arith.select %ge3A_21, %broadcast_in_dim3A, %add3A_51 : vector<64x128xi1>, vector<64x128xf32>
    %swap3A = arith.constant 0 : index
    %swap3A_52 = arith.constant 0 : index
    %swap3A_53 = arith.constant 0 : index
    %swap3A_54 = vector.load %arg9[%swap3A, %swap3A_52, %swap3A_53] : memref<8x64x128xf32, #tpu.memory_space<vmem>>, vector<1x64x128xf32>
    %swap3A_55 = vector.shape_cast %swap3A_54 : vector<1x64x128xf32> to vector<64x128xf32>
    %swap3A_56 = vector.shape_cast %select_n3A : vector<64x128xf32> to vector<1x64x128xf32>
    tpu.vector_store %arg9[%swap3A, %swap3A_52, %swap3A_53], %swap3A_56 {strides = array<i32>} : memref<8x64x128xf32, #tpu.memory_space<vmem>>, vector<1x64x128xf32>,
    %reshape3A = vector.shape_cast %select_n3A : vector<64x128xf32> to vector<8x8x128xf32>
    %slice3A = vector.extract_strided_slice %reshape3A {offsets = [0, 0, 0], sizes = [1, 8, 128], strides = [1, 1, 1]} : vector<8x8x128xf32> to vector<1x8x128xf32>
    %squeeze3A = vector.shape_cast %slice3A : vector<1x8x128xf32> to vector<8x128xf32>
    %slice3A_57 = vector.extract_strided_slice %reshape3A {offsets = [1, 0, 0], sizes = [1, 8, 128], strides = [1, 1, 1]} : vector<8x8x128xf32> to vector<1x8x128xf32>
    %squeeze3A_58 = vector.shape_cast %slice3A_57 : vector<1x8x128xf32> to vector<8x128xf32>
    %slice3A_59 = vector.extract_strided_slice %reshape3A {offsets = [2, 0, 0], sizes = [1, 8, 128], strides = [1, 1, 1]} : vector<8x8x128xf32> to vector<1x8x128xf32>
    %squeeze3A_60 = vector.shape_cast %slice3A_59 : vector<1x8x128xf32> to vector<8x128xf32>
    %slice3A_61 = vector.extract_strided_slice %reshape3A {offsets = [3, 0, 0], sizes = [1, 8, 128], strides = [1, 1, 1]} : vector<8x8x128xf32> to vector<1x8x128xf32>
    %squeeze3A_62 = vector.shape_cast %slice3A_61 : vector<1x8x128xf32> to vector<8x128xf32>
    %slice3A_63 = vector.extract_strided_slice %reshape3A {offsets = [4, 0, 0], sizes = [1, 8, 128], strides = [1, 1, 1]} : vector<8x8x128xf32> to vector<1x8x128xf32>
    %squeeze3A_64 = vector.shape_cast %slice3A_63 : vector<1x8x128xf32> to vector<8x128xf32>
    %slice3A_65 = vector.extract_strided_slice %reshape3A {offsets = [5, 0, 0], sizes = [1, 8, 128], strides = [1, 1, 1]} : vector<8x8x128xf32> to vector<1x8x128xf32>
    %squeeze3A_66 = vector.shape_cast %slice3A_65 : vector<1x8x128xf32> to vector<8x128xf32>
    %slice3A_67 = vector.extract_strided_slice %reshape3A {offsets = [6, 0, 0], sizes = [1, 8, 128], strides = [1, 1, 1]} : vector<8x8x128xf32> to vector<1x8x128xf32>
    %squeeze3A_68 = vector.shape_cast %slice3A_67 : vector<1x8x128xf32> to vector<8x128xf32>
    %slice3A_69 = vector.extract_strided_slice %reshape3A {offsets = [7, 0, 0], sizes = [1, 8, 128], strides = [1, 1, 1]} : vector<8x8x128xf32> to vector<1x8x128xf32>
    %squeeze3A_70 = vector.shape_cast %slice3A_69 : vector<1x8x128xf32> to vector<8x128xf32>
    %min3A = arith.minimumf %squeeze3A, %squeeze3A_58 : vector<8x128xf32>
    %min3A_71 = arith.minimumf %squeeze3A_60, %squeeze3A_62 : vector<8x128xf32>
    %min3A_72 = arith.minimumf %squeeze3A_64, %squeeze3A_66 : vector<8x128xf32>
    %min3A_73 = arith.minimumf %squeeze3A_68, %squeeze3A_70 : vector<8x128xf32>
    %min3A_74 = arith.minimumf %min3A, %min3A_71 : vector<8x128xf32>
    %min3A_75 = arith.minimumf %min3A_72, %min3A_73 : vector<8x128xf32>
    %min3A_76 = arith.minimumf %min3A_74, %min3A_75 : vector<8x128xf32>
    %roll3A = arith.constant 4 : i32
    %roll3A_77 = tpu.dynamic_rotate %min3A_76 by %roll3A dim 0 : vector<8x128xf32>, i32 -> vector<8x128xf32>
    %min3A_78 = arith.minimumf %min3A_76, %roll3A_77 : vector<8x128xf32>
    %roll3A_79 = arith.constant 2 : i32
    %roll3A_80 = tpu.dynamic_rotate %min3A_78 by %roll3A_79 dim 0 : vector<8x128xf32>, i32 -> vector<8x128xf32>
    %min3A_81 = arith.minimumf %min3A_78, %roll3A_80 : vector<8x128xf32>
    %roll3A_82 = arith.constant 1 : i32
    %roll3A_83 = tpu.dynamic_rotate %min3A_81 by %roll3A_82 dim 0 : vector<8x128xf32>, i32 -> vector<8x128xf32>
    %min3A_84 = arith.minimumf %min3A_81, %roll3A_83 : vector<8x128xf32>
    %slice3A_85 = vector.extract_strided_slice %min3A_84 {offsets = [0, 0], sizes = [1, 128], strides = [1, 1]} : vector<8x128xf32> to vector<1x128xf32>
    %swap3A_86 = arith.constant 0 : index
    %swap3A_87 = arith.constant 0 : index
    %swap3A_88 = vector.load %arg10[%swap3A_86, %swap3A_87] : memref<8x128xf32, #tpu.memory_space<vmem>>, vector<1x128xf32>
    tpu.vector_store %arg10[%swap3A_86, %swap3A_87], %slice3A_85 {strides = array<i32>} : memref<8x128xf32, #tpu.memory_space<vmem>>, vector<1x128xf32>,
    %mul3A_89 = arith.constant 8 : i32
    %mul3A_90 = arith.muli %arg1, %mul3A_89 : i32
    %add3A_91 = arith.constant 1 : i32
    %add3A_92 = arith.addi %mul3A_90, %add3A_91 : i32
    %get3A_93 = arith.index_cast %arg0 : i32 to index
    %get3A_94 = arith.index_cast %add3A_92 : i32 to index
    %get3A_95 = memref.load %arg2[%get3A_93, %get3A_94] : memref<4x256xf32, #tpu.memory_space<smem>>
    %mul3A_96 = arith.constant 8 : i32
    %mul3A_97 = arith.muli %arg1, %mul3A_96 : i32
    %add3A_98 = arith.constant 1 : i32
    %add3A_99 = arith.addi %mul3A_97, %add3A_98 : i32
    %get3A_100 = arith.index_cast %arg0 : i32 to index
    %get3A_101 = arith.index_cast %add3A_99 : i32 to index
    %get3A_102 = memref.load %arg3[%get3A_100, %get3A_101] : memref<4x256xf32, #tpu.memory_space<smem>>
    %mul3A_103 = arith.constant 8 : i32
    %mul3A_104 = arith.muli %arg1, %mul3A_103 : i32
    %add3A_105 = arith.constant 1 : i32
    %add3A_106 = arith.addi %mul3A_104, %add3A_105 : i32
    %get3A_107 = arith.index_cast %arg0 : i32 to index
    %get3A_108 = arith.index_cast %add3A_106 : i32 to index
    %get3A_109 = memref.load %arg4[%get3A_107, %get3A_108] : memref<4x256xf32, #tpu.memory_space<smem>>
    %sub3A_110 = vector.broadcast %get3A_95 : f32 to vector<64x128xf32>
    %sub3A_111 = arith.subf %sub3A_110, %get3A_3 : vector<64x128xf32>
    %integer_pow3A_112 = arith.mulf %sub3A_111, %sub3A_111 : vector<64x128xf32>
    %sub3A_113 = vector.broadcast %get3A_102 : f32 to vector<64x128xf32>
    %sub3A_114 = arith.subf %sub3A_113, %get3A_8 : vector<64x128xf32>
    %integer_pow3A_115 = arith.mulf %sub3A_114, %sub3A_114 : vector<64x128xf32>
    %add3A_116 = arith.addf %integer_pow3A_112, %integer_pow3A_115 : vector<64x128xf32>
    %sub3A_117 = vector.broadcast %get3A_109 : f32 to vector<64x128xf32>
    %sub3A_118 = arith.subf %sub3A_117, %get3A_13 : vector<64x128xf32>
    %integer_pow3A_119 = arith.mulf %sub3A_118, %sub3A_118 : vector<64x128xf32>
    %add3A_120 = arith.addf %add3A_116, %integer_pow3A_119 : vector<64x128xf32>
    %jit3A_121 = arith.constant 0x7F800000 : f32
    %broadcast_in_dim3A_122 = vector.broadcast %jit3A_121 : f32 to vector<64x128xf32>
    %select_n3A_123 = arith.select %ge3A_21, %broadcast_in_dim3A_122, %add3A_120 : vector<64x128xi1>, vector<64x128xf32>
    %swap3A_124 = arith.constant 1 : index
    %swap3A_125 = arith.constant 0 : index
    %swap3A_126 = arith.constant 0 : index
    %swap3A_127 = vector.load %arg9[%swap3A_124, %swap3A_125, %swap3A_126] : memref<8x64x128xf32, #tpu.memory_space<vmem>>, vector<1x64x128xf32>
    %swap3A_128 = vector.shape_cast %swap3A_127 : vector<1x64x128xf32> to vector<64x128xf32>
    %swap3A_129 = vector.shape_cast %select_n3A_123 : vector<64x128xf32> to vector<1x64x128xf32>
    tpu.vector_store %arg9[%swap3A_124, %swap3A_125, %swap3A_126], %swap3A_129 {strides = array<i32>} : memref<8x64x128xf32, #tpu.memory_space<vmem>>, vector<1x64x128xf32>,
    %reshape3A_130 = vector.shape_cast %select_n3A_123 : vector<64x128xf32> to vector<8x8x128xf32>
    %slice3A_131 = vector.extract_strided_slice %reshape3A_130 {offsets = [0, 0, 0], sizes = [1, 8, 128], strides = [1, 1, 1]} : vector<8x8x128xf32> to vector<1x8x128xf32>
    %squeeze3A_132 = vector.shape_cast %slice3A_131 : vector<1x8x128xf32> to vector<8x128xf32>
    %slice3A_133 = vector.extract_strided_slice %reshape3A_130 {offsets = [1, 0, 0], sizes = [1, 8, 128], strides = [1, 1, 1]} : vector<8x8x128xf32> to vector<1x8x128xf32>
    %squeeze3A_134 = vector.shape_cast %slice3A_133 : vector<1x8x128xf32> to vector<8x128xf32>
    %slice3A_135 = vector.extract_strided_slice %reshape3A_130 {offsets = [2, 0, 0], sizes = [1, 8, 128], strides = [1, 1, 1]} : vector<8x8x128xf32> to vector<1x8x128xf32>
    %squeeze3A_136 = vector.shape_cast %slice3A_135 : vector<1x8x128xf32> to vector<8x128xf32>
    %slice3A_137 = vector.extract_strided_slice %reshape3A_130 {offsets = [3, 0, 0], sizes = [1, 8, 128], strides = [1, 1, 1]} : vector<8x8x128xf32> to vector<1x8x128xf32>
    %squeeze3A_138 = vector.shape_cast %slice3A_137 : vector<1x8x128xf32> to vector<8x128xf32>
    %slice3A_139 = vector.extract_strided_slice %reshape3A_130 {offsets = [4, 0, 0], sizes = [1, 8, 128], strides = [1, 1, 1]} : vector<8x8x128xf32> to vector<1x8x128xf32>
    %squeeze3A_140 = vector.shape_cast %slice3A_139 : vector<1x8x128xf32> to vector<8x128xf32>
    %slice3A_141 = vector.extract_strided_slice %reshape3A_130 {offsets = [5, 0, 0], sizes = [1, 8, 128], strides = [1, 1, 1]} : vector<8x8x128xf32> to vector<1x8x128xf32>
    %squeeze3A_142 = vector.shape_cast %slice3A_141 : vector<1x8x128xf32> to vector<8x128xf32>
    %slice3A_143 = vector.extract_strided_slice %reshape3A_130 {offsets = [6, 0, 0], sizes = [1, 8, 128], strides = [1, 1, 1]} : vector<8x8x128xf32> to vector<1x8x128xf32>
    %squeeze3A_144 = vector.shape_cast %slice3A_143 : vector<1x8x128xf32> to vector<8x128xf32>
    %slice3A_145 = vector.extract_strided_slice %reshape3A_130 {offsets = [7, 0, 0], sizes = [1, 8, 128], strides = [1, 1, 1]} : vector<8x8x128xf32> to vector<1x8x128xf32>
    %squeeze3A_146 = vector.shape_cast %slice3A_145 : vector<1x8x128xf32> to vector<8x128xf32>
    %min3A_147 = arith.minimumf %squeeze3A_132, %squeeze3A_134 : vector<8x128xf32>
    %min3A_148 = arith.minimumf %squeeze3A_136, %squeeze3A_138 : vector<8x128xf32>
    %min3A_149 = arith.minimumf %squeeze3A_140, %squeeze3A_142 : vector<8x128xf32>
    %min3A_150 = arith.minimumf %squeeze3A_144, %squeeze3A_146 : vector<8x128xf32>
    %min3A_151 = arith.minimumf %min3A_147, %min3A_148 : vector<8x128xf32>
    %min3A_152 = arith.minimumf %min3A_149, %min3A_150 : vector<8x128xf32>
    %min3A_153 = arith.minimumf %min3A_151, %min3A_152 : vector<8x128xf32>
    %roll3A_154 = arith.constant 4 : i32
    %roll3A_155 = tpu.dynamic_rotate %min3A_153 by %roll3A_154 dim 0 : vector<8x128xf32>, i32 -> vector<8x128xf32>
    %min3A_156 = arith.minimumf %min3A_153, %roll3A_155 : vector<8x128xf32>
    %roll3A_157 = arith.constant 2 : i32
    %roll3A_158 = tpu.dynamic_rotate %min3A_156 by %roll3A_157 dim 0 : vector<8x128xf32>, i32 -> vector<8x128xf32>
    %min3A_159 = arith.minimumf %min3A_156, %roll3A_158 : vector<8x128xf32>
    %roll3A_160 = arith.constant 1 : i32
    %roll3A_161 = tpu.dynamic_rotate %min3A_159 by %roll3A_160 dim 0 : vector<8x128xf32>, i32 -> vector<8x128xf32>
    %min3A_162 = arith.minimumf %min3A_159, %roll3A_161 : vector<8x128xf32>
    %slice3A_163 = vector.extract_strided_slice %min3A_162 {offsets = [0, 0], sizes = [1, 128], strides = [1, 1]} : vector<8x128xf32> to vector<1x128xf32>
    %swap3A_164 = arith.constant 1 : index
    %swap3A_165 = arith.constant 0 : index
    %swap3A_166 = vector.load %arg10[%swap3A_164, %swap3A_165] : memref<8x128xf32, #tpu.memory_space<vmem>>, vector<1x128xf32>
    tpu.vector_store %arg10[%swap3A_164, %swap3A_165], %slice3A_163 {strides = array<i32>} : memref<8x128xf32, #tpu.memory_space<vmem>>, vector<1x128xf32>,
    %mul3A_167 = arith.constant 8 : i32
    %mul3A_168 = arith.muli %arg1, %mul3A_167 : i32
    %add3A_169 = arith.constant 2 : i32
    %add3A_170 = arith.addi %mul3A_168, %add3A_169 : i32
    %get3A_171 = arith.index_cast %arg0 : i32 to index
    %get3A_172 = arith.index_cast %add3A_170 : i32 to index
    %get3A_173 = memref.load %arg2[%get3A_171, %get3A_172] : memref<4x256xf32, #tpu.memory_space<smem>>
    %mul3A_174 = arith.constant 8 : i32
    %mul3A_175 = arith.muli %arg1, %mul3A_174 : i32
    %add3A_176 = arith.constant 2 : i32
    %add3A_177 = arith.addi %mul3A_175, %add3A_176 : i32
    %get3A_178 = arith.index_cast %arg0 : i32 to index
    %get3A_179 = arith.index_cast %add3A_177 : i32 to index
    %get3A_180 = memref.load %arg3[%get3A_178, %get3A_179] : memref<4x256xf32, #tpu.memory_space<smem>>
    %mul3A_181 = arith.constant 8 : i32
    %mul3A_182 = arith.muli %arg1, %mul3A_181 : i32
    %add3A_183 = arith.constant 2 : i32
    %add3A_184 = arith.addi %mul3A_182, %add3A_183 : i32
    %get3A_185 = arith.index_cast %arg0 : i32 to index
    %get3A_186 = arith.index_cast %add3A_184 : i32 to index
    %get3A_187 = memref.load %arg4[%get3A_185, %get3A_186] : memref<4x256xf32, #tpu.memory_space<smem>>
    %sub3A_188 = vector.broadcast %get3A_173 : f32 to vector<64x128xf32>
    %sub3A_189 = arith.subf %sub3A_188, %get3A_3 : vector<64x128xf32>
    %integer_pow3A_190 = arith.mulf %sub3A_189, %sub3A_189 : vector<64x128xf32>
    %sub3A_191 = vector.broadcast %get3A_180 : f32 to vector<64x128xf32>
    %sub3A_192 = arith.subf %sub3A_191, %get3A_8 : vector<64x128xf32>
    %integer_pow3A_193 = arith.mulf %sub3A_192, %sub3A_192 : vector<64x128xf32>
    %add3A_194 = arith.addf %integer_pow3A_190, %integer_pow3A_193 : vector<64x128xf32>
    %sub3A_195 = vector.broadcast %get3A_187 : f32 to vector<64x128xf32>
    %sub3A_196 = arith.subf %sub3A_195, %get3A_13 : vector<64x128xf32>
    %integer_pow3A_197 = arith.mulf %sub3A_196, %sub3A_196 : vector<64x128xf32>
    %add3A_198 = arith.addf %add3A_194, %integer_pow3A_197 : vector<64x128xf32>
    %jit3A_199 = arith.constant 0x7F800000 : f32
    %broadcast_in_dim3A_200 = vector.broadcast %jit3A_199 : f32 to vector<64x128xf32>
    %select_n3A_201 = arith.select %ge3A_21, %broadcast_in_dim3A_200, %add3A_198 : vector<64x128xi1>, vector<64x128xf32>
    %swap3A_202 = arith.constant 2 : index
    %swap3A_203 = arith.constant 0 : index
    %swap3A_204 = arith.constant 0 : index
    %swap3A_205 = vector.load %arg9[%swap3A_202, %swap3A_203, %swap3A_204] : memref<8x64x128xf32, #tpu.memory_space<vmem>>, vector<1x64x128xf32>
    %swap3A_206 = vector.shape_cast %swap3A_205 : vector<1x64x128xf32> to vector<64x128xf32>
    %swap3A_207 = vector.shape_cast %select_n3A_201 : vector<64x128xf32> to vector<1x64x128xf32>
    tpu.vector_store %arg9[%swap3A_202, %swap3A_203, %swap3A_204], %swap3A_207 {strides = array<i32>} : memref<8x64x128xf32, #tpu.memory_space<vmem>>, vector<1x64x128xf32>,
    %reshape3A_208 = vector.shape_cast %select_n3A_201 : vector<64x128xf32> to vector<8x8x128xf32>
    %slice3A_209 = vector.extract_strided_slice %reshape3A_208 {offsets = [0, 0, 0], sizes = [1, 8, 128], strides = [1, 1, 1]} : vector<8x8x128xf32> to vector<1x8x128xf32>
    %squeeze3A_210 = vector.shape_cast %slice3A_209 : vector<1x8x128xf32> to vector<8x128xf32>
    %slice3A_211 = vector.extract_strided_slice %reshape3A_208 {offsets = [1, 0, 0], sizes = [1, 8, 128], strides = [1, 1, 1]} : vector<8x8x128xf32> to vector<1x8x128xf32>
    %squeeze3A_212 = vector.shape_cast %slice3A_211 : vector<1x8x128xf32> to vector<8x128xf32>
    %slice3A_213 = vector.extract_strided_slice %reshape3A_208 {offsets = [2, 0, 0], sizes = [1, 8, 128], strides = [1, 1, 1]} : vector<8x8x128xf32> to vector<1x8x128xf32>
    %squeeze3A_214 = vector.shape_cast %slice3A_213 : vector<1x8x128xf32> to vector<8x128xf32>
    %slice3A_215 = vector.extract_strided_slice %reshape3A_208 {offsets = [3, 0, 0], sizes = [1, 8, 128], strides = [1, 1, 1]} : vector<8x8x128xf32> to vector<1x8x128xf32>
    %squeeze3A_216 = vector.shape_cast %slice3A_215 : vector<1x8x128xf32> to vector<8x128xf32>
    %slice3A_217 = vector.extract_strided_slice %reshape3A_208 {offsets = [4, 0, 0], sizes = [1, 8, 128], strides = [1, 1, 1]} : vector<8x8x128xf32> to vector<1x8x128xf32>
    %squeeze3A_218 = vector.shape_cast %slice3A_217 : vector<1x8x128xf32> to vector<8x128xf32>
    %slice3A_219 = vector.extract_strided_slice %reshape3A_208 {offsets = [5, 0, 0], sizes = [1, 8, 128], strides = [1, 1, 1]} : vector<8x8x128xf32> to vector<1x8x128xf32>
    %squeeze3A_220 = vector.shape_cast %slice3A_219 : vector<1x8x128xf32> to vector<8x128xf32>
    %slice3A_221 = vector.extract_strided_slice %reshape3A_208 {offsets = [6, 0, 0], sizes = [1, 8, 128], strides = [1, 1, 1]} : vector<8x8x128xf32> to vector<1x8x128xf32>
    %squeeze3A_222 = vector.shape_cast %slice3A_221 : vector<1x8x128xf32> to vector<8x128xf32>
    %slice3A_223 = vector.extract_strided_slice %reshape3A_208 {offsets = [7, 0, 0], sizes = [1, 8, 128], strides = [1, 1, 1]} : vector<8x8x128xf32> to vector<1x8x128xf32>
    %squeeze3A_224 = vector.shape_cast %slice3A_223 : vector<1x8x128xf32> to vector<8x128xf32>
    %min3A_225 = arith.minimumf %squeeze3A_210, %squeeze3A_212 : vector<8x128xf32>
    %min3A_226 = arith.minimumf %squeeze3A_214, %squeeze3A_216 : vector<8x128xf32>
    %min3A_227 = arith.minimumf %squeeze3A_218, %squeeze3A_220 : vector<8x128xf32>
    %min3A_228 = arith.minimumf %squeeze3A_222, %squeeze3A_224 : vector<8x128xf32>
    %min3A_229 = arith.minimumf %min3A_225, %min3A_226 : vector<8x128xf32>
    %min3A_230 = arith.minimumf %min3A_227, %min3A_228 : vector<8x128xf32>
    %min3A_231 = arith.minimumf %min3A_229, %min3A_230 : vector<8x128xf32>
    %roll3A_232 = arith.constant 4 : i32
    %roll3A_233 = tpu.dynamic_rotate %min3A_231 by %roll3A_232 dim 0 : vector<8x128xf32>, i32 -> vector<8x128xf32>
    %min3A_234 = arith.minimumf %min3A_231, %roll3A_233 : vector<8x128xf32>
    %roll3A_235 = arith.constant 2 : i32
    %roll3A_236 = tpu.dynamic_rotate %min3A_234 by %roll3A_235 dim 0 : vector<8x128xf32>, i32 -> vector<8x128xf32>
    %min3A_237 = arith.minimumf %min3A_234, %roll3A_236 : vector<8x128xf32>
    %roll3A_238 = arith.constant 1 : i32
    %roll3A_239 = tpu.dynamic_rotate %min3A_237 by %roll3A_238 dim 0 : vector<8x128xf32>, i32 -> vector<8x128xf32>
    %min3A_240 = arith.minimumf %min3A_237, %roll3A_239 : vector<8x128xf32>
    %slice3A_241 = vector.extract_strided_slice %min3A_240 {offsets = [0, 0], sizes = [1, 128], strides = [1, 1]} : vector<8x128xf32> to vector<1x128xf32>
    %swap3A_242 = arith.constant 2 : index
    %swap3A_243 = arith.constant 0 : index
    %swap3A_244 = vector.load %arg10[%swap3A_242, %swap3A_243] : memref<8x128xf32, #tpu.memory_space<vmem>>, vector<1x128xf32>
    tpu.vector_store %arg10[%swap3A_242, %swap3A_243], %slice3A_241 {strides = array<i32>} : memref<8x128xf32, #tpu.memory_space<vmem>>, vector<1x128xf32>,
    %mul3A_245 = arith.constant 8 : i32
    %mul3A_246 = arith.muli %arg1, %mul3A_245 : i32
    %add3A_247 = arith.constant 3 : i32
    %add3A_248 = arith.addi %mul3A_246, %add3A_247 : i32
    %get3A_249 = arith.index_cast %arg0 : i32 to index
    %get3A_250 = arith.index_cast %add3A_248 : i32 to index
    %get3A_251 = memref.load %arg2[%get3A_249, %get3A_250] : memref<4x256xf32, #tpu.memory_space<smem>>
    %mul3A_252 = arith.constant 8 : i32
    %mul3A_253 = arith.muli %arg1, %mul3A_252 : i32
    %add3A_254 = arith.constant 3 : i32
    %add3A_255 = arith.addi %mul3A_253, %add3A_254 : i32
    %get3A_256 = arith.index_cast %arg0 : i32 to index
    %get3A_257 = arith.index_cast %add3A_255 : i32 to index
    %get3A_258 = memref.load %arg3[%get3A_256, %get3A_257] : memref<4x256xf32, #tpu.memory_space<smem>>
    %mul3A_259 = arith.constant 8 : i32
    %mul3A_260 = arith.muli %arg1, %mul3A_259 : i32
    %add3A_261 = arith.constant 3 : i32
    %add3A_262 = arith.addi %mul3A_260, %add3A_261 : i32
    %get3A_263 = arith.index_cast %arg0 : i32 to index
    %get3A_264 = arith.index_cast %add3A_262 : i32 to index
    %get3A_265 = memref.load %arg4[%get3A_263, %get3A_264] : memref<4x256xf32, #tpu.memory_space<smem>>
    %sub3A_266 = vector.broadcast %get3A_251 : f32 to vector<64x128xf32>
    %sub3A_267 = arith.subf %sub3A_266, %get3A_3 : vector<64x128xf32>
    %integer_pow3A_268 = arith.mulf %sub3A_267, %sub3A_267 : vector<64x128xf32>
    %sub3A_269 = vector.broadcast %get3A_258 : f32 to vector<64x128xf32>
    %sub3A_270 = arith.subf %sub3A_269, %get3A_8 : vector<64x128xf32>
    %integer_pow3A_271 = arith.mulf %sub3A_270, %sub3A_270 : vector<64x128xf32>
    %add3A_272 = arith.addf %integer_pow3A_268, %integer_pow3A_271 : vector<64x128xf32>
    %sub3A_273 = vector.broadcast %get3A_265 : f32 to vector<64x128xf32>
    %sub3A_274 = arith.subf %sub3A_273, %get3A_13 : vector<64x128xf32>
    %integer_pow3A_275 = arith.mulf %sub3A_274, %sub3A_274 : vector<64x128xf32>
    %add3A_276 = arith.addf %add3A_272, %integer_pow3A_275 : vector<64x128xf32>
    %jit3A_277 = arith.constant 0x7F800000 : f32
    %broadcast_in_dim3A_278 = vector.broadcast %jit3A_277 : f32 to vector<64x128xf32>
    %select_n3A_279 = arith.select %ge3A_21, %broadcast_in_dim3A_278, %add3A_276 : vector<64x128xi1>, vector<64x128xf32>
    %swap3A_280 = arith.constant 3 : index
    %swap3A_281 = arith.constant 0 : index
    %swap3A_282 = arith.constant 0 : index
    %swap3A_283 = vector.load %arg9[%swap3A_280, %swap3A_281, %swap3A_282] : memref<8x64x128xf32, #tpu.memory_space<vmem>>, vector<1x64x128xf32>
    %swap3A_284 = vector.shape_cast %swap3A_283 : vector<1x64x128xf32> to vector<64x128xf32>
    %swap3A_285 = vector.shape_cast %select_n3A_279 : vector<64x128xf32> to vector<1x64x128xf32>
    tpu.vector_store %arg9[%swap3A_280, %swap3A_281, %swap3A_282], %swap3A_285 {strides = array<i32>} : memref<8x64x128xf32, #tpu.memory_space<vmem>>, vector<1x64x128xf32>,
    %reshape3A_286 = vector.shape_cast %select_n3A_279 : vector<64x128xf32> to vector<8x8x128xf32>
    %slice3A_287 = vector.extract_strided_slice %reshape3A_286 {offsets = [0, 0, 0], sizes = [1, 8, 128], strides = [1, 1, 1]} : vector<8x8x128xf32> to vector<1x8x128xf32>
    %squeeze3A_288 = vector.shape_cast %slice3A_287 : vector<1x8x128xf32> to vector<8x128xf32>
    %slice3A_289 = vector.extract_strided_slice %reshape3A_286 {offsets = [1, 0, 0], sizes = [1, 8, 128], strides = [1, 1, 1]} : vector<8x8x128xf32> to vector<1x8x128xf32>
    %squeeze3A_290 = vector.shape_cast %slice3A_289 : vector<1x8x128xf32> to vector<8x128xf32>
    %slice3A_291 = vector.extract_strided_slice %reshape3A_286 {offsets = [2, 0, 0], sizes = [1, 8, 128], strides = [1, 1, 1]} : vector<8x8x128xf32> to vector<1x8x128xf32>
    %squeeze3A_292 = vector.shape_cast %slice3A_291 : vector<1x8x128xf32> to vector<8x128xf32>
    %slice3A_293 = vector.extract_strided_slice %reshape3A_286 {offsets = [3, 0, 0], sizes = [1, 8, 128], strides = [1, 1, 1]} : vector<8x8x128xf32> to vector<1x8x128xf32>
    %squeeze3A_294 = vector.shape_cast %slice3A_293 : vector<1x8x128xf32> to vector<8x128xf32>
    %slice3A_295 = vector.extract_strided_slice %reshape3A_286 {offsets = [4, 0, 0], sizes = [1, 8, 128], strides = [1, 1, 1]} : vector<8x8x128xf32> to vector<1x8x128xf32>
    %squeeze3A_296 = vector.shape_cast %slice3A_295 : vector<1x8x128xf32> to vector<8x128xf32>
    %slice3A_297 = vector.extract_strided_slice %reshape3A_286 {offsets = [5, 0, 0], sizes = [1, 8, 128], strides = [1, 1, 1]} : vector<8x8x128xf32> to vector<1x8x128xf32>
    %squeeze3A_298 = vector.shape_cast %slice3A_297 : vector<1x8x128xf32> to vector<8x128xf32>
    %slice3A_299 = vector.extract_strided_slice %reshape3A_286 {offsets = [6, 0, 0], sizes = [1, 8, 128], strides = [1, 1, 1]} : vector<8x8x128xf32> to vector<1x8x128xf32>
    %squeeze3A_300 = vector.shape_cast %slice3A_299 : vector<1x8x128xf32> to vector<8x128xf32>
    %slice3A_301 = vector.extract_strided_slice %reshape3A_286 {offsets = [7, 0, 0], sizes = [1, 8, 128], strides = [1, 1, 1]} : vector<8x8x128xf32> to vector<1x8x128xf32>
    %squeeze3A_302 = vector.shape_cast %slice3A_301 : vector<1x8x128xf32> to vector<8x128xf32>
    %min3A_303 = arith.minimumf %squeeze3A_288, %squeeze3A_290 : vector<8x128xf32>
    %min3A_304 = arith.minimumf %squeeze3A_292, %squeeze3A_294 : vector<8x128xf32>
    %min3A_305 = arith.minimumf %squeeze3A_296, %squeeze3A_298 : vector<8x128xf32>
    %min3A_306 = arith.minimumf %squeeze3A_300, %squeeze3A_302 : vector<8x128xf32>
    %min3A_307 = arith.minimumf %min3A_303, %min3A_304 : vector<8x128xf32>
    %min3A_308 = arith.minimumf %min3A_305, %min3A_306 : vector<8x128xf32>
    %min3A_309 = arith.minimumf %min3A_307, %min3A_308 : vector<8x128xf32>
    %roll3A_310 = arith.constant 4 : i32
    %roll3A_311 = tpu.dynamic_rotate %min3A_309 by %roll3A_310 dim 0 : vector<8x128xf32>, i32 -> vector<8x128xf32>
    %min3A_312 = arith.minimumf %min3A_309, %roll3A_311 : vector<8x128xf32>
    %roll3A_313 = arith.constant 2 : i32
    %roll3A_314 = tpu.dynamic_rotate %min3A_312 by %roll3A_313 dim 0 : vector<8x128xf32>, i32 -> vector<8x128xf32>
    %min3A_315 = arith.minimumf %min3A_312, %roll3A_314 : vector<8x128xf32>
    %roll3A_316 = arith.constant 1 : i32
    %roll3A_317 = tpu.dynamic_rotate %min3A_315 by %roll3A_316 dim 0 : vector<8x128xf32>, i32 -> vector<8x128xf32>
    %min3A_318 = arith.minimumf %min3A_315, %roll3A_317 : vector<8x128xf32>
    %slice3A_319 = vector.extract_strided_slice %min3A_318 {offsets = [0, 0], sizes = [1, 128], strides = [1, 1]} : vector<8x128xf32> to vector<1x128xf32>
    %swap3A_320 = arith.constant 3 : index
    %swap3A_321 = arith.constant 0 : index
    %swap3A_322 = vector.load %arg10[%swap3A_320, %swap3A_321] : memref<8x128xf32, #tpu.memory_space<vmem>>, vector<1x128xf32>
    tpu.vector_store %arg10[%swap3A_320, %swap3A_321], %slice3A_319 {strides = array<i32>} : memref<8x128xf32, #tpu.memory_space<vmem>>, vector<1x128xf32>,
    %mul3A_323 = arith.constant 8 : i32
    %mul3A_324 = arith.muli %arg1, %mul3A_323 : i32
    %add3A_325 = arith.constant 4 : i32
    %add3A_326 = arith.addi %mul3A_324, %add3A_325 : i32
    %get3A_327 = arith.index_cast %arg0 : i32 to index
    %get3A_328 = arith.index_cast %add3A_326 : i32 to index
    %get3A_329 = memref.load %arg2[%get3A_327, %get3A_328] : memref<4x256xf32, #tpu.memory_space<smem>>
    %mul3A_330 = arith.constant 8 : i32
    %mul3A_331 = arith.muli %arg1, %mul3A_330 : i32
    %add3A_332 = arith.constant 4 : i32
    %add3A_333 = arith.addi %mul3A_331, %add3A_332 : i32
    %get3A_334 = arith.index_cast %arg0 : i32 to index
    %get3A_335 = arith.index_cast %add3A_333 : i32 to index
    %get3A_336 = memref.load %arg3[%get3A_334, %get3A_335] : memref<4x256xf32, #tpu.memory_space<smem>>
    %mul3A_337 = arith.constant 8 : i32
    %mul3A_338 = arith.muli %arg1, %mul3A_337 : i32
    %add3A_339 = arith.constant 4 : i32
    %add3A_340 = arith.addi %mul3A_338, %add3A_339 : i32
    %get3A_341 = arith.index_cast %arg0 : i32 to index
    %get3A_342 = arith.index_cast %add3A_340 : i32 to index
    %get3A_343 = memref.load %arg4[%get3A_341, %get3A_342] : memref<4x256xf32, #tpu.memory_space<smem>>
    %sub3A_344 = vector.broadcast %get3A_329 : f32 to vector<64x128xf32>
    %sub3A_345 = arith.subf %sub3A_344, %get3A_3 : vector<64x128xf32>
    %integer_pow3A_346 = arith.mulf %sub3A_345, %sub3A_345 : vector<64x128xf32>
    %sub3A_347 = vector.broadcast %get3A_336 : f32 to vector<64x128xf32>
    %sub3A_348 = arith.subf %sub3A_347, %get3A_8 : vector<64x128xf32>
    %integer_pow3A_349 = arith.mulf %sub3A_348, %sub3A_348 : vector<64x128xf32>
    %add3A_350 = arith.addf %integer_pow3A_346, %integer_pow3A_349 : vector<64x128xf32>
    %sub3A_351 = vector.broadcast %get3A_343 : f32 to vector<64x128xf32>
    %sub3A_352 = arith.subf %sub3A_351, %get3A_13 : vector<64x128xf32>
    %integer_pow3A_353 = arith.mulf %sub3A_352, %sub3A_352 : vector<64x128xf32>
    %add3A_354 = arith.addf %add3A_350, %integer_pow3A_353 : vector<64x128xf32>
    %jit3A_355 = arith.constant 0x7F800000 : f32
    %broadcast_in_dim3A_356 = vector.broadcast %jit3A_355 : f32 to vector<64x128xf32>
    %select_n3A_357 = arith.select %ge3A_21, %broadcast_in_dim3A_356, %add3A_354 : vector<64x128xi1>, vector<64x128xf32>
    %swap3A_358 = arith.constant 4 : index
    %swap3A_359 = arith.constant 0 : index
    %swap3A_360 = arith.constant 0 : index
    %swap3A_361 = vector.load %arg9[%swap3A_358, %swap3A_359, %swap3A_360] : memref<8x64x128xf32, #tpu.memory_space<vmem>>, vector<1x64x128xf32>
    %swap3A_362 = vector.shape_cast %swap3A_361 : vector<1x64x128xf32> to vector<64x128xf32>
    %swap3A_363 = vector.shape_cast %select_n3A_357 : vector<64x128xf32> to vector<1x64x128xf32>
    tpu.vector_store %arg9[%swap3A_358, %swap3A_359, %swap3A_360], %swap3A_363 {strides = array<i32>} : memref<8x64x128xf32, #tpu.memory_space<vmem>>, vector<1x64x128xf32>,
    %reshape3A_364 = vector.shape_cast %select_n3A_357 : vector<64x128xf32> to vector<8x8x128xf32>
    %slice3A_365 = vector.extract_strided_slice %reshape3A_364 {offsets = [0, 0, 0], sizes = [1, 8, 128], strides = [1, 1, 1]} : vector<8x8x128xf32> to vector<1x8x128xf32>
    %squeeze3A_366 = vector.shape_cast %slice3A_365 : vector<1x8x128xf32> to vector<8x128xf32>
    %slice3A_367 = vector.extract_strided_slice %reshape3A_364 {offsets = [1, 0, 0], sizes = [1, 8, 128], strides = [1, 1, 1]} : vector<8x8x128xf32> to vector<1x8x128xf32>
    %squeeze3A_368 = vector.shape_cast %slice3A_367 : vector<1x8x128xf32> to vector<8x128xf32>
    %slice3A_369 = vector.extract_strided_slice %reshape3A_364 {offsets = [2, 0, 0], sizes = [1, 8, 128], strides = [1, 1, 1]} : vector<8x8x128xf32> to vector<1x8x128xf32>
    %squeeze3A_370 = vector.shape_cast %slice3A_369 : vector<1x8x128xf32> to vector<8x128xf32>
    %slice3A_371 = vector.extract_strided_slice %reshape3A_364 {offsets = [3, 0, 0], sizes = [1, 8, 128], strides = [1, 1, 1]} : vector<8x8x128xf32> to vector<1x8x128xf32>
    %squeeze3A_372 = vector.shape_cast %slice3A_371 : vector<1x8x128xf32> to vector<8x128xf32>
    %slice3A_373 = vector.extract_strided_slice %reshape3A_364 {offsets = [4, 0, 0], sizes = [1, 8, 128], strides = [1, 1, 1]} : vector<8x8x128xf32> to vector<1x8x128xf32>
    %squeeze3A_374 = vector.shape_cast %slice3A_373 : vector<1x8x128xf32> to vector<8x128xf32>
    %slice3A_375 = vector.extract_strided_slice %reshape3A_364 {offsets = [5, 0, 0], sizes = [1, 8, 128], strides = [1, 1, 1]} : vector<8x8x128xf32> to vector<1x8x128xf32>
    %squeeze3A_376 = vector.shape_cast %slice3A_375 : vector<1x8x128xf32> to vector<8x128xf32>
    %slice3A_377 = vector.extract_strided_slice %reshape3A_364 {offsets = [6, 0, 0], sizes = [1, 8, 128], strides = [1, 1, 1]} : vector<8x8x128xf32> to vector<1x8x128xf32>
    %squeeze3A_378 = vector.shape_cast %slice3A_377 : vector<1x8x128xf32> to vector<8x128xf32>
    %slice3A_379 = vector.extract_strided_slice %reshape3A_364 {offsets = [7, 0, 0], sizes = [1, 8, 128], strides = [1, 1, 1]} : vector<8x8x128xf32> to vector<1x8x128xf32>
    %squeeze3A_380 = vector.shape_cast %slice3A_379 : vector<1x8x128xf32> to vector<8x128xf32>
    %min3A_381 = arith.minimumf %squeeze3A_366, %squeeze3A_368 : vector<8x128xf32>
    %min3A_382 = arith.minimumf %squeeze3A_370, %squeeze3A_372 : vector<8x128xf32>
    %min3A_383 = arith.minimumf %squeeze3A_374, %squeeze3A_376 : vector<8x128xf32>
    %min3A_384 = arith.minimumf %squeeze3A_378, %squeeze3A_380 : vector<8x128xf32>
    %min3A_385 = arith.minimumf %min3A_381, %min3A_382 : vector<8x128xf32>
    %min3A_386 = arith.minimumf %min3A_383, %min3A_384 : vector<8x128xf32>
    %min3A_387 = arith.minimumf %min3A_385, %min3A_386 : vector<8x128xf32>
    %roll3A_388 = arith.constant 4 : i32
    %roll3A_389 = tpu.dynamic_rotate %min3A_387 by %roll3A_388 dim 0 : vector<8x128xf32>, i32 -> vector<8x128xf32>
    %min3A_390 = arith.minimumf %min3A_387, %roll3A_389 : vector<8x128xf32>
    %roll3A_391 = arith.constant 2 : i32
    %roll3A_392 = tpu.dynamic_rotate %min3A_390 by %roll3A_391 dim 0 : vector<8x128xf32>, i32 -> vector<8x128xf32>
    %min3A_393 = arith.minimumf %min3A_390, %roll3A_392 : vector<8x128xf32>
    %roll3A_394 = arith.constant 1 : i32
    %roll3A_395 = tpu.dynamic_rotate %min3A_393 by %roll3A_394 dim 0 : vector<8x128xf32>, i32 -> vector<8x128xf32>
    %min3A_396 = arith.minimumf %min3A_393, %roll3A_395 : vector<8x128xf32>
    %slice3A_397 = vector.extract_strided_slice %min3A_396 {offsets = [0, 0], sizes = [1, 128], strides = [1, 1]} : vector<8x128xf32> to vector<1x128xf32>
    %swap3A_398 = arith.constant 4 : index
    %swap3A_399 = arith.constant 0 : index
    %swap3A_400 = vector.load %arg10[%swap3A_398, %swap3A_399] : memref<8x128xf32, #tpu.memory_space<vmem>>, vector<1x128xf32>
    tpu.vector_store %arg10[%swap3A_398, %swap3A_399], %slice3A_397 {strides = array<i32>} : memref<8x128xf32, #tpu.memory_space<vmem>>, vector<1x128xf32>,
    %mul3A_401 = arith.constant 8 : i32
    %mul3A_402 = arith.muli %arg1, %mul3A_401 : i32
    %add3A_403 = arith.constant 5 : i32
    %add3A_404 = arith.addi %mul3A_402, %add3A_403 : i32
    %get3A_405 = arith.index_cast %arg0 : i32 to index
    %get3A_406 = arith.index_cast %add3A_404 : i32 to index
    %get3A_407 = memref.load %arg2[%get3A_405, %get3A_406] : memref<4x256xf32, #tpu.memory_space<smem>>
    %mul3A_408 = arith.constant 8 : i32
    %mul3A_409 = arith.muli %arg1, %mul3A_408 : i32
    %add3A_410 = arith.constant 5 : i32
    %add3A_411 = arith.addi %mul3A_409, %add3A_410 : i32
    %get3A_412 = arith.index_cast %arg0 : i32 to index
    %get3A_413 = arith.index_cast %add3A_411 : i32 to index
    %get3A_414 = memref.load %arg3[%get3A_412, %get3A_413] : memref<4x256xf32, #tpu.memory_space<smem>>
    %mul3A_415 = arith.constant 8 : i32
    %mul3A_416 = arith.muli %arg1, %mul3A_415 : i32
    %add3A_417 = arith.constant 5 : i32
    %add3A_418 = arith.addi %mul3A_416, %add3A_417 : i32
    %get3A_419 = arith.index_cast %arg0 : i32 to index
    %get3A_420 = arith.index_cast %add3A_418 : i32 to index
    %get3A_421 = memref.load %arg4[%get3A_419, %get3A_420] : memref<4x256xf32, #tpu.memory_space<smem>>
    %sub3A_422 = vector.broadcast %get3A_407 : f32 to vector<64x128xf32>
    %sub3A_423 = arith.subf %sub3A_422, %get3A_3 : vector<64x128xf32>
    %integer_pow3A_424 = arith.mulf %sub3A_423, %sub3A_423 : vector<64x128xf32>
    %sub3A_425 = vector.broadcast %get3A_414 : f32 to vector<64x128xf32>
    %sub3A_426 = arith.subf %sub3A_425, %get3A_8 : vector<64x128xf32>
    %integer_pow3A_427 = arith.mulf %sub3A_426, %sub3A_426 : vector<64x128xf32>
    %add3A_428 = arith.addf %integer_pow3A_424, %integer_pow3A_427 : vector<64x128xf32>
    %sub3A_429 = vector.broadcast %get3A_421 : f32 to vector<64x128xf32>
    %sub3A_430 = arith.subf %sub3A_429, %get3A_13 : vector<64x128xf32>
    %integer_pow3A_431 = arith.mulf %sub3A_430, %sub3A_430 : vector<64x128xf32>
    %add3A_432 = arith.addf %add3A_428, %integer_pow3A_431 : vector<64x128xf32>
    %jit3A_433 = arith.constant 0x7F800000 : f32
    %broadcast_in_dim3A_434 = vector.broadcast %jit3A_433 : f32 to vector<64x128xf32>
    %select_n3A_435 = arith.select %ge3A_21, %broadcast_in_dim3A_434, %add3A_432 : vector<64x128xi1>, vector<64x128xf32>
    %swap3A_436 = arith.constant 5 : index
    %swap3A_437 = arith.constant 0 : index
    %swap3A_438 = arith.constant 0 : index
    %swap3A_439 = vector.load %arg9[%swap3A_436, %swap3A_437, %swap3A_438] : memref<8x64x128xf32, #tpu.memory_space<vmem>>, vector<1x64x128xf32>
    %swap3A_440 = vector.shape_cast %swap3A_439 : vector<1x64x128xf32> to vector<64x128xf32>
    %swap3A_441 = vector.shape_cast %select_n3A_435 : vector<64x128xf32> to vector<1x64x128xf32>
    tpu.vector_store %arg9[%swap3A_436, %swap3A_437, %swap3A_438], %swap3A_441 {strides = array<i32>} : memref<8x64x128xf32, #tpu.memory_space<vmem>>, vector<1x64x128xf32>,
    %reshape3A_442 = vector.shape_cast %select_n3A_435 : vector<64x128xf32> to vector<8x8x128xf32>
    %slice3A_443 = vector.extract_strided_slice %reshape3A_442 {offsets = [0, 0, 0], sizes = [1, 8, 128], strides = [1, 1, 1]} : vector<8x8x128xf32> to vector<1x8x128xf32>
    %squeeze3A_444 = vector.shape_cast %slice3A_443 : vector<1x8x128xf32> to vector<8x128xf32>
    %slice3A_445 = vector.extract_strided_slice %reshape3A_442 {offsets = [1, 0, 0], sizes = [1, 8, 128], strides = [1, 1, 1]} : vector<8x8x128xf32> to vector<1x8x128xf32>
    %squeeze3A_446 = vector.shape_cast %slice3A_445 : vector<1x8x128xf32> to vector<8x128xf32>
    %slice3A_447 = vector.extract_strided_slice %reshape3A_442 {offsets = [2, 0, 0], sizes = [1, 8, 128], strides = [1, 1, 1]} : vector<8x8x128xf32> to vector<1x8x128xf32>
    %squeeze3A_448 = vector.shape_cast %slice3A_447 : vector<1x8x128xf32> to vector<8x128xf32>
    %slice3A_449 = vector.extract_strided_slice %reshape3A_442 {offsets = [3, 0, 0], sizes = [1, 8, 128], strides = [1, 1, 1]} : vector<8x8x128xf32> to vector<1x8x128xf32>
    %squeeze3A_450 = vector.shape_cast %slice3A_449 : vector<1x8x128xf32> to vector<8x128xf32>
    %slice3A_451 = vector.extract_strided_slice %reshape3A_442 {offsets = [4, 0, 0], sizes = [1, 8, 128], strides = [1, 1, 1]} : vector<8x8x128xf32> to vector<1x8x128xf32>
    %squeeze3A_452 = vector.shape_cast %slice3A_451 : vector<1x8x128xf32> to vector<8x128xf32>
    %slice3A_453 = vector.extract_strided_slice %reshape3A_442 {offsets = [5, 0, 0], sizes = [1, 8, 128], strides = [1, 1, 1]} : vector<8x8x128xf32> to vector<1x8x128xf32>
    %squeeze3A_454 = vector.shape_cast %slice3A_453 : vector<1x8x128xf32> to vector<8x128xf32>
    %slice3A_455 = vector.extract_strided_slice %reshape3A_442 {offsets = [6, 0, 0], sizes = [1, 8, 128], strides = [1, 1, 1]} : vector<8x8x128xf32> to vector<1x8x128xf32>
    %squeeze3A_456 = vector.shape_cast %slice3A_455 : vector<1x8x128xf32> to vector<8x128xf32>
    %slice3A_457 = vector.extract_strided_slice %reshape3A_442 {offsets = [7, 0, 0], sizes = [1, 8, 128], strides = [1, 1, 1]} : vector<8x8x128xf32> to vector<1x8x128xf32>
    %squeeze3A_458 = vector.shape_cast %slice3A_457 : vector<1x8x128xf32> to vector<8x128xf32>
    %min3A_459 = arith.minimumf %squeeze3A_444, %squeeze3A_446 : vector<8x128xf32>
    %min3A_460 = arith.minimumf %squeeze3A_448, %squeeze3A_450 : vector<8x128xf32>
    %min3A_461 = arith.minimumf %squeeze3A_452, %squeeze3A_454 : vector<8x128xf32>
    %min3A_462 = arith.minimumf %squeeze3A_456, %squeeze3A_458 : vector<8x128xf32>
    %min3A_463 = arith.minimumf %min3A_459, %min3A_460 : vector<8x128xf32>
    %min3A_464 = arith.minimumf %min3A_461, %min3A_462 : vector<8x128xf32>
    %min3A_465 = arith.minimumf %min3A_463, %min3A_464 : vector<8x128xf32>
    %roll3A_466 = arith.constant 4 : i32
    %roll3A_467 = tpu.dynamic_rotate %min3A_465 by %roll3A_466 dim 0 : vector<8x128xf32>, i32 -> vector<8x128xf32>
    %min3A_468 = arith.minimumf %min3A_465, %roll3A_467 : vector<8x128xf32>
    %roll3A_469 = arith.constant 2 : i32
    %roll3A_470 = tpu.dynamic_rotate %min3A_468 by %roll3A_469 dim 0 : vector<8x128xf32>, i32 -> vector<8x128xf32>
    %min3A_471 = arith.minimumf %min3A_468, %roll3A_470 : vector<8x128xf32>
    %roll3A_472 = arith.constant 1 : i32
    %roll3A_473 = tpu.dynamic_rotate %min3A_471 by %roll3A_472 dim 0 : vector<8x128xf32>, i32 -> vector<8x128xf32>
    %min3A_474 = arith.minimumf %min3A_471, %roll3A_473 : vector<8x128xf32>
    %slice3A_475 = vector.extract_strided_slice %min3A_474 {offsets = [0, 0], sizes = [1, 128], strides = [1, 1]} : vector<8x128xf32> to vector<1x128xf32>
    %swap3A_476 = arith.constant 5 : index
    %swap3A_477 = arith.constant 0 : index
    %swap3A_478 = vector.load %arg10[%swap3A_476, %swap3A_477] : memref<8x128xf32, #tpu.memory_space<vmem>>, vector<1x128xf32>
    tpu.vector_store %arg10[%swap3A_476, %swap3A_477], %slice3A_475 {strides = array<i32>} : memref<8x128xf32, #tpu.memory_space<vmem>>, vector<1x128xf32>,
    %mul3A_479 = arith.constant 8 : i32
    %mul3A_480 = arith.muli %arg1, %mul3A_479 : i32
    %add3A_481 = arith.constant 6 : i32
    %add3A_482 = arith.addi %mul3A_480, %add3A_481 : i32
    %get3A_483 = arith.index_cast %arg0 : i32 to index
    %get3A_484 = arith.index_cast %add3A_482 : i32 to index
    %get3A_485 = memref.load %arg2[%get3A_483, %get3A_484] : memref<4x256xf32, #tpu.memory_space<smem>>
    %mul3A_486 = arith.constant 8 : i32
    %mul3A_487 = arith.muli %arg1, %mul3A_486 : i32
    %add3A_488 = arith.constant 6 : i32
    %add3A_489 = arith.addi %mul3A_487, %add3A_488 : i32
    %get3A_490 = arith.index_cast %arg0 : i32 to index
    %get3A_491 = arith.index_cast %add3A_489 : i32 to index
    %get3A_492 = memref.load %arg3[%get3A_490, %get3A_491] : memref<4x256xf32, #tpu.memory_space<smem>>
    %mul3A_493 = arith.constant 8 : i32
    %mul3A_494 = arith.muli %arg1, %mul3A_493 : i32
    %add3A_495 = arith.constant 6 : i32
    %add3A_496 = arith.addi %mul3A_494, %add3A_495 : i32
    %get3A_497 = arith.index_cast %arg0 : i32 to index
    %get3A_498 = arith.index_cast %add3A_496 : i32 to index
    %get3A_499 = memref.load %arg4[%get3A_497, %get3A_498] : memref<4x256xf32, #tpu.memory_space<smem>>
    %sub3A_500 = vector.broadcast %get3A_485 : f32 to vector<64x128xf32>
    %sub3A_501 = arith.subf %sub3A_500, %get3A_3 : vector<64x128xf32>
    %integer_pow3A_502 = arith.mulf %sub3A_501, %sub3A_501 : vector<64x128xf32>
    %sub3A_503 = vector.broadcast %get3A_492 : f32 to vector<64x128xf32>
    %sub3A_504 = arith.subf %sub3A_503, %get3A_8 : vector<64x128xf32>
    %integer_pow3A_505 = arith.mulf %sub3A_504, %sub3A_504 : vector<64x128xf32>
    %add3A_506 = arith.addf %integer_pow3A_502, %integer_pow3A_505 : vector<64x128xf32>
    %sub3A_507 = vector.broadcast %get3A_499 : f32 to vector<64x128xf32>
    %sub3A_508 = arith.subf %sub3A_507, %get3A_13 : vector<64x128xf32>
    %integer_pow3A_509 = arith.mulf %sub3A_508, %sub3A_508 : vector<64x128xf32>
    %add3A_510 = arith.addf %add3A_506, %integer_pow3A_509 : vector<64x128xf32>
    %jit3A_511 = arith.constant 0x7F800000 : f32
    %broadcast_in_dim3A_512 = vector.broadcast %jit3A_511 : f32 to vector<64x128xf32>
    %select_n3A_513 = arith.select %ge3A_21, %broadcast_in_dim3A_512, %add3A_510 : vector<64x128xi1>, vector<64x128xf32>
    %swap3A_514 = arith.constant 6 : index
    %swap3A_515 = arith.constant 0 : index
    %swap3A_516 = arith.constant 0 : index
    %swap3A_517 = vector.load %arg9[%swap3A_514, %swap3A_515, %swap3A_516] : memref<8x64x128xf32, #tpu.memory_space<vmem>>, vector<1x64x128xf32>
    %swap3A_518 = vector.shape_cast %swap3A_517 : vector<1x64x128xf32> to vector<64x128xf32>
    %swap3A_519 = vector.shape_cast %select_n3A_513 : vector<64x128xf32> to vector<1x64x128xf32>
    tpu.vector_store %arg9[%swap3A_514, %swap3A_515, %swap3A_516], %swap3A_519 {strides = array<i32>} : memref<8x64x128xf32, #tpu.memory_space<vmem>>, vector<1x64x128xf32>,
    %reshape3A_520 = vector.shape_cast %select_n3A_513 : vector<64x128xf32> to vector<8x8x128xf32>
    %slice3A_521 = vector.extract_strided_slice %reshape3A_520 {offsets = [0, 0, 0], sizes = [1, 8, 128], strides = [1, 1, 1]} : vector<8x8x128xf32> to vector<1x8x128xf32>
    %squeeze3A_522 = vector.shape_cast %slice3A_521 : vector<1x8x128xf32> to vector<8x128xf32>
    %slice3A_523 = vector.extract_strided_slice %reshape3A_520 {offsets = [1, 0, 0], sizes = [1, 8, 128], strides = [1, 1, 1]} : vector<8x8x128xf32> to vector<1x8x128xf32>
    %squeeze3A_524 = vector.shape_cast %slice3A_523 : vector<1x8x128xf32> to vector<8x128xf32>
    %slice3A_525 = vector.extract_strided_slice %reshape3A_520 {offsets = [2, 0, 0], sizes = [1, 8, 128], strides = [1, 1, 1]} : vector<8x8x128xf32> to vector<1x8x128xf32>
    %squeeze3A_526 = vector.shape_cast %slice3A_525 : vector<1x8x128xf32> to vector<8x128xf32>
    %slice3A_527 = vector.extract_strided_slice %reshape3A_520 {offsets = [3, 0, 0], sizes = [1, 8, 128], strides = [1, 1, 1]} : vector<8x8x128xf32> to vector<1x8x128xf32>
    %squeeze3A_528 = vector.shape_cast %slice3A_527 : vector<1x8x128xf32> to vector<8x128xf32>
    %slice3A_529 = vector.extract_strided_slice %reshape3A_520 {offsets = [4, 0, 0], sizes = [1, 8, 128], strides = [1, 1, 1]} : vector<8x8x128xf32> to vector<1x8x128xf32>
    %squeeze3A_530 = vector.shape_cast %slice3A_529 : vector<1x8x128xf32> to vector<8x128xf32>
    %slice3A_531 = vector.extract_strided_slice %reshape3A_520 {offsets = [5, 0, 0], sizes = [1, 8, 128], strides = [1, 1, 1]} : vector<8x8x128xf32> to vector<1x8x128xf32>
    %squeeze3A_532 = vector.shape_cast %slice3A_531 : vector<1x8x128xf32> to vector<8x128xf32>
    %slice3A_533 = vector.extract_strided_slice %reshape3A_520 {offsets = [6, 0, 0], sizes = [1, 8, 128], strides = [1, 1, 1]} : vector<8x8x128xf32> to vector<1x8x128xf32>
    %squeeze3A_534 = vector.shape_cast %slice3A_533 : vector<1x8x128xf32> to vector<8x128xf32>
    %slice3A_535 = vector.extract_strided_slice %reshape3A_520 {offsets = [7, 0, 0], sizes = [1, 8, 128], strides = [1, 1, 1]} : vector<8x8x128xf32> to vector<1x8x128xf32>
    %squeeze3A_536 = vector.shape_cast %slice3A_535 : vector<1x8x128xf32> to vector<8x128xf32>
    %min3A_537 = arith.minimumf %squeeze3A_522, %squeeze3A_524 : vector<8x128xf32>
    %min3A_538 = arith.minimumf %squeeze3A_526, %squeeze3A_528 : vector<8x128xf32>
    %min3A_539 = arith.minimumf %squeeze3A_530, %squeeze3A_532 : vector<8x128xf32>
    %min3A_540 = arith.minimumf %squeeze3A_534, %squeeze3A_536 : vector<8x128xf32>
    %min3A_541 = arith.minimumf %min3A_537, %min3A_538 : vector<8x128xf32>
    %min3A_542 = arith.minimumf %min3A_539, %min3A_540 : vector<8x128xf32>
    %min3A_543 = arith.minimumf %min3A_541, %min3A_542 : vector<8x128xf32>
    %roll3A_544 = arith.constant 4 : i32
    %roll3A_545 = tpu.dynamic_rotate %min3A_543 by %roll3A_544 dim 0 : vector<8x128xf32>, i32 -> vector<8x128xf32>
    %min3A_546 = arith.minimumf %min3A_543, %roll3A_545 : vector<8x128xf32>
    %roll3A_547 = arith.constant 2 : i32
    %roll3A_548 = tpu.dynamic_rotate %min3A_546 by %roll3A_547 dim 0 : vector<8x128xf32>, i32 -> vector<8x128xf32>
    %min3A_549 = arith.minimumf %min3A_546, %roll3A_548 : vector<8x128xf32>
    %roll3A_550 = arith.constant 1 : i32
    %roll3A_551 = tpu.dynamic_rotate %min3A_549 by %roll3A_550 dim 0 : vector<8x128xf32>, i32 -> vector<8x128xf32>
    %min3A_552 = arith.minimumf %min3A_549, %roll3A_551 : vector<8x128xf32>
    %slice3A_553 = vector.extract_strided_slice %min3A_552 {offsets = [0, 0], sizes = [1, 128], strides = [1, 1]} : vector<8x128xf32> to vector<1x128xf32>
    %swap3A_554 = arith.constant 6 : index
    %swap3A_555 = arith.constant 0 : index
    %swap3A_556 = vector.load %arg10[%swap3A_554, %swap3A_555] : memref<8x128xf32, #tpu.memory_space<vmem>>, vector<1x128xf32>
    tpu.vector_store %arg10[%swap3A_554, %swap3A_555], %slice3A_553 {strides = array<i32>} : memref<8x128xf32, #tpu.memory_space<vmem>>, vector<1x128xf32>,
    %mul3A_557 = arith.constant 8 : i32
    %mul3A_558 = arith.muli %arg1, %mul3A_557 : i32
    %add3A_559 = arith.constant 7 : i32
    %add3A_560 = arith.addi %mul3A_558, %add3A_559 : i32
    %get3A_561 = arith.index_cast %arg0 : i32 to index
    %get3A_562 = arith.index_cast %add3A_560 : i32 to index
    %get3A_563 = memref.load %arg2[%get3A_561, %get3A_562] : memref<4x256xf32, #tpu.memory_space<smem>>
    %mul3A_564 = arith.constant 8 : i32
    %mul3A_565 = arith.muli %arg1, %mul3A_564 : i32
    %add3A_566 = arith.constant 7 : i32
    %add3A_567 = arith.addi %mul3A_565, %add3A_566 : i32
    %get3A_568 = arith.index_cast %arg0 : i32 to index
    %get3A_569 = arith.index_cast %add3A_567 : i32 to index
    %get3A_570 = memref.load %arg3[%get3A_568, %get3A_569] : memref<4x256xf32, #tpu.memory_space<smem>>
    %mul3A_571 = arith.constant 8 : i32
    %mul3A_572 = arith.muli %arg1, %mul3A_571 : i32
    %add3A_573 = arith.constant 7 : i32
    %add3A_574 = arith.addi %mul3A_572, %add3A_573 : i32
    %get3A_575 = arith.index_cast %arg0 : i32 to index
    %get3A_576 = arith.index_cast %add3A_574 : i32 to index
    %get3A_577 = memref.load %arg4[%get3A_575, %get3A_576] : memref<4x256xf32, #tpu.memory_space<smem>>
    %sub3A_578 = vector.broadcast %get3A_563 : f32 to vector<64x128xf32>
    %sub3A_579 = arith.subf %sub3A_578, %get3A_3 : vector<64x128xf32>
    %integer_pow3A_580 = arith.mulf %sub3A_579, %sub3A_579 : vector<64x128xf32>
    %sub3A_581 = vector.broadcast %get3A_570 : f32 to vector<64x128xf32>
    %sub3A_582 = arith.subf %sub3A_581, %get3A_8 : vector<64x128xf32>
    %integer_pow3A_583 = arith.mulf %sub3A_582, %sub3A_582 : vector<64x128xf32>
    %add3A_584 = arith.addf %integer_pow3A_580, %integer_pow3A_583 : vector<64x128xf32>
    %sub3A_585 = vector.broadcast %get3A_577 : f32 to vector<64x128xf32>
    %sub3A_586 = arith.subf %sub3A_585, %get3A_13 : vector<64x128xf32>
    %integer_pow3A_587 = arith.mulf %sub3A_586, %sub3A_586 : vector<64x128xf32>
    %add3A_588 = arith.addf %add3A_584, %integer_pow3A_587 : vector<64x128xf32>
    %jit3A_589 = arith.constant 0x7F800000 : f32
    %broadcast_in_dim3A_590 = vector.broadcast %jit3A_589 : f32 to vector<64x128xf32>
    %select_n3A_591 = arith.select %ge3A_21, %broadcast_in_dim3A_590, %add3A_588 : vector<64x128xi1>, vector<64x128xf32>
    %swap3A_592 = arith.constant 7 : index
    %swap3A_593 = arith.constant 0 : index
    %swap3A_594 = arith.constant 0 : index
    %swap3A_595 = vector.load %arg9[%swap3A_592, %swap3A_593, %swap3A_594] : memref<8x64x128xf32, #tpu.memory_space<vmem>>, vector<1x64x128xf32>
    %swap3A_596 = vector.shape_cast %swap3A_595 : vector<1x64x128xf32> to vector<64x128xf32>
    %swap3A_597 = vector.shape_cast %select_n3A_591 : vector<64x128xf32> to vector<1x64x128xf32>
    tpu.vector_store %arg9[%swap3A_592, %swap3A_593, %swap3A_594], %swap3A_597 {strides = array<i32>} : memref<8x64x128xf32, #tpu.memory_space<vmem>>, vector<1x64x128xf32>,
    %reshape3A_598 = vector.shape_cast %select_n3A_591 : vector<64x128xf32> to vector<8x8x128xf32>
    %slice3A_599 = vector.extract_strided_slice %reshape3A_598 {offsets = [0, 0, 0], sizes = [1, 8, 128], strides = [1, 1, 1]} : vector<8x8x128xf32> to vector<1x8x128xf32>
    %squeeze3A_600 = vector.shape_cast %slice3A_599 : vector<1x8x128xf32> to vector<8x128xf32>
    %slice3A_601 = vector.extract_strided_slice %reshape3A_598 {offsets = [1, 0, 0], sizes = [1, 8, 128], strides = [1, 1, 1]} : vector<8x8x128xf32> to vector<1x8x128xf32>
    %squeeze3A_602 = vector.shape_cast %slice3A_601 : vector<1x8x128xf32> to vector<8x128xf32>
    %slice3A_603 = vector.extract_strided_slice %reshape3A_598 {offsets = [2, 0, 0], sizes = [1, 8, 128], strides = [1, 1, 1]} : vector<8x8x128xf32> to vector<1x8x128xf32>
    %squeeze3A_604 = vector.shape_cast %slice3A_603 : vector<1x8x128xf32> to vector<8x128xf32>
    %slice3A_605 = vector.extract_strided_slice %reshape3A_598 {offsets = [3, 0, 0], sizes = [1, 8, 128], strides = [1, 1, 1]} : vector<8x8x128xf32> to vector<1x8x128xf32>
    %squeeze3A_606 = vector.shape_cast %slice3A_605 : vector<1x8x128xf32> to vector<8x128xf32>
    %slice3A_607 = vector.extract_strided_slice %reshape3A_598 {offsets = [4, 0, 0], sizes = [1, 8, 128], strides = [1, 1, 1]} : vector<8x8x128xf32> to vector<1x8x128xf32>
    %squeeze3A_608 = vector.shape_cast %slice3A_607 : vector<1x8x128xf32> to vector<8x128xf32>
    %slice3A_609 = vector.extract_strided_slice %reshape3A_598 {offsets = [5, 0, 0], sizes = [1, 8, 128], strides = [1, 1, 1]} : vector<8x8x128xf32> to vector<1x8x128xf32>
    %squeeze3A_610 = vector.shape_cast %slice3A_609 : vector<1x8x128xf32> to vector<8x128xf32>
    %slice3A_611 = vector.extract_strided_slice %reshape3A_598 {offsets = [6, 0, 0], sizes = [1, 8, 128], strides = [1, 1, 1]} : vector<8x8x128xf32> to vector<1x8x128xf32>
    %squeeze3A_612 = vector.shape_cast %slice3A_611 : vector<1x8x128xf32> to vector<8x128xf32>
    %slice3A_613 = vector.extract_strided_slice %reshape3A_598 {offsets = [7, 0, 0], sizes = [1, 8, 128], strides = [1, 1, 1]} : vector<8x8x128xf32> to vector<1x8x128xf32>
    %squeeze3A_614 = vector.shape_cast %slice3A_613 : vector<1x8x128xf32> to vector<8x128xf32>
    %min3A_615 = arith.minimumf %squeeze3A_600, %squeeze3A_602 : vector<8x128xf32>
    %min3A_616 = arith.minimumf %squeeze3A_604, %squeeze3A_606 : vector<8x128xf32>
    %min3A_617 = arith.minimumf %squeeze3A_608, %squeeze3A_610 : vector<8x128xf32>
    %min3A_618 = arith.minimumf %squeeze3A_612, %squeeze3A_614 : vector<8x128xf32>
    %min3A_619 = arith.minimumf %min3A_615, %min3A_616 : vector<8x128xf32>
    %min3A_620 = arith.minimumf %min3A_617, %min3A_618 : vector<8x128xf32>
    %min3A_621 = arith.minimumf %min3A_619, %min3A_620 : vector<8x128xf32>
    %roll3A_622 = arith.constant 4 : i32
    %roll3A_623 = tpu.dynamic_rotate %min3A_621 by %roll3A_622 dim 0 : vector<8x128xf32>, i32 -> vector<8x128xf32>
    %min3A_624 = arith.minimumf %min3A_621, %roll3A_623 : vector<8x128xf32>
    %roll3A_625 = arith.constant 2 : i32
    %roll3A_626 = tpu.dynamic_rotate %min3A_624 by %roll3A_625 dim 0 : vector<8x128xf32>, i32 -> vector<8x128xf32>
    %min3A_627 = arith.minimumf %min3A_624, %roll3A_626 : vector<8x128xf32>
    %roll3A_628 = arith.constant 1 : i32
    %roll3A_629 = tpu.dynamic_rotate %min3A_627 by %roll3A_628 dim 0 : vector<8x128xf32>, i32 -> vector<8x128xf32>
    %min3A_630 = arith.minimumf %min3A_627, %roll3A_629 : vector<8x128xf32>
    %slice3A_631 = vector.extract_strided_slice %min3A_630 {offsets = [0, 0], sizes = [1, 128], strides = [1, 1]} : vector<8x128xf32> to vector<1x128xf32>
    %swap3A_632 = arith.constant 7 : index
    %swap3A_633 = arith.constant 0 : index
    %swap3A_634 = vector.load %arg10[%swap3A_632, %swap3A_633] : memref<8x128xf32, #tpu.memory_space<vmem>>, vector<1x128xf32>
    tpu.vector_store %arg10[%swap3A_632, %swap3A_633], %slice3A_631 {strides = array<i32>} : memref<8x128xf32, #tpu.memory_space<vmem>>, vector<1x128xf32>,
    return
  }
  func.func @transform_0(%arg0: i32, %arg1: i32) -> (i32, i32) {
    %c0_i32 = arith.constant 0 : i32
    %c0_i32_0 = arith.constant 0 : i32
    %c0_i32_1 = arith.constant 0 : i32
    return %c0_i32, %c0_i32_0 : i32, i32
  }
  func.func @transform_1(%arg0: i32, %arg1: i32) -> (i32, i32) {
    %c0_i32 = arith.constant 0 : i32
    %c0_i32_0 = arith.constant 0 : i32
    %c0_i32_1 = arith.constant 0 : i32
    return %c0_i32, %c0_i32_0 : i32, i32
  }
  func.func @transform_2(%arg0: i32, %arg1: i32) -> (i32, i32) {
    %c0_i32 = arith.constant 0 : i32
    %c0_i32_0 = arith.constant 0 : i32
    %c0_i32_1 = arith.constant 0 : i32
    return %c0_i32, %c0_i32_0 : i32, i32
  }
  func.func @transform_3(%arg0: i32, %arg1: i32) -> (i32, i32) {
    %c0_i32 = arith.constant 0 : i32
    %c0_i32_0 = arith.constant 0 : i32
    %c0_i32_1 = arith.constant 0 : i32
    return %c0_i32, %c0_i32_0 : i32, i32
  }
  func.func @transform_4(%arg0: i32, %arg1: i32) -> (i32, i32, i32) {
    %c0_i32 = arith.constant 0 : i32
    %c0_i32_0 = arith.constant 0 : i32
    %c0_i32_1 = arith.constant 0 : i32
    return %arg0, %c0_i32, %c0_i32_0 : i32, i32, i32
  }
  func.func @transform_5(%arg0: i32, %arg1: i32) -> (i32, i32, i32) {
    %c0_i32 = arith.constant 0 : i32
    %c0_i32_0 = arith.constant 0 : i32
    %c0_i32_1 = arith.constant 0 : i32
    return %arg0, %c0_i32, %c0_i32_0 : i32, i32, i32
  }
  func.func @transform_6(%arg0: i32, %arg1: i32) -> (i32, i32, i32) {
    %c0_i32 = arith.constant 0 : i32
    %c0_i32_0 = arith.constant 0 : i32
    %c0_i32_1 = arith.constant 0 : i32
    return %arg0, %c0_i32, %c0_i32_0 : i32, i32, i32
  }
  func.func @transform_7(%arg0: i32, %arg1: i32) -> (i32, i32, i32) {
    %mul3A = arith.constant 32 : i32
    %mul3A_0 = arith.muli %arg0, %mul3A : i32
    %add3A = arith.addi %mul3A_0, %arg1 : i32
    %c0_i32 = arith.constant 0 : i32
    %c0_i32_1 = arith.constant 0 : i32
    %c0_i32_2 = arith.constant 0 : i32
    return %add3A, %c0_i32, %c0_i32_1 : i32, i32, i32
  }
  func.func @transform_8(%arg0: i32, %arg1: i32) -> (i32, i32) {
    %mul3A = arith.constant 32 : i32
    %mul3A_0 = arith.muli %arg0, %mul3A : i32
    %add3A = arith.addi %mul3A_0, %arg1 : i32
    %c0_i32 = arith.constant 0 : i32
    %c0_i32_1 = arith.constant 0 : i32
    return %add3A, %c0_i32 : i32, i32
  }
}

module attributes {stable_mosaic.version = 14 : i64} {
  func.func @_mlp_body(%arg0: i32, %arg1: memref<1024x16xf32, #tpu.memory_space<vmem>>, %arg2: memref<32x16xf32, #tpu.memory_space<vmem>>, %arg3: memref<16x128xf32, #tpu.memory_space<vmem>>, %arg4: memref<1x128xf32, #tpu.memory_space<vmem>>, %arg5: memref<128x256xf32, #tpu.memory_space<vmem>>, %arg6: memref<1x256xf32, #tpu.memory_space<vmem>>, %arg7: memref<512x512xf32, #tpu.memory_space<vmem>>, %arg8: memref<1x512xf32, #tpu.memory_space<vmem>>, %arg9: memref<512x256xf32, #tpu.memory_space<vmem>>, %arg10: memref<1x256xf32, #tpu.memory_space<vmem>>, %arg11: memref<32x256xf32, #tpu.memory_space<vmem>>) attributes {dimension_semantics = [#tpu.dimension_semantics<arbitrary>], iteration_bounds = array<i64: 32>, scalar_prefetch = 0 : i64, scratch_operands = 0 : i64, tpu.core_type = #tpu.core_type<tc>, window_params = [{transform_indices = @transform_0, window_bounds = array<i64: 1024, 16>}, {transform_indices = @transform_1, window_bounds = array<i64: 32, 16>}, {pipeline_mode = #tpu.pipeline_mode<synchronous>, transform_indices = @transform_2, window_bounds = array<i64: 16, 128>}, {pipeline_mode = #tpu.pipeline_mode<synchronous>, transform_indices = @transform_3, window_bounds = array<i64: 1, 128>}, {pipeline_mode = #tpu.pipeline_mode<synchronous>, transform_indices = @transform_4, window_bounds = array<i64: 128, 256>}, {pipeline_mode = #tpu.pipeline_mode<synchronous>, transform_indices = @transform_5, window_bounds = array<i64: 1, 256>}, {pipeline_mode = #tpu.pipeline_mode<synchronous>, transform_indices = @transform_6, window_bounds = array<i64: 512, 512>}, {pipeline_mode = #tpu.pipeline_mode<synchronous>, transform_indices = @transform_7, window_bounds = array<i64: 1, 512>}, {pipeline_mode = #tpu.pipeline_mode<synchronous>, transform_indices = @transform_8, window_bounds = array<i64: 512, 256>}, {pipeline_mode = #tpu.pipeline_mode<synchronous>, transform_indices = @transform_9, window_bounds = array<i64: 1, 256>}, {transform_indices = @transform_10, window_bounds = array<i64: 32, 256>}]} {
    %get3A = arith.constant 0 : index
    %get3A_0 = arith.constant 0 : index
    %get3A_1 = vector.load %arg1[%get3A, %get3A_0] : memref<1024x16xf32, #tpu.memory_space<vmem>>, vector<1024x16xf32>
    %get3A_2 = arith.constant 0 : index
    %get3A_3 = arith.constant 0 : index
    %get3A_4 = vector.load %arg2[%get3A_2, %get3A_3] : memref<32x16xf32, #tpu.memory_space<vmem>>, vector<32x16xf32>
    %reshape3A = vector.shape_cast %get3A_1 : vector<1024x16xf32> to vector<32x32x16xf32>
    %broadcast_in_dim3A = vector.shape_cast %get3A_4 : vector<32x16xf32> to vector<32x1x16xf32>
    %sub3A = vector.broadcast %broadcast_in_dim3A : vector<32x1x16xf32> to vector<32x32x16xf32>
    %sub3A_5 = arith.subf %reshape3A, %sub3A : vector<32x32x16xf32>
    %reshape3A_6 = vector.shape_cast %sub3A_5 : vector<32x32x16xf32> to vector<1024x16xf32>
    %get3A_7 = arith.constant 0 : index
    %get3A_8 = arith.constant 0 : index
    %get3A_9 = vector.load %arg3[%get3A_7, %get3A_8] : memref<16x128xf32, #tpu.memory_space<vmem>>, vector<16x128xf32>
    %dot_general3A = arith.constant dense<0.000000e+00> : vector<1024x128xf32>
    %dot_general3A_10 = tpu.matmul %reshape3A_6, %get3A_9, %dot_general3A {dimension_numbers = #tpu.dot_dimension_numbers<[1], [0], [0], [1], [0, 0, 1, 1], [], []>, transpose_lhs_hint = false} : vector<1024x16xf32>, vector<16x128xf32>, vector<1024x128xf32> -> vector<1024x128xf32>
    %get3A_11 = arith.constant 0 : index
    %get3A_12 = arith.constant 0 : index
    %get3A_13 = vector.load %arg4[%get3A_11, %get3A_12] : memref<1x128xf32, #tpu.memory_space<vmem>>, vector<1x128xf32>
    %add3A = vector.broadcast %get3A_13 : vector<1x128xf32> to vector<1024x128xf32>
    %add3A_14 = arith.addf %dot_general3A_10, %add3A : vector<1024x128xf32>
    %max3A = arith.constant 0.000000e+00 : f32
    %max3A_15 = vector.broadcast %max3A : f32 to vector<1024x128xf32>
    %max3A_16 = arith.maximumf %add3A_14, %max3A_15 : vector<1024x128xf32>
    %get3A_17 = arith.constant 0 : index
    %get3A_18 = arith.constant 0 : index
    %get3A_19 = vector.load %arg5[%get3A_17, %get3A_18] : memref<128x256xf32, #tpu.memory_space<vmem>>, vector<128x256xf32>
    %dot_general3A_20 = arith.constant dense<0.000000e+00> : vector<1024x256xf32>
    %dot_general3A_21 = tpu.matmul %max3A_16, %get3A_19, %dot_general3A_20 {dimension_numbers = #tpu.dot_dimension_numbers<[1], [0], [0], [1], [0, 0, 1, 1], [], []>, transpose_lhs_hint = false} : vector<1024x128xf32>, vector<128x256xf32>, vector<1024x256xf32> -> vector<1024x256xf32>
    %get3A_22 = arith.constant 0 : index
    %get3A_23 = arith.constant 0 : index
    %get3A_24 = vector.load %arg6[%get3A_22, %get3A_23] : memref<1x256xf32, #tpu.memory_space<vmem>>, vector<1x256xf32>
    %add3A_25 = vector.broadcast %get3A_24 : vector<1x256xf32> to vector<1024x256xf32>
    %add3A_26 = arith.addf %dot_general3A_21, %add3A_25 : vector<1024x256xf32>
    %reshape3A_27 = vector.shape_cast %add3A_26 : vector<1024x256xf32> to vector<32x32x256xf32>
    %reduce_max3A = arith.constant dense<0xFF800000> : vector<32x256xf32>
    %reduce_max3A_28 = vector.multi_reduction <maximumf>, %reshape3A_27, %reduce_max3A [1] : vector<32x32x256xf32> to vector<32x256xf32>
    %broadcast_in_dim3A_29 = vector.shape_cast %reduce_max3A_28 : vector<32x256xf32> to vector<32x1x256xf32>
    %broadcast_in_dim3A_30 = vector.shape_cast %broadcast_in_dim3A_29 : vector<32x1x256xf32> to vector<32x1x256xf32>
    %broadcast_in_dim3A_31 = vector.broadcast %broadcast_in_dim3A_30 : vector<32x1x256xf32> to vector<32x32x256xf32>
    %concatenate3A = tpu.concatenate %broadcast_in_dim3A_31, %reshape3A_27 in 2 : vector<32x32x256xf32>, vector<32x32x256xf32> -> vector<32x32x512xf32>
    %reshape3A_32 = vector.shape_cast %concatenate3A : vector<32x32x512xf32> to vector<1024x512xf32>
    %get3A_33 = arith.constant 0 : index
    %get3A_34 = arith.constant 0 : index
    %get3A_35 = vector.load %arg7[%get3A_33, %get3A_34] : memref<512x512xf32, #tpu.memory_space<vmem>>, vector<512x512xf32>
    %dot_general3A_36 = arith.constant dense<0.000000e+00> : vector<1024x512xf32>
    %dot_general3A_37 = tpu.matmul %reshape3A_32, %get3A_35, %dot_general3A_36 {dimension_numbers = #tpu.dot_dimension_numbers<[1], [0], [0], [1], [0, 0, 1, 1], [], []>, transpose_lhs_hint = false} : vector<1024x512xf32>, vector<512x512xf32>, vector<1024x512xf32> -> vector<1024x512xf32>
    %get3A_38 = arith.constant 0 : index
    %get3A_39 = arith.constant 0 : index
    %get3A_40 = vector.load %arg8[%get3A_38, %get3A_39] : memref<1x512xf32, #tpu.memory_space<vmem>>, vector<1x512xf32>
    %add3A_41 = vector.broadcast %get3A_40 : vector<1x512xf32> to vector<1024x512xf32>
    %add3A_42 = arith.addf %dot_general3A_37, %add3A_41 : vector<1024x512xf32>
    %max3A_43 = arith.constant 0.000000e+00 : f32
    %max3A_44 = vector.broadcast %max3A_43 : f32 to vector<1024x512xf32>
    %max3A_45 = arith.maximumf %add3A_42, %max3A_44 : vector<1024x512xf32>
    %get3A_46 = arith.constant 0 : index
    %get3A_47 = arith.constant 0 : index
    %get3A_48 = vector.load %arg9[%get3A_46, %get3A_47] : memref<512x256xf32, #tpu.memory_space<vmem>>, vector<512x256xf32>
    %dot_general3A_49 = arith.constant dense<0.000000e+00> : vector<1024x256xf32>
    %dot_general3A_50 = tpu.matmul %max3A_45, %get3A_48, %dot_general3A_49 {dimension_numbers = #tpu.dot_dimension_numbers<[1], [0], [0], [1], [0, 0, 1, 1], [], []>, transpose_lhs_hint = false} : vector<1024x512xf32>, vector<512x256xf32>, vector<1024x256xf32> -> vector<1024x256xf32>
    %get3A_51 = arith.constant 0 : index
    %get3A_52 = arith.constant 0 : index
    %get3A_53 = vector.load %arg10[%get3A_51, %get3A_52] : memref<1x256xf32, #tpu.memory_space<vmem>>, vector<1x256xf32>
    %add3A_54 = vector.broadcast %get3A_53 : vector<1x256xf32> to vector<1024x256xf32>
    %add3A_55 = arith.addf %dot_general3A_50, %add3A_54 : vector<1024x256xf32>
    %reshape3A_56 = vector.shape_cast %add3A_55 : vector<1024x256xf32> to vector<32x32x256xf32>
    %reduce_max3A_57 = arith.constant dense<0xFF800000> : vector<32x256xf32>
    %reduce_max3A_58 = vector.multi_reduction <maximumf>, %reshape3A_56, %reduce_max3A_57 [1] : vector<32x32x256xf32> to vector<32x256xf32>
    %swap3A = arith.constant 0 : index
    %swap3A_59 = arith.constant 0 : index
    %swap3A_60 = vector.load %arg11[%swap3A, %swap3A_59] : memref<32x256xf32, #tpu.memory_space<vmem>>, vector<32x256xf32>
    tpu.vector_store %arg11[%swap3A, %swap3A_59], %reduce_max3A_58 {strides = array<i32>} : memref<32x256xf32, #tpu.memory_space<vmem>>, vector<32x256xf32>,
    return
  }
  func.func @transform_0(%arg0: i32) -> (i32, i32) {
    %c0_i32 = arith.constant 0 : i32
    %c0_i32_0 = arith.constant 0 : i32
    return %arg0, %c0_i32 : i32, i32
  }
  func.func @transform_1(%arg0: i32) -> (i32, i32) {
    %c0_i32 = arith.constant 0 : i32
    %c0_i32_0 = arith.constant 0 : i32
    return %arg0, %c0_i32 : i32, i32
  }
  func.func @transform_2(%arg0: i32) -> (i32, i32) {
    %c0_i32 = arith.constant 0 : i32
    %c0_i32_0 = arith.constant 0 : i32
    %c0_i32_1 = arith.constant 0 : i32
    return %c0_i32, %c0_i32_0 : i32, i32
  }
  func.func @transform_3(%arg0: i32) -> (i32, i32) {
    %c0_i32 = arith.constant 0 : i32
    %c0_i32_0 = arith.constant 0 : i32
    %c0_i32_1 = arith.constant 0 : i32
    return %c0_i32, %c0_i32_0 : i32, i32
  }
  func.func @transform_4(%arg0: i32) -> (i32, i32) {
    %c0_i32 = arith.constant 0 : i32
    %c0_i32_0 = arith.constant 0 : i32
    %c0_i32_1 = arith.constant 0 : i32
    return %c0_i32, %c0_i32_0 : i32, i32
  }
  func.func @transform_5(%arg0: i32) -> (i32, i32) {
    %c0_i32 = arith.constant 0 : i32
    %c0_i32_0 = arith.constant 0 : i32
    %c0_i32_1 = arith.constant 0 : i32
    return %c0_i32, %c0_i32_0 : i32, i32
  }
  func.func @transform_6(%arg0: i32) -> (i32, i32) {
    %c0_i32 = arith.constant 0 : i32
    %c0_i32_0 = arith.constant 0 : i32
    %c0_i32_1 = arith.constant 0 : i32
    return %c0_i32, %c0_i32_0 : i32, i32
  }
  func.func @transform_7(%arg0: i32) -> (i32, i32) {
    %c0_i32 = arith.constant 0 : i32
    %c0_i32_0 = arith.constant 0 : i32
    %c0_i32_1 = arith.constant 0 : i32
    return %c0_i32, %c0_i32_0 : i32, i32
  }
  func.func @transform_8(%arg0: i32) -> (i32, i32) {
    %c0_i32 = arith.constant 0 : i32
    %c0_i32_0 = arith.constant 0 : i32
    %c0_i32_1 = arith.constant 0 : i32
    return %c0_i32, %c0_i32_0 : i32, i32
  }
  func.func @transform_9(%arg0: i32) -> (i32, i32) {
    %c0_i32 = arith.constant 0 : i32
    %c0_i32_0 = arith.constant 0 : i32
    %c0_i32_1 = arith.constant 0 : i32
    return %c0_i32, %c0_i32_0 : i32, i32
  }
  func.func @transform_10(%arg0: i32) -> (i32, i32) {
    %c0_i32 = arith.constant 0 : i32
    %c0_i32_0 = arith.constant 0 : i32
    return %arg0, %c0_i32 : i32, i32
  }
}

</mosaic_0001>

<sc_bundles>
// kernel: kernel.10.cloned.1.call-start
scs
__scs_entry_jumppad:
0x0: {  	(pc) =	sbr.rel $0x88, $3  }
0x1: {  	(tag) =	ssettag $0x0;
	lr =	simm.s32 $0x1  }
0x2: {  	[smem:$0x3F93] =	sst lr;
	_ =	strace $0xD0000000  }
0x3: {  	_ = 	snop  }
0x4: {  	_ = 	snop  }
0x5: {  	_ = 	snop  }
0x6: {  	_ = 	snop  }
0x7: {  	_ = 	snop  }
__scs_overlays_trampoline_lowered:
0x8: {  	[smem:$0x3FA2] =	sst s0  }
0x9: {  	[smem:$0x3FA3] =	sst s1  }
0xa: {  	[smem:$0x3FA4] =	sst s2  }
0xb: {  	[smem:$0x3FA5] =	sst s3  }
0xc: {  	[smem:$0x3FA6] =	sst s4  }
0xd: {  	[smem:$0x3FA7] =	sst s5  }
0xe: {  	[smem:$0x3FA8] =	sst s6  }
0xf: {  	[smem:$0x3FA9] =	sst s7  }
0x10: {  	[smem:$0x3FAA] =	sst s8  }
0x11: {  	[smem:$0x3FAB] =	sst s9;
	s0 =	simm.s32 @!p0 $0x0  }
0x12: {  	s1 =	sld [smem:$0x3F91];
	s0 =	simm.s32 @p0 $0x1  }
0x13: {  	[smem:$0x3FAC] =	sst s0;
	s0 =	simm.s32 @!p1 $0x0  }
0x14: {  	s2 =	sld [smem:$0x3F90];
	s0 =	simm.s32 @p1 $0x1  }
0x15: {  	[smem:$0x3FAD] =	sst s0;
	s0 =	simm.s32 @!p2 $0x0  }
0x16: {  	s3 =	sld [smem:$0x3FDB];
	s0 =	simm.s32 @p2 $0x1  }
0x17: {  	s4 =	simm.s32 $0x1BF5;
	[smem:$0x3FAF] =	sst s0  }
0x18: {  	s0 =	sld [smem:$0x3F92];
	_ =	swait.ge [sflag:s4], $0x0  }
0x19: {  	s7 =	sld [smem:$0x3F93]  }
0x1a: {  	s8 =	sadd.s32 $0xFFFFE003, lr  }
0x1b: {  	s9 =	sadd.s32 $0xFFFFFEF7, lr;
	s5 =	simm.s32 $0xFFFFFFFF;
	p2 =	slt.u32 s8, $0xFFFFF086  }
0x1c: {  	p1 =	slt.u32 s9, $0xF7A;
	s5 =	simm.s32 @!p2 $0x0  }
0x1d: {  	s5 =	simm.s32 @p1 $0x1;
	p0 =	seq.s32 s7, s2  }
0x1e: {  	s7 =	smul.u32 @!p0 $0xF7A, s2;
	p2 =	seq.s32 @!p0 s5, $0x0  }
0x1f: {  	s9 =	smul.u32 $0xF7A, s1;
	s8 =	simm.s32 @!p0 $0x1BF5;
	p2 =	por !p2, p0  }
0x20: {  	[sflag:s8] =	ssyncset.s32 @!p0 $0xFFFFF086;
	s6 =	sadd.s32 @!p0 s3, s7;
	s7 =	simm.s32 @!p0 $0x108  }
0x21: {  	s3 =	sadd.s32 s3, s9;
	s6 =	sadd.s32 @!p0 $0x88, s6;
	s7 =	simm.s32 @p2 $0x1082  }
0x22: {  	[simem:s7], [sflag:s8] =	dma.local @!p0 [hbm:s6], $0xF7A  }
0x23: {  	s9 =	sor.u32 $0xD0000000, s2;
	s6 =	simm.s32 $0x108;
	_ =	swait.ge @!p0 [sflag:s8], $0x0  }
0x24: {  	s3 =	sadd.s32 $0x88, s3;
	s6 =	simm.s32 @!p1 $0x1082;
	[sflag:s4] =	ssyncset.s32 $0xFFFFF086  }
0x25: {  	[simem:s6], [sflag:s4] =	dma.local [hbm:s3], $0xF7A  }
0x26: {  	[smem:$0x3F93] =	sst s1;
	(tag) =	ssettag s2;
	_ =	strace s9  }
0x27: {  	s1 =	sld [smem:$0x3FA3]  }
0x28: {  	s2 =	sld [smem:$0x3FA4]  }
0x29: {  	s4 =	sld [smem:$0x3FA6]  }
0x2a: {  	p0 =	seq.s32 s5, $0x0;
	s5 =	sld [smem:$0x3FA7]  }
0x2b: {  	s6 =	sld [smem:$0x3FA8]  }
0x2c: {  	s7 =	sld [smem:$0x3FA9]  }
0x2d: {  	s3 =	simm.s32 $0x108;
	s8 =	sld [smem:$0x3FAA]  }
0x2e: {  	s3 =	simm.s32 @!p0 $0x1082;
	s9 =	sld [smem:$0x3FAB]  }
0x2f: {  	lr =	sadd.s32 s0, s3;
	s0 =	sld [smem:$0x3FA2]  }
0x30: {  	s3 =	sld [smem:$0x3FA5]  }
0x31: {  	[smem:$0x3FAE] =	sst s10  }
0x32: {  	s10 =	sld [smem:$0x3FAC];
	_ =	sdelay $0x3  }
0x33: {  	p0 =	seq.s32 s10, $0x1;
	s10 =	sld [smem:$0x3FAE];
	_ =	sdelay $0x3  }
0x34: {  	[smem:$0x3FAE] =	sst s10  }
0x35: {  	s10 =	sld [smem:$0x3FAD];
	_ =	sdelay $0x3  }
0x36: {  	p1 =	seq.s32 s10, $0x1;
	s10 =	sld [smem:$0x3FAE];
	_ =	sdelay $0x3  }
0x37: {  	[smem:$0x3FAE] =	sst s10  }
0x38: {  	s10 =	sld [smem:$0x3FAF]  }
0x39: {  	_ = 	snop;
	(pc) =	sbr.ind lr, $3  }
0x3a: {  	_ = 	snop  }
0x3b: {  	_ = 	snop  }
0x3c: {  	p2 =	seq.s32 s10, $0x1;
	s10 =	sld [smem:$0x3FAE]  }
0x3d: {  	_ =	shalt  }
0x3e: {  	_ =	shalt  }
0x3f: {  	_ =	shalt  }
0x40: {  	_ =	shalt  }
0x41: {  	_ =	shalt  }
0x42: {  	_ =	shalt  }
0x43: {  	_ =	shalt  }
0x44: {  	_ =	shalt  }
0x45: {  	_ =	shalt  }
0x46: {  	_ =	shalt  }
0x47: {  	_ =	shalt  }
0x48: {  	_ =	shalt  }
0x49: {  	_ =	shalt  }
0x4a: {  	_ =	shalt  }
0x4b: {  	_ =	shalt  }
0x4c: {  	_ =	shalt  }
0x4d: {  	_ =	shalt  }
0x4e: {  	_ =	shalt  }
0x4f: {  	_ =	shalt  }
0x50: {  	_ =	shalt  }
0x51: {  	_ =	shalt  }
0x52: {  	_ =	shalt  }
0x53: {  	_ =	shalt  }
0x54: {  	_ =	shalt  }
0x55: {  	_ =	shalt  }
0x56: {  	_ =	shalt  }
0x57: {  	_ =	shalt  }
0x58: {  	_ =	shalt  }
0x59: {  	_ =	shalt  }
0x5a: {  	_ =	shalt  }
0x5b: {  	_ =	shalt  }
0x5c: {  	_ =	shalt  }
0x5d: {  	_ =	shalt  }
0x5e: {  	_ =	shalt  }
0x5f: {  	_ =	shalt  }
0x60: {  	_ =	shalt  }
0x61: {  	_ =	shalt  }
0x62: {  	_ =	shalt  }
0x63: {  	_ =	shalt  }
0x64: {  	_ =	shalt  }
0x65: {  	_ =	shalt  }
0x66: {  	_ =	shalt  }
0x67: {  	_ =	shalt  }
0x68: {  	_ =	shalt  }
0x69: {  	_ =	shalt  }
0x6a: {  	_ =	shalt  }
0x6b: {  	_ =	shalt  }
0x6c: {  	_ =	shalt  }
0x6d: {  	_ =	shalt  }
0x6e: {  	_ =	shalt  }
0x6f: {  	_ =	shalt  }
0x70: {  	_ =	shalt  }
0x71: {  	_ =	shalt  }
0x72: {  	_ =	shalt  }
0x73: {  	_ =	shalt  }
0x74: {  	_ =	shalt  }
0x75: {  	_ =	shalt  }
0x76: {  	_ =	shalt  }
0x77: {  	_ =	shalt  }
0x78: {  	_ =	shalt  }
0x79: {  	_ =	shalt  }
0x7a: {  	_ =	shalt  }
0x7b: {  	_ =	shalt  }
0x7c: {  	_ =	shalt  }
0x7d: {  	_ =	shalt  }
0x7e: {  	_ =	shalt  }
0x7f: {  	_ =	shalt  }
0x80: {  	_ =	shalt  }
0x81: {  	_ =	shalt  }
0x82: {  	_ =	shalt  }
0x83: {  	_ =	shalt  }
0x84: {  	_ =	shalt  }
0x85: {  	_ =	shalt  }
0x86: {  	_ =	shalt  }
0x87: {  	_ =	shalt  }
.Lfunc_end0:
.L_simem_size_0:
called_computation.1_lowered:
.L_overlay_start_0:
0x88: {  	s2 =	sld [smem:$0x3FD9]  }
0x89: {  	s3 =	sld [smem:$0x3FFE];
	_ =	sdelay $0x1  }
0x8a: {  	s1 =	srdreg.scid  }
0x8b: {  	s0 =	sand.u32 $0x1, s1  }
0x8c: {  	s16 =	sshll.u32 s0, $0xA;
	s2 =	sadd.s32 s3, s2  }
0x8d: {  	s2 =	sadd.s32 s2, s16  }
0x8e: {  	[smem:$0x3FBA] =	sst s2  }
0x8f: {  	_ = 	snop  }
0x90: {  	(tm) =	ssettm $0x1  }
0x91: {  	s17 =	sld [smem:$0x3FFB];
	_ =	sdelay $0x3  }
0x92: {  	_ =	strace s17  }
0x93: {  	s2 =	sld [smem:$0x3FFC];
	_ =	sdelay $0x3  }
0x94: {  	_ =	strace s2  }
0x95: {  	s2 =	sld [smem:$0x3FFD];
	_ =	sdelay $0x3  }
0x96: {  	_ =	strace s2  }
0x97: {  	_ =	strace $0x8FFFFFFF  }
0x98: {  	s18 =	sld [smem:$0x3FDB];
	_ =	sdelay $0x1  }
0x99: {  	s19 =	simm.s32 $_scs_section_size  }
0x9a: {  	s4 =	simm.s32 $_size__tile_overlayer_lowered;
	s5 =	simm.s32 $_tile_overlayer_lowered  }
0x9b: {  	s22 =	simm.s32 $0x1BFF;
	s21 =	sshll.u32 s5, $0x1;
	s2 =	sadd.s32 s19, s18  }
0x9c: {  	s6 =	simm.s32 $0x0;
	s20 =	sshll.u32 s4, $0x1;
	s4 =	sadd.s32 s21, s2  }
0x9d: {  	[timem:s6], [sflag:s22] =	dma.local [hbm:s4], s20  }
0x9e: {  	_ =	swait.ge [sflag:s22], s20  }
0x9f: {  	s3 =	ssub.s32 $0x0, s20;
	[sflag:s22] =	ssyncset.done $0x0  }
0xa0: {  	[sflag:s22] =	ssyncadd.s32 s3;
	_ =	sdelay $0x1  }
0xa1: {  	s23 =	simm.s32 $0x1B8B  }
0xa2: {  	_ =	swait.ge [sflag:s23], $0x1  }
0xa3: {  	[sflag:s23] =	ssyncset.done $0x0  }
0xa4: {  	s25 =	simm.s32 $0x1B8E;
	s24 =	sld [smem:$0x3FFE];
	[sflag:s23] =	ssyncadd.s32 $0xFFFFFFFF  }
0xa5: {  	s26 =	simm.s32 $execute0_lowered;
	[smem:$0x3FD2] =	sst s25  }
0xa6: {  	s4 =	sshll.u32 s26, $0x1;
	_ =	strace $0x80000049;
	[dreg:$0x1] =	wrdreg $0xFFFFFFFF  }
0xa7: {  	s28 =	simm.s32 $_size_execute0_lowered;
	s2 =	sadd.s32 s2, s4;
	[dreg:$0x0] =	wrdreg $0x0  }
0xa8: {  	s4 =	sshll.u32 s28, $0x1;
	[dreg:$0x2] =	wrdreg s2  }
0xa9: {  	[dreg:$0x3] =	wrdreg s4  }
0xaa: {  	[dreg:$0x4] =	wrdreg $0xC0  }
0xab: {  	_ =	task [dreg:s6], $0x5FFFF  }
0xac: {  	[dreg:$0x1] =	wrdreg $0xFFFFFFFF  }
0xad: {  	[dreg:$0x0] =	wrdreg $0x60  }
0xae: {  	[dreg:$0x2] =	wrdreg s24  }
0xaf: {  	[dreg:$0x3] =	wrdreg $0x9  }
0xb0: {  	_ =	task.clear_ibuf [dreg:s6], $0x4FFFF;
	_ =	strace $0x90000049  }
0xb1: {  	s29 =	simm.s32 $0x9;
	_ =	strace $0x8000004B  }
0xb2: {  	_ =	swait.ge [sflag:s29], $0x1  }
0xb3: {  	[sflag:s29] =	ssyncadd.s32 $0xFFFFFFFF  }
0xb4: {  	_ =	strace $0x9000004B  }
0xb5: {  	_ =	sfence  }
0xb6: {  	s30 =	sld [smem:$0x0];
	_ =	sdelay $0x2  }
0xb7: {  	s31 =	sshll.u32 s1, $0xD;
	s1 =	sshrl.u32 s1, $0x2  }
0xb8: {  	s3 =	sand.u32 $0x4000, s31;
	s1 =	sadd.s32 s1, s30  }
0xb9: {  	s0 =	sor.u32 s3, s0;
	s1 =	sshll.u32 s1, $0x11  }
0xba: {  	s0 =	sor.u32 s1, s0  }
0xbb: {  	s0 =	sadd.s32 $0x8F2B, s0  }
0xbc: {  	[sflag:s0] =	ssyncadd.remote.s32 $0x1  }
0xbd: {  	_ =	sfence.sel $0xFFFF  }
0xbe: {  	[dreg:$0x0] =	wrdreg $0xFFFFFFFF;
	(pc) =	sbr.abs _section_cstart, $3  }
0xbf: {  	[dreg:$0x1] =	wrdreg $0xFFFFFFFF  }
0xc0: {  	_ =	task.clear_ibuf [dreg:s6], $0x2FFFF;
	_ =	strace $0x9FFFFFFF  }
0xc1: {  	(tm) =	ssettm $0x7FFFFFFF  }
tec
execute0_lowered:
.L_overlay_start_1:
0x0: {  	(tag) =	ssettag $0x1  }
0x1: {  	s4 =	rddreg [dreg:$0x0]  }
0x2: {  	s0 =	rddreg [dreg:$0x1];
	s3 =	srdreg.scid  }
0x3: {  	s1 =	stileid.u32;
	s2 =	simm.s32 $0x0;
	s10 =	simm.s32 $0x0  }
0x4: {  	s5 =	sand.u32 $0x1, s3;
	s30 =	sshll.u32 s1, $0x1;
	[smem:$0x7FF] =	sst s2  }
0x5: {  	s3 =	sadd.s32 $0x104200, s4;
	s8 =	sshll.u32 s1, $0xB;
	s6 =	sor.u32 s5, s30  }
0x6: {  	_ =	strace $0x8000004A;
	s5 =	ssub.s32 $0x2, s5;
	s8 =	sand.u32 $0x6000, s8  }
0x7: {  	s7 =	sshll.u32 s6, $0x7;
	s6 =	sshll.u32 s6, $0xB;
	s31 =	sshrl.u32 s5, $0x1  }
0x8: {  	v0 =	vmov s8;
	s8 =	simm.s32 $0x400;
	s7 =	sadd.s32 s7, s4;
	s6 =	sadd.s32 s6, s4  }
0x9: {  	s9 =	ssub.s32 s5, s31;
	s4 =	sadd.s32 $0x103200, s7;
	s5 =	sadd.s32 $0x3200, s6  }
0xa: {  	s6 =	smax.u32 s9, $0x1;
	s7 =	simm.s32 $0x2;
	s9 =	simm.s32 $0x1  }
.LBB2_1:
0xb: {  	[tilespmem:s2], [sflag:$0x2] =	stream.linear.gather [hbm4b:s4+s2], $0x400, $0x38;
	[tilespmem:$0x4400] =	vst v63  }
0xc: {  	_ =	swait.ge [sflag:s7], $0x400  }
0xd: {  	[sflag:s7] =	ssyncset.done $0x0  }
0xe: {  	s11 =	simm.s32 $0x0;
	s12 =	simm.s32 $0x40;
	[sflag:s7] =	ssyncadd.s32 $0xFFFFFC00  }
.LBB2_2:
0xf: {  	p0 =	sne.s32 s12, $0xFC0;
	v1 =	vld [tilespmem:s11+$0x0];
	_ =	sdelay $0x1  }
.Ltmp0:
0x10: {  	(pc) =	sbr.rel @p0 .LBB2_2-.Ltmp0, $3  }
0x11: {  	_ =	sdelay $0x1  }
0x12: {  	v1 =	vadd.s32 v0, v1  }
0x13: {  	[tilespmem:s11+$0x0] =	vst v1;
	s11 =	sshra.s32 s12, $0x2;
	s12 =	sadd.s32 $0x40, s12  }
0x14: {  	v1 =	vld [tilespmem:s11+$0x0];
	_ =	sdelay $0x4  }
0x15: {  	v1 =	vadd.s32 v0, v1  }
0x16: {  	[tilespmem:s11+$0x0] =	vst v1  }
0x17: {  	[tilespmem:s8], [sflag:$0x1] =	stream.indirect.gather [hbm4b:s3+s8], $0x10, s2, s8, $0xb8;
	[tilespmem:$0x4400] =	vst v63  }
0x18: {  	s10 =	sadd.s32 $0x1, s10;
	_ =	swait.ge [sflag:s9], $0x4000  }
0x19: {  	p0 =	sne.s32 s10, s6;
	[sflag:s9] =	ssyncset.done $0x0  }
.Ltmp1:
0x1a: {  	[sflag:s9] =	ssyncadd.s32 $0xFFFFC000;
	(pc) =	sbr.rel @p0 .LBB2_1-.Ltmp1, $4  }
0x1b: {  	[hbm4b:s5+s2] =	stream.linear.scatter [tilespmem:s8], [sflag:$0x2], $0x4000, $0x38;
	[tilespmem:$0x4400] =	vst v63  }
0x1c: {  	_ =	swait.ge [sflag:s7], $0x4000  }
0x1d: {  	[sflag:s7] =	ssyncset.done $0x0  }
0x1e: {  	[sflag:s7] =	ssyncadd.s32 $0xFFFFC000  }
0x1f: {  	_ =	sfence.sel $0x180000  }
0x20: {  	[bflag:$0x0] =	sbarrier.arrive $0xFFFF  }
0x21: {  	p0 =	sne.s32 s1, $0x0;
	_ =	strace $0x9000004A  }
0x22: {  	s0 =	sadd.s32 @!p0 $0x100000, s0;
	[bflag:$0x2] =	sbarrier.arrive $0xFFFF  }
0x23: {  	[sflag:s0] =	ssyncadd.tile.s32 @!p0 $0x1;
	_ =	shalt  }
.Lfunc_end2:
_tile_overlayer_lowered:
.L_overlay_start_2:
0x24: {  	(tag) =	ssettag $0x2  }
0x25: {  	s0 =	rddreg [dreg:$0x0];
	s2 =	stileid.u32  }
0x26: {  	s1 =	rddreg [dreg:$0x1];
	p0 =	sne.s32 s2, $0x0  }
0x27: {  	s3 =	rddreg [dreg:$0x2];
	[bflag:$0x3] =	sbarrier.arrive $0xFFFF;
	s2 =	simm.s32 @!p0 $0x1C02  }
0x28: {  	[timem:s3], [sflag:s2] =	dma.local @!p0 [hbm:s0], s1  }
0x29: {  	s0 =	simm.s32 @!p0 $0x2  }
0x2a: {  	_ =	swait.ge @!p0 [sflag:s0], s1  }
0x2b: {  	s1 =	ssub.s32 @!p0 $0x0, s1;
	[sflag:s0] =	ssyncset.done @!p0 $0x0  }
0x2c: {  	[sflag:s0] =	ssyncadd.s32 @!p0 s1  }
0x2d: {  	[bflag:$0x3] =	sbarrier.arrive $0xFFFF  }
0x2e: {  	_ =	shalt  }

// kernel: kernel.7.cloned.1.call-start
scs
__scs_entry_jumppad:
0x0: {  	(pc) =	sbr.rel $0x88, $3  }
0x1: {  	(tag) =	ssettag $0x0;
	lr =	simm.s32 $0x1  }
0x2: {  	[smem:$0x3F93] =	sst lr;
	_ =	strace $0xD0000000  }
0x3: {  	_ = 	snop  }
0x4: {  	_ = 	snop  }
0x5: {  	_ = 	snop  }
0x6: {  	_ = 	snop  }
0x7: {  	_ = 	snop  }
__scs_overlays_trampoline_lowered:
0x8: {  	[smem:$0x3FA2] =	sst s0  }
0x9: {  	[smem:$0x3FA3] =	sst s1  }
0xa: {  	[smem:$0x3FA4] =	sst s2  }
0xb: {  	[smem:$0x3FA5] =	sst s3  }
0xc: {  	[smem:$0x3FA6] =	sst s4  }
0xd: {  	[smem:$0x3FA7] =	sst s5  }
0xe: {  	[smem:$0x3FA8] =	sst s6  }
0xf: {  	[smem:$0x3FA9] =	sst s7  }
0x10: {  	[smem:$0x3FAA] =	sst s8  }
0x11: {  	[smem:$0x3FAB] =	sst s9;
	s0 =	simm.s32 @!p0 $0x0  }
0x12: {  	s1 =	sld [smem:$0x3F91];
	s0 =	simm.s32 @p0 $0x1  }
0x13: {  	[smem:$0x3FAC] =	sst s0;
	s0 =	simm.s32 @!p1 $0x0  }
0x14: {  	s2 =	sld [smem:$0x3F90];
	s0 =	simm.s32 @p1 $0x1  }
0x15: {  	[smem:$0x3FAD] =	sst s0;
	s0 =	simm.s32 @!p2 $0x0  }
0x16: {  	s3 =	sld [smem:$0x3FDB];
	s0 =	simm.s32 @p2 $0x1  }
0x17: {  	s4 =	simm.s32 $0x1BF5;
	[smem:$0x3FAF] =	sst s0  }
0x18: {  	s0 =	sld [smem:$0x3F92];
	_ =	swait.ge [sflag:s4], $0x0  }
0x19: {  	s7 =	sld [smem:$0x3F93]  }
0x1a: {  	s8 =	sadd.s32 $0xFFFFE003, lr  }
0x1b: {  	s9 =	sadd.s32 $0xFFFFFEF7, lr;
	s5 =	simm.s32 $0xFFFFFFFF;
	p2 =	slt.u32 s8, $0xFFFFF086  }
0x1c: {  	p1 =	slt.u32 s9, $0xF7A;
	s5 =	simm.s32 @!p2 $0x0  }
0x1d: {  	s5 =	simm.s32 @p1 $0x1;
	p0 =	seq.s32 s7, s2  }
0x1e: {  	s7 =	smul.u32 @!p0 $0xF7A, s2;
	p2 =	seq.s32 @!p0 s5, $0x0  }
0x1f: {  	s9 =	smul.u32 $0xF7A, s1;
	s8 =	simm.s32 @!p0 $0x1BF5;
	p2 =	por !p2, p0  }
0x20: {  	[sflag:s8] =	ssyncset.s32 @!p0 $0xFFFFF086;
	s6 =	sadd.s32 @!p0 s3, s7;
	s7 =	simm.s32 @!p0 $0x108  }
0x21: {  	s3 =	sadd.s32 s3, s9;
	s6 =	sadd.s32 @!p0 $0x88, s6;
	s7 =	simm.s32 @p2 $0x1082  }
0x22: {  	[simem:s7], [sflag:s8] =	dma.local @!p0 [hbm:s6], $0xF7A  }
0x23: {  	s9 =	sor.u32 $0xD0000000, s2;
	s6 =	simm.s32 $0x108;
	_ =	swait.ge @!p0 [sflag:s8], $0x0  }
0x24: {  	s3 =	sadd.s32 $0x88, s3;
	s6 =	simm.s32 @!p1 $0x1082;
	[sflag:s4] =	ssyncset.s32 $0xFFFFF086  }
0x25: {  	[simem:s6], [sflag:s4] =	dma.local [hbm:s3], $0xF7A  }
0x26: {  	[smem:$0x3F93] =	sst s1;
	(tag) =	ssettag s2;
	_ =	strace s9  }
0x27: {  	s1 =	sld [smem:$0x3FA3]  }
0x28: {  	s2 =	sld [smem:$0x3FA4]  }
0x29: {  	s4 =	sld [smem:$0x3FA6]  }
0x2a: {  	p0 =	seq.s32 s5, $0x0;
	s5 =	sld [smem:$0x3FA7]  }
0x2b: {  	s6 =	sld [smem:$0x3FA8]  }
0x2c: {  	s7 =	sld [smem:$0x3FA9]  }
0x2d: {  	s3 =	simm.s32 $0x108;
	s8 =	sld [smem:$0x3FAA]  }
0x2e: {  	s3 =	simm.s32 @!p0 $0x1082;
	s9 =	sld [smem:$0x3FAB]  }
0x2f: {  	lr =	sadd.s32 s0, s3;
	s0 =	sld [smem:$0x3FA2]  }
0x30: {  	s3 =	sld [smem:$0x3FA5]  }
0x31: {  	[smem:$0x3FAE] =	sst s10  }
0x32: {  	s10 =	sld [smem:$0x3FAC];
	_ =	sdelay $0x3  }
0x33: {  	p0 =	seq.s32 s10, $0x1;
	s10 =	sld [smem:$0x3FAE];
	_ =	sdelay $0x3  }
0x34: {  	[smem:$0x3FAE] =	sst s10  }
0x35: {  	s10 =	sld [smem:$0x3FAD];
	_ =	sdelay $0x3  }
0x36: {  	p1 =	seq.s32 s10, $0x1;
	s10 =	sld [smem:$0x3FAE];
	_ =	sdelay $0x3  }
0x37: {  	[smem:$0x3FAE] =	sst s10  }
0x38: {  	s10 =	sld [smem:$0x3FAF]  }
0x39: {  	_ = 	snop;
	(pc) =	sbr.ind lr, $3  }
0x3a: {  	_ = 	snop  }
0x3b: {  	_ = 	snop  }
0x3c: {  	p2 =	seq.s32 s10, $0x1;
	s10 =	sld [smem:$0x3FAE]  }
0x3d: {  	_ =	shalt  }
0x3e: {  	_ =	shalt  }
0x3f: {  	_ =	shalt  }
0x40: {  	_ =	shalt  }
0x41: {  	_ =	shalt  }
0x42: {  	_ =	shalt  }
0x43: {  	_ =	shalt  }
0x44: {  	_ =	shalt  }
0x45: {  	_ =	shalt  }
0x46: {  	_ =	shalt  }
0x47: {  	_ =	shalt  }
0x48: {  	_ =	shalt  }
0x49: {  	_ =	shalt  }
0x4a: {  	_ =	shalt  }
0x4b: {  	_ =	shalt  }
0x4c: {  	_ =	shalt  }
0x4d: {  	_ =	shalt  }
0x4e: {  	_ =	shalt  }
0x4f: {  	_ =	shalt  }
0x50: {  	_ =	shalt  }
0x51: {  	_ =	shalt  }
0x52: {  	_ =	shalt  }
0x53: {  	_ =	shalt  }
0x54: {  	_ =	shalt  }
0x55: {  	_ =	shalt  }
0x56: {  	_ =	shalt  }
0x57: {  	_ =	shalt  }
0x58: {  	_ =	shalt  }
0x59: {  	_ =	shalt  }
0x5a: {  	_ =	shalt  }
0x5b: {  	_ =	shalt  }
0x5c: {  	_ =	shalt  }
0x5d: {  	_ =	shalt  }
0x5e: {  	_ =	shalt  }
0x5f: {  	_ =	shalt  }
0x60: {  	_ =	shalt  }
0x61: {  	_ =	shalt  }
0x62: {  	_ =	shalt  }
0x63: {  	_ =	shalt  }
0x64: {  	_ =	shalt  }
0x65: {  	_ =	shalt  }
0x66: {  	_ =	shalt  }
0x67: {  	_ =	shalt  }
0x68: {  	_ =	shalt  }
0x69: {  	_ =	shalt  }
0x6a: {  	_ =	shalt  }
0x6b: {  	_ =	shalt  }
0x6c: {  	_ =	shalt  }
0x6d: {  	_ =	shalt  }
0x6e: {  	_ =	shalt  }
0x6f: {  	_ =	shalt  }
0x70: {  	_ =	shalt  }
0x71: {  	_ =	shalt  }
0x72: {  	_ =	shalt  }
0x73: {  	_ =	shalt  }
0x74: {  	_ =	shalt  }
0x75: {  	_ =	shalt  }
0x76: {  	_ =	shalt  }
0x77: {  	_ =	shalt  }
0x78: {  	_ =	shalt  }
0x79: {  	_ =	shalt  }
0x7a: {  	_ =	shalt  }
0x7b: {  	_ =	shalt  }
0x7c: {  	_ =	shalt  }
0x7d: {  	_ =	shalt  }
0x7e: {  	_ =	shalt  }
0x7f: {  	_ =	shalt  }
0x80: {  	_ =	shalt  }
0x81: {  	_ =	shalt  }
0x82: {  	_ =	shalt  }
0x83: {  	_ =	shalt  }
0x84: {  	_ =	shalt  }
0x85: {  	_ =	shalt  }
0x86: {  	_ =	shalt  }
0x87: {  	_ =	shalt  }
.Lfunc_end0:
.L_simem_size_0:
called_computation_lowered:
.L_overlay_start_0:
0x88: {  	s2 =	sld [smem:$0x3FD9]  }
0x89: {  	s3 =	sld [smem:$0x3FFE];
	_ =	sdelay $0x1  }
0x8a: {  	s1 =	srdreg.scid  }
0x8b: {  	s0 =	sand.u32 $0x1, s1  }
0x8c: {  	s14 =	sshll.u32 s0, $0xA;
	s2 =	sadd.s32 s3, s2  }
0x8d: {  	s2 =	sadd.s32 s2, s14  }
0x8e: {  	[smem:$0x3FBA] =	sst s2  }
0x8f: {  	_ = 	snop  }
0x90: {  	s2 =	sld [smem:$0x3FD0];
	_ =	sdelay $0x2  }
0x91: {  	s15 =	simm.s32 $0xA;
	s4 =	simm.s32 $0x10  }
0x92: {  	[smem:s4], [sflag:s15] =	dma.local [hbm:s2], $0x1  }
0x93: {  	_ =	swait.eq [sflag:s15], $0x1  }
0x94: {  	[sflag:s15] =	ssyncset.done $0x0  }
0x95: {  	[sflag:s15] =	ssyncadd.s32 $0xFFFFFFFF  }
0x96: {  	s16 =	sld [smem:$0x10];
	(tm) =	ssettm $0x1  }
0x97: {  	s17 =	sld [smem:$0x3FFB];
	_ =	sdelay $0x3  }
0x98: {  	_ =	strace s17  }
0x99: {  	s3 =	sld [smem:$0x3FFC];
	_ =	sdelay $0x3  }
0x9a: {  	_ =	strace s3  }
0x9b: {  	s3 =	sld [smem:$0x3FFD];
	_ =	sdelay $0x3  }
0x9c: {  	_ =	strace s3  }
0x9d: {  	_ =	strace $0x8FFFFFFF  }
0x9e: {  	s18 =	sld [smem:$0x3FDB];
	_ =	sdelay $0x1  }
0x9f: {  	s19 =	simm.s32 $_scs_section_size  }
0xa0: {  	s5 =	simm.s32 $_size__tile_overlayer_lowered;
	s6 =	simm.s32 $_tile_overlayer_lowered  }
0xa1: {  	s22 =	simm.s32 $0x1BFF;
	s21 =	sshll.u32 s6, $0x1;
	s3 =	sadd.s32 s19, s18  }
0xa2: {  	s7 =	simm.s32 $0x0;
	s20 =	sshll.u32 s5, $0x1;
	s5 =	sadd.s32 s21, s3  }
0xa3: {  	[timem:s7], [sflag:s22] =	dma.local [hbm:s5], s20  }
0xa4: {  	_ =	swait.ge [sflag:s22], s20  }
0xa5: {  	s4 =	ssub.s32 $0x0, s20;
	[sflag:s22] =	ssyncset.done $0x0  }
0xa6: {  	[sflag:s22] =	ssyncadd.s32 s4;
	_ =	sdelay $0x1  }
0xa7: {  	s23 =	simm.s32 $0x1B8B  }
0xa8: {  	_ =	swait.ge [sflag:s23], $0x1  }
0xa9: {  	[sflag:s23] =	ssyncset.done $0x0  }
0xaa: {  	s25 =	simm.s32 $0x1B8E;
	s24 =	sld [smem:$0x3FFE];
	[sflag:s23] =	ssyncadd.s32 $0xFFFFFFFF  }
0xab: {  	s26 =	simm.s32 $execute0_lowered;
	[smem:$0x3FD2] =	sst s25  }
0xac: {  	s5 =	sshll.u32 s26, $0x1;
	_ =	strace $0x80000046;
	[dreg:$0x1] =	wrdreg $0xFFFFFFFF  }
0xad: {  	s28 =	simm.s32 $_size_execute0_lowered;
	s3 =	sadd.s32 s3, s5;
	[dreg:$0x0] =	wrdreg $0x0  }
0xae: {  	s5 =	sshll.u32 s28, $0x1;
	[dreg:$0x2] =	wrdreg s3  }
0xaf: {  	[dreg:$0x3] =	wrdreg s5  }
0xb0: {  	[dreg:$0x4] =	wrdreg $0xC0  }
0xb1: {  	_ =	task [dreg:s7], $0x5FFFF  }
0xb2: {  	[dreg:$0x1] =	wrdreg $0xFFFFFFFF  }
0xb3: {  	[dreg:$0x0] =	wrdreg $0x60  }
0xb4: {  	[dreg:$0x2] =	wrdreg s24  }
0xb5: {  	[dreg:$0x3] =	wrdreg s16  }
0xb6: {  	[dreg:$0x4] =	wrdreg $0x9  }
0xb7: {  	_ =	task.clear_ibuf [dreg:s7], $0x5FFFF;
	_ =	strace $0x90000046  }
0xb8: {  	s29 =	simm.s32 $0x9;
	_ =	strace $0x80000048  }
0xb9: {  	_ =	swait.ge [sflag:s29], $0x1  }
0xba: {  	[sflag:s29] =	ssyncadd.s32 $0xFFFFFFFF  }
0xbb: {  	_ =	strace $0x90000048  }
0xbc: {  	_ =	sfence  }
0xbd: {  	s30 =	sld [smem:$0x0];
	_ =	sdelay $0x2  }
0xbe: {  	s31 =	sshll.u32 s1, $0xD;
	s1 =	sshrl.u32 s1, $0x2  }
0xbf: {  	s3 =	sand.u32 $0x4000, s31;
	s1 =	sadd.s32 s1, s30  }
0xc0: {  	s0 =	sor.u32 s3, s0;
	s1 =	sshll.u32 s1, $0x11  }
0xc1: {  	s0 =	sor.u32 s1, s0  }
0xc2: {  	s0 =	sadd.s32 $0x8F2B, s0  }
0xc3: {  	[sflag:s0] =	ssyncadd.remote.s32 $0x1  }
0xc4: {  	_ =	sfence.sel $0xFFFF  }
0xc5: {  	[dreg:$0x0] =	wrdreg $0xFFFFFFFF;
	(pc) =	sbr.abs _section_cstart, $3  }
0xc6: {  	[dreg:$0x1] =	wrdreg $0xFFFFFFFF  }
0xc7: {  	_ =	task.clear_ibuf [dreg:s7], $0x2FFFF;
	_ =	strace $0x9FFFFFFF  }
0xc8: {  	(tm) =	ssettm $0x7FFFFFFF  }
0xc9: {  	_ =	shalt  }
tec
execute0_lowered:
.L_overlay_start_1:
0x0: {  	(tag) =	ssettag $0x1  }
0x1: {  	s6 =	rddreg [dreg:$0x0]  }
0x2: {  	s1 =	rddreg [dreg:$0x1]  }
0x3: {  	s0 =	rddreg [dreg:$0x2]  }
0x4: {  	s3 =	simm.s32 $0x0;
	s4 =	srdreg.scid;
	s2 =	stileid.u32  }
0x5: {  	s10 =	simm.s32 $0x4000;
	s11 =	simm.s32 $0x2000;
	s12 =	simm.s32 $0x4080  }
0x6: {  	s13 =	simm.s32 $0x1;
	s14 =	simm.s32 $0x3;
	s15 =	simm.s32 $0x4100  }
0x7: {  	s16 =	simm.s32 $0x5;
	s17 =	simm.s32 $0x2;
	s18 =	simm.s32 $0x4  }
0x8: {  	s19 =	simm.s32 $0x0;
	[smem:$0x7FF] =	sst s3;
	s5 =	sand.u32 $0x1, s4  }
.Ltmp0:
0x9: {  	s7 =	sshll.u32 s2, $0x6;
	s4 =	sadd.s32 $0x3200, s6;
	(pc) =	sbr.rel .LBB2_1-.Ltmp0, $4  }
0xa: {  	v0 =	vlaneseq.u32;
	s6 =	sadd.s32 $0x103200, s6;
	s8 =	sshll.u32 s5, $0x5;
	s9 =	ssub.s32 $0x2, s5  }
0xb: {  	v0 =	vmul.u32 $0xFFFFFFFF, v0;
	_ =	strace $0x80000047;
	s5 =	sor.u32 s8, s7;
	s30 =	sshrl.u32 s9, $0x1  }
0xc: {  	s8 =	sshll.u32 s5, $0xA;
	s9 =	ssub.s32 s9, s30;
	s31 =	sshll.u32 s5, $0x4  }
0xd: {  	v0 =	vadd.s32 $0xF, v0;
	s7 =	sadd.s32 s4, s8;
	s8 =	sadd.s32 s1, s31;
	s9 =	smax.u32 s9, $0x1  }
.LBB2_11:
0xe: {  	s19 =	sadd.s32 $0x1, s19  }
0xf: {  	_ =	swait.ge [sflag:s13], $0x2000;
	p0 =	sne.s32 s19, s9  }
.Ltmp1:
0x10: {  	[sflag:s13] =	ssyncset.done $0x0;
	(pc) =	sbr.rel @!p0 .LBB2_12-.Ltmp1, $4  }
0x11: {  	[sflag:s13] =	ssyncadd.s32 $0xFFFFE000  }
0x12: {  	_ =	swait.ge [sflag:s14], $0x80  }
0x13: {  	[sflag:s14] =	ssyncset.done $0x0  }
0x14: {  	[sflag:s14] =	ssyncadd.s32 $0xFFFFFF80  }
.LBB2_1:
.Ltmp2:
0x15: {  	(pc) =	sbr.rel .LBB2_2-.Ltmp2, $4  }
0x16: {  	_ = 	snop  }
0x17: {  	[tilespmem:s3], [sflag:$0x1] =	stream.linear.gather [hbm4b:s7+s3], $0x2000, $0x38;
	[tilespmem:$0x4120] =	vst v63  }
0x18: {  	s20 =	simm.s32 $0x0  }
0x19: {  	[tilespmem:s10], [sflag:$0x3] =	stream.linear.gather [hbm4b:s8+s3], $0x80, $0x38;
	[tilespmem:$0x4120] =	vst v63  }
.LBB2_10:
0x1a: {  	s21 =	sshll.u32 s21, $0x2;
	s20 =	sadd.s32 $0x1, s20  }
0x1b: {  	[tilespmem:$0x4100] =	vst v7;
	s21 =	sand.u32 $0x1FFFFFFC, s21;
	p0 =	sne.s32 s20, $0x10  }
.Ltmp3:
0x1c: {  	[tilespmem:$0x4110] =	vst v8;
	s21 =	sadd.s32 s6, s21;
	(pc) =	sbr.rel @!p0 .LBB2_11-.Ltmp3, $4  }
0x1d: {  	[hbm4b:s21+s3] =	stream.linear.scatter [tilespmem:s15], [sflag:$0x5], $0x20, $0x38;
	[tilespmem:$0x4120] =	vst v63  }
0x1e: {  	_ =	swait.ge [sflag:s16], $0x20  }
0x1f: {  	[sflag:s16] =	ssyncset.done $0x0  }
0x20: {  	[sflag:s16] =	ssyncadd.s32 $0xFFFFFFE0  }
.LBB2_2:
0x21: {  	s21 =	sshll.u32 s20, $0x1  }
0x22: {  	s22 =	sadd.s32 s5, s21  }
0x23: {  	s21 =	sor.u32 $0x1, s22  }
0x24: {  	s23 =	sshll.u32 s21, $0xA  }
0x25: {  	s23 =	sand.u32 $0x1FFFFC00, s23  }
0x26: {  	s31 =	sshll.u32 s21, $0x4;
	s24 =	sadd.s32 s4, s23;
	s23 =	simm.s32 $0x0  }
0x27: {  	[tilespmem:s11], [sflag:$0x2] =	stream.linear.gather [hbm4b:s24+s23], $0x2000, $0x38;
	[tilespmem:$0x4120] =	vst v63  }
0x28: {  	s24 =	sand.u32 $0x1FFFFFF0, s31  }
0x29: {  	s24 =	sadd.s32 s1, s24  }
0x2a: {  	[tilespmem:s12], [sflag:$0x4] =	stream.linear.gather [hbm4b:s24+s23], $0x80, $0x38;
	[tilespmem:$0x4120] =	vst v63  }
0x2b: {  	_ =	swait.ge [sflag:s13], $0x2000  }
0x2c: {  	[sflag:s13] =	ssyncset.done $0x0  }
0x2d: {  	[sflag:s13] =	ssyncadd.s32 $0xFFFFE000  }
0x2e: {  	_ =	swait.ge [sflag:s14], $0x80  }
0x2f: {  	[sflag:s14] =	ssyncset.done $0x0  }
0x30: {  	[sflag:s14] =	ssyncadd.s32 $0xFFFFFF80  }
0x31: {  	v1 =	vld [tilespmem:$0x4000];
	_ =	sdelay $0x4  }
0x32: {  	(xrf1) =	vsort.ascd.msk.f32 $0xffff, v1, v1;
	_ =	sdelay $0xd  }
0x33: {  	v2 =	vld [tilespmem:$0x4010];
	v1, _, _ =	vpop (xrf1)  }
0x34: {  	v1 =	vperm.xlane v1, v0;
	_ =	sdelay $0x1  }
0x35: {  	v3 =	vmax.f32 v1, $+Inf;
	(xrf1) =	vsort.ascd.msk.f32 $0xffff, v1, v1  }
0x36: {  	(xrf1) =	vsort.ascd.msk.f32 $0xffff, v3, v3  }
0x37: {  	(xrf1) =	vsort.ascd.msk.f32 $0xffff, v2, v2;
	_ =	sdelay $0xb  }
0x38: {  	v1, _, _ =	vpop (xrf1)  }
0x39: {  	v2, _, _ =	vpop (xrf1)  }
0x3a: {  	v3, _, _ =	vpop (xrf1)  }
0x3b: {  	v3 =	vperm.xlane v3, v0  }
0x3c: {  	v4 =	vld [tilespmem:$0x4020]  }
0x3d: {  	v2 =	vmin.f32 v2, v3  }
0x3e: {  	v3 =	vmin.f32 v1, v2  }
0x3f: {  	v1 =	vmax.f32 v1, v2;
	(xrf1) =	vsort.ascd.msk.f32 $0xffff, v3, v3  }
0x40: {  	(xrf1) =	vsort.ascd.msk.f32 $0xffff, v1, v1  }
0x41: {  	(xrf1) =	vsort.ascd.msk.f32 $0xffff, v4, v4;
	_ =	sdelay $0xb  }
0x42: {  	v1, _, _ =	vpop (xrf1)  }
0x43: {  	v2, _, _ =	vpop (xrf1)  }
0x44: {  	v3, _, _ =	vpop (xrf1)  }
0x45: {  	v3 =	vperm.xlane v3, v0  }
0x46: {  	v4 =	vld [tilespmem:$0x4030]  }
0x47: {  	v2 =	vmin.f32 v2, v3  }
0x48: {  	v3 =	vmin.f32 v1, v2  }
0x49: {  	v1 =	vmax.f32 v1, v2;
	(xrf1) =	vsort.ascd.msk.f32 $0xffff, v3, v3  }
0x4a: {  	(xrf1) =	vsort.ascd.msk.f32 $0xffff, v1, v1  }
0x4b: {  	(xrf1) =	vsort.ascd.msk.f32 $0xffff, v4, v4;
	_ =	sdelay $0xb  }
0x4c: {  	v1, _, _ =	vpop (xrf1)  }
0x4d: {  	v2, _, _ =	vpop (xrf1)  }
0x4e: {  	v3, _, _ =	vpop (xrf1)  }
0x4f: {  	v3 =	vperm.xlane v3, v0  }
0x50: {  	v4 =	vld [tilespmem:$0x4040]  }
0x51: {  	v2 =	vmin.f32 v2, v3  }
0x52: {  	v3 =	vmin.f32 v1, v2  }
0x53: {  	v1 =	vmax.f32 v1, v2;
	(xrf1) =	vsort.ascd.msk.f32 $0xffff, v3, v3  }
0x54: {  	(xrf1) =	vsort.ascd.msk.f32 $0xffff, v1, v1  }
0x55: {  	(xrf1) =	vsort.ascd.msk.f32 $0xffff, v4, v4;
	_ =	sdelay $0xb  }
0x56: {  	v1, _, _ =	vpop (xrf1)  }
0x57: {  	v2, _, _ =	vpop (xrf1)  }
0x58: {  	v3, _, _ =	vpop (xrf1)  }
0x59: {  	v3 =	vperm.xlane v3, v0  }
0x5a: {  	v4 =	vld [tilespmem:$0x4050]  }
0x5b: {  	v2 =	vmin.f32 v2, v3  }
0x5c: {  	v3 =	vmin.f32 v1, v2  }
0x5d: {  	v1 =	vmax.f32 v1, v2;
	(xrf1) =	vsort.ascd.msk.f32 $0xffff, v3, v3  }
0x5e: {  	(xrf1) =	vsort.ascd.msk.f32 $0xffff, v1, v1  }
0x5f: {  	(xrf1) =	vsort.ascd.msk.f32 $0xffff, v4, v4;
	_ =	sdelay $0xb  }
0x60: {  	v1, _, _ =	vpop (xrf1)  }
0x61: {  	v2, _, _ =	vpop (xrf1)  }
0x62: {  	v3, _, _ =	vpop (xrf1)  }
0x63: {  	v3 =	vperm.xlane v3, v0  }
0x64: {  	v4 =	vld [tilespmem:$0x4060]  }
0x65: {  	v2 =	vmin.f32 v2, v3  }
0x66: {  	v3 =	vmin.f32 v1, v2  }
0x67: {  	v1 =	vmax.f32 v1, v2;
	(xrf1) =	vsort.ascd.msk.f32 $0xffff, v3, v3  }
0x68: {  	(xrf1) =	vsort.ascd.msk.f32 $0xffff, v1, v1  }
0x69: {  	(xrf1) =	vsort.ascd.msk.f32 $0xffff, v4, v4;
	_ =	sdelay $0xb  }
0x6a: {  	v1, _, _ =	vpop (xrf1)  }
0x6b: {  	v2, _, _ =	vpop (xrf1)  }
0x6c: {  	v3, _, _ =	vpop (xrf1)  }
0x6d: {  	v3 =	vperm.xlane v3, v0  }
0x6e: {  	v4 =	vld [tilespmem:$0x4070]  }
0x6f: {  	v2 =	vmin.f32 v2, v3  }
0x70: {  	v3 =	vmin.f32 v1, v2  }
0x71: {  	v1 =	vmax.f32 v1, v2;
	(xrf1) =	vsort.ascd.msk.f32 $0xffff, v3, v3  }
0x72: {  	(xrf1) =	vsort.ascd.msk.f32 $0xffff, v1, v1  }
0x73: {  	(xrf1) =	vsort.ascd.msk.f32 $0xffff, v4, v4;
	_ =	sdelay $0xb  }
0x74: {  	v1, _, _ =	vpop (xrf1)  }
0x75: {  	v2, _, _ =	vpop (xrf1)  }
0x76: {  	v3, _, _ =	vpop (xrf1)  }
0x77: {  	v3 =	vperm.xlane v3, v0;
	_ =	sdelay $0x1  }
0x78: {  	v2 =	vmin.f32 v2, v3  }
0x79: {  	v1 =	vmax.f32 v1, v2  }
0x7a: {  	(xrf1) =	vsort.ascd.msk.f32 $0xffff, v1, v1;
	_ =	sdelay $0xd  }
0x7b: {  	v1, _, _ =	vpop (xrf1)  }
0x7c: {  	(xrf0) =	vmax.scan.msk.f32 $0xffff, v1;
	_ =	sdelay $0x5  }
0x7d: {  	v1, _, _ =	vpop (xrf0)  }
0x7e: {  	(v2sf) =	vpush v1, $0xF;
	_ =	sdelay $0xb  }
.Ltmp4:
0x7f: {  	_ = 	snop;
	(pc) =	sbr.rel .LBB2_3-.Ltmp4, $3  }
0x80: {  	_ =	sdelay $0x1  }
0x81: {  	v10 =	vimm.f32 $+Inf;
	s24 =	spop (v2sf)  }
0x82: {  	v9 =	vimm.s32 $0x0;
	s25 =	simm.s32 $0x40;
	v7 =	vimm.s32 $0x0;
	v8 =	vimm.f32 $+Inf;
	s26 =	smov.u32 s24  }
.LBB2_5:
0x83: {  	s23 =	sadd.s32 $0x80, s23  }
0x84: {  	p0 =	sne.s32 s23, $0x2000  }
.Ltmp5:
0x85: {  	_ = 	snop;
	(pc) =	sbr.rel @!p0 .LBB2_6-.Ltmp5, $2  }
0x86: {  	_ =	sdelay $0x2  }
0x87: {  	s25 =	sadd.s32 $0x80, s25  }
.LBB2_3:
0x88: {  	v12 =	vld [tilespmem:s25+$0xFFFFFFC0]  }
0x89: {  	v11 =	vld [tilespmem:s25+$0xFFFFFFD0]  }
0x8a: {  	v6 =	vld [tilespmem:s25+$0xFFFFFFE0]  }
0x8b: {  	v5 =	vld [tilespmem:s25+$0xFFFFFFF0]  }
0x8c: {  	v4 =	vld [tilespmem:s25+$0x0]  }
0x8d: {  	v3 =	vld [tilespmem:s25+$0x10]  }
0x8e: {  	v2 =	vld [tilespmem:s25+$0x20];
	v13 =	vmin.f32 v12, v11  }
0x8f: {  	v1 =	vld [tilespmem:s25+$0x30];
	v13 =	vmin.f32 v13, v6  }
0x90: {  	v13 =	vmin.f32 v13, v5  }
0x91: {  	v13 =	vmin.f32 v13, v4  }
0x92: {  	v13 =	vmin.f32 v13, v3  }
0x93: {  	v13 =	vmin.f32 v13, v2  }
0x94: {  	v13 =	vmin.f32 v13, v1  }
0x95: {  	(xrf0) =	vmin.scan.msk.f32 $0xffff, v13;
	_ =	sdelay $0x5  }
0x96: {  	v13, _, _ =	vpop (xrf0)  }
0x97: {  	(v2sf) =	vpush v13, $0xF;
	_ =	sdelay $0xe  }
0x98: {  	s28 =	spop (v2sf)  }
0x99: {  	p0 =	sle.f32 s28, s26  }
.Ltmp6:
0x9a: {  	_ = 	snop;
	(pc) =	sbr.rel @!p0 .LBB2_5-.Ltmp6, $1  }
0x9b: {  	_ =	sdelay $0x3  }
0x9c: {  	(xrf0) =	vmin.scan.msk.f32 $0xffff, v12;
	_ =	sdelay $0x5  }
0x9d: {  	v13, _, _ =	vpop (xrf0)  }
0x9e: {  	(v2sf) =	vpush v13, $0xF;
	_ =	sdelay $0xe  }
0x9f: {  	s28 =	spop (v2sf)  }
0xa0: {  	p1 =	sle.f32 s28, s26;
	_ =	sdelay $0x1  }
0xa1: {  	v13 =	vlaneseq.u32 @p1  }
0xa2: {  	v14 =	vor.u32 @p1 s23, v13  }
0xa3: {  	(xrf1) =	vsort.ascd.msk.f32 @p1 $0xffff, v12, v14;
	_ =	sdelay $0xb  }
0xa4: {  	v12 =	vmul.u32 @p1 $0xFFFFFFFF, v13;
	_ =	sdelay $0x1  }
0xa5: {  	v12 =	vadd.s32 @p1 $0xF, v12;
	v13, v14, _ =	vpop @p1 (xrf1)  }
0xa6: {  	v13 =	vperm.xlane @p1 v13, v12;
	v12 =	vperm.xlane @p1 v14, v12;
	_ =	sdelay $0x1  }
0xa7: {  	vm0 =	veq.f32 @p1 v13, v10;
	vm1 =	vlt.s32 @p1 v12, v9  }
0xa8: {  	vm2 =	vlt.f32 @p1 v13, v10;
	vm0 =	vmand @p1 vm0, vm1  }
0xa9: {  	vm0 =	vmor @p1 vm2, vm0  }
0xaa: {  	v13 =	vsel @p1 vm0, v13, v10;
	v12 =	vsel @p1 vm0, v12, v9  }
0xab: {  	vm0 =	veq.f32 @p1 v13, v8;
	vm1 =	vlt.s32 @p1 v12, v7  }
0xac: {  	vm2 =	vlt.f32 @p1 v13, v8;
	vm0 =	vmand @p1 vm0, vm1  }
0xad: {  	vm0 =	vmor @p1 vm2, vm0  }
0xae: {  	v14 =	vsel @p1 vm0, v13, v8;
	v15 =	vsel @p1 vm0, v12, v7  }
0xaf: {  	v13 =	vsel @p1 vm0, v8, v13;
	v12 =	vsel @p1 vm0, v7, v12;
	(xrf1) =	vsort.ascd.msk.f32 @p1 $0xffff, v14, v15  }
0xb0: {  	(xrf1) =	vsort.ascd.msk.f32 @p1 $0xffff, v13, v12;
	_ =	sdelay $0xc  }
0xb1: {  	v12, v13, _ =	vpop @p1 (xrf1)  }
0xb2: {  	v14, v15, _ =	vpop @p1 (xrf1)  }
0xb3: {  	(xrf0) =	vmax.scan.msk.f32 @p1 $0xffff, v14;
	_ =	sdelay $0x1  }
0xb4: {  	(xrf0) =	vmin.scan.msk.f32 $0xffff, v11;
	_ =	sdelay $0x3  }
0xb5: {  	v16, _, _ =	vpop @p1 (xrf0)  }
0xb6: {  	(v2sf) =	vpush @p1 v16, $0xF  }
0xb7: {  	v59, _, _ =	vpop (xrf0)  }
0xb8: {  	(v2sf) =	vpush v59, $0xF;
	_ =	sdelay $0xc  }
0xb9: {  	s28 =	spop @p1 (v2sf)  }
0xba: {  	s28 =	smin.f32 @p1 s28, s24  }
0xbb: {  	s31 =	spop (v2sf);
	s26 =	smov.u32 @p1 s28  }
0xbc: {  	p0 =	sle.f32 s31, s26;
	_ =	sdelay $0x1  }
0xbd: {  	s28 =	sadd.s32 $0x10, s23;
	v16 =	vlaneseq.u32 @p0  }
0xbe: {  	v17 =	vor.u32 @p0 s28, v16  }
0xbf: {  	(xrf1) =	vsort.ascd.msk.f32 @p0 $0xffff, v11, v17;
	_ =	sdelay $0xb  }
0xc0: {  	v11 =	vmul.u32 @p0 $0xFFFFFFFF, v16;
	_ =	sdelay $0x1  }
0xc1: {  	v11 =	vadd.s32 @p0 $0xF, v11;
	v16, v17, _ =	vpop @p0 (xrf1)  }
0xc2: {  	v16 =	vperm.xlane @p0 v16, v11;
	v11 =	vperm.xlane @p0 v17, v11  }
0xc3: {  	v10 =	vpsel p1, v14, v10;
	v9 =	vpsel p1, v15, v9  }
0xc4: {  	vm0 =	veq.f32 @p0 v16, v10;
	vm1 =	vlt.s32 @p0 v11, v9  }
0xc5: {  	vm0 =	vmand @p0 vm0, vm1;
	vm1 =	vlt.f32 @p0 v16, v10  }
0xc6: {  	v8 =	vpsel p1, v12, v8;
	vm0 =	vmor @p0 vm1, vm0  }
0xc7: {  	v7 =	vpsel p1, v13, v7;
	v12 =	vsel @p0 vm0, v16, v10;
	v11 =	vsel @p0 vm0, v11, v9  }
0xc8: {  	vm0 =	veq.f32 @p0 v12, v8;
	vm1 =	vlt.s32 @p0 v11, v7  }
0xc9: {  	vm2 =	vlt.f32 @p0 v12, v8;
	vm0 =	vmand @p0 vm0, vm1  }
0xca: {  	vm0 =	vmor @p0 vm2, vm0  }
0xcb: {  	v13 =	vsel @p0 vm0, v12, v8;
	v14 =	vsel @p0 vm0, v11, v7  }
0xcc: {  	v12 =	vsel @p0 vm0, v8, v12;
	v11 =	vsel @p0 vm0, v7, v11;
	(xrf1) =	vsort.ascd.msk.f32 @p0 $0xffff, v13, v14  }
0xcd: {  	(xrf1) =	vsort.ascd.msk.f32 @p0 $0xffff, v12, v11;
	_ =	sdelay $0xc  }
0xce: {  	v11, v12, _ =	vpop @p0 (xrf1)  }
0xcf: {  	v13, v14, _ =	vpop @p0 (xrf1)  }
0xd0: {  	(xrf0) =	vmax.scan.msk.f32 @p0 $0xffff, v13;
	_ =	sdelay $0x1  }
0xd1: {  	(xrf0) =	vmin.scan.msk.f32 $0xffff, v6;
	_ =	sdelay $0x3  }
0xd2: {  	v15, _, _ =	vpop @p0 (xrf0)  }
0xd3: {  	(v2sf) =	vpush @p0 v15, $0xF  }
0xd4: {  	v60, _, _ =	vpop (xrf0)  }
0xd5: {  	(v2sf) =	vpush v60, $0xF;
	_ =	sdelay $0xc  }
0xd6: {  	s28 =	spop @p0 (v2sf)  }
0xd7: {  	s28 =	smin.f32 @p0 s28, s24  }
0xd8: {  	s29 =	spop (v2sf);
	s26 =	smov.u32 @p0 s28  }
0xd9: {  	p1 =	sle.f32 s29, s26;
	_ =	sdelay $0x1  }
0xda: {  	s28 =	sadd.s32 $0x20, s23;
	v15 =	vlaneseq.u32 @p1  }
0xdb: {  	v16 =	vor.u32 @p1 s28, v15  }
0xdc: {  	(xrf1) =	vsort.ascd.msk.f32 @p1 $0xffff, v6, v16;
	_ =	sdelay $0xb  }
0xdd: {  	v6 =	vmul.u32 @p1 $0xFFFFFFFF, v15;
	_ =	sdelay $0x1  }
0xde: {  	v6 =	vadd.s32 @p1 $0xF, v6;
	v15, v16, _ =	vpop @p1 (xrf1)  }
0xdf: {  	v15 =	vperm.xlane @p1 v15, v6;
	v6 =	vperm.xlane @p1 v16, v6  }
0xe0: {  	v10 =	vpsel p0, v13, v10;
	v9 =	vpsel p0, v14, v9  }
0xe1: {  	vm0 =	veq.f32 @p1 v15, v10;
	vm1 =	vlt.s32 @p1 v6, v9  }
0xe2: {  	vm2 =	vlt.f32 @p1 v15, v10;
	vm0 =	vmand @p1 vm0, vm1  }
0xe3: {  	v8 =	vpsel p0, v11, v8;
	vm0 =	vmor @p1 vm2, vm0  }
0xe4: {  	v7 =	vpsel p0, v12, v7;
	v11 =	vsel @p1 vm0, v15, v10;
	v6 =	vsel @p1 vm0, v6, v9  }
0xe5: {  	vm0 =	veq.f32 @p1 v11, v8;
	vm1 =	vlt.s32 @p1 v6, v7  }
0xe6: {  	vm2 =	vlt.f32 @p1 v11, v8;
	vm0 =	vmand @p1 vm0, vm1  }
0xe7: {  	vm0 =	vmor @p1 vm2, vm0  }
0xe8: {  	v12 =	vsel @p1 vm0, v11, v8;
	v13 =	vsel @p1 vm0, v6, v7  }
0xe9: {  	v11 =	vsel @p1 vm0, v8, v11;
	v6 =	vsel @p1 vm0, v7, v6;
	(xrf1) =	vsort.ascd.msk.f32 @p1 $0xffff, v12, v13  }
0xea: {  	(xrf1) =	vsort.ascd.msk.f32 @p1 $0xffff, v11, v6;
	_ =	sdelay $0xc  }
0xeb: {  	v6, v11, _ =	vpop @p1 (xrf1)  }
0xec: {  	v12, v13, _ =	vpop @p1 (xrf1)  }
0xed: {  	(xrf0) =	vmax.scan.msk.f32 @p1 $0xffff, v12;
	_ =	sdelay $0x1  }
0xee: {  	(xrf0) =	vmin.scan.msk.f32 $0xffff, v5;
	_ =	sdelay $0x3  }
0xef: {  	v14, _, _ =	vpop @p1 (xrf0)  }
0xf0: {  	(v2sf) =	vpush @p1 v14, $0xF  }
0xf1: {  	v61, _, _ =	vpop (xrf0)  }
0xf2: {  	(v2sf) =	vpush v61, $0xF;
	_ =	sdelay $0xc  }
0xf3: {  	s28 =	spop @p1 (v2sf)  }
0xf4: {  	s28 =	smin.f32 @p1 s28, s24  }
0xf5: {  	s30 =	spop (v2sf);
	s26 =	smov.u32 @p1 s28  }
0xf6: {  	p0 =	sle.f32 s30, s26;
	_ =	sdelay $0x1  }
0xf7: {  	s28 =	sadd.s32 $0x30, s23;
	v14 =	vlaneseq.u32 @p0  }
0xf8: {  	v15 =	vor.u32 @p0 s28, v14  }
0xf9: {  	(xrf1) =	vsort.ascd.msk.f32 @p0 $0xffff, v5, v15;
	_ =	sdelay $0xb  }
0xfa: {  	v5 =	vmul.u32 @p0 $0xFFFFFFFF, v14;
	_ =	sdelay $0x1  }
0xfb: {  	v5 =	vadd.s32 @p0 $0xF, v5;
	v14, v15, _ =	vpop @p0 (xrf1)  }
0xfc: {  	v14 =	vperm.xlane @p0 v14, v5;
	v5 =	vperm.xlane @p0 v15, v5  }
0xfd: {  	v10 =	vpsel p1, v12, v10;
	v9 =	vpsel p1, v13, v9  }
0xfe: {  	vm0 =	veq.f32 @p0 v14, v10;
	vm1 =	vlt.s32 @p0 v5, v9  }
0xff: {  	vm2 =	vlt.f32 @p0 v14, v10;
	vm0 =	vmand @p0 vm0, vm1  }
0x100: {  	v6 =	vpsel p1, v6, v8;
	vm0 =	vmor @p0 vm2, vm0  }
0x101: {  	v7 =	vpsel p1, v11, v7;
	v8 =	vsel @p0 vm0, v14, v10;
	v5 =	vsel @p0 vm0, v5, v9  }
0x102: {  	vm0 =	veq.f32 @p0 v8, v6;
	vm1 =	vlt.s32 @p0 v5, v7  }
0x103: {  	vm2 =	vlt.f32 @p0 v8, v6;
	vm0 =	vmand @p0 vm0, vm1  }
0x104: {  	vm0 =	vmor @p0 vm2, vm0  }
0x105: {  	v11 =	vsel @p0 vm0, v8, v6;
	v12 =	vsel @p0 vm0, v5, v7  }
0x106: {  	v8 =	vsel @p0 vm0, v6, v8;
	v5 =	vsel @p0 vm0, v7, v5;
	(xrf1) =	vsort.ascd.msk.f32 @p0 $0xffff, v11, v12  }
0x107: {  	(xrf1) =	vsort.ascd.msk.f32 @p0 $0xffff, v8, v5;
	_ =	sdelay $0xc  }
0x108: {  	v5, v8, _ =	vpop @p0 (xrf1)  }
0x109: {  	v11, v12, _ =	vpop @p0 (xrf1)  }
0x10a: {  	(xrf0) =	vmax.scan.msk.f32 @p0 $0xffff, v11;
	_ =	sdelay $0x1  }
0x10b: {  	(xrf0) =	vmin.scan.msk.f32 $0xffff, v4;
	_ =	sdelay $0x3  }
0x10c: {  	v13, _, _ =	vpop @p0 (xrf0)  }
0x10d: {  	(v2sf) =	vpush @p0 v13, $0xF  }
0x10e: {  	v62, _, _ =	vpop (xrf0)  }
0x10f: {  	(v2sf) =	vpush v62, $0xF;
	_ =	sdelay $0xc  }
0x110: {  	s28 =	spop @p0 (v2sf)  }
0x111: {  	s28 =	smin.f32 @p0 s28, s24  }
0x112: {  	s31 =	spop (v2sf);
	s26 =	smov.u32 @p0 s28  }
0x113: {  	p1 =	sle.f32 s31, s26;
	_ =	sdelay $0x1  }
0x114: {  	s28 =	sadd.s32 $0x40, s23;
	v13 =	vlaneseq.u32 @p1  }
0x115: {  	v14 =	vor.u32 @p1 s28, v13  }
0x116: {  	(xrf1) =	vsort.ascd.msk.f32 @p1 $0xffff, v4, v14;
	_ =	sdelay $0xb  }
0x117: {  	v4 =	vmul.u32 @p1 $0xFFFFFFFF, v13;
	_ =	sdelay $0x1  }
0x118: {  	v4 =	vadd.s32 @p1 $0xF, v4;
	v13, v14, _ =	vpop @p1 (xrf1)  }
0x119: {  	v13 =	vperm.xlane @p1 v13, v4;
	v4 =	vperm.xlane @p1 v14, v4  }
0x11a: {  	v10 =	vpsel p0, v11, v10;
	v9 =	vpsel p0, v12, v9  }
0x11b: {  	vm0 =	veq.f32 @p1 v13, v10;
	vm1 =	vlt.s32 @p1 v4, v9  }
0x11c: {  	vm2 =	vlt.f32 @p1 v13, v10;
	vm0 =	vmand @p1 vm0, vm1  }
0x11d: {  	v5 =	vpsel p0, v5, v6;
	vm0 =	vmor @p1 vm2, vm0  }
0x11e: {  	v6 =	vpsel p0, v8, v7;
	v7 =	vsel @p1 vm0, v13, v10;
	v4 =	vsel @p1 vm0, v4, v9  }
0x11f: {  	vm0 =	veq.f32 @p1 v7, v5;
	vm1 =	vlt.s32 @p1 v4, v6  }
0x120: {  	vm2 =	vlt.f32 @p1 v7, v5;
	vm0 =	vmand @p1 vm0, vm1  }
0x121: {  	vm0 =	vmor @p1 vm2, vm0  }
0x122: {  	v8 =	vsel @p1 vm0, v7, v5;
	v11 =	vsel @p1 vm0, v4, v6  }
0x123: {  	v7 =	vsel @p1 vm0, v5, v7;
	v4 =	vsel @p1 vm0, v6, v4;
	(xrf1) =	vsort.ascd.msk.f32 @p1 $0xffff, v8, v11  }
0x124: {  	(xrf1) =	vsort.ascd.msk.f32 @p1 $0xffff, v7, v4;
	_ =	sdelay $0xc  }
0x125: {  	v4, v7, _ =	vpop @p1 (xrf1)  }
0x126: {  	v8, v11, _ =	vpop @p1 (xrf1)  }
0x127: {  	(xrf0) =	vmax.scan.msk.f32 @p1 $0xffff, v8;
	_ =	sdelay $0x1  }
0x128: {  	(xrf0) =	vmin.scan.msk.f32 $0xffff, v3;
	_ =	sdelay $0x3  }
0x129: {  	v12, _, _ =	vpop @p1 (xrf0)  }
0x12a: {  	(v2sf) =	vpush @p1 v12, $0xF  }
0x12b: {  	v63, _, _ =	vpop (xrf0)  }
0x12c: {  	(v2sf) =	vpush v63, $0xF;
	_ =	sdelay $0xc  }
0x12d: {  	s28 =	spop @p1 (v2sf)  }
0x12e: {  	s28 =	smin.f32 @p1 s28, s24  }
0x12f: {  	s29 =	spop (v2sf);
	s26 =	smov.u32 @p1 s28  }
0x130: {  	p0 =	sle.f32 s29, s26;
	_ =	sdelay $0x1  }
0x131: {  	s28 =	sadd.s32 $0x50, s23;
	v12 =	vlaneseq.u32 @p0  }
0x132: {  	v13 =	vor.u32 @p0 s28, v12  }
0x133: {  	(xrf1) =	vsort.ascd.msk.f32 @p0 $0xffff, v3, v13;
	_ =	sdelay $0xb  }
0x134: {  	v3 =	vmul.u32 @p0 $0xFFFFFFFF, v12;
	_ =	sdelay $0x1  }
0x135: {  	v3 =	vadd.s32 @p0 $0xF, v3;
	v12, v13, _ =	vpop @p0 (xrf1)  }
0x136: {  	v12 =	vperm.xlane @p0 v12, v3;
	v3 =	vperm.xlane @p0 v13, v3  }
0x137: {  	v8 =	vpsel p1, v8, v10;
	v9 =	vpsel p1, v11, v9  }
0x138: {  	vm0 =	veq.f32 @p0 v12, v8;
	vm1 =	vlt.s32 @p0 v3, v9  }
0x139: {  	vm2 =	vlt.f32 @p0 v12, v8;
	vm0 =	vmand @p0 vm0, vm1  }
0x13a: {  	v4 =	vpsel p1, v4, v5;
	vm0 =	vmor @p0 vm2, vm0  }
0x13b: {  	v5 =	vpsel p1, v7, v6;
	v6 =	vsel @p0 vm0, v12, v8;
	v3 =	vsel @p0 vm0, v3, v9  }
0x13c: {  	vm0 =	veq.f32 @p0 v6, v4;
	vm1 =	vlt.s32 @p0 v3, v5  }
0x13d: {  	vm2 =	vlt.f32 @p0 v6, v4;
	vm0 =	vmand @p0 vm0, vm1  }
0x13e: {  	vm0 =	vmor @p0 vm2, vm0  }
0x13f: {  	v7 =	vsel @p0 vm0, v6, v4;
	v10 =	vsel @p0 vm0, v3, v5  }
0x140: {  	v6 =	vsel @p0 vm0, v4, v6;
	v3 =	vsel @p0 vm0, v5, v3;
	(xrf1) =	vsort.ascd.msk.f32 @p0 $0xffff, v7, v10  }
0x141: {  	(xrf1) =	vsort.ascd.msk.f32 @p0 $0xffff, v6, v3;
	_ =	sdelay $0xc  }
0x142: {  	v3, v6, _ =	vpop @p0 (xrf1)  }
0x143: {  	v7, v10, _ =	vpop @p0 (xrf1)  }
0x144: {  	(xrf0) =	vmax.scan.msk.f32 @p0 $0xffff, v7;
	_ =	sdelay $0x1  }
0x145: {  	(xrf0) =	vmin.scan.msk.f32 $0xffff, v2;
	_ =	sdelay $0x3  }
0x146: {  	v11, _, _ =	vpop @p0 (xrf0)  }
0x147: {  	(v2sf) =	vpush @p0 v11, $0xF  }
0x148: {  	v11, _, _ =	vpop (xrf0)  }
0x149: {  	(v2sf) =	vpush v11, $0xF;
	_ =	sdelay $0xc  }
0x14a: {  	s28 =	spop @p0 (v2sf)  }
0x14b: {  	s28 =	smin.f32 @p0 s28, s24  }
0x14c: {  	s30 =	spop (v2sf);
	s26 =	smov.u32 @p0 s28  }
0x14d: {  	p1 =	sle.f32 s30, s26;
	_ =	sdelay $0x1  }
0x14e: {  	s28 =	sadd.s32 $0x60, s23;
	v11 =	vlaneseq.u32 @p1  }
0x14f: {  	v12 =	vor.u32 @p1 s28, v11  }
0x150: {  	(xrf1) =	vsort.ascd.msk.f32 @p1 $0xffff, v2, v12;
	_ =	sdelay $0xb  }
0x151: {  	v2 =	vmul.u32 @p1 $0xFFFFFFFF, v11;
	_ =	sdelay $0x1  }
0x152: {  	v2 =	vadd.s32 @p1 $0xF, v2;
	v11, v12, _ =	vpop @p1 (xrf1)  }
0x153: {  	v11 =	vperm.xlane @p1 v11, v2;
	v2 =	vperm.xlane @p1 v12, v2  }
0x154: {  	v7 =	vpsel p0, v7, v8;
	v8 =	vpsel p0, v10, v9  }
0x155: {  	vm0 =	veq.f32 @p1 v11, v7;
	vm1 =	vlt.s32 @p1 v2, v8  }
0x156: {  	vm2 =	vlt.f32 @p1 v11, v7;
	vm0 =	vmand @p1 vm0, vm1  }
0x157: {  	v3 =	vpsel p0, v3, v4;
	vm0 =	vmor @p1 vm2, vm0  }
0x158: {  	v4 =	vpsel p0, v6, v5;
	v5 =	vsel @p1 vm0, v11, v7;
	v2 =	vsel @p1 vm0, v2, v8  }
0x159: {  	vm0 =	veq.f32 @p1 v5, v3;
	vm1 =	vlt.s32 @p1 v2, v4  }
0x15a: {  	vm2 =	vlt.f32 @p1 v5, v3;
	vm0 =	vmand @p1 vm0, vm1  }
0x15b: {  	vm0 =	vmor @p1 vm2, vm0  }
0x15c: {  	v6 =	vsel @p1 vm0, v5, v3;
	v9 =	vsel @p1 vm0, v2, v4  }
0x15d: {  	v5 =	vsel @p1 vm0, v3, v5;
	v2 =	vsel @p1 vm0, v4, v2;
	(xrf1) =	vsort.ascd.msk.f32 @p1 $0xffff, v6, v9  }
0x15e: {  	(xrf1) =	vsort.ascd.msk.f32 @p1 $0xffff, v5, v2;
	_ =	sdelay $0xc  }
0x15f: {  	v2, v5, _ =	vpop @p1 (xrf1)  }
0x160: {  	v6, v9, _ =	vpop @p1 (xrf1)  }
0x161: {  	(xrf0) =	vmax.scan.msk.f32 @p1 $0xffff, v6;
	_ =	sdelay $0x1  }
0x162: {  	(xrf0) =	vmin.scan.msk.f32 $0xffff, v1;
	_ =	sdelay $0x3  }
0x163: {  	v10, _, _ =	vpop @p1 (xrf0)  }
0x164: {  	(v2sf) =	vpush @p1 v10, $0xF  }
0x165: {  	v10, _, _ =	vpop (xrf0)  }
0x166: {  	(v2sf) =	vpush v10, $0xF;
	_ =	sdelay $0xc  }
0x167: {  	s28 =	spop @p1 (v2sf)  }
0x168: {  	s28 =	smin.f32 @p1 s28, s24  }
0x169: {  	s31 =	spop (v2sf);
	s26 =	smov.u32 @p1 s28  }
0x16a: {  	p0 =	sle.f32 s31, s26;
	_ =	sdelay $0x1  }
0x16b: {  	s28 =	sadd.s32 $0x70, s23;
	v10 =	vlaneseq.u32 @p0  }
0x16c: {  	v11 =	vor.u32 @p0 s28, v10  }
0x16d: {  	(xrf1) =	vsort.ascd.msk.f32 @p0 $0xffff, v1, v11;
	_ =	sdelay $0xb  }
0x16e: {  	v1 =	vmul.u32 @p0 $0xFFFFFFFF, v10;
	_ =	sdelay $0x1  }
0x16f: {  	v1 =	vadd.s32 @p0 $0xF, v1;
	v10, v11, _ =	vpop @p0 (xrf1)  }
0x170: {  	v10 =	vperm.xlane @p0 v10, v1;
	v1 =	vperm.xlane @p0 v11, v1  }
0x171: {  	v6 =	vpsel p1, v6, v7;
	v9 =	vpsel p1, v9, v8  }
0x172: {  	vm0 =	veq.f32 @p0 v10, v6;
	vm1 =	vlt.s32 @p0 v1, v9  }
0x173: {  	vm2 =	vlt.f32 @p0 v10, v6;
	vm0 =	vmand @p0 vm0, vm1  }
0x174: {  	v2 =	vpsel p1, v2, v3;
	vm0 =	vmor @p0 vm2, vm0  }
0x175: {  	v3 =	vpsel p1, v5, v4;
	v4 =	vsel @p0 vm0, v10, v6;
	v1 =	vsel @p0 vm0, v1, v9  }
0x176: {  	vm0 =	veq.f32 @p0 v4, v2;
	vm1 =	vlt.s32 @p0 v1, v3  }
0x177: {  	vm2 =	vlt.f32 @p0 v4, v2;
	vm0 =	vmand @p0 vm0, vm1  }
0x178: {  	vm0 =	vmor @p0 vm2, vm0  }
0x179: {  	v5 =	vsel @p0 vm0, v4, v2;
	v7 =	vsel @p0 vm0, v1, v3  }
0x17a: {  	v4 =	vsel @p0 vm0, v2, v4;
	v1 =	vsel @p0 vm0, v3, v1;
	(xrf1) =	vsort.ascd.msk.f32 @p0 $0xffff, v5, v7  }
0x17b: {  	(xrf1) =	vsort.ascd.msk.f32 @p0 $0xffff, v4, v1;
	_ =	sdelay $0xc  }
0x17c: {  	v1, v4, _ =	vpop @p0 (xrf1)  }
0x17d: {  	v5, v11, _ =	vpop @p0 (xrf1)  }
0x17e: {  	(xrf0) =	vmax.scan.msk.f32 @p0 $0xffff, v5;
	_ =	sdelay $0x5  }
0x17f: {  	v7, _, _ =	vpop @p0 (xrf0)  }
0x180: {  	(v2sf) =	vpush @p0 v7, $0xF;
	_ =	sdelay $0xc  }
.Ltmp7:
0x181: {  	_ = 	snop;
	(pc) =	sbr.rel .LBB2_5-.Ltmp7, $4  }
0x182: {  	_ = 	snop  }
0x183: {  	s28 =	spop @p0 (v2sf)  }
0x184: {  	v8 =	vpsel p0, v1, v2;
	s28 =	smin.f32 @p0 s28, s24  }
0x185: {  	v10 =	vpsel p0, v5, v6;
	v9 =	vpsel p0, v11, v9;
	v7 =	vpsel p0, v4, v3;
	s26 =	smov.u32 @p0 s28  }
.LBB2_6:
0x186: {  	[tilespmem:$0x4100] =	vst v7;
	s23 =	sshll.u32 s22, $0x2  }
0x187: {  	[tilespmem:$0x4110] =	vst v9;
	s30 =	smin.u32 s22, $0x3FD;
	s24 =	sadd.s32 s6, s23;
	s23 =	simm.s32 $0x0  }
0x188: {  	[hbm4b:s24+s23] =	stream.linear.scatter [tilespmem:s15], [sflag:$0x5], $0x20, $0x38;
	[tilespmem:$0x4120] =	vst v63  }
0x189: {  	s22 =	sadd.s32 $0x2, s30;
	_ =	swait.ge [sflag:s16], $0x20  }
0x18a: {  	s31 =	sshll.u32 s22, $0xA;
	[sflag:s16] =	ssyncset.done $0x0  }
0x18b: {  	s22 =	sshll.u32 s22, $0x4;
	s24 =	sadd.s32 s4, s31;
	[sflag:s16] =	ssyncadd.s32 $0xFFFFFFE0  }
0x18c: {  	[tilespmem:s23], [sflag:$0x1] =	stream.linear.gather [hbm4b:s24+s23], $0x2000, $0x38;
	[tilespmem:$0x4120] =	vst v63  }
0x18d: {  	s22 =	sadd.s32 s1, s22  }
0x18e: {  	[tilespmem:s10], [sflag:$0x3] =	stream.linear.gather [hbm4b:s22+s23], $0x80, $0x38;
	[tilespmem:$0x4120] =	vst v63  }
0x18f: {  	_ =	swait.ge [sflag:s17], $0x2000  }
0x190: {  	[sflag:s17] =	ssyncset.done $0x0  }
0x191: {  	[sflag:s17] =	ssyncadd.s32 $0xFFFFE000  }
0x192: {  	_ =	swait.ge [sflag:s18], $0x80  }
0x193: {  	[sflag:s18] =	ssyncset.done $0x0  }
0x194: {  	[sflag:s18] =	ssyncadd.s32 $0xFFFFFF80  }
0x195: {  	v1 =	vld [tilespmem:$0x4080];
	_ =	sdelay $0x4  }
0x196: {  	(xrf1) =	vsort.ascd.msk.f32 $0xffff, v1, v1;
	_ =	sdelay $0xd  }
0x197: {  	v2 =	vld [tilespmem:$0x4090];
	v1, _, _ =	vpop (xrf1)  }
0x198: {  	v1 =	vperm.xlane v1, v0;
	_ =	sdelay $0x1  }
0x199: {  	v3 =	vmax.f32 v1, $+Inf;
	(xrf1) =	vsort.ascd.msk.f32 $0xffff, v1, v1  }
0x19a: {  	(xrf1) =	vsort.ascd.msk.f32 $0xffff, v3, v3  }
0x19b: {  	(xrf1) =	vsort.ascd.msk.f32 $0xffff, v2, v2;
	_ =	sdelay $0xb  }
0x19c: {  	v1, _, _ =	vpop (xrf1)  }
0x19d: {  	v2, _, _ =	vpop (xrf1)  }
0x19e: {  	v3, _, _ =	vpop (xrf1)  }
0x19f: {  	v3 =	vperm.xlane v3, v0  }
0x1a0: {  	v4 =	vld [tilespmem:$0x40A0]  }
0x1a1: {  	v2 =	vmin.f32 v2, v3  }
0x1a2: {  	v3 =	vmin.f32 v1, v2  }
0x1a3: {  	v1 =	vmax.f32 v1, v2;
	(xrf1) =	vsort.ascd.msk.f32 $0xffff, v3, v3  }
0x1a4: {  	(xrf1) =	vsort.ascd.msk.f32 $0xffff, v1, v1  }
0x1a5: {  	(xrf1) =	vsort.ascd.msk.f32 $0xffff, v4, v4;
	_ =	sdelay $0xb  }
0x1a6: {  	v1, _, _ =	vpop (xrf1)  }
0x1a7: {  	v2, _, _ =	vpop (xrf1)  }
0x1a8: {  	v3, _, _ =	vpop (xrf1)  }
0x1a9: {  	v3 =	vperm.xlane v3, v0  }
0x1aa: {  	v4 =	vld [tilespmem:$0x40B0]  }
0x1ab: {  	v2 =	vmin.f32 v2, v3  }
0x1ac: {  	v3 =	vmin.f32 v1, v2  }
0x1ad: {  	v1 =	vmax.f32 v1, v2;
	(xrf1) =	vsort.ascd.msk.f32 $0xffff, v3, v3  }
0x1ae: {  	(xrf1) =	vsort.ascd.msk.f32 $0xffff, v1, v1  }
0x1af: {  	(xrf1) =	vsort.ascd.msk.f32 $0xffff, v4, v4;
	_ =	sdelay $0xb  }
0x1b0: {  	v1, _, _ =	vpop (xrf1)  }
0x1b1: {  	v2, _, _ =	vpop (xrf1)  }
0x1b2: {  	v3, _, _ =	vpop (xrf1)  }
0x1b3: {  	v3 =	vperm.xlane v3, v0  }
0x1b4: {  	v4 =	vld [tilespmem:$0x40C0]  }
0x1b5: {  	v2 =	vmin.f32 v2, v3  }
0x1b6: {  	v3 =	vmin.f32 v1, v2  }
0x1b7: {  	v1 =	vmax.f32 v1, v2;
	(xrf1) =	vsort.ascd.msk.f32 $0xffff, v3, v3  }
0x1b8: {  	(xrf1) =	vsort.ascd.msk.f32 $0xffff, v1, v1  }
0x1b9: {  	(xrf1) =	vsort.ascd.msk.f32 $0xffff, v4, v4;
	_ =	sdelay $0xb  }
0x1ba: {  	v1, _, _ =	vpop (xrf1)  }
0x1bb: {  	v2, _, _ =	vpop (xrf1)  }
0x1bc: {  	v3, _, _ =	vpop (xrf1)  }
0x1bd: {  	v3 =	vperm.xlane v3, v0  }
0x1be: {  	v4 =	vld [tilespmem:$0x40D0]  }
0x1bf: {  	v2 =	vmin.f32 v2, v3  }
0x1c0: {  	v3 =	vmin.f32 v1, v2  }
0x1c1: {  	v1 =	vmax.f32 v1, v2;
	(xrf1) =	vsort.ascd.msk.f32 $0xffff, v3, v3  }
0x1c2: {  	(xrf1) =	vsort.ascd.msk.f32 $0xffff, v1, v1  }
0x1c3: {  	(xrf1) =	vsort.ascd.msk.f32 $0xffff, v4, v4;
	_ =	sdelay $0xb  }
0x1c4: {  	v1, _, _ =	vpop (xrf1)  }
0x1c5: {  	v2, _, _ =	vpop (xrf1)  }
0x1c6: {  	v3, _, _ =	vpop (xrf1)  }
0x1c7: {  	v3 =	vperm.xlane v3, v0  }
0x1c8: {  	v4 =	vld [tilespmem:$0x40E0]  }
0x1c9: {  	v2 =	vmin.f32 v2, v3  }
0x1ca: {  	v3 =	vmin.f32 v1, v2  }
0x1cb: {  	v1 =	vmax.f32 v1, v2;
	(xrf1) =	vsort.ascd.msk.f32 $0xffff, v3, v3  }
0x1cc: {  	(xrf1) =	vsort.ascd.msk.f32 $0xffff, v1, v1  }
0x1cd: {  	(xrf1) =	vsort.ascd.msk.f32 $0xffff, v4, v4;
	_ =	sdelay $0xb  }
0x1ce: {  	v1, _, _ =	vpop (xrf1)  }
0x1cf: {  	v2, _, _ =	vpop (xrf1)  }
0x1d0: {  	v3, _, _ =	vpop (xrf1)  }
0x1d1: {  	v3 =	vperm.xlane v3, v0  }
0x1d2: {  	v4 =	vld [tilespmem:$0x40F0]  }
0x1d3: {  	v2 =	vmin.f32 v2, v3  }
0x1d4: {  	v3 =	vmin.f32 v1, v2  }
0x1d5: {  	v1 =	vmax.f32 v1, v2;
	(xrf1) =	vsort.ascd.msk.f32 $0xffff, v3, v3  }
0x1d6: {  	(xrf1) =	vsort.ascd.msk.f32 $0xffff, v1, v1  }
0x1d7: {  	(xrf1) =	vsort.ascd.msk.f32 $0xffff, v4, v4;
	_ =	sdelay $0xb  }
0x1d8: {  	v1, _, _ =	vpop (xrf1)  }
0x1d9: {  	v2, _, _ =	vpop (xrf1)  }
0x1da: {  	v3, _, _ =	vpop (xrf1)  }
0x1db: {  	v3 =	vperm.xlane v3, v0;
	_ =	sdelay $0x1  }
0x1dc: {  	v2 =	vmin.f32 v2, v3  }
0x1dd: {  	v1 =	vmax.f32 v1, v2  }
0x1de: {  	(xrf1) =	vsort.ascd.msk.f32 $0xffff, v1, v1;
	_ =	sdelay $0xd  }
0x1df: {  	v1, _, _ =	vpop (xrf1)  }
0x1e0: {  	(xrf0) =	vmax.scan.msk.f32 $0xffff, v1;
	_ =	sdelay $0x5  }
0x1e1: {  	v1, _, _ =	vpop (xrf0)  }
0x1e2: {  	(v2sf) =	vpush v1, $0xF;
	_ =	sdelay $0xb  }
.Ltmp8:
0x1e3: {  	_ = 	snop;
	(pc) =	sbr.rel .LBB2_7-.Ltmp8, $3  }
0x1e4: {  	_ =	sdelay $0x1  }
0x1e5: {  	v10 =	vimm.f32 $+Inf;
	s22 =	spop (v2sf)  }
0x1e6: {  	v8 =	vimm.s32 $0x0;
	v7 =	vimm.s32 $0x0;
	v9 =	vimm.f32 $+Inf;
	s24 =	simm.s32 $0x2040;
	s25 =	smov.u32 s22  }
.LBB2_9:
0x1e7: {  	s23 =	sadd.s32 $0x80, s23  }
0x1e8: {  	p0 =	sne.s32 s23, $0x2000  }
.Ltmp9:
0x1e9: {  	_ = 	snop;
	(pc) =	sbr.rel @!p0 .LBB2_10-.Ltmp9, $2  }
0x1ea: {  	_ =	sdelay $0x2  }
0x1eb: {  	s24 =	sadd.s32 $0x80, s24  }
.LBB2_7:
0x1ec: {  	v12 =	vld [tilespmem:s24+$0xFFFFFFC0]  }
0x1ed: {  	v11 =	vld [tilespmem:s24+$0xFFFFFFD0]  }
0x1ee: {  	v6 =	vld [tilespmem:s24+$0xFFFFFFE0]  }
0x1ef: {  	v5 =	vld [tilespmem:s24+$0xFFFFFFF0]  }
0x1f0: {  	v4 =	vld [tilespmem:s24+$0x0]  }
0x1f1: {  	v3 =	vld [tilespmem:s24+$0x10]  }
0x1f2: {  	v2 =	vld [tilespmem:s24+$0x20];
	v13 =	vmin.f32 v12, v11  }
0x1f3: {  	v1 =	vld [tilespmem:s24+$0x30];
	v13 =	vmin.f32 v13, v6  }
0x1f4: {  	v13 =	vmin.f32 v13, v5  }
0x1f5: {  	v13 =	vmin.f32 v13, v4  }
0x1f6: {  	v13 =	vmin.f32 v13, v3  }
0x1f7: {  	v13 =	vmin.f32 v13, v2  }
0x1f8: {  	v13 =	vmin.f32 v13, v1  }
0x1f9: {  	(xrf0) =	vmin.scan.msk.f32 $0xffff, v13;
	_ =	sdelay $0x5  }
0x1fa: {  	v13, _, _ =	vpop (xrf0)  }
0x1fb: {  	(v2sf) =	vpush v13, $0xF;
	_ =	sdelay $0xe  }
0x1fc: {  	s26 =	spop (v2sf)  }
0x1fd: {  	p0 =	sle.f32 s26, s25  }
.Ltmp10:
0x1fe: {  	_ = 	snop;
	(pc) =	sbr.rel @!p0 .LBB2_9-.Ltmp10, $1  }
0x1ff: {  	_ =	sdelay $0x3  }
0x200: {  	(xrf0) =	vmin.scan.msk.f32 $0xffff, v12;
	_ =	sdelay $0x5  }
0x201: {  	v13, _, _ =	vpop (xrf0)  }
0x202: {  	(v2sf) =	vpush v13, $0xF;
	_ =	sdelay $0xe  }
0x203: {  	s26 =	spop (v2sf)  }
0x204: {  	p1 =	sle.f32 s26, s25;
	_ =	sdelay $0x1  }
0x205: {  	v13 =	vlaneseq.u32 @p1  }
0x206: {  	v14 =	vor.u32 @p1 s23, v13  }
0x207: {  	(xrf1) =	vsort.ascd.msk.f32 @p1 $0xffff, v12, v14;
	_ =	sdelay $0xb  }
0x208: {  	v12 =	vmul.u32 @p1 $0xFFFFFFFF, v13;
	_ =	sdelay $0x1  }
0x209: {  	v12 =	vadd.s32 @p1 $0xF, v12;
	v13, v14, _ =	vpop @p1 (xrf1)  }
0x20a: {  	v13 =	vperm.xlane @p1 v13, v12;
	v12 =	vperm.xlane @p1 v14, v12;
	_ =	sdelay $0x1  }
0x20b: {  	vm0 =	veq.f32 @p1 v13, v10;
	vm1 =	vlt.s32 @p1 v12, v8  }
0x20c: {  	vm2 =	vlt.f32 @p1 v13, v10;
	vm0 =	vmand @p1 vm0, vm1  }
0x20d: {  	vm0 =	vmor @p1 vm2, vm0  }
0x20e: {  	v13 =	vsel @p1 vm0, v13, v10;
	v12 =	vsel @p1 vm0, v12, v8  }
0x20f: {  	vm0 =	veq.f32 @p1 v13, v9;
	vm1 =	vlt.s32 @p1 v12, v7  }
0x210: {  	vm2 =	vlt.f32 @p1 v13, v9;
	vm0 =	vmand @p1 vm0, vm1  }
0x211: {  	vm0 =	vmor @p1 vm2, vm0  }
0x212: {  	v14 =	vsel @p1 vm0, v13, v9;
	v15 =	vsel @p1 vm0, v12, v7  }
0x213: {  	v13 =	vsel @p1 vm0, v9, v13;
	v12 =	vsel @p1 vm0, v7, v12;
	(xrf1) =	vsort.ascd.msk.f32 @p1 $0xffff, v14, v15  }
0x214: {  	(xrf1) =	vsort.ascd.msk.f32 @p1 $0xffff, v13, v12;
	_ =	sdelay $0xc  }
0x215: {  	v12, v13, _ =	vpop @p1 (xrf1)  }
0x216: {  	v14, v15, _ =	vpop @p1 (xrf1)  }
0x217: {  	(xrf0) =	vmax.scan.msk.f32 @p1 $0xffff, v14;
	_ =	sdelay $0x1  }
0x218: {  	(xrf0) =	vmin.scan.msk.f32 $0xffff, v11;
	_ =	sdelay $0x3  }
0x219: {  	v16, _, _ =	vpop @p1 (xrf0)  }
0x21a: {  	(v2sf) =	vpush @p1 v16, $0xF  }
0x21b: {  	v59, _, _ =	vpop (xrf0)  }
0x21c: {  	(v2sf) =	vpush v59, $0xF;
	_ =	sdelay $0xc  }
0x21d: {  	s26 =	spop @p1 (v2sf)  }
0x21e: {  	s26 =	smin.f32 @p1 s26, s22  }
0x21f: {  	s29 =	spop (v2sf);
	s25 =	smov.u32 @p1 s26  }
0x220: {  	p0 =	sle.f32 s29, s25;
	_ =	sdelay $0x1  }
0x221: {  	s26 =	sadd.s32 $0x10, s23;
	v16 =	vlaneseq.u32 @p0  }
0x222: {  	v17 =	vor.u32 @p0 s26, v16  }
0x223: {  	(xrf1) =	vsort.ascd.msk.f32 @p0 $0xffff, v11, v17;
	_ =	sdelay $0xb  }
0x224: {  	v11 =	vmul.u32 @p0 $0xFFFFFFFF, v16;
	_ =	sdelay $0x1  }
0x225: {  	v11 =	vadd.s32 @p0 $0xF, v11;
	v16, v17, _ =	vpop @p0 (xrf1)  }
0x226: {  	v16 =	vperm.xlane @p0 v16, v11;
	v11 =	vperm.xlane @p0 v17, v11  }
0x227: {  	v10 =	vpsel p1, v14, v10;
	v8 =	vpsel p1, v15, v8  }
0x228: {  	vm0 =	veq.f32 @p0 v16, v10;
	vm1 =	vlt.s32 @p0 v11, v8  }
0x229: {  	vm0 =	vmand @p0 vm0, vm1;
	vm1 =	vlt.f32 @p0 v16, v10  }
0x22a: {  	v9 =	vpsel p1, v12, v9;
	vm0 =	vmor @p0 vm1, vm0  }
0x22b: {  	v7 =	vpsel p1, v13, v7;
	v12 =	vsel @p0 vm0, v16, v10;
	v11 =	vsel @p0 vm0, v11, v8  }
0x22c: {  	vm0 =	veq.f32 @p0 v12, v9;
	vm1 =	vlt.s32 @p0 v11, v7  }
0x22d: {  	vm2 =	vlt.f32 @p0 v12, v9;
	vm0 =	vmand @p0 vm0, vm1  }
0x22e: {  	vm0 =	vmor @p0 vm2, vm0  }
0x22f: {  	v13 =	vsel @p0 vm0, v12, v9;
	v14 =	vsel @p0 vm0, v11, v7  }
0x230: {  	v12 =	vsel @p0 vm0, v9, v12;
	v11 =	vsel @p0 vm0, v7, v11;
	(xrf1) =	vsort.ascd.msk.f32 @p0 $0xffff, v13, v14  }
0x231: {  	(xrf1) =	vsort.ascd.msk.f32 @p0 $0xffff, v12, v11;
	_ =	sdelay $0xc  }
0x232: {  	v11, v12, _ =	vpop @p0 (xrf1)  }
0x233: {  	v13, v14, _ =	vpop @p0 (xrf1)  }
0x234: {  	(xrf0) =	vmax.scan.msk.f32 @p0 $0xffff, v13;
	_ =	sdelay $0x1  }
0x235: {  	(xrf0) =	vmin.scan.msk.f32 $0xffff, v6;
	_ =	sdelay $0x3  }
0x236: {  	v15, _, _ =	vpop @p0 (xrf0)  }
0x237: {  	(v2sf) =	vpush @p0 v15, $0xF  }
0x238: {  	v60, _, _ =	vpop (xrf0)  }
0x239: {  	(v2sf) =	vpush v60, $0xF;
	_ =	sdelay $0xc  }
0x23a: {  	s26 =	spop @p0 (v2sf)  }
0x23b: {  	s26 =	smin.f32 @p0 s26, s22  }
0x23c: {  	s30 =	spop (v2sf);
	s25 =	smov.u32 @p0 s26  }
0x23d: {  	p1 =	sle.f32 s30, s25;
	_ =	sdelay $0x1  }
0x23e: {  	s26 =	sadd.s32 $0x20, s23;
	v15 =	vlaneseq.u32 @p1  }
0x23f: {  	v16 =	vor.u32 @p1 s26, v15  }
0x240: {  	(xrf1) =	vsort.ascd.msk.f32 @p1 $0xffff, v6, v16;
	_ =	sdelay $0xb  }
0x241: {  	v6 =	vmul.u32 @p1 $0xFFFFFFFF, v15;
	_ =	sdelay $0x1  }
0x242: {  	v6 =	vadd.s32 @p1 $0xF, v6;
	v15, v16, _ =	vpop @p1 (xrf1)  }
0x243: {  	v15 =	vperm.xlane @p1 v15, v6;
	v6 =	vperm.xlane @p1 v16, v6  }
0x244: {  	v10 =	vpsel p0, v13, v10;
	v8 =	vpsel p0, v14, v8  }
0x245: {  	vm0 =	veq.f32 @p1 v15, v10;
	vm1 =	vlt.s32 @p1 v6, v8  }
0x246: {  	vm2 =	vlt.f32 @p1 v15, v10;
	vm0 =	vmand @p1 vm0, vm1  }
0x247: {  	v9 =	vpsel p0, v11, v9;
	vm0 =	vmor @p1 vm2, vm0  }
0x248: {  	v7 =	vpsel p0, v12, v7;
	v11 =	vsel @p1 vm0, v15, v10;
	v6 =	vsel @p1 vm0, v6, v8  }
0x249: {  	vm0 =	veq.f32 @p1 v11, v9;
	vm1 =	vlt.s32 @p1 v6, v7  }
0x24a: {  	vm2 =	vlt.f32 @p1 v11, v9;
	vm0 =	vmand @p1 vm0, vm1  }
0x24b: {  	vm0 =	vmor @p1 vm2, vm0  }
0x24c: {  	v12 =	vsel @p1 vm0, v11, v9;
	v13 =	vsel @p1 vm0, v6, v7  }
0x24d: {  	v11 =	vsel @p1 vm0, v9, v11;
	v6 =	vsel @p1 vm0, v7, v6;
	(xrf1) =	vsort.ascd.msk.f32 @p1 $0xffff, v12, v13  }
0x24e: {  	(xrf1) =	vsort.ascd.msk.f32 @p1 $0xffff, v11, v6;
	_ =	sdelay $0xc  }
0x24f: {  	v6, v11, _ =	vpop @p1 (xrf1)  }
0x250: {  	v12, v13, _ =	vpop @p1 (xrf1)  }
0x251: {  	(xrf0) =	vmax.scan.msk.f32 @p1 $0xffff, v12;
	_ =	sdelay $0x1  }
0x252: {  	(xrf0) =	vmin.scan.msk.f32 $0xffff, v5;
	_ =	sdelay $0x3  }
0x253: {  	v14, _, _ =	vpop @p1 (xrf0)  }
0x254: {  	(v2sf) =	vpush @p1 v14, $0xF  }
0x255: {  	v61, _, _ =	vpop (xrf0)  }
0x256: {  	(v2sf) =	vpush v61, $0xF;
	_ =	sdelay $0xc  }
0x257: {  	s26 =	spop @p1 (v2sf)  }
0x258: {  	s26 =	smin.f32 @p1 s26, s22  }
0x259: {  	s31 =	spop (v2sf);
	s25 =	smov.u32 @p1 s26  }
0x25a: {  	p0 =	sle.f32 s31, s25;
	_ =	sdelay $0x1  }
0x25b: {  	s26 =	sadd.s32 $0x30, s23;
	v14 =	vlaneseq.u32 @p0  }
0x25c: {  	v15 =	vor.u32 @p0 s26, v14  }
0x25d: {  	(xrf1) =	vsort.ascd.msk.f32 @p0 $0xffff, v5, v15;
	_ =	sdelay $0xb  }
0x25e: {  	v5 =	vmul.u32 @p0 $0xFFFFFFFF, v14;
	_ =	sdelay $0x1  }
0x25f: {  	v5 =	vadd.s32 @p0 $0xF, v5;
	v14, v15, _ =	vpop @p0 (xrf1)  }
0x260: {  	v14 =	vperm.xlane @p0 v14, v5;
	v5 =	vperm.xlane @p0 v15, v5  }
0x261: {  	v10 =	vpsel p1, v12, v10;
	v8 =	vpsel p1, v13, v8  }
0x262: {  	vm0 =	veq.f32 @p0 v14, v10;
	vm1 =	vlt.s32 @p0 v5, v8  }
0x263: {  	vm2 =	vlt.f32 @p0 v14, v10;
	vm0 =	vmand @p0 vm0, vm1  }
0x264: {  	v6 =	vpsel p1, v6, v9;
	vm0 =	vmor @p0 vm2, vm0  }
0x265: {  	v7 =	vpsel p1, v11, v7;
	v9 =	vsel @p0 vm0, v14, v10;
	v5 =	vsel @p0 vm0, v5, v8  }
0x266: {  	vm0 =	veq.f32 @p0 v9, v6;
	vm1 =	vlt.s32 @p0 v5, v7  }
0x267: {  	vm2 =	vlt.f32 @p0 v9, v6;
	vm0 =	vmand @p0 vm0, vm1  }
0x268: {  	vm0 =	vmor @p0 vm2, vm0  }
0x269: {  	v11 =	vsel @p0 vm0, v9, v6;
	v12 =	vsel @p0 vm0, v5, v7  }
0x26a: {  	v9 =	vsel @p0 vm0, v6, v9;
	v5 =	vsel @p0 vm0, v7, v5;
	(xrf1) =	vsort.ascd.msk.f32 @p0 $0xffff, v11, v12  }
0x26b: {  	(xrf1) =	vsort.ascd.msk.f32 @p0 $0xffff, v9, v5;
	_ =	sdelay $0xc  }
0x26c: {  	v5, v9, _ =	vpop @p0 (xrf1)  }
0x26d: {  	v11, v12, _ =	vpop @p0 (xrf1)  }
0x26e: {  	(xrf0) =	vmax.scan.msk.f32 @p0 $0xffff, v11;
	_ =	sdelay $0x1  }
0x26f: {  	(xrf0) =	vmin.scan.msk.f32 $0xffff, v4;
	_ =	sdelay $0x3  }
0x270: {  	v13, _, _ =	vpop @p0 (xrf0)  }
0x271: {  	(v2sf) =	vpush @p0 v13, $0xF  }
0x272: {  	v62, _, _ =	vpop (xrf0)  }
0x273: {  	(v2sf) =	vpush v62, $0xF;
	_ =	sdelay $0xc  }
0x274: {  	s26 =	spop @p0 (v2sf)  }
0x275: {  	s26 =	smin.f32 @p0 s26, s22  }
0x276: {  	s28 =	spop (v2sf);
	s25 =	smov.u32 @p0 s26  }
0x277: {  	p1 =	sle.f32 s28, s25;
	_ =	sdelay $0x1  }
0x278: {  	s26 =	sadd.s32 $0x40, s23;
	v13 =	vlaneseq.u32 @p1  }
0x279: {  	v14 =	vor.u32 @p1 s26, v13  }
0x27a: {  	(xrf1) =	vsort.ascd.msk.f32 @p1 $0xffff, v4, v14;
	_ =	sdelay $0xb  }
0x27b: {  	v4 =	vmul.u32 @p1 $0xFFFFFFFF, v13;
	_ =	sdelay $0x1  }
0x27c: {  	v4 =	vadd.s32 @p1 $0xF, v4;
	v13, v14, _ =	vpop @p1 (xrf1)  }
0x27d: {  	v13 =	vperm.xlane @p1 v13, v4;
	v4 =	vperm.xlane @p1 v14, v4  }
0x27e: {  	v10 =	vpsel p0, v11, v10;
	v8 =	vpsel p0, v12, v8  }
0x27f: {  	vm0 =	veq.f32 @p1 v13, v10;
	vm1 =	vlt.s32 @p1 v4, v8  }
0x280: {  	vm2 =	vlt.f32 @p1 v13, v10;
	vm0 =	vmand @p1 vm0, vm1  }
0x281: {  	v5 =	vpsel p0, v5, v6;
	vm0 =	vmor @p1 vm2, vm0  }
0x282: {  	v6 =	vpsel p0, v9, v7;
	v7 =	vsel @p1 vm0, v13, v10;
	v4 =	vsel @p1 vm0, v4, v8  }
0x283: {  	vm0 =	veq.f32 @p1 v7, v5;
	vm1 =	vlt.s32 @p1 v4, v6  }
0x284: {  	vm2 =	vlt.f32 @p1 v7, v5;
	vm0 =	vmand @p1 vm0, vm1  }
0x285: {  	vm0 =	vmor @p1 vm2, vm0  }
0x286: {  	v9 =	vsel @p1 vm0, v7, v5;
	v11 =	vsel @p1 vm0, v4, v6  }
0x287: {  	v7 =	vsel @p1 vm0, v5, v7;
	v4 =	vsel @p1 vm0, v6, v4;
	(xrf1) =	vsort.ascd.msk.f32 @p1 $0xffff, v9, v11  }
0x288: {  	(xrf1) =	vsort.ascd.msk.f32 @p1 $0xffff, v7, v4;
	_ =	sdelay $0xc  }
0x289: {  	v4, v7, _ =	vpop @p1 (xrf1)  }
0x28a: {  	v9, v11, _ =	vpop @p1 (xrf1)  }
0x28b: {  	(xrf0) =	vmax.scan.msk.f32 @p1 $0xffff, v9;
	_ =	sdelay $0x1  }
0x28c: {  	(xrf0) =	vmin.scan.msk.f32 $0xffff, v3;
	_ =	sdelay $0x3  }
0x28d: {  	v12, _, _ =	vpop @p1 (xrf0)  }
0x28e: {  	(v2sf) =	vpush @p1 v12, $0xF  }
0x28f: {  	v63, _, _ =	vpop (xrf0)  }
0x290: {  	(v2sf) =	vpush v63, $0xF;
	_ =	sdelay $0xc  }
0x291: {  	s26 =	spop @p1 (v2sf)  }
0x292: {  	s26 =	smin.f32 @p1 s26, s22  }
0x293: {  	s29 =	spop (v2sf);
	s25 =	smov.u32 @p1 s26  }
0x294: {  	p0 =	sle.f32 s29, s25;
	_ =	sdelay $0x1  }
0x295: {  	s26 =	sadd.s32 $0x50, s23;
	v12 =	vlaneseq.u32 @p0  }
0x296: {  	v13 =	vor.u32 @p0 s26, v12  }
0x297: {  	(xrf1) =	vsort.ascd.msk.f32 @p0 $0xffff, v3, v13;
	_ =	sdelay $0xb  }
0x298: {  	v3 =	vmul.u32 @p0 $0xFFFFFFFF, v12;
	_ =	sdelay $0x1  }
0x299: {  	v3 =	vadd.s32 @p0 $0xF, v3;
	v12, v13, _ =	vpop @p0 (xrf1)  }
0x29a: {  	v12 =	vperm.xlane @p0 v12, v3;
	v3 =	vperm.xlane @p0 v13, v3  }
0x29b: {  	v9 =	vpsel p1, v9, v10;
	v8 =	vpsel p1, v11, v8  }
0x29c: {  	vm0 =	veq.f32 @p0 v12, v9;
	vm1 =	vlt.s32 @p0 v3, v8  }
0x29d: {  	vm2 =	vlt.f32 @p0 v12, v9;
	vm0 =	vmand @p0 vm0, vm1  }
0x29e: {  	v4 =	vpsel p1, v4, v5;
	vm0 =	vmor @p0 vm2, vm0  }
0x29f: {  	v5 =	vpsel p1, v7, v6;
	v6 =	vsel @p0 vm0, v12, v9;
	v3 =	vsel @p0 vm0, v3, v8  }
0x2a0: {  	vm0 =	veq.f32 @p0 v6, v4;
	vm1 =	vlt.s32 @p0 v3, v5  }
0x2a1: {  	vm2 =	vlt.f32 @p0 v6, v4;
	vm0 =	vmand @p0 vm0, vm1  }
0x2a2: {  	vm0 =	vmor @p0 vm2, vm0  }
0x2a3: {  	v7 =	vsel @p0 vm0, v6, v4;
	v10 =	vsel @p0 vm0, v3, v5  }
0x2a4: {  	v6 =	vsel @p0 vm0, v4, v6;
	v3 =	vsel @p0 vm0, v5, v3;
	(xrf1) =	vsort.ascd.msk.f32 @p0 $0xffff, v7, v10  }
0x2a5: {  	(xrf1) =	vsort.ascd.msk.f32 @p0 $0xffff, v6, v3;
	_ =	sdelay $0xc  }
0x2a6: {  	v3, v6, _ =	vpop @p0 (xrf1)  }
0x2a7: {  	v7, v10, _ =	vpop @p0 (xrf1)  }
0x2a8: {  	(xrf0) =	vmax.scan.msk.f32 @p0 $0xffff, v7;
	_ =	sdelay $0x1  }
0x2a9: {  	(xrf0) =	vmin.scan.msk.f32 $0xffff, v2;
	_ =	sdelay $0x3  }
0x2aa: {  	v11, _, _ =	vpop @p0 (xrf0)  }
0x2ab: {  	(v2sf) =	vpush @p0 v11, $0xF  }
0x2ac: {  	v11, _, _ =	vpop (xrf0)  }
0x2ad: {  	(v2sf) =	vpush v11, $0xF;
	_ =	sdelay $0xc  }
0x2ae: {  	s26 =	spop @p0 (v2sf)  }
0x2af: {  	s26 =	smin.f32 @p0 s26, s22  }
0x2b0: {  	s30 =	spop (v2sf);
	s25 =	smov.u32 @p0 s26  }
0x2b1: {  	p1 =	sle.f32 s30, s25;
	_ =	sdelay $0x1  }
0x2b2: {  	s26 =	sadd.s32 $0x60, s23;
	v11 =	vlaneseq.u32 @p1  }
0x2b3: {  	v12 =	vor.u32 @p1 s26, v11  }
0x2b4: {  	(xrf1) =	vsort.ascd.msk.f32 @p1 $0xffff, v2, v12;
	_ =	sdelay $0xb  }
0x2b5: {  	v2 =	vmul.u32 @p1 $0xFFFFFFFF, v11;
	_ =	sdelay $0x1  }
0x2b6: {  	v2 =	vadd.s32 @p1 $0xF, v2;
	v11, v12, _ =	vpop @p1 (xrf1)  }
0x2b7: {  	v11 =	vperm.xlane @p1 v11, v2;
	v2 =	vperm.xlane @p1 v12, v2  }
0x2b8: {  	v7 =	vpsel p0, v7, v9;
	v8 =	vpsel p0, v10, v8  }
0x2b9: {  	vm0 =	veq.f32 @p1 v11, v7;
	vm1 =	vlt.s32 @p1 v2, v8  }
0x2ba: {  	vm2 =	vlt.f32 @p1 v11, v7;
	vm0 =	vmand @p1 vm0, vm1  }
0x2bb: {  	v3 =	vpsel p0, v3, v4;
	vm0 =	vmor @p1 vm2, vm0  }
0x2bc: {  	v4 =	vpsel p0, v6, v5;
	v5 =	vsel @p1 vm0, v11, v7;
	v2 =	vsel @p1 vm0, v2, v8  }
0x2bd: {  	vm0 =	veq.f32 @p1 v5, v3;
	vm1 =	vlt.s32 @p1 v2, v4  }
0x2be: {  	vm2 =	vlt.f32 @p1 v5, v3;
	vm0 =	vmand @p1 vm0, vm1  }
0x2bf: {  	vm0 =	vmor @p1 vm2, vm0  }
0x2c0: {  	v6 =	vsel @p1 vm0, v5, v3;
	v9 =	vsel @p1 vm0, v2, v4  }
0x2c1: {  	v5 =	vsel @p1 vm0, v3, v5;
	v2 =	vsel @p1 vm0, v4, v2;
	(xrf1) =	vsort.ascd.msk.f32 @p1 $0xffff, v6, v9  }
0x2c2: {  	(xrf1) =	vsort.ascd.msk.f32 @p1 $0xffff, v5, v2;
	_ =	sdelay $0xc  }
0x2c3: {  	v2, v5, _ =	vpop @p1 (xrf1)  }
0x2c4: {  	v6, v9, _ =	vpop @p1 (xrf1)  }
0x2c5: {  	(xrf0) =	vmax.scan.msk.f32 @p1 $0xffff, v6;
	_ =	sdelay $0x1  }
0x2c6: {  	(xrf0) =	vmin.scan.msk.f32 $0xffff, v1;
	_ =	sdelay $0x3  }
0x2c7: {  	v10, _, _ =	vpop @p1 (xrf0)  }
0x2c8: {  	(v2sf) =	vpush @p1 v10, $0xF  }
0x2c9: {  	v10, _, _ =	vpop (xrf0)  }
0x2ca: {  	(v2sf) =	vpush v10, $0xF;
	_ =	sdelay $0xc  }
0x2cb: {  	s26 =	spop @p1 (v2sf)  }
0x2cc: {  	s26 =	smin.f32 @p1 s26, s22  }
0x2cd: {  	s31 =	spop (v2sf);
	s25 =	smov.u32 @p1 s26  }
0x2ce: {  	p0 =	sle.f32 s31, s25;
	_ =	sdelay $0x1  }
0x2cf: {  	s26 =	sadd.s32 $0x70, s23;
	v10 =	vlaneseq.u32 @p0  }
0x2d0: {  	v11 =	vor.u32 @p0 s26, v10  }
0x2d1: {  	(xrf1) =	vsort.ascd.msk.f32 @p0 $0xffff, v1, v11;
	_ =	sdelay $0xb  }
0x2d2: {  	v1 =	vmul.u32 @p0 $0xFFFFFFFF, v10;
	_ =	sdelay $0x1  }
0x2d3: {  	v1 =	vadd.s32 @p0 $0xF, v1;
	v10, v11, _ =	vpop @p0 (xrf1)  }
0x2d4: {  	v10 =	vperm.xlane @p0 v10, v1;
	v1 =	vperm.xlane @p0 v11, v1  }
0x2d5: {  	v6 =	vpsel p1, v6, v7;
	v8 =	vpsel p1, v9, v8  }
0x2d6: {  	vm0 =	veq.f32 @p0 v10, v6;
	vm1 =	vlt.s32 @p0 v1, v8  }
0x2d7: {  	vm2 =	vlt.f32 @p0 v10, v6;
	vm0 =	vmand @p0 vm0, vm1  }
0x2d8: {  	v2 =	vpsel p1, v2, v3;
	vm0 =	vmor @p0 vm2, vm0  }
0x2d9: {  	v3 =	vpsel p1, v5, v4;
	v4 =	vsel @p0 vm0, v10, v6;
	v1 =	vsel @p0 vm0, v1, v8  }
0x2da: {  	vm0 =	veq.f32 @p0 v4, v2;
	vm1 =	vlt.s32 @p0 v1, v3  }
0x2db: {  	vm2 =	vlt.f32 @p0 v4, v2;
	vm0 =	vmand @p0 vm0, vm1  }
0x2dc: {  	vm0 =	vmor @p0 vm2, vm0  }
0x2dd: {  	v5 =	vsel @p0 vm0, v4, v2;
	v7 =	vsel @p0 vm0, v1, v3  }
0x2de: {  	v4 =	vsel @p0 vm0, v2, v4;
	v1 =	vsel @p0 vm0, v3, v1;
	(xrf1) =	vsort.ascd.msk.f32 @p0 $0xffff, v5, v7  }
0x2df: {  	(xrf1) =	vsort.ascd.msk.f32 @p0 $0xffff, v4, v1;
	_ =	sdelay $0xc  }
0x2e0: {  	v1, v4, _ =	vpop @p0 (xrf1)  }
0x2e1: {  	v5, v11, _ =	vpop @p0 (xrf1)  }
0x2e2: {  	(xrf0) =	vmax.scan.msk.f32 @p0 $0xffff, v5;
	_ =	sdelay $0x5  }
0x2e3: {  	v7, _, _ =	vpop @p0 (xrf0)  }
0x2e4: {  	(v2sf) =	vpush @p0 v7, $0xF;
	_ =	sdelay $0xc  }
.Ltmp11:
0x2e5: {  	_ = 	snop;
	(pc) =	sbr.rel .LBB2_9-.Ltmp11, $4  }
0x2e6: {  	_ = 	snop  }
0x2e7: {  	s26 =	spop @p0 (v2sf)  }
0x2e8: {  	v9 =	vpsel p0, v1, v2;
	s26 =	smin.f32 @p0 s26, s22  }
0x2e9: {  	v10 =	vpsel p0, v5, v6;
	v8 =	vpsel p0, v11, v8;
	v7 =	vpsel p0, v4, v3;
	s25 =	smov.u32 @p0 s26  }
.LBB2_12:
0x2ea: {  	_ =	sfence.sel $0x180000  }
0x2eb: {  	[bflag:$0x0] =	sbarrier.arrive $0xFFFF  }
0x2ec: {  	p0 =	sne.s32 s2, $0x0;
	_ =	strace $0x90000047  }
0x2ed: {  	s0 =	sadd.s32 @!p0 $0x100000, s0;
	[bflag:$0x2] =	sbarrier.arrive $0xFFFF  }
0x2ee: {  	[sflag:s0] =	ssyncadd.tile.s32 @!p0 $0x1;
	_ =	shalt  }
.Lfunc_end2:
_tile_overlayer_lowered:
.L_overlay_start_2:
0x2ef: {  	(tag) =	ssettag $0x2  }
0x2f0: {  	s0 =	rddreg [dreg:$0x0];
	s2 =	stileid.u32  }
0x2f1: {  	s1 =	rddreg [dreg:$0x1];
	p0 =	sne.s32 s2, $0x0  }
0x2f2: {  	s3 =	rddreg [dreg:$0x2];
	[bflag:$0x3] =	sbarrier.arrive $0xFFFF;
	s2 =	simm.s32 @!p0 $0x1C05  }
0x2f3: {  	[timem:s3], [sflag:s2] =	dma.local @!p0 [hbm:s0], s1  }
0x2f4: {  	s0 =	simm.s32 @!p0 $0x5  }
0x2f5: {  	_ =	swait.ge @!p0 [sflag:s0], s1  }
0x2f6: {  	s1 =	ssub.s32 @!p0 $0x0, s1;
	[sflag:s0] =	ssyncset.done @!p0 $0x0  }
0x2f7: {  	[sflag:s0] =	ssyncadd.s32 @!p0 s1  }
0x2f8: {  	[bflag:$0x3] =	sbarrier.arrive $0xFFFF  }
0x2f9: {  	_ =	shalt  }

</sc_bundles>
